<compile_context>
chip_gen: v7x
topology: tpu7x:2x2x1
jax: 0.10.2.dev20260603
libtpu: 0.0.44.dev20260713+nightly
codegen_flags: <defaults>
</compile_context>

<pallas_src>
import functools

import jax
import jax.numpy as jnp
from jax import lax
from jax.experimental import pallas as pl
from jax.experimental.pallas import tpu as pltpu
from jax.experimental.pallas import tpu_sc as plsc

_B, _L, _V, _D = 16384, 26, 1000000, 32
_BT = _B * _L


def _mesh_info():
    info = plsc.get_sparse_core_info()
    return info.num_cores, info.num_subcores


def _make_k1():
    NC, NS = _mesh_info()
    NW = NC * NS
    R = 512
    NCH = 1953
    TAIL0 = NCH * R
    TAILR = _V - TAIL0
    PC = NCH // NW
    mesh = plsc.VectorSubcoreMesh(core_axis_name="c", subcore_axis_name="s")

    @functools.partial(
        pl.kernel,
        mesh=mesh,
        out_type=jax.ShapeDtypeStruct((_V // 4, 128), jnp.float32),
        scratch_types=[
            pltpu.VMEM((2, _D, R + 4), jnp.float32),
            pltpu.VMEM((2, R // 4, 128), jnp.float32),
            pltpu.VMEM((_D, TAILR), jnp.float32),
            pltpu.VMEM((TAILR // 4, 128), jnp.float32),
            pltpu.SemaphoreType.DMA,
            pltpu.SemaphoreType.DMA,
            pltpu.SemaphoreType.DMA,
            pltpu.SemaphoreType.DMA,
        ],
        compiler_params=pltpu.CompilerParams(
            use_tc_tiling_on_sc=True,
            needs_layout_passes=False,
            disable_bounds_checks=True,
        ),
    )
    def k1(tabT_hbm, tail_hbm, t128_hbm, in_v, out_v, tail_v, tailo_v,
           isem0, isem1, osem0, osem1):
        wid = lax.axis_index("s") * NC + lax.axis_index("c")
        base = wid * PC
        lane = lax.iota(jnp.int32, 16)
        rpat = lax.shift_right_logical(lane, 2)
        cpat = lax.shift_left(lane & 3, 5)
        isems = (isem0, isem1)
        osems = (osem0, osem1)

        def start_in(c, b):
            r0 = pl.multiple_of(c * R, R)
            pltpu.async_copy(tabT_hbm.at[:, pl.ds(r0, R)],
                             in_v.at[b, :, pl.ds(0, R)], isems[b])

        def wait_in(b):
            pltpu.make_async_copy(tabT_hbm.at[:, pl.ds(0, R)],
                                  in_v.at[b, :, pl.ds(0, R)], isems[b]).wait()

        def start_out(c, b):
            q0 = pl.multiple_of(c * (R // 4), R // 4)
            pltpu.async_copy(out_v.at[b], t128_hbm.at[pl.ds(q0, R // 4)],
                             osems[b])

        def wait_out(b):
            pltpu.make_async_copy(out_v.at[b], t128_hbm.at[pl.ds(0, R // 4)],
                                  osems[b]).wait()

        rlo = lane
        rhi = lane + 16

        def transpose(ib, ob):
            @plsc.parallel_loop(0, R // 4, unroll=4)
            def _(dq):
                c4 = jnp.broadcast_to(4 * dq, (16,))
                for v in range(8):
                    rowidx = rlo if v % 2 == 0 else rhi
                    vals = plsc.load_gather(ib, [rowidx, c4 + (v // 2)])
                    ob[dq, pl.ds(16 * v, 16)] = vals

        start_in(base + 0, 0)
        start_in(base + 1, 1)

        def pair(j, _):
            c0 = base + 2 * j
            wait_in(0)
            @pl.when(j > 0)
            def _():
                wait_out(0)
            transpose(in_v.at[0], out_v.at[0])
            start_in(c0 + 2, 0)
            start_out(c0, 0)
            wait_in(1)
            @pl.when(j > 0)
            def _():
                wait_out(1)
            transpose(in_v.at[1], out_v.at[1])
            @pl.when(2 * j + 3 < PC)
            def _():
                start_in(c0 + 3, 1)
            start_out(c0 + 1, 1)
            return ()

        lax.fori_loop(0, PC // 2, pair, ())

        wait_in(0)
        wait_out(0)
        transpose(in_v.at[0], out_v.at[0])
        start_out(base + PC - 1, 0)
        wait_out(0)
        wait_out(1)

        @pl.when(wid == NW - 1)
        def _():
            r0 = pl.multiple_of((NCH - 1) * R, R)
            pltpu.sync_copy(tabT_hbm.at[:, pl.ds(r0, R)],
                            in_v.at[0, :, pl.ds(0, R)])
            transpose(in_v.at[0], out_v.at[0])
            q0 = pl.multiple_of((NCH - 1) * (R // 4), R // 4)
            pltpu.sync_copy(out_v.at[0], t128_hbm.at[pl.ds(q0, R // 4)])

            pltpu.sync_copy(tail_hbm, tail_v)
            def row(dq, _):
                for v in range(8):
                    rowidx = lane + (16 * (v % 2))
                    colidx = jnp.broadcast_to(4 * dq + (v // 2), (16,))
                    vals = plsc.load_gather(tail_v, [rowidx, colidx])
                    tailo_v[dq, pl.ds(16 * v, 16)] = vals
                return ()
            lax.fori_loop(0, TAILR // 4, row, ())
            tq = pl.multiple_of(TAIL0 // 4, 8)
            pltpu.sync_copy(tailo_v, t128_hbm.at[pl.ds(tq, TAILR // 4)])

    return k1


def _make_k2():
    NC, NS = _mesh_info()
    NW = NC * NS
    b_per_w = _BT // NW
    NCHUNK = 8
    C = b_per_w // NCHUNK
    mesh = plsc.VectorSubcoreMesh(core_axis_name="c", subcore_axis_name="s")

    @functools.partial(
        pl.kernel,
        mesh=mesh,
        out_type=jax.ShapeDtypeStruct((_BT, _D), jnp.float32),
        scratch_types=[
            pltpu.VMEM((2, C), jnp.int32),
            pltpu.VMEM((2, C, _D), jnp.float32),
            pltpu.SemaphoreType.DMA,
            pltpu.SemaphoreType.DMA,
        ],
        compiler_params=pltpu.CompilerParams(use_tc_tiling_on_sc=False),
    )
    def k2(idx_hbm, table_hbm, out_hbm, idx_v, rows_v, gsem, osem):
        wid = lax.axis_index("s") * NC + lax.axis_index("c")
        base = wid * b_per_w
        gathers = [None, None]
        stores = [None, None]
        for c in range(2):
            b = c % 2
            pltpu.sync_copy(idx_hbm.at[pl.ds(base + c * C, C)], idx_v.at[b])
            gathers[b] = pltpu.async_copy(
                table_hbm.at[idx_v.at[b]], rows_v.at[b], gsem
            )
        for c in range(NCHUNK):
            b = c % 2
            gathers[b].wait()
            stores[b] = pltpu.async_copy(
                rows_v.at[b], out_hbm.at[pl.ds(base + c * C, C)], osem
            )
            if c + 2 < NCHUNK:
                pltpu.sync_copy(
                    idx_hbm.at[pl.ds(base + (c + 2) * C, C)], idx_v.at[b]
                )
                stores[b].wait()
                gathers[b] = pltpu.async_copy(
                    table_hbm.at[idx_v.at[b]], rows_v.at[b], gsem
                )
        stores[(NCHUNK - 2) % 2].wait()
        stores[(NCHUNK - 1) % 2].wait()

    return k2


def _make_k3():
    NC, NS = _mesh_info()
    NW = NC * NS
    CB = 512
    NCH = _L * (_B // CB)
    per_w = NCH // NW
    mesh = plsc.VectorSubcoreMesh(core_axis_name="c", subcore_axis_name="s")

    @functools.partial(
        pl.kernel,
        mesh=mesh,
        out_type=jax.ShapeDtypeStruct((_L, _D, _B), jnp.float32),
        scratch_types=[
            pltpu.VMEM((2, CB // 4, 132), jnp.float32),
            pltpu.VMEM((2, _D, CB), jnp.float32),
            pltpu.SemaphoreType.DMA,
            pltpu.SemaphoreType.DMA,
            pltpu.SemaphoreType.DMA,
            pltpu.SemaphoreType.DMA,
        ],
        compiler_params=pltpu.CompilerParams(
            use_tc_tiling_on_sc=True,
            needs_layout_passes=False,
            disable_bounds_checks=True,
        ),
    )
    def k3(g_hbm, out_hbm, in_v, out_v, isem0, isem1, osem0, osem1):
        wid = lax.axis_index("s") * NC + lax.axis_index("c")
        base = wid * per_w
        lane = lax.iota(jnp.int32, 16)
        rpat = lax.shift_right_logical(lane, 2)
        cpat = lax.shift_left(lane & 3, 5)
        isems = (isem0, isem1)
        osems = (osem0, osem1)

        def locate(c):
            l = c // (_B // CB)
            blk = c % (_B // CB)
            b0 = pl.multiple_of(blk * CB, CB)
            g0 = pl.multiple_of(l * (_B // 4) + blk * (CB // 4), CB // 4)
            return l, b0, g0

        def start_in(c, b):
            _, _, g0 = locate(c)
            pltpu.async_copy(g_hbm.at[pl.ds(g0, CB // 4)],
                             in_v.at[b, :, pl.ds(0, 128)], isems[b])

        def wait_in(b):
            pltpu.make_async_copy(g_hbm.at[pl.ds(0, CB // 4)],
                                  in_v.at[b, :, pl.ds(0, 128)],
                                  isems[b]).wait()

        def start_out(c, b):
            l, b0, _ = locate(c)
            pltpu.async_copy(out_v.at[b], out_hbm.at[l, :, pl.ds(b0, CB)],
                             osems[b])

        def wait_out(b):
            pltpu.make_async_copy(out_v.at[b], out_hbm.at[0, :, pl.ds(0, CB)],
                                  osems[b]).wait()

        def transpose(ib, ob):
            def floop(f, _):
                cv = cpat + f
                @plsc.parallel_loop(0, CB // 16, unroll=8)
                def _(k):
                    vals = plsc.load_gather(ib, [rpat + 4 * k, cv])
                    ob[f, pl.ds(16 * k, 16)] = vals
                return ()
            lax.fori_loop(0, _D, floop, ())

        start_in(base + 0, 0)
        start_in(base + 1, 1)

        def pair(j, _):
            c0 = base + 2 * j
            wait_in(0)
            @pl.when(j > 0)
            def _():
                wait_out(0)
            transpose(in_v.at[0], out_v.at[0])
            @pl.when(2 * j + 2 < per_w)
            def _():
                start_in(c0 + 2, 0)
            start_out(c0, 0)
            wait_in(1)
            @pl.when(j > 0)
            def _():
                wait_out(1)
            transpose(in_v.at[1], out_v.at[1])
            @pl.when(2 * j + 3 < per_w)
            def _():
                start_in(c0 + 3, 1)
            start_out(c0 + 1, 1)
            return ()

        lax.fori_loop(0, per_w // 2, pair, ())
        wait_out(0)
        wait_out(1)

    return k3


def kernel(indices, table):
    tabT = table.T
    tail = lax.slice(tabT, (0, 999936), (_D, _V))
    t128 = _make_k1()(tabT, tail)
    tbl = jnp.reshape(t128, (_V, _D))
    flat = jnp.reshape(jnp.transpose(indices), (_BT,))
    g = _make_k2()(flat, tbl)
    g128 = jnp.reshape(g, (_BT // 4, 128))
    o = _make_k3()(g128)
    return jnp.transpose(o, (2, 0, 1))

# --- scband reference (transcript-rebuilt; emitter-appended) ---
"""Pipeline reference for scband-my-model-73538430042583 (READ-ONLY COPY).

The authoritative reference and input builder live on the scoring server;
editing this copy changes nothing except your own understanding.
"""

import jax, jax.numpy as jnp
import numpy as np

NUM_EMBEDDINGS = 1000000
EMBED_DIM = 32
BATCH = 16384
N_FIELDS = 26

def setup_inputs(seed: int = 0) -> dict:
    key = jax.random.key(seed)
    k_idx, k_tab = jax.random.split(key)
    indices = jax.random.randint(k_idx, (BATCH, N_FIELDS), 0, NUM_EMBEDDINGS, dtype=jnp.int64 if jax.config.jax_enable_x64 else jnp.int32)
    indices = indices.astype(jnp.int32)
    table = jax.random.normal(k_tab, (NUM_EMBEDDINGS, EMBED_DIM), dtype=jnp.float32) * 0.02
    return {"indices": indices, "table": table}

def reference(indices, table):
    # Embedding lookup: gather rows of the table by index.
    # Equivalent to torch.nn.Embedding(num_embeddings, embedding_dim)(indices)
    out = jnp.take(table, indices, axis=0)  # [B, L, D]
    return out

if __name__ == "__main__":
    import jax
    _d = setup_inputs()
    print(jax.jit(kernel)(*tuple(_d.values())))

</pallas_src>

<mosaic_0001>
#map = affine_map<(d0, d1) -> (0, 0)>
module attributes {stable_mosaic.version = 14 : i64} {
  func.func @k1(%arg0: i32, %arg1: i32, %arg2: memref<32x1000000xf32, #tpu.memory_space<hbm>>, %arg3: memref<32x64xf32, #tpu.memory_space<hbm>>, %arg4: memref<250000x128xf32, #tpu.memory_space<hbm>>, %arg5: memref<2x32x516xf32, #tpu.memory_space<vmem>>, %arg6: memref<2x128x128xf32, #tpu.memory_space<vmem>>, %arg7: memref<32x64xf32, #tpu.memory_space<vmem>>, %arg8: memref<16x128xf32, #tpu.memory_space<vmem>>, %arg9: memref<!tpu.dma_semaphore, #tpu.memory_space<semaphore_mem>>, %arg10: memref<!tpu.dma_semaphore, #tpu.memory_space<semaphore_mem>>, %arg11: memref<!tpu.dma_semaphore, #tpu.memory_space<semaphore_mem>>, %arg12: memref<!tpu.dma_semaphore, #tpu.memory_space<semaphore_mem>>) attributes {dimension_semantics = [#tpu.dimension_semantics<core_parallel>, #tpu.dimension_semantics<subcore_parallel>], iteration_bounds = array<i64: 2, 16>, scalar_prefetch = 0 : i64, scratch_operands = 8 : i64, tpu.core_type = #tpu.core_type<sc_vector_subcore>, window_params = [{transform_indices = #map}, {transform_indices = #map}, {transform_indices = #map}]} {
    %mul3A = arith.constant 2 : i32
    %mul3A_0 = arith.muli %arg1, %mul3A : i32
    %add3A = arith.addi %mul3A_0, %arg0 : i32
    %mul3A_1 = arith.constant 61 : i32
    %mul3A_2 = arith.muli %add3A, %mul3A_1 : i32
    %iota3A = tpu.iota {dimensions = array<i32: 0>} : vector<16xi32>
    %shift_right_logical3A = arith.constant 2 : i32
    %shift_right_logical3A_3 = vector.broadcast %shift_right_logical3A : i32 to vector<16xi32>
    %shift_right_logical3A_4 = arith.shrui %iota3A, %shift_right_logical3A_3 : vector<16xi32>
    %and3A = arith.constant 3 : i32
    %and3A_5 = vector.broadcast %and3A : i32 to vector<16xi32>
    %and3A_6 = arith.andi %iota3A, %and3A_5 : vector<16xi32>
    %shift_left3A = arith.constant 5 : i32
    %shift_left3A_7 = vector.broadcast %shift_left3A : i32 to vector<16xi32>
    %shift_left3A_8 = arith.shli %and3A_6, %shift_left3A_7 : vector<16xi32>
    %add3A_9 = arith.constant 16 : i32
    %add3A_10 = vector.broadcast %add3A_9 : i32 to vector<16xi32>
    %add3A_11 = arith.addi %iota3A, %add3A_10 : vector<16xi32>
    %add3A_12 = arith.constant 0 : i32
    %add3A_13 = arith.addi %mul3A_2, %add3A_12 : i32
    %mul3A_14 = arith.constant 512 : i32
    %mul3A_15 = arith.muli %add3A_13, %mul3A_14 : i32
    %multiple_of3A = tpu.assume_multiple %mul3A_15, 512 : i32
    %dma_start3A = arith.constant 0 : i32
    %dma_start3A_16 = arith.constant 0 : i32
    %dma_start3A_17 = arith.constant 0 : i32
    %dma_start3A_18 = tpu.memref_slice %arg5[%dma_start3A, %dma_start3A_16, %dma_start3A_17] : memref<2x32x516xf32, #tpu.memory_space<vmem>> -> memref<1x32x512xf32, #tpu.memory_space<vmem>>
    %dma_start3A_19 = tpu.memref_squeeze %dma_start3A_18 : memref<1x32x512xf32, #tpu.memory_space<vmem>> -> memref<32x512xf32, #tpu.memory_space<vmem>>
    %dma_start3A_20 = arith.constant 0 : i32
    %dma_start3A_21 = tpu.memref_slice %arg2[%dma_start3A_20, %multiple_of3A] : memref<32x1000000xf32, #tpu.memory_space<hbm>> -> memref<32x512xf32, #tpu.memory_space<hbm>>
    %dma_start3A_22 = arith.constant 0 : i32
    %dma_start3A_23 = arith.constant 0 : i32
    %dma_start3A_24 = tpu.memref_slice %arg5[%dma_start3A, %dma_start3A_22, %dma_start3A_23] : memref<2x32x516xf32, #tpu.memory_space<vmem>> -> memref<1x32x512xf32, #tpu.memory_space<vmem>>
    %dma_start3A_25 = tpu.memref_squeeze %dma_start3A_24 : memref<1x32x512xf32, #tpu.memory_space<vmem>> -> memref<32x512xf32, #tpu.memory_space<vmem>>
    %dma_start3A_26 = arith.constant 0 : i32
    %dma_start3A_27 = tpu.memref_slice %arg2[%dma_start3A_26, %multiple_of3A] : memref<32x1000000xf32, #tpu.memory_space<hbm>> -> memref<32x512xf32, #tpu.memory_space<hbm>>
    tpu.enqueue_dma source(%dma_start3A_27 : memref<32x512xf32, #tpu.memory_space<hbm>>) target(%dma_start3A_25 : memref<32x512xf32, #tpu.memory_space<vmem>>) target_semaphore(%arg9 : memref<!tpu.dma_semaphore, #tpu.memory_space<semaphore_mem>>)
    %add3A_28 = arith.constant 1 : i32
    %add3A_29 = arith.addi %mul3A_2, %add3A_28 : i32
    %mul3A_30 = arith.constant 512 : i32
    %mul3A_31 = arith.muli %add3A_29, %mul3A_30 : i32
    %multiple_of3A_32 = tpu.assume_multiple %mul3A_31, 512 : i32
    %dma_start3A_33 = arith.constant 1 : i32
    %dma_start3A_34 = arith.constant 0 : i32
    %dma_start3A_35 = arith.constant 0 : i32
    %dma_start3A_36 = tpu.memref_slice %arg5[%dma_start3A_33, %dma_start3A_34, %dma_start3A_35] : memref<2x32x516xf32, #tpu.memory_space<vmem>> -> memref<1x32x512xf32, #tpu.memory_space<vmem>>
    %dma_start3A_37 = tpu.memref_squeeze %dma_start3A_36 : memref<1x32x512xf32, #tpu.memory_space<vmem>> -> memref<32x512xf32, #tpu.memory_space<vmem>>
    %dma_start3A_38 = arith.constant 0 : i32
    %dma_start3A_39 = tpu.memref_slice %arg2[%dma_start3A_38, %multiple_of3A_32] : memref<32x1000000xf32, #tpu.memory_space<hbm>> -> memref<32x512xf32, #tpu.memory_space<hbm>>
    %dma_start3A_40 = arith.constant 0 : i32
    %dma_start3A_41 = arith.constant 0 : i32
    %dma_start3A_42 = tpu.memref_slice %arg5[%dma_start3A_33, %dma_start3A_40, %dma_start3A_41] : memref<2x32x516xf32, #tpu.memory_space<vmem>> -> memref<1x32x512xf32, #tpu.memory_space<vmem>>
    %dma_start3A_43 = tpu.memref_squeeze %dma_start3A_42 : memref<1x32x512xf32, #tpu.memory_space<vmem>> -> memref<32x512xf32, #tpu.memory_space<vmem>>
    %dma_start3A_44 = arith.constant 0 : i32
    %dma_start3A_45 = tpu.memref_slice %arg2[%dma_start3A_44, %multiple_of3A_32] : memref<32x1000000xf32, #tpu.memory_space<hbm>> -> memref<32x512xf32, #tpu.memory_space<hbm>>
    tpu.enqueue_dma source(%dma_start3A_45 : memref<32x512xf32, #tpu.memory_space<hbm>>) target(%dma_start3A_43 : memref<32x512xf32, #tpu.memory_space<vmem>>) target_semaphore(%arg10 : memref<!tpu.dma_semaphore, #tpu.memory_space<semaphore_mem>>)
    %scan3A = arith.constant 0 : i32
    %scan3A_46 = arith.constant 30 : i32
    %scan3A_47 = arith.addi %scan3A, %scan3A_46 : i32
    %scan3A_48 = arith.constant 1 : i32
    scf.for %scan3A_134 = %scan3A to %scan3A_47 step %scan3A_48  : i32 {
      %mul3A_135 = arith.constant 2 : i32
      %mul3A_136 = arith.muli %mul3A_135, %scan3A_134 : i32
      %add3A_137 = arith.addi %mul3A_2, %mul3A_136 : i32
      %dma_wait3A_138 = arith.constant 0 : i32
      %dma_wait3A_139 = arith.constant 0 : i32
      %dma_wait3A_140 = arith.constant 0 : i32
      %dma_wait3A_141 = tpu.memref_slice %arg5[%dma_wait3A_138, %dma_wait3A_139, %dma_wait3A_140] : memref<2x32x516xf32, #tpu.memory_space<vmem>> -> memref<1x32x512xf32, #tpu.memory_space<vmem>>
      %dma_wait3A_142 = tpu.memref_squeeze %dma_wait3A_141 : memref<1x32x512xf32, #tpu.memory_space<vmem>> -> memref<32x512xf32, #tpu.memory_space<vmem>>
      %dma_wait3A_143 = arith.constant 0 : i32
      %dma_wait3A_144 = arith.constant 0 : i32
      %dma_wait3A_145 = tpu.memref_slice %arg2[%dma_wait3A_143, %dma_wait3A_144] : memref<32x1000000xf32, #tpu.memory_space<hbm>> -> memref<32x512xf32, #tpu.memory_space<hbm>>
      %dma_wait3A_146 = arith.constant 0 : i32
      %dma_wait3A_147 = arith.constant 0 : i32
      %dma_wait3A_148 = tpu.memref_slice %arg5[%dma_wait3A_138, %dma_wait3A_146, %dma_wait3A_147] : memref<2x32x516xf32, #tpu.memory_space<vmem>> -> memref<1x32x512xf32, #tpu.memory_space<vmem>>
      %dma_wait3A_149 = tpu.memref_squeeze %dma_wait3A_148 : memref<1x32x512xf32, #tpu.memory_space<vmem>> -> memref<32x512xf32, #tpu.memory_space<vmem>>
      %dma_wait3A_150 = arith.constant 0 : i32
      %dma_wait3A_151 = arith.constant 0 : i32
      %dma_wait3A_152 = tpu.memref_slice %arg2[%dma_wait3A_150, %dma_wait3A_151] : memref<32x1000000xf32, #tpu.memory_space<hbm>> -> memref<32x512xf32, #tpu.memory_space<hbm>>
      tpu.wait_dma2 semaphore(%arg9 : memref<!tpu.dma_semaphore, #tpu.memory_space<semaphore_mem>>) src(%dma_wait3A_152 : memref<32x512xf32, #tpu.memory_space<hbm>>) dst(%dma_wait3A_149 : memref<32x512xf32, #tpu.memory_space<vmem>>)
      %gt3A = arith.constant 0 : i32
      %gt3A_153 = arith.cmpi sgt, %scan3A_134, %gt3A : i32
      %convert_element_type3A_154 = arith.extui %gt3A_153 : i1 to i32
      %cond3A_155 = arith.constant 0 : i32
      %cond3A_156 = arith.cmpi ne, %convert_element_type3A_154, %cond3A_155 : i32
      scf.if %cond3A_156 {
        %dma_wait3A_247 = arith.constant 0 : i32
        %dma_wait3A_248 = arith.constant 0 : i32
        %dma_wait3A_249 = arith.constant 0 : i32
        %dma_wait3A_250 = tpu.memref_slice %arg6[%dma_wait3A_247, %dma_wait3A_248, %dma_wait3A_249] : memref<2x128x128xf32, #tpu.memory_space<vmem>> -> memref<1x128x128xf32, #tpu.memory_space<vmem>>
        %dma_wait3A_251 = tpu.memref_squeeze %dma_wait3A_250 : memref<1x128x128xf32, #tpu.memory_space<vmem>> -> memref<128x128xf32, #tpu.memory_space<vmem>>
        %dma_wait3A_252 = arith.constant 0 : i32
        %dma_wait3A_253 = arith.constant 0 : i32
        %dma_wait3A_254 = tpu.memref_slice %arg4[%dma_wait3A_252, %dma_wait3A_253] : memref<250000x128xf32, #tpu.memory_space<hbm>> -> memref<128x128xf32, #tpu.memory_space<hbm>>
        %dma_wait3A_255 = arith.constant 0 : i32
        %dma_wait3A_256 = arith.constant 0 : i32
        %dma_wait3A_257 = tpu.memref_slice %arg4[%dma_wait3A_255, %dma_wait3A_256] : memref<250000x128xf32, #tpu.memory_space<hbm>> -> memref<128x128xf32, #tpu.memory_space<hbm>>
        %dma_wait3A_258 = arith.constant 0 : i32
        %dma_wait3A_259 = arith.constant 0 : i32
        %dma_wait3A_260 = tpu.memref_slice %arg6[%dma_wait3A_247, %dma_wait3A_258, %dma_wait3A_259] : memref<2x128x128xf32, #tpu.memory_space<vmem>> -> memref<1x128x128xf32, #tpu.memory_space<vmem>>
        %dma_wait3A_261 = tpu.memref_squeeze %dma_wait3A_260 : memref<1x128x128xf32, #tpu.memory_space<vmem>> -> memref<128x128xf32, #tpu.memory_space<vmem>>
        tpu.wait_dma2 semaphore(%arg11 : memref<!tpu.dma_semaphore, #tpu.memory_space<semaphore_mem>>) src(%dma_wait3A_261 : memref<128x128xf32, #tpu.memory_space<vmem>>) dst(%dma_wait3A_257 : memref<128x128xf32, #tpu.memory_space<hbm>>)
      } else {
      }
      %parallel_loop3A_157 = arith.constant 0 : i32
      %parallel_loop3A_158 = arith.constant 128 : i32
      %parallel_loop3A_159 = arith.constant 1 : i32
      %parallel_loop3A_160 = arith.constant 0 : i32
      %parallel_loop3A_161 = arith.constant 0 : i32
      scf.for %parallel_loop3A_247 = %parallel_loop3A_157 to %parallel_loop3A_158 step %parallel_loop3A_159  : i32 {
        %parallel_loop3A_248 = arith.constant 4 : i32
        %parallel_loop3A_249 = arith.muli %parallel_loop3A_248, %parallel_loop3A_247 : i32
        %parallel_loop3A_250 = vector.broadcast %parallel_loop3A_249 : i32 to vector<16xi32>
        %parallel_loop3A_251 = arith.constant 0 : i32
        %parallel_loop3A_252 = vector.broadcast %parallel_loop3A_251 : i32 to vector<16xi32>
        %parallel_loop3A_253 = arith.addi %parallel_loop3A_250, %parallel_loop3A_252 : vector<16xi32>
        %parallel_loop3A_254 = arith.constant 0 : i32
        %parallel_loop3A_255 = arith.constant 0 : i32
        %parallel_loop3A_256 = tpu.memref_slice %arg5[%parallel_loop3A_160, %parallel_loop3A_254, %parallel_loop3A_255] : memref<2x32x516xf32, #tpu.memory_space<vmem>> -> memref<1x32x516xf32, #tpu.memory_space<vmem>>
        %parallel_loop3A_257 = tpu.memref_squeeze %parallel_loop3A_256 : memref<1x32x516xf32, #tpu.memory_space<vmem>> -> memref<32x516xf32, #tpu.memory_space<vmem>>
        %parallel_loop3A_258 = tpu.vector_load_idx %parallel_loop3A_257[%iota3A, %parallel_loop3A_253] : memref<32x516xf32, #tpu.memory_space<vmem>>[vector<16xi32>, vector<16xi32>], vector<16xf32>,
        %parallel_loop3A_259 = arith.constant 0 : i32
        %parallel_loop3A_260 = arith.constant 0 : i32
        %parallel_loop3A_261 = tpu.memref_slice %arg6[%parallel_loop3A_161, %parallel_loop3A_259, %parallel_loop3A_260] : memref<2x128x128xf32, #tpu.memory_space<vmem>> -> memref<1x128x128xf32, #tpu.memory_space<vmem>>
        %parallel_loop3A_262 = tpu.memref_squeeze %parallel_loop3A_261 : memref<1x128x128xf32, #tpu.memory_space<vmem>> -> memref<128x128xf32, #tpu.memory_space<vmem>>
        %parallel_loop3A_263 = arith.index_cast %parallel_loop3A_247 : i32 to index
        %parallel_loop3A_264 = arith.constant 0 : index
        %parallel_loop3A_265 = tpu.vector_load %parallel_loop3A_262[%parallel_loop3A_263, %parallel_loop3A_264] {strides = array<i32>} : memref<128x128xf32, #tpu.memory_space<vmem>>, vector<16xf32>,
        tpu.vector_store %parallel_loop3A_262[%parallel_loop3A_263, %parallel_loop3A_264], %parallel_loop3A_258 {strides = array<i32>} : memref<128x128xf32, #tpu.memory_space<vmem>>, vector<16xf32>,
        %parallel_loop3A_266 = arith.constant 0 : i32
        %parallel_loop3A_267 = vector.broadcast %parallel_loop3A_266 : i32 to vector<16xi32>
        %parallel_loop3A_268 = arith.addi %parallel_loop3A_250, %parallel_loop3A_267 : vector<16xi32>
        %parallel_loop3A_269 = arith.constant 0 : i32
        %parallel_loop3A_270 = arith.constant 0 : i32
        %parallel_loop3A_271 = tpu.memref_slice %arg5[%parallel_loop3A_160, %parallel_loop3A_269, %parallel_loop3A_270] : memref<2x32x516xf32, #tpu.memory_space<vmem>> -> memref<1x32x516xf32, #tpu.memory_space<vmem>>
        %parallel_loop3A_272 = tpu.memref_squeeze %parallel_loop3A_271 : memref<1x32x516xf32, #tpu.memory_space<vmem>> -> memref<32x516xf32, #tpu.memory_space<vmem>>
        %parallel_loop3A_273 = tpu.vector_load_idx %parallel_loop3A_272[%add3A_11, %parallel_loop3A_268] : memref<32x516xf32, #tpu.memory_space<vmem>>[vector<16xi32>, vector<16xi32>], vector<16xf32>,
        %parallel_loop3A_274 = arith.constant 0 : i32
        %parallel_loop3A_275 = arith.constant 0 : i32
        %parallel_loop3A_276 = tpu.memref_slice %arg6[%parallel_loop3A_161, %parallel_loop3A_274, %parallel_loop3A_275] : memref<2x128x128xf32, #tpu.memory_space<vmem>> -> memref<1x128x128xf32, #tpu.memory_space<vmem>>
        %parallel_loop3A_277 = tpu.memref_squeeze %parallel_loop3A_276 : memref<1x128x128xf32, #tpu.memory_space<vmem>> -> memref<128x128xf32, #tpu.memory_space<vmem>>
        %parallel_loop3A_278 = arith.index_cast %parallel_loop3A_247 : i32 to index
        %parallel_loop3A_279 = arith.constant 16 : index
        %parallel_loop3A_280 = tpu.vector_load %parallel_loop3A_277[%parallel_loop3A_278, %parallel_loop3A_279] {strides = array<i32>} : memref<128x128xf32, #tpu.memory_space<vmem>>, vector<16xf32>,
        tpu.vector_store %parallel_loop3A_277[%parallel_loop3A_278, %parallel_loop3A_279], %parallel_loop3A_273 {strides = array<i32>} : memref<128x128xf32, #tpu.memory_space<vmem>>, vector<16xf32>,
        %parallel_loop3A_281 = arith.constant 1 : i32
        %parallel_loop3A_282 = vector.broadcast %parallel_loop3A_281 : i32 to vector<16xi32>
        %parallel_loop3A_283 = arith.addi %parallel_loop3A_250, %parallel_loop3A_282 : vector<16xi32>
        %parallel_loop3A_284 = arith.constant 0 : i32
        %parallel_loop3A_285 = arith.constant 0 : i32
        %parallel_loop3A_286 = tpu.memref_slice %arg5[%parallel_loop3A_160, %parallel_loop3A_284, %parallel_loop3A_285] : memref<2x32x516xf32, #tpu.memory_space<vmem>> -> memref<1x32x516xf32, #tpu.memory_space<vmem>>
        %parallel_loop3A_287 = tpu.memref_squeeze %parallel_loop3A_286 : memref<1x32x516xf32, #tpu.memory_space<vmem>> -> memref<32x516xf32, #tpu.memory_space<vmem>>
        %parallel_loop3A_288 = tpu.vector_load_idx %parallel_loop3A_287[%iota3A, %parallel_loop3A_283] : memref<32x516xf32, #tpu.memory_space<vmem>>[vector<16xi32>, vector<16xi32>], vector<16xf32>,
        %parallel_loop3A_289 = arith.constant 0 : i32
        %parallel_loop3A_290 = arith.constant 0 : i32
        %parallel_loop3A_291 = tpu.memref_slice %arg6[%parallel_loop3A_161, %parallel_loop3A_289, %parallel_loop3A_290] : memref<2x128x128xf32, #tpu.memory_space<vmem>> -> memref<1x128x128xf32, #tpu.memory_space<vmem>>
        %parallel_loop3A_292 = tpu.memref_squeeze %parallel_loop3A_291 : memref<1x128x128xf32, #tpu.memory_space<vmem>> -> memref<128x128xf32, #tpu.memory_space<vmem>>
        %parallel_loop3A_293 = arith.index_cast %parallel_loop3A_247 : i32 to index
        %parallel_loop3A_294 = arith.constant 32 : index
        %parallel_loop3A_295 = tpu.vector_load %parallel_loop3A_292[%parallel_loop3A_293, %parallel_loop3A_294] {strides = array<i32>} : memref<128x128xf32, #tpu.memory_space<vmem>>, vector<16xf32>,
        tpu.vector_store %parallel_loop3A_292[%parallel_loop3A_293, %parallel_loop3A_294], %parallel_loop3A_288 {strides = array<i32>} : memref<128x128xf32, #tpu.memory_space<vmem>>, vector<16xf32>,
        %parallel_loop3A_296 = arith.constant 1 : i32
        %parallel_loop3A_297 = vector.broadcast %parallel_loop3A_296 : i32 to vector<16xi32>
        %parallel_loop3A_298 = arith.addi %parallel_loop3A_250, %parallel_loop3A_297 : vector<16xi32>
        %parallel_loop3A_299 = arith.constant 0 : i32
        %parallel_loop3A_300 = arith.constant 0 : i32
        %parallel_loop3A_301 = tpu.memref_slice %arg5[%parallel_loop3A_160, %parallel_loop3A_299, %parallel_loop3A_300] : memref<2x32x516xf32, #tpu.memory_space<vmem>> -> memref<1x32x516xf32, #tpu.memory_space<vmem>>
        %parallel_loop3A_302 = tpu.memref_squeeze %parallel_loop3A_301 : memref<1x32x516xf32, #tpu.memory_space<vmem>> -> memref<32x516xf32, #tpu.memory_space<vmem>>
        %parallel_loop3A_303 = tpu.vector_load_idx %parallel_loop3A_302[%add3A_11, %parallel_loop3A_298] : memref<32x516xf32, #tpu.memory_space<vmem>>[vector<16xi32>, vector<16xi32>], vector<16xf32>,
        %parallel_loop3A_304 = arith.constant 0 : i32
        %parallel_loop3A_305 = arith.constant 0 : i32
        %parallel_loop3A_306 = tpu.memref_slice %arg6[%parallel_loop3A_161, %parallel_loop3A_304, %parallel_loop3A_305] : memref<2x128x128xf32, #tpu.memory_space<vmem>> -> memref<1x128x128xf32, #tpu.memory_space<vmem>>
        %parallel_loop3A_307 = tpu.memref_squeeze %parallel_loop3A_306 : memref<1x128x128xf32, #tpu.memory_space<vmem>> -> memref<128x128xf32, #tpu.memory_space<vmem>>
        %parallel_loop3A_308 = arith.index_cast %parallel_loop3A_247 : i32 to index
        %parallel_loop3A_309 = arith.constant 48 : index
        %parallel_loop3A_310 = tpu.vector_load %parallel_loop3A_307[%parallel_loop3A_308, %parallel_loop3A_309] {strides = array<i32>} : memref<128x128xf32, #tpu.memory_space<vmem>>, vector<16xf32>,
        tpu.vector_store %parallel_loop3A_307[%parallel_loop3A_308, %parallel_loop3A_309], %parallel_loop3A_303 {strides = array<i32>} : memref<128x128xf32, #tpu.memory_space<vmem>>, vector<16xf32>,
        %parallel_loop3A_311 = arith.constant 2 : i32
        %parallel_loop3A_312 = vector.broadcast %parallel_loop3A_311 : i32 to vector<16xi32>
        %parallel_loop3A_313 = arith.addi %parallel_loop3A_250, %parallel_loop3A_312 : vector<16xi32>
        %parallel_loop3A_314 = arith.constant 0 : i32
        %parallel_loop3A_315 = arith.constant 0 : i32
        %parallel_loop3A_316 = tpu.memref_slice %arg5[%parallel_loop3A_160, %parallel_loop3A_314, %parallel_loop3A_315] : memref<2x32x516xf32, #tpu.memory_space<vmem>> -> memref<1x32x516xf32, #tpu.memory_space<vmem>>
        %parallel_loop3A_317 = tpu.memref_squeeze %parallel_loop3A_316 : memref<1x32x516xf32, #tpu.memory_space<vmem>> -> memref<32x516xf32, #tpu.memory_space<vmem>>
        %parallel_loop3A_318 = tpu.vector_load_idx %parallel_loop3A_317[%iota3A, %parallel_loop3A_313] : memref<32x516xf32, #tpu.memory_space<vmem>>[vector<16xi32>, vector<16xi32>], vector<16xf32>,
        %parallel_loop3A_319 = arith.constant 0 : i32
        %parallel_loop3A_320 = arith.constant 0 : i32
        %parallel_loop3A_321 = tpu.memref_slice %arg6[%parallel_loop3A_161, %parallel_loop3A_319, %parallel_loop3A_320] : memref<2x128x128xf32, #tpu.memory_space<vmem>> -> memref<1x128x128xf32, #tpu.memory_space<vmem>>
        %parallel_loop3A_322 = tpu.memref_squeeze %parallel_loop3A_321 : memref<1x128x128xf32, #tpu.memory_space<vmem>> -> memref<128x128xf32, #tpu.memory_space<vmem>>
        %parallel_loop3A_323 = arith.index_cast %parallel_loop3A_247 : i32 to index
        %parallel_loop3A_324 = arith.constant 64 : index
        %parallel_loop3A_325 = tpu.vector_load %parallel_loop3A_322[%parallel_loop3A_323, %parallel_loop3A_324] {strides = array<i32>} : memref<128x128xf32, #tpu.memory_space<vmem>>, vector<16xf32>,
        tpu.vector_store %parallel_loop3A_322[%parallel_loop3A_323, %parallel_loop3A_324], %parallel_loop3A_318 {strides = array<i32>} : memref<128x128xf32, #tpu.memory_space<vmem>>, vector<16xf32>,
        %parallel_loop3A_326 = arith.constant 2 : i32
        %parallel_loop3A_327 = vector.broadcast %parallel_loop3A_326 : i32 to vector<16xi32>
        %parallel_loop3A_328 = arith.addi %parallel_loop3A_250, %parallel_loop3A_327 : vector<16xi32>
        %parallel_loop3A_329 = arith.constant 0 : i32
        %parallel_loop3A_330 = arith.constant 0 : i32
        %parallel_loop3A_331 = tpu.memref_slice %arg5[%parallel_loop3A_160, %parallel_loop3A_329, %parallel_loop3A_330] : memref<2x32x516xf32, #tpu.memory_space<vmem>> -> memref<1x32x516xf32, #tpu.memory_space<vmem>>
        %parallel_loop3A_332 = tpu.memref_squeeze %parallel_loop3A_331 : memref<1x32x516xf32, #tpu.memory_space<vmem>> -> memref<32x516xf32, #tpu.memory_space<vmem>>
        %parallel_loop3A_333 = tpu.vector_load_idx %parallel_loop3A_332[%add3A_11, %parallel_loop3A_328] : memref<32x516xf32, #tpu.memory_space<vmem>>[vector<16xi32>, vector<16xi32>], vector<16xf32>,
        %parallel_loop3A_334 = arith.constant 0 : i32
        %parallel_loop3A_335 = arith.constant 0 : i32
        %parallel_loop3A_336 = tpu.memref_slice %arg6[%parallel_loop3A_161, %parallel_loop3A_334, %parallel_loop3A_335] : memref<2x128x128xf32, #tpu.memory_space<vmem>> -> memref<1x128x128xf32, #tpu.memory_space<vmem>>
        %parallel_loop3A_337 = tpu.memref_squeeze %parallel_loop3A_336 : memref<1x128x128xf32, #tpu.memory_space<vmem>> -> memref<128x128xf32, #tpu.memory_space<vmem>>
        %parallel_loop3A_338 = arith.index_cast %parallel_loop3A_247 : i32 to index
        %parallel_loop3A_339 = arith.constant 80 : index
        %parallel_loop3A_340 = tpu.vector_load %parallel_loop3A_337[%parallel_loop3A_338, %parallel_loop3A_339] {strides = array<i32>} : memref<128x128xf32, #tpu.memory_space<vmem>>, vector<16xf32>,
        tpu.vector_store %parallel_loop3A_337[%parallel_loop3A_338, %parallel_loop3A_339], %parallel_loop3A_333 {strides = array<i32>} : memref<128x128xf32, #tpu.memory_space<vmem>>, vector<16xf32>,
        %parallel_loop3A_341 = arith.constant 3 : i32
        %parallel_loop3A_342 = vector.broadcast %parallel_loop3A_341 : i32 to vector<16xi32>
        %parallel_loop3A_343 = arith.addi %parallel_loop3A_250, %parallel_loop3A_342 : vector<16xi32>
        %parallel_loop3A_344 = arith.constant 0 : i32
        %parallel_loop3A_345 = arith.constant 0 : i32
        %parallel_loop3A_346 = tpu.memref_slice %arg5[%parallel_loop3A_160, %parallel_loop3A_344, %parallel_loop3A_345] : memref<2x32x516xf32, #tpu.memory_space<vmem>> -> memref<1x32x516xf32, #tpu.memory_space<vmem>>
        %parallel_loop3A_347 = tpu.memref_squeeze %parallel_loop3A_346 : memref<1x32x516xf32, #tpu.memory_space<vmem>> -> memref<32x516xf32, #tpu.memory_space<vmem>>
        %parallel_loop3A_348 = tpu.vector_load_idx %parallel_loop3A_347[%iota3A, %parallel_loop3A_343] : memref<32x516xf32, #tpu.memory_space<vmem>>[vector<16xi32>, vector<16xi32>], vector<16xf32>,
        %parallel_loop3A_349 = arith.constant 0 : i32
        %parallel_loop3A_350 = arith.constant 0 : i32
        %parallel_loop3A_351 = tpu.memref_slice %arg6[%parallel_loop3A_161, %parallel_loop3A_349, %parallel_loop3A_350] : memref<2x128x128xf32, #tpu.memory_space<vmem>> -> memref<1x128x128xf32, #tpu.memory_space<vmem>>
        %parallel_loop3A_352 = tpu.memref_squeeze %parallel_loop3A_351 : memref<1x128x128xf32, #tpu.memory_space<vmem>> -> memref<128x128xf32, #tpu.memory_space<vmem>>
        %parallel_loop3A_353 = arith.index_cast %parallel_loop3A_247 : i32 to index
        %parallel_loop3A_354 = arith.constant 96 : index
        %parallel_loop3A_355 = tpu.vector_load %parallel_loop3A_352[%parallel_loop3A_353, %parallel_loop3A_354] {strides = array<i32>} : memref<128x128xf32, #tpu.memory_space<vmem>>, vector<16xf32>,
        tpu.vector_store %parallel_loop3A_352[%parallel_loop3A_353, %parallel_loop3A_354], %parallel_loop3A_348 {strides = array<i32>} : memref<128x128xf32, #tpu.memory_space<vmem>>, vector<16xf32>,
        %parallel_loop3A_356 = arith.constant 3 : i32
        %parallel_loop3A_357 = vector.broadcast %parallel_loop3A_356 : i32 to vector<16xi32>
        %parallel_loop3A_358 = arith.addi %parallel_loop3A_250, %parallel_loop3A_357 : vector<16xi32>
        %parallel_loop3A_359 = arith.constant 0 : i32
        %parallel_loop3A_360 = arith.constant 0 : i32
        %parallel_loop3A_361 = tpu.memref_slice %arg5[%parallel_loop3A_160, %parallel_loop3A_359, %parallel_loop3A_360] : memref<2x32x516xf32, #tpu.memory_space<vmem>> -> memref<1x32x516xf32, #tpu.memory_space<vmem>>
        %parallel_loop3A_362 = tpu.memref_squeeze %parallel_loop3A_361 : memref<1x32x516xf32, #tpu.memory_space<vmem>> -> memref<32x516xf32, #tpu.memory_space<vmem>>
        %parallel_loop3A_363 = tpu.vector_load_idx %parallel_loop3A_362[%add3A_11, %parallel_loop3A_358] : memref<32x516xf32, #tpu.memory_space<vmem>>[vector<16xi32>, vector<16xi32>], vector<16xf32>,
        %parallel_loop3A_364 = arith.constant 0 : i32
        %parallel_loop3A_365 = arith.constant 0 : i32
        %parallel_loop3A_366 = tpu.memref_slice %arg6[%parallel_loop3A_161, %parallel_loop3A_364, %parallel_loop3A_365] : memref<2x128x128xf32, #tpu.memory_space<vmem>> -> memref<1x128x128xf32, #tpu.memory_space<vmem>>
        %parallel_loop3A_367 = tpu.memref_squeeze %parallel_loop3A_366 : memref<1x128x128xf32, #tpu.memory_space<vmem>> -> memref<128x128xf32, #tpu.memory_space<vmem>>
        %parallel_loop3A_368 = arith.index_cast %parallel_loop3A_247 : i32 to index
        %parallel_loop3A_369 = arith.constant 112 : index
        %parallel_loop3A_370 = tpu.vector_load %parallel_loop3A_367[%parallel_loop3A_368, %parallel_loop3A_369] {strides = array<i32>} : memref<128x128xf32, #tpu.memory_space<vmem>>, vector<16xf32>,
        tpu.vector_store %parallel_loop3A_367[%parallel_loop3A_368, %parallel_loop3A_369], %parallel_loop3A_363 {strides = array<i32>} : memref<128x128xf32, #tpu.memory_space<vmem>>, vector<16xf32>,
      } {sc.loop_unroll_factor = 4 : i64, sc.parallel_access}
      %add3A_162 = arith.constant 2 : i32
      %add3A_163 = arith.addi %add3A_137, %add3A_162 : i32
      %mul3A_164 = arith.constant 512 : i32
      %mul3A_165 = arith.muli %add3A_163, %mul3A_164 : i32
      %multiple_of3A_166 = tpu.assume_multiple %mul3A_165, 512 : i32
      %dma_start3A_167 = arith.constant 0 : i32
      %dma_start3A_168 = arith.constant 0 : i32
      %dma_start3A_169 = arith.constant 0 : i32
      %dma_start3A_170 = tpu.memref_slice %arg5[%dma_start3A_167, %dma_start3A_168, %dma_start3A_169] : memref<2x32x516xf32, #tpu.memory_space<vmem>> -> memref<1x32x512xf32, #tpu.memory_space<vmem>>
      %dma_start3A_171 = tpu.memref_squeeze %dma_start3A_170 : memref<1x32x512xf32, #tpu.memory_space<vmem>> -> memref<32x512xf32, #tpu.memory_space<vmem>>
      %dma_start3A_172 = arith.constant 0 : i32
      %dma_start3A_173 = tpu.memref_slice %arg2[%dma_start3A_172, %multiple_of3A_166] : memref<32x1000000xf32, #tpu.memory_space<hbm>> -> memref<32x512xf32, #tpu.memory_space<hbm>>
      %dma_start3A_174 = arith.constant 0 : i32
      %dma_start3A_175 = arith.constant 0 : i32
      %dma_start3A_176 = tpu.memref_slice %arg5[%dma_start3A_167, %dma_start3A_174, %dma_start3A_175] : memref<2x32x516xf32, #tpu.memory_space<vmem>> -> memref<1x32x512xf32, #tpu.memory_space<vmem>>
      %dma_start3A_177 = tpu.memref_squeeze %dma_start3A_176 : memref<1x32x512xf32, #tpu.memory_space<vmem>> -> memref<32x512xf32, #tpu.memory_space<vmem>>
      %dma_start3A_178 = arith.constant 0 : i32
      %dma_start3A_179 = tpu.memref_slice %arg2[%dma_start3A_178, %multiple_of3A_166] : memref<32x1000000xf32, #tpu.memory_space<hbm>> -> memref<32x512xf32, #tpu.memory_space<hbm>>
      tpu.enqueue_dma source(%dma_start3A_179 : memref<32x512xf32, #tpu.memory_space<hbm>>) target(%dma_start3A_177 : memref<32x512xf32, #tpu.memory_space<vmem>>) target_semaphore(%arg9 : memref<!tpu.dma_semaphore, #tpu.memory_space<semaphore_mem>>)
      %mul3A_180 = arith.constant 128 : i32
      %mul3A_181 = arith.muli %add3A_137, %mul3A_180 : i32
      %multiple_of3A_182 = tpu.assume_multiple %mul3A_181, 128 : i32
      %dma_start3A_183 = arith.constant 0 : i32
      %dma_start3A_184 = arith.constant 0 : i32
      %dma_start3A_185 = arith.constant 0 : i32
      %dma_start3A_186 = tpu.memref_slice %arg6[%dma_start3A_183, %dma_start3A_184, %dma_start3A_185] : memref<2x128x128xf32, #tpu.memory_space<vmem>> -> memref<1x128x128xf32, #tpu.memory_space<vmem>>
      %dma_start3A_187 = tpu.memref_squeeze %dma_start3A_186 : memref<1x128x128xf32, #tpu.memory_space<vmem>> -> memref<128x128xf32, #tpu.memory_space<vmem>>
      %dma_start3A_188 = arith.constant 0 : i32
      %dma_start3A_189 = tpu.memref_slice %arg4[%multiple_of3A_182, %dma_start3A_188] : memref<250000x128xf32, #tpu.memory_space<hbm>> -> memref<128x128xf32, #tpu.memory_space<hbm>>
      %dma_start3A_190 = arith.constant 0 : i32
      %dma_start3A_191 = tpu.memref_slice %arg4[%multiple_of3A_182, %dma_start3A_190] : memref<250000x128xf32, #tpu.memory_space<hbm>> -> memref<128x128xf32, #tpu.memory_space<hbm>>
      %dma_start3A_192 = arith.constant 0 : i32
      %dma_start3A_193 = arith.constant 0 : i32
      %dma_start3A_194 = tpu.memref_slice %arg6[%dma_start3A_183, %dma_start3A_192, %dma_start3A_193] : memref<2x128x128xf32, #tpu.memory_space<vmem>> -> memref<1x128x128xf32, #tpu.memory_space<vmem>>
      %dma_start3A_195 = tpu.memref_squeeze %dma_start3A_194 : memref<1x128x128xf32, #tpu.memory_space<vmem>> -> memref<128x128xf32, #tpu.memory_space<vmem>>
      tpu.enqueue_dma source(%dma_start3A_195 : memref<128x128xf32, #tpu.memory_space<vmem>>) target(%dma_start3A_191 : memref<128x128xf32, #tpu.memory_space<hbm>>) target_semaphore(%arg11 : memref<!tpu.dma_semaphore, #tpu.memory_space<semaphore_mem>>)
      %dma_wait3A_196 = arith.constant 1 : i32
      %dma_wait3A_197 = arith.constant 0 : i32
      %dma_wait3A_198 = arith.constant 0 : i32
      %dma_wait3A_199 = tpu.memref_slice %arg5[%dma_wait3A_196, %dma_wait3A_197, %dma_wait3A_198] : memref<2x32x516xf32, #tpu.memory_space<vmem>> -> memref<1x32x512xf32, #tpu.memory_space<vmem>>
      %dma_wait3A_200 = tpu.memref_squeeze %dma_wait3A_199 : memref<1x32x512xf32, #tpu.memory_space<vmem>> -> memref<32x512xf32, #tpu.memory_space<vmem>>
      %dma_wait3A_201 = arith.constant 0 : i32
      %dma_wait3A_202 = arith.constant 0 : i32
      %dma_wait3A_203 = tpu.memref_slice %arg2[%dma_wait3A_201, %dma_wait3A_202] : memref<32x1000000xf32, #tpu.memory_space<hbm>> -> memref<32x512xf32, #tpu.memory_space<hbm>>
      %dma_wait3A_204 = arith.constant 0 : i32
      %dma_wait3A_205 = arith.constant 0 : i32
      %dma_wait3A_206 = tpu.memref_slice %arg5[%dma_wait3A_196, %dma_wait3A_204, %dma_wait3A_205] : memref<2x32x516xf32, #tpu.memory_space<vmem>> -> memref<1x32x512xf32, #tpu.memory_space<vmem>>
      %dma_wait3A_207 = tpu.memref_squeeze %dma_wait3A_206 : memref<1x32x512xf32, #tpu.memory_space<vmem>> -> memref<32x512xf32, #tpu.memory_space<vmem>>
      %dma_wait3A_208 = arith.constant 0 : i32
      %dma_wait3A_209 = arith.constant 0 : i32
      %dma_wait3A_210 = tpu.memref_slice %arg2[%dma_wait3A_208, %dma_wait3A_209] : memref<32x1000000xf32, #tpu.memory_space<hbm>> -> memref<32x512xf32, #tpu.memory_space<hbm>>
      tpu.wait_dma2 semaphore(%arg10 : memref<!tpu.dma_semaphore, #tpu.memory_space<semaphore_mem>>) src(%dma_wait3A_210 : memref<32x512xf32, #tpu.memory_space<hbm>>) dst(%dma_wait3A_207 : memref<32x512xf32, #tpu.memory_space<vmem>>)
      %gt3A_211 = arith.constant 0 : i32
      %gt3A_212 = arith.cmpi sgt, %scan3A_134, %gt3A_211 : i32
      %convert_element_type3A_213 = arith.extui %gt3A_212 : i1 to i32
      %cond3A_214 = arith.constant 0 : i32
      %cond3A_215 = arith.cmpi ne, %convert_element_type3A_213, %cond3A_214 : i32
      scf.if %cond3A_215 {
        %dma_wait3A_247 = arith.constant 1 : i32
        %dma_wait3A_248 = arith.constant 0 : i32
        %dma_wait3A_249 = arith.constant 0 : i32
        %dma_wait3A_250 = tpu.memref_slice %arg6[%dma_wait3A_247, %dma_wait3A_248, %dma_wait3A_249] : memref<2x128x128xf32, #tpu.memory_space<vmem>> -> memref<1x128x128xf32, #tpu.memory_space<vmem>>
        %dma_wait3A_251 = tpu.memref_squeeze %dma_wait3A_250 : memref<1x128x128xf32, #tpu.memory_space<vmem>> -> memref<128x128xf32, #tpu.memory_space<vmem>>
        %dma_wait3A_252 = arith.constant 0 : i32
        %dma_wait3A_253 = arith.constant 0 : i32
        %dma_wait3A_254 = tpu.memref_slice %arg4[%dma_wait3A_252, %dma_wait3A_253] : memref<250000x128xf32, #tpu.memory_space<hbm>> -> memref<128x128xf32, #tpu.memory_space<hbm>>
        %dma_wait3A_255 = arith.constant 0 : i32
        %dma_wait3A_256 = arith.constant 0 : i32
        %dma_wait3A_257 = tpu.memref_slice %arg4[%dma_wait3A_255, %dma_wait3A_256] : memref<250000x128xf32, #tpu.memory_space<hbm>> -> memref<128x128xf32, #tpu.memory_space<hbm>>
        %dma_wait3A_258 = arith.constant 0 : i32
        %dma_wait3A_259 = arith.constant 0 : i32
        %dma_wait3A_260 = tpu.memref_slice %arg6[%dma_wait3A_247, %dma_wait3A_258, %dma_wait3A_259] : memref<2x128x128xf32, #tpu.memory_space<vmem>> -> memref<1x128x128xf32, #tpu.memory_space<vmem>>
        %dma_wait3A_261 = tpu.memref_squeeze %dma_wait3A_260 : memref<1x128x128xf32, #tpu.memory_space<vmem>> -> memref<128x128xf32, #tpu.memory_space<vmem>>
        tpu.wait_dma2 semaphore(%arg12 : memref<!tpu.dma_semaphore, #tpu.memory_space<semaphore_mem>>) src(%dma_wait3A_261 : memref<128x128xf32, #tpu.memory_space<vmem>>) dst(%dma_wait3A_257 : memref<128x128xf32, #tpu.memory_space<hbm>>)
      } else {
      }
      %parallel_loop3A_216 = arith.constant 0 : i32
      %parallel_loop3A_217 = arith.constant 128 : i32
      %parallel_loop3A_218 = arith.constant 1 : i32
      %parallel_loop3A_219 = arith.constant 1 : i32
      %parallel_loop3A_220 = arith.constant 1 : i32
      scf.for %parallel_loop3A_247 = %parallel_loop3A_216 to %parallel_loop3A_217 step %parallel_loop3A_218  : i32 {
        %parallel_loop3A_248 = arith.constant 4 : i32
        %parallel_loop3A_249 = arith.muli %parallel_loop3A_248, %parallel_loop3A_247 : i32
        %parallel_loop3A_250 = vector.broadcast %parallel_loop3A_249 : i32 to vector<16xi32>
        %parallel_loop3A_251 = arith.constant 0 : i32
        %parallel_loop3A_252 = vector.broadcast %parallel_loop3A_251 : i32 to vector<16xi32>
        %parallel_loop3A_253 = arith.addi %parallel_loop3A_250, %parallel_loop3A_252 : vector<16xi32>
        %parallel_loop3A_254 = arith.constant 0 : i32
        %parallel_loop3A_255 = arith.constant 0 : i32
        %parallel_loop3A_256 = tpu.memref_slice %arg5[%parallel_loop3A_219, %parallel_loop3A_254, %parallel_loop3A_255] : memref<2x32x516xf32, #tpu.memory_space<vmem>> -> memref<1x32x516xf32, #tpu.memory_space<vmem>>
        %parallel_loop3A_257 = tpu.memref_squeeze %parallel_loop3A_256 : memref<1x32x516xf32, #tpu.memory_space<vmem>> -> memref<32x516xf32, #tpu.memory_space<vmem>>
        %parallel_loop3A_258 = tpu.vector_load_idx %parallel_loop3A_257[%iota3A, %parallel_loop3A_253] : memref<32x516xf32, #tpu.memory_space<vmem>>[vector<16xi32>, vector<16xi32>], vector<16xf32>,
        %parallel_loop3A_259 = arith.constant 0 : i32
        %parallel_loop3A_260 = arith.constant 0 : i32
        %parallel_loop3A_261 = tpu.memref_slice %arg6[%parallel_loop3A_220, %parallel_loop3A_259, %parallel_loop3A_260] : memref<2x128x128xf32, #tpu.memory_space<vmem>> -> memref<1x128x128xf32, #tpu.memory_space<vmem>>
        %parallel_loop3A_262 = tpu.memref_squeeze %parallel_loop3A_261 : memref<1x128x128xf32, #tpu.memory_space<vmem>> -> memref<128x128xf32, #tpu.memory_space<vmem>>
        %parallel_loop3A_263 = arith.index_cast %parallel_loop3A_247 : i32 to index
        %parallel_loop3A_264 = arith.constant 0 : index
        %parallel_loop3A_265 = tpu.vector_load %parallel_loop3A_262[%parallel_loop3A_263, %parallel_loop3A_264] {strides = array<i32>} : memref<128x128xf32, #tpu.memory_space<vmem>>, vector<16xf32>,
        tpu.vector_store %parallel_loop3A_262[%parallel_loop3A_263, %parallel_loop3A_264], %parallel_loop3A_258 {strides = array<i32>} : memref<128x128xf32, #tpu.memory_space<vmem>>, vector<16xf32>,
        %parallel_loop3A_266 = arith.constant 0 : i32
        %parallel_loop3A_267 = vector.broadcast %parallel_loop3A_266 : i32 to vector<16xi32>
        %parallel_loop3A_268 = arith.addi %parallel_loop3A_250, %parallel_loop3A_267 : vector<16xi32>
        %parallel_loop3A_269 = arith.constant 0 : i32
        %parallel_loop3A_270 = arith.constant 0 : i32
        %parallel_loop3A_271 = tpu.memref_slice %arg5[%parallel_loop3A_219, %parallel_loop3A_269, %parallel_loop3A_270] : memref<2x32x516xf32, #tpu.memory_space<vmem>> -> memref<1x32x516xf32, #tpu.memory_space<vmem>>
        %parallel_loop3A_272 = tpu.memref_squeeze %parallel_loop3A_271 : memref<1x32x516xf32, #tpu.memory_space<vmem>> -> memref<32x516xf32, #tpu.memory_space<vmem>>
        %parallel_loop3A_273 = tpu.vector_load_idx %parallel_loop3A_272[%add3A_11, %parallel_loop3A_268] : memref<32x516xf32, #tpu.memory_space<vmem>>[vector<16xi32>, vector<16xi32>], vector<16xf32>,
        %parallel_loop3A_274 = arith.constant 0 : i32
        %parallel_loop3A_275 = arith.constant 0 : i32
        %parallel_loop3A_276 = tpu.memref_slice %arg6[%parallel_loop3A_220, %parallel_loop3A_274, %parallel_loop3A_275] : memref<2x128x128xf32, #tpu.memory_space<vmem>> -> memref<1x128x128xf32, #tpu.memory_space<vmem>>
        %parallel_loop3A_277 = tpu.memref_squeeze %parallel_loop3A_276 : memref<1x128x128xf32, #tpu.memory_space<vmem>> -> memref<128x128xf32, #tpu.memory_space<vmem>>
        %parallel_loop3A_278 = arith.index_cast %parallel_loop3A_247 : i32 to index
        %parallel_loop3A_279 = arith.constant 16 : index
        %parallel_loop3A_280 = tpu.vector_load %parallel_loop3A_277[%parallel_loop3A_278, %parallel_loop3A_279] {strides = array<i32>} : memref<128x128xf32, #tpu.memory_space<vmem>>, vector<16xf32>,
        tpu.vector_store %parallel_loop3A_277[%parallel_loop3A_278, %parallel_loop3A_279], %parallel_loop3A_273 {strides = array<i32>} : memref<128x128xf32, #tpu.memory_space<vmem>>, vector<16xf32>,
        %parallel_loop3A_281 = arith.constant 1 : i32
        %parallel_loop3A_282 = vector.broadcast %parallel_loop3A_281 : i32 to vector<16xi32>
        %parallel_loop3A_283 = arith.addi %parallel_loop3A_250, %parallel_loop3A_282 : vector<16xi32>
        %parallel_loop3A_284 = arith.constant 0 : i32
        %parallel_loop3A_285 = arith.constant 0 : i32
        %parallel_loop3A_286 = tpu.memref_slice %arg5[%parallel_loop3A_219, %parallel_loop3A_284, %parallel_loop3A_285] : memref<2x32x516xf32, #tpu.memory_space<vmem>> -> memref<1x32x516xf32, #tpu.memory_space<vmem>>
        %parallel_loop3A_287 = tpu.memref_squeeze %parallel_loop3A_286 : memref<1x32x516xf32, #tpu.memory_space<vmem>> -> memref<32x516xf32, #tpu.memory_space<vmem>>
        %parallel_loop3A_288 = tpu.vector_load_idx %parallel_loop3A_287[%iota3A, %parallel_loop3A_283] : memref<32x516xf32, #tpu.memory_space<vmem>>[vector<16xi32>, vector<16xi32>], vector<16xf32>,
        %parallel_loop3A_289 = arith.constant 0 : i32
        %parallel_loop3A_290 = arith.constant 0 : i32
        %parallel_loop3A_291 = tpu.memref_slice %arg6[%parallel_loop3A_220, %parallel_loop3A_289, %parallel_loop3A_290] : memref<2x128x128xf32, #tpu.memory_space<vmem>> -> memref<1x128x128xf32, #tpu.memory_space<vmem>>
        %parallel_loop3A_292 = tpu.memref_squeeze %parallel_loop3A_291 : memref<1x128x128xf32, #tpu.memory_space<vmem>> -> memref<128x128xf32, #tpu.memory_space<vmem>>
        %parallel_loop3A_293 = arith.index_cast %parallel_loop3A_247 : i32 to index
        %parallel_loop3A_294 = arith.constant 32 : index
        %parallel_loop3A_295 = tpu.vector_load %parallel_loop3A_292[%parallel_loop3A_293, %parallel_loop3A_294] {strides = array<i32>} : memref<128x128xf32, #tpu.memory_space<vmem>>, vector<16xf32>,
        tpu.vector_store %parallel_loop3A_292[%parallel_loop3A_293, %parallel_loop3A_294], %parallel_loop3A_288 {strides = array<i32>} : memref<128x128xf32, #tpu.memory_space<vmem>>, vector<16xf32>,
        %parallel_loop3A_296 = arith.constant 1 : i32
        %parallel_loop3A_297 = vector.broadcast %parallel_loop3A_296 : i32 to vector<16xi32>
        %parallel_loop3A_298 = arith.addi %parallel_loop3A_250, %parallel_loop3A_297 : vector<16xi32>
        %parallel_loop3A_299 = arith.constant 0 : i32
        %parallel_loop3A_300 = arith.constant 0 : i32
        %parallel_loop3A_301 = tpu.memref_slice %arg5[%parallel_loop3A_219, %parallel_loop3A_299, %parallel_loop3A_300] : memref<2x32x516xf32, #tpu.memory_space<vmem>> -> memref<1x32x516xf32, #tpu.memory_space<vmem>>
        %parallel_loop3A_302 = tpu.memref_squeeze %parallel_loop3A_301 : memref<1x32x516xf32, #tpu.memory_space<vmem>> -> memref<32x516xf32, #tpu.memory_space<vmem>>
        %parallel_loop3A_303 = tpu.vector_load_idx %parallel_loop3A_302[%add3A_11, %parallel_loop3A_298] : memref<32x516xf32, #tpu.memory_space<vmem>>[vector<16xi32>, vector<16xi32>], vector<16xf32>,
        %parallel_loop3A_304 = arith.constant 0 : i32
        %parallel_loop3A_305 = arith.constant 0 : i32
        %parallel_loop3A_306 = tpu.memref_slice %arg6[%parallel_loop3A_220, %parallel_loop3A_304, %parallel_loop3A_305] : memref<2x128x128xf32, #tpu.memory_space<vmem>> -> memref<1x128x128xf32, #tpu.memory_space<vmem>>
        %parallel_loop3A_307 = tpu.memref_squeeze %parallel_loop3A_306 : memref<1x128x128xf32, #tpu.memory_space<vmem>> -> memref<128x128xf32, #tpu.memory_space<vmem>>
        %parallel_loop3A_308 = arith.index_cast %parallel_loop3A_247 : i32 to index
        %parallel_loop3A_309 = arith.constant 48 : index
        %parallel_loop3A_310 = tpu.vector_load %parallel_loop3A_307[%parallel_loop3A_308, %parallel_loop3A_309] {strides = array<i32>} : memref<128x128xf32, #tpu.memory_space<vmem>>, vector<16xf32>,
        tpu.vector_store %parallel_loop3A_307[%parallel_loop3A_308, %parallel_loop3A_309], %parallel_loop3A_303 {strides = array<i32>} : memref<128x128xf32, #tpu.memory_space<vmem>>, vector<16xf32>,
        %parallel_loop3A_311 = arith.constant 2 : i32
        %parallel_loop3A_312 = vector.broadcast %parallel_loop3A_311 : i32 to vector<16xi32>
        %parallel_loop3A_313 = arith.addi %parallel_loop3A_250, %parallel_loop3A_312 : vector<16xi32>
        %parallel_loop3A_314 = arith.constant 0 : i32
        %parallel_loop3A_315 = arith.constant 0 : i32
        %parallel_loop3A_316 = tpu.memref_slice %arg5[%parallel_loop3A_219, %parallel_loop3A_314, %parallel_loop3A_315] : memref<2x32x516xf32, #tpu.memory_space<vmem>> -> memref<1x32x516xf32, #tpu.memory_space<vmem>>
        %parallel_loop3A_317 = tpu.memref_squeeze %parallel_loop3A_316 : memref<1x32x516xf32, #tpu.memory_space<vmem>> -> memref<32x516xf32, #tpu.memory_space<vmem>>
        %parallel_loop3A_318 = tpu.vector_load_idx %parallel_loop3A_317[%iota3A, %parallel_loop3A_313] : memref<32x516xf32, #tpu.memory_space<vmem>>[vector<16xi32>, vector<16xi32>], vector<16xf32>,
        %parallel_loop3A_319 = arith.constant 0 : i32
        %parallel_loop3A_320 = arith.constant 0 : i32
        %parallel_loop3A_321 = tpu.memref_slice %arg6[%parallel_loop3A_220, %parallel_loop3A_319, %parallel_loop3A_320] : memref<2x128x128xf32, #tpu.memory_space<vmem>> -> memref<1x128x128xf32, #tpu.memory_space<vmem>>
        %parallel_loop3A_322 = tpu.memref_squeeze %parallel_loop3A_321 : memref<1x128x128xf32, #tpu.memory_space<vmem>> -> memref<128x128xf32, #tpu.memory_space<vmem>>
        %parallel_loop3A_323 = arith.index_cast %parallel_loop3A_247 : i32 to index
        %parallel_loop3A_324 = arith.constant 64 : index
        %parallel_loop3A_325 = tpu.vector_load %parallel_loop3A_322[%parallel_loop3A_323, %parallel_loop3A_324] {strides = array<i32>} : memref<128x128xf32, #tpu.memory_space<vmem>>, vector<16xf32>,
        tpu.vector_store %parallel_loop3A_322[%parallel_loop3A_323, %parallel_loop3A_324], %parallel_loop3A_318 {strides = array<i32>} : memref<128x128xf32, #tpu.memory_space<vmem>>, vector<16xf32>,
        %parallel_loop3A_326 = arith.constant 2 : i32
        %parallel_loop3A_327 = vector.broadcast %parallel_loop3A_326 : i32 to vector<16xi32>
        %parallel_loop3A_328 = arith.addi %parallel_loop3A_250, %parallel_loop3A_327 : vector<16xi32>
        %parallel_loop3A_329 = arith.constant 0 : i32
        %parallel_loop3A_330 = arith.constant 0 : i32
        %parallel_loop3A_331 = tpu.memref_slice %arg5[%parallel_loop3A_219, %parallel_loop3A_329, %parallel_loop3A_330] : memref<2x32x516xf32, #tpu.memory_space<vmem>> -> memref<1x32x516xf32, #tpu.memory_space<vmem>>
        %parallel_loop3A_332 = tpu.memref_squeeze %parallel_loop3A_331 : memref<1x32x516xf32, #tpu.memory_space<vmem>> -> memref<32x516xf32, #tpu.memory_space<vmem>>
        %parallel_loop3A_333 = tpu.vector_load_idx %parallel_loop3A_332[%add3A_11, %parallel_loop3A_328] : memref<32x516xf32, #tpu.memory_space<vmem>>[vector<16xi32>, vector<16xi32>], vector<16xf32>,
        %parallel_loop3A_334 = arith.constant 0 : i32
        %parallel_loop3A_335 = arith.constant 0 : i32
        %parallel_loop3A_336 = tpu.memref_slice %arg6[%parallel_loop3A_220, %parallel_loop3A_334, %parallel_loop3A_335] : memref<2x128x128xf32, #tpu.memory_space<vmem>> -> memref<1x128x128xf32, #tpu.memory_space<vmem>>
        %parallel_loop3A_337 = tpu.memref_squeeze %parallel_loop3A_336 : memref<1x128x128xf32, #tpu.memory_space<vmem>> -> memref<128x128xf32, #tpu.memory_space<vmem>>
        %parallel_loop3A_338 = arith.index_cast %parallel_loop3A_247 : i32 to index
        %parallel_loop3A_339 = arith.constant 80 : index
        %parallel_loop3A_340 = tpu.vector_load %parallel_loop3A_337[%parallel_loop3A_338, %parallel_loop3A_339] {strides = array<i32>} : memref<128x128xf32, #tpu.memory_space<vmem>>, vector<16xf32>,
        tpu.vector_store %parallel_loop3A_337[%parallel_loop3A_338, %parallel_loop3A_339], %parallel_loop3A_333 {strides = array<i32>} : memref<128x128xf32, #tpu.memory_space<vmem>>, vector<16xf32>,
        %parallel_loop3A_341 = arith.constant 3 : i32
        %parallel_loop3A_342 = vector.broadcast %parallel_loop3A_341 : i32 to vector<16xi32>
        %parallel_loop3A_343 = arith.addi %parallel_loop3A_250, %parallel_loop3A_342 : vector<16xi32>
        %parallel_loop3A_344 = arith.constant 0 : i32
        %parallel_loop3A_345 = arith.constant 0 : i32
        %parallel_loop3A_346 = tpu.memref_slice %arg5[%parallel_loop3A_219, %parallel_loop3A_344, %parallel_loop3A_345] : memref<2x32x516xf32, #tpu.memory_space<vmem>> -> memref<1x32x516xf32, #tpu.memory_space<vmem>>
        %parallel_loop3A_347 = tpu.memref_squeeze %parallel_loop3A_346 : memref<1x32x516xf32, #tpu.memory_space<vmem>> -> memref<32x516xf32, #tpu.memory_space<vmem>>
        %parallel_loop3A_348 = tpu.vector_load_idx %parallel_loop3A_347[%iota3A, %parallel_loop3A_343] : memref<32x516xf32, #tpu.memory_space<vmem>>[vector<16xi32>, vector<16xi32>], vector<16xf32>,
        %parallel_loop3A_349 = arith.constant 0 : i32
        %parallel_loop3A_350 = arith.constant 0 : i32
        %parallel_loop3A_351 = tpu.memref_slice %arg6[%parallel_loop3A_220, %parallel_loop3A_349, %parallel_loop3A_350] : memref<2x128x128xf32, #tpu.memory_space<vmem>> -> memref<1x128x128xf32, #tpu.memory_space<vmem>>
        %parallel_loop3A_352 = tpu.memref_squeeze %parallel_loop3A_351 : memref<1x128x128xf32, #tpu.memory_space<vmem>> -> memref<128x128xf32, #tpu.memory_space<vmem>>
        %parallel_loop3A_353 = arith.index_cast %parallel_loop3A_247 : i32 to index
        %parallel_loop3A_354 = arith.constant 96 : index
        %parallel_loop3A_355 = tpu.vector_load %parallel_loop3A_352[%parallel_loop3A_353, %parallel_loop3A_354] {strides = array<i32>} : memref<128x128xf32, #tpu.memory_space<vmem>>, vector<16xf32>,
        tpu.vector_store %parallel_loop3A_352[%parallel_loop3A_353, %parallel_loop3A_354], %parallel_loop3A_348 {strides = array<i32>} : memref<128x128xf32, #tpu.memory_space<vmem>>, vector<16xf32>,
        %parallel_loop3A_356 = arith.constant 3 : i32
        %parallel_loop3A_357 = vector.broadcast %parallel_loop3A_356 : i32 to vector<16xi32>
        %parallel_loop3A_358 = arith.addi %parallel_loop3A_250, %parallel_loop3A_357 : vector<16xi32>
        %parallel_loop3A_359 = arith.constant 0 : i32
        %parallel_loop3A_360 = arith.constant 0 : i32
        %parallel_loop3A_361 = tpu.memref_slice %arg5[%parallel_loop3A_219, %parallel_loop3A_359, %parallel_loop3A_360] : memref<2x32x516xf32, #tpu.memory_space<vmem>> -> memref<1x32x516xf32, #tpu.memory_space<vmem>>
        %parallel_loop3A_362 = tpu.memref_squeeze %parallel_loop3A_361 : memref<1x32x516xf32, #tpu.memory_space<vmem>> -> memref<32x516xf32, #tpu.memory_space<vmem>>
        %parallel_loop3A_363 = tpu.vector_load_idx %parallel_loop3A_362[%add3A_11, %parallel_loop3A_358] : memref<32x516xf32, #tpu.memory_space<vmem>>[vector<16xi32>, vector<16xi32>], vector<16xf32>,
        %parallel_loop3A_364 = arith.constant 0 : i32
        %parallel_loop3A_365 = arith.constant 0 : i32
        %parallel_loop3A_366 = tpu.memref_slice %arg6[%parallel_loop3A_220, %parallel_loop3A_364, %parallel_loop3A_365] : memref<2x128x128xf32, #tpu.memory_space<vmem>> -> memref<1x128x128xf32, #tpu.memory_space<vmem>>
        %parallel_loop3A_367 = tpu.memref_squeeze %parallel_loop3A_366 : memref<1x128x128xf32, #tpu.memory_space<vmem>> -> memref<128x128xf32, #tpu.memory_space<vmem>>
        %parallel_loop3A_368 = arith.index_cast %parallel_loop3A_247 : i32 to index
        %parallel_loop3A_369 = arith.constant 112 : index
        %parallel_loop3A_370 = tpu.vector_load %parallel_loop3A_367[%parallel_loop3A_368, %parallel_loop3A_369] {strides = array<i32>} : memref<128x128xf32, #tpu.memory_space<vmem>>, vector<16xf32>,
        tpu.vector_store %parallel_loop3A_367[%parallel_loop3A_368, %parallel_loop3A_369], %parallel_loop3A_363 {strides = array<i32>} : memref<128x128xf32, #tpu.memory_space<vmem>>, vector<16xf32>,
      } {sc.loop_unroll_factor = 4 : i64, sc.parallel_access}
      %mul3A_221 = arith.constant 2 : i32
      %mul3A_222 = arith.muli %mul3A_221, %scan3A_134 : i32
      %add3A_223 = arith.constant 3 : i32
      %add3A_224 = arith.addi %mul3A_222, %add3A_223 : i32
      %lt3A = arith.constant 61 : i32
      %lt3A_225 = arith.cmpi slt, %add3A_224, %lt3A : i32
      %convert_element_type3A_226 = arith.extui %lt3A_225 : i1 to i32
      %cond3A_227 = arith.constant 0 : i32
      %cond3A_228 = arith.cmpi ne, %convert_element_type3A_226, %cond3A_227 : i32
      scf.if %cond3A_228 {
        %add3A_247 = arith.constant 3 : i32
        %add3A_248 = arith.addi %add3A_137, %add3A_247 : i32
        %mul3A_249 = arith.constant 512 : i32
        %mul3A_250 = arith.muli %add3A_248, %mul3A_249 : i32
        %multiple_of3A_251 = tpu.assume_multiple %mul3A_250, 512 : i32
        %dma_start3A_252 = arith.constant 1 : i32
        %dma_start3A_253 = arith.constant 0 : i32
        %dma_start3A_254 = arith.constant 0 : i32
        %dma_start3A_255 = tpu.memref_slice %arg5[%dma_start3A_252, %dma_start3A_253, %dma_start3A_254] : memref<2x32x516xf32, #tpu.memory_space<vmem>> -> memref<1x32x512xf32, #tpu.memory_space<vmem>>
        %dma_start3A_256 = tpu.memref_squeeze %dma_start3A_255 : memref<1x32x512xf32, #tpu.memory_space<vmem>> -> memref<32x512xf32, #tpu.memory_space<vmem>>
        %dma_start3A_257 = arith.constant 0 : i32
        %dma_start3A_258 = tpu.memref_slice %arg2[%dma_start3A_257, %multiple_of3A_251] : memref<32x1000000xf32, #tpu.memory_space<hbm>> -> memref<32x512xf32, #tpu.memory_space<hbm>>
        %dma_start3A_259 = arith.constant 0 : i32
        %dma_start3A_260 = arith.constant 0 : i32
        %dma_start3A_261 = tpu.memref_slice %arg5[%dma_start3A_252, %dma_start3A_259, %dma_start3A_260] : memref<2x32x516xf32, #tpu.memory_space<vmem>> -> memref<1x32x512xf32, #tpu.memory_space<vmem>>
        %dma_start3A_262 = tpu.memref_squeeze %dma_start3A_261 : memref<1x32x512xf32, #tpu.memory_space<vmem>> -> memref<32x512xf32, #tpu.memory_space<vmem>>
        %dma_start3A_263 = arith.constant 0 : i32
        %dma_start3A_264 = tpu.memref_slice %arg2[%dma_start3A_263, %multiple_of3A_251] : memref<32x1000000xf32, #tpu.memory_space<hbm>> -> memref<32x512xf32, #tpu.memory_space<hbm>>
        tpu.enqueue_dma source(%dma_start3A_264 : memref<32x512xf32, #tpu.memory_space<hbm>>) target(%dma_start3A_262 : memref<32x512xf32, #tpu.memory_space<vmem>>) target_semaphore(%arg10 : memref<!tpu.dma_semaphore, #tpu.memory_space<semaphore_mem>>)
      } else {
      }
      %add3A_229 = arith.constant 1 : i32
      %add3A_230 = arith.addi %add3A_137, %add3A_229 : i32
      %mul3A_231 = arith.constant 128 : i32
      %mul3A_232 = arith.muli %add3A_230, %mul3A_231 : i32
      %multiple_of3A_233 = tpu.assume_multiple %mul3A_232, 128 : i32
      %dma_start3A_234 = arith.constant 1 : i32
      %dma_start3A_235 = arith.constant 0 : i32
      %dma_start3A_236 = arith.constant 0 : i32
      %dma_start3A_237 = tpu.memref_slice %arg6[%dma_start3A_234, %dma_start3A_235, %dma_start3A_236] : memref<2x128x128xf32, #tpu.memory_space<vmem>> -> memref<1x128x128xf32, #tpu.memory_space<vmem>>
      %dma_start3A_238 = tpu.memref_squeeze %dma_start3A_237 : memref<1x128x128xf32, #tpu.memory_space<vmem>> -> memref<128x128xf32, #tpu.memory_space<vmem>>
      %dma_start3A_239 = arith.constant 0 : i32
      %dma_start3A_240 = tpu.memref_slice %arg4[%multiple_of3A_233, %dma_start3A_239] : memref<250000x128xf32, #tpu.memory_space<hbm>> -> memref<128x128xf32, #tpu.memory_space<hbm>>
      %dma_start3A_241 = arith.constant 0 : i32
      %dma_start3A_242 = tpu.memref_slice %arg4[%multiple_of3A_233, %dma_start3A_241] : memref<250000x128xf32, #tpu.memory_space<hbm>> -> memref<128x128xf32, #tpu.memory_space<hbm>>
      %dma_start3A_243 = arith.constant 0 : i32
      %dma_start3A_244 = arith.constant 0 : i32
      %dma_start3A_245 = tpu.memref_slice %arg6[%dma_start3A_234, %dma_start3A_243, %dma_start3A_244] : memref<2x128x128xf32, #tpu.memory_space<vmem>> -> memref<1x128x128xf32, #tpu.memory_space<vmem>>
      %dma_start3A_246 = tpu.memref_squeeze %dma_start3A_245 : memref<1x128x128xf32, #tpu.memory_space<vmem>> -> memref<128x128xf32, #tpu.memory_space<vmem>>
      tpu.enqueue_dma source(%dma_start3A_246 : memref<128x128xf32, #tpu.memory_space<vmem>>) target(%dma_start3A_242 : memref<128x128xf32, #tpu.memory_space<hbm>>) target_semaphore(%arg12 : memref<!tpu.dma_semaphore, #tpu.memory_space<semaphore_mem>>)
    }
    %scan3A_49 = arith.constant 30 : i32
    %dma_wait3A = arith.constant 0 : i32
    %dma_wait3A_50 = arith.constant 0 : i32
    %dma_wait3A_51 = arith.constant 0 : i32
    %dma_wait3A_52 = tpu.memref_slice %arg5[%dma_wait3A, %dma_wait3A_50, %dma_wait3A_51] : memref<2x32x516xf32, #tpu.memory_space<vmem>> -> memref<1x32x512xf32, #tpu.memory_space<vmem>>
    %dma_wait3A_53 = tpu.memref_squeeze %dma_wait3A_52 : memref<1x32x512xf32, #tpu.memory_space<vmem>> -> memref<32x512xf32, #tpu.memory_space<vmem>>
    %dma_wait3A_54 = arith.constant 0 : i32
    %dma_wait3A_55 = arith.constant 0 : i32
    %dma_wait3A_56 = tpu.memref_slice %arg2[%dma_wait3A_54, %dma_wait3A_55] : memref<32x1000000xf32, #tpu.memory_space<hbm>> -> memref<32x512xf32, #tpu.memory_space<hbm>>
    %dma_wait3A_57 = arith.constant 0 : i32
    %dma_wait3A_58 = arith.constant 0 : i32
    %dma_wait3A_59 = tpu.memref_slice %arg5[%dma_wait3A, %dma_wait3A_57, %dma_wait3A_58] : memref<2x32x516xf32, #tpu.memory_space<vmem>> -> memref<1x32x512xf32, #tpu.memory_space<vmem>>
    %dma_wait3A_60 = tpu.memref_squeeze %dma_wait3A_59 : memref<1x32x512xf32, #tpu.memory_space<vmem>> -> memref<32x512xf32, #tpu.memory_space<vmem>>
    %dma_wait3A_61 = arith.constant 0 : i32
    %dma_wait3A_62 = arith.constant 0 : i32
    %dma_wait3A_63 = tpu.memref_slice %arg2[%dma_wait3A_61, %dma_wait3A_62] : memref<32x1000000xf32, #tpu.memory_space<hbm>> -> memref<32x512xf32, #tpu.memory_space<hbm>>
    tpu.wait_dma2 semaphore(%arg9 : memref<!tpu.dma_semaphore, #tpu.memory_space<semaphore_mem>>) src(%dma_wait3A_63 : memref<32x512xf32, #tpu.memory_space<hbm>>) dst(%dma_wait3A_60 : memref<32x512xf32, #tpu.memory_space<vmem>>)
    %dma_wait3A_64 = arith.constant 0 : i32
    %dma_wait3A_65 = arith.constant 0 : i32
    %dma_wait3A_66 = arith.constant 0 : i32
    %dma_wait3A_67 = tpu.memref_slice %arg6[%dma_wait3A_64, %dma_wait3A_65, %dma_wait3A_66] : memref<2x128x128xf32, #tpu.memory_space<vmem>> -> memref<1x128x128xf32, #tpu.memory_space<vmem>>
    %dma_wait3A_68 = tpu.memref_squeeze %dma_wait3A_67 : memref<1x128x128xf32, #tpu.memory_space<vmem>> -> memref<128x128xf32, #tpu.memory_space<vmem>>
    %dma_wait3A_69 = arith.constant 0 : i32
    %dma_wait3A_70 = arith.constant 0 : i32
    %dma_wait3A_71 = tpu.memref_slice %arg4[%dma_wait3A_69, %dma_wait3A_70] : memref<250000x128xf32, #tpu.memory_space<hbm>> -> memref<128x128xf32, #tpu.memory_space<hbm>>
    %dma_wait3A_72 = arith.constant 0 : i32
    %dma_wait3A_73 = arith.constant 0 : i32
    %dma_wait3A_74 = tpu.memref_slice %arg4[%dma_wait3A_72, %dma_wait3A_73] : memref<250000x128xf32, #tpu.memory_space<hbm>> -> memref<128x128xf32, #tpu.memory_space<hbm>>
    %dma_wait3A_75 = arith.constant 0 : i32
    %dma_wait3A_76 = arith.constant 0 : i32
    %dma_wait3A_77 = tpu.memref_slice %arg6[%dma_wait3A_64, %dma_wait3A_75, %dma_wait3A_76] : memref<2x128x128xf32, #tpu.memory_space<vmem>> -> memref<1x128x128xf32, #tpu.memory_space<vmem>>
    %dma_wait3A_78 = tpu.memref_squeeze %dma_wait3A_77 : memref<1x128x128xf32, #tpu.memory_space<vmem>> -> memref<128x128xf32, #tpu.memory_space<vmem>>
    tpu.wait_dma2 semaphore(%arg11 : memref<!tpu.dma_semaphore, #tpu.memory_space<semaphore_mem>>) src(%dma_wait3A_78 : memref<128x128xf32, #tpu.memory_space<vmem>>) dst(%dma_wait3A_74 : memref<128x128xf32, #tpu.memory_space<hbm>>)
    %parallel_loop3A = arith.constant 0 : i32
    %parallel_loop3A_79 = arith.constant 128 : i32
    %parallel_loop3A_80 = arith.constant 1 : i32
    %parallel_loop3A_81 = arith.constant 0 : i32
    %parallel_loop3A_82 = arith.constant 0 : i32
    scf.for %parallel_loop3A_134 = %parallel_loop3A to %parallel_loop3A_79 step %parallel_loop3A_80  : i32 {
      %parallel_loop3A_135 = arith.constant 4 : i32
      %parallel_loop3A_136 = arith.muli %parallel_loop3A_135, %parallel_loop3A_134 : i32
      %parallel_loop3A_137 = vector.broadcast %parallel_loop3A_136 : i32 to vector<16xi32>
      %parallel_loop3A_138 = arith.constant 0 : i32
      %parallel_loop3A_139 = vector.broadcast %parallel_loop3A_138 : i32 to vector<16xi32>
      %parallel_loop3A_140 = arith.addi %parallel_loop3A_137, %parallel_loop3A_139 : vector<16xi32>
      %parallel_loop3A_141 = arith.constant 0 : i32
      %parallel_loop3A_142 = arith.constant 0 : i32
      %parallel_loop3A_143 = tpu.memref_slice %arg5[%parallel_loop3A_81, %parallel_loop3A_141, %parallel_loop3A_142] : memref<2x32x516xf32, #tpu.memory_space<vmem>> -> memref<1x32x516xf32, #tpu.memory_space<vmem>>
      %parallel_loop3A_144 = tpu.memref_squeeze %parallel_loop3A_143 : memref<1x32x516xf32, #tpu.memory_space<vmem>> -> memref<32x516xf32, #tpu.memory_space<vmem>>
      %parallel_loop3A_145 = tpu.vector_load_idx %parallel_loop3A_144[%iota3A, %parallel_loop3A_140] : memref<32x516xf32, #tpu.memory_space<vmem>>[vector<16xi32>, vector<16xi32>], vector<16xf32>,
      %parallel_loop3A_146 = arith.constant 0 : i32
      %parallel_loop3A_147 = arith.constant 0 : i32
      %parallel_loop3A_148 = tpu.memref_slice %arg6[%parallel_loop3A_82, %parallel_loop3A_146, %parallel_loop3A_147] : memref<2x128x128xf32, #tpu.memory_space<vmem>> -> memref<1x128x128xf32, #tpu.memory_space<vmem>>
      %parallel_loop3A_149 = tpu.memref_squeeze %parallel_loop3A_148 : memref<1x128x128xf32, #tpu.memory_space<vmem>> -> memref<128x128xf32, #tpu.memory_space<vmem>>
      %parallel_loop3A_150 = arith.index_cast %parallel_loop3A_134 : i32 to index
      %parallel_loop3A_151 = arith.constant 0 : index
      %parallel_loop3A_152 = tpu.vector_load %parallel_loop3A_149[%parallel_loop3A_150, %parallel_loop3A_151] {strides = array<i32>} : memref<128x128xf32, #tpu.memory_space<vmem>>, vector<16xf32>,
      tpu.vector_store %parallel_loop3A_149[%parallel_loop3A_150, %parallel_loop3A_151], %parallel_loop3A_145 {strides = array<i32>} : memref<128x128xf32, #tpu.memory_space<vmem>>, vector<16xf32>,
      %parallel_loop3A_153 = arith.constant 0 : i32
      %parallel_loop3A_154 = vector.broadcast %parallel_loop3A_153 : i32 to vector<16xi32>
      %parallel_loop3A_155 = arith.addi %parallel_loop3A_137, %parallel_loop3A_154 : vector<16xi32>
      %parallel_loop3A_156 = arith.constant 0 : i32
      %parallel_loop3A_157 = arith.constant 0 : i32
      %parallel_loop3A_158 = tpu.memref_slice %arg5[%parallel_loop3A_81, %parallel_loop3A_156, %parallel_loop3A_157] : memref<2x32x516xf32, #tpu.memory_space<vmem>> -> memref<1x32x516xf32, #tpu.memory_space<vmem>>
      %parallel_loop3A_159 = tpu.memref_squeeze %parallel_loop3A_158 : memref<1x32x516xf32, #tpu.memory_space<vmem>> -> memref<32x516xf32, #tpu.memory_space<vmem>>
      %parallel_loop3A_160 = tpu.vector_load_idx %parallel_loop3A_159[%add3A_11, %parallel_loop3A_155] : memref<32x516xf32, #tpu.memory_space<vmem>>[vector<16xi32>, vector<16xi32>], vector<16xf32>,
      %parallel_loop3A_161 = arith.constant 0 : i32
      %parallel_loop3A_162 = arith.constant 0 : i32
      %parallel_loop3A_163 = tpu.memref_slice %arg6[%parallel_loop3A_82, %parallel_loop3A_161, %parallel_loop3A_162] : memref<2x128x128xf32, #tpu.memory_space<vmem>> -> memref<1x128x128xf32, #tpu.memory_space<vmem>>
      %parallel_loop3A_164 = tpu.memref_squeeze %parallel_loop3A_163 : memref<1x128x128xf32, #tpu.memory_space<vmem>> -> memref<128x128xf32, #tpu.memory_space<vmem>>
      %parallel_loop3A_165 = arith.index_cast %parallel_loop3A_134 : i32 to index
      %parallel_loop3A_166 = arith.constant 16 : index
      %parallel_loop3A_167 = tpu.vector_load %parallel_loop3A_164[%parallel_loop3A_165, %parallel_loop3A_166] {strides = array<i32>} : memref<128x128xf32, #tpu.memory_space<vmem>>, vector<16xf32>,
      tpu.vector_store %parallel_loop3A_164[%parallel_loop3A_165, %parallel_loop3A_166], %parallel_loop3A_160 {strides = array<i32>} : memref<128x128xf32, #tpu.memory_space<vmem>>, vector<16xf32>,
      %parallel_loop3A_168 = arith.constant 1 : i32
      %parallel_loop3A_169 = vector.broadcast %parallel_loop3A_168 : i32 to vector<16xi32>
      %parallel_loop3A_170 = arith.addi %parallel_loop3A_137, %parallel_loop3A_169 : vector<16xi32>
      %parallel_loop3A_171 = arith.constant 0 : i32
      %parallel_loop3A_172 = arith.constant 0 : i32
      %parallel_loop3A_173 = tpu.memref_slice %arg5[%parallel_loop3A_81, %parallel_loop3A_171, %parallel_loop3A_172] : memref<2x32x516xf32, #tpu.memory_space<vmem>> -> memref<1x32x516xf32, #tpu.memory_space<vmem>>
      %parallel_loop3A_174 = tpu.memref_squeeze %parallel_loop3A_173 : memref<1x32x516xf32, #tpu.memory_space<vmem>> -> memref<32x516xf32, #tpu.memory_space<vmem>>
      %parallel_loop3A_175 = tpu.vector_load_idx %parallel_loop3A_174[%iota3A, %parallel_loop3A_170] : memref<32x516xf32, #tpu.memory_space<vmem>>[vector<16xi32>, vector<16xi32>], vector<16xf32>,
      %parallel_loop3A_176 = arith.constant 0 : i32
      %parallel_loop3A_177 = arith.constant 0 : i32
      %parallel_loop3A_178 = tpu.memref_slice %arg6[%parallel_loop3A_82, %parallel_loop3A_176, %parallel_loop3A_177] : memref<2x128x128xf32, #tpu.memory_space<vmem>> -> memref<1x128x128xf32, #tpu.memory_space<vmem>>
      %parallel_loop3A_179 = tpu.memref_squeeze %parallel_loop3A_178 : memref<1x128x128xf32, #tpu.memory_space<vmem>> -> memref<128x128xf32, #tpu.memory_space<vmem>>
      %parallel_loop3A_180 = arith.index_cast %parallel_loop3A_134 : i32 to index
      %parallel_loop3A_181 = arith.constant 32 : index
      %parallel_loop3A_182 = tpu.vector_load %parallel_loop3A_179[%parallel_loop3A_180, %parallel_loop3A_181] {strides = array<i32>} : memref<128x128xf32, #tpu.memory_space<vmem>>, vector<16xf32>,
      tpu.vector_store %parallel_loop3A_179[%parallel_loop3A_180, %parallel_loop3A_181], %parallel_loop3A_175 {strides = array<i32>} : memref<128x128xf32, #tpu.memory_space<vmem>>, vector<16xf32>,
      %parallel_loop3A_183 = arith.constant 1 : i32
      %parallel_loop3A_184 = vector.broadcast %parallel_loop3A_183 : i32 to vector<16xi32>
      %parallel_loop3A_185 = arith.addi %parallel_loop3A_137, %parallel_loop3A_184 : vector<16xi32>
      %parallel_loop3A_186 = arith.constant 0 : i32
      %parallel_loop3A_187 = arith.constant 0 : i32
      %parallel_loop3A_188 = tpu.memref_slice %arg5[%parallel_loop3A_81, %parallel_loop3A_186, %parallel_loop3A_187] : memref<2x32x516xf32, #tpu.memory_space<vmem>> -> memref<1x32x516xf32, #tpu.memory_space<vmem>>
      %parallel_loop3A_189 = tpu.memref_squeeze %parallel_loop3A_188 : memref<1x32x516xf32, #tpu.memory_space<vmem>> -> memref<32x516xf32, #tpu.memory_space<vmem>>
      %parallel_loop3A_190 = tpu.vector_load_idx %parallel_loop3A_189[%add3A_11, %parallel_loop3A_185] : memref<32x516xf32, #tpu.memory_space<vmem>>[vector<16xi32>, vector<16xi32>], vector<16xf32>,
      %parallel_loop3A_191 = arith.constant 0 : i32
      %parallel_loop3A_192 = arith.constant 0 : i32
      %parallel_loop3A_193 = tpu.memref_slice %arg6[%parallel_loop3A_82, %parallel_loop3A_191, %parallel_loop3A_192] : memref<2x128x128xf32, #tpu.memory_space<vmem>> -> memref<1x128x128xf32, #tpu.memory_space<vmem>>
      %parallel_loop3A_194 = tpu.memref_squeeze %parallel_loop3A_193 : memref<1x128x128xf32, #tpu.memory_space<vmem>> -> memref<128x128xf32, #tpu.memory_space<vmem>>
      %parallel_loop3A_195 = arith.index_cast %parallel_loop3A_134 : i32 to index
      %parallel_loop3A_196 = arith.constant 48 : index
      %parallel_loop3A_197 = tpu.vector_load %parallel_loop3A_194[%parallel_loop3A_195, %parallel_loop3A_196] {strides = array<i32>} : memref<128x128xf32, #tpu.memory_space<vmem>>, vector<16xf32>,
      tpu.vector_store %parallel_loop3A_194[%parallel_loop3A_195, %parallel_loop3A_196], %parallel_loop3A_190 {strides = array<i32>} : memref<128x128xf32, #tpu.memory_space<vmem>>, vector<16xf32>,
      %parallel_loop3A_198 = arith.constant 2 : i32
      %parallel_loop3A_199 = vector.broadcast %parallel_loop3A_198 : i32 to vector<16xi32>
      %parallel_loop3A_200 = arith.addi %parallel_loop3A_137, %parallel_loop3A_199 : vector<16xi32>
      %parallel_loop3A_201 = arith.constant 0 : i32
      %parallel_loop3A_202 = arith.constant 0 : i32
      %parallel_loop3A_203 = tpu.memref_slice %arg5[%parallel_loop3A_81, %parallel_loop3A_201, %parallel_loop3A_202] : memref<2x32x516xf32, #tpu.memory_space<vmem>> -> memref<1x32x516xf32, #tpu.memory_space<vmem>>
      %parallel_loop3A_204 = tpu.memref_squeeze %parallel_loop3A_203 : memref<1x32x516xf32, #tpu.memory_space<vmem>> -> memref<32x516xf32, #tpu.memory_space<vmem>>
      %parallel_loop3A_205 = tpu.vector_load_idx %parallel_loop3A_204[%iota3A, %parallel_loop3A_200] : memref<32x516xf32, #tpu.memory_space<vmem>>[vector<16xi32>, vector<16xi32>], vector<16xf32>,
      %parallel_loop3A_206 = arith.constant 0 : i32
      %parallel_loop3A_207 = arith.constant 0 : i32
      %parallel_loop3A_208 = tpu.memref_slice %arg6[%parallel_loop3A_82, %parallel_loop3A_206, %parallel_loop3A_207] : memref<2x128x128xf32, #tpu.memory_space<vmem>> -> memref<1x128x128xf32, #tpu.memory_space<vmem>>
      %parallel_loop3A_209 = tpu.memref_squeeze %parallel_loop3A_208 : memref<1x128x128xf32, #tpu.memory_space<vmem>> -> memref<128x128xf32, #tpu.memory_space<vmem>>
      %parallel_loop3A_210 = arith.index_cast %parallel_loop3A_134 : i32 to index
      %parallel_loop3A_211 = arith.constant 64 : index
      %parallel_loop3A_212 = tpu.vector_load %parallel_loop3A_209[%parallel_loop3A_210, %parallel_loop3A_211] {strides = array<i32>} : memref<128x128xf32, #tpu.memory_space<vmem>>, vector<16xf32>,
      tpu.vector_store %parallel_loop3A_209[%parallel_loop3A_210, %parallel_loop3A_211], %parallel_loop3A_205 {strides = array<i32>} : memref<128x128xf32, #tpu.memory_space<vmem>>, vector<16xf32>,
      %parallel_loop3A_213 = arith.constant 2 : i32
      %parallel_loop3A_214 = vector.broadcast %parallel_loop3A_213 : i32 to vector<16xi32>
      %parallel_loop3A_215 = arith.addi %parallel_loop3A_137, %parallel_loop3A_214 : vector<16xi32>
      %parallel_loop3A_216 = arith.constant 0 : i32
      %parallel_loop3A_217 = arith.constant 0 : i32
      %parallel_loop3A_218 = tpu.memref_slice %arg5[%parallel_loop3A_81, %parallel_loop3A_216, %parallel_loop3A_217] : memref<2x32x516xf32, #tpu.memory_space<vmem>> -> memref<1x32x516xf32, #tpu.memory_space<vmem>>
      %parallel_loop3A_219 = tpu.memref_squeeze %parallel_loop3A_218 : memref<1x32x516xf32, #tpu.memory_space<vmem>> -> memref<32x516xf32, #tpu.memory_space<vmem>>
      %parallel_loop3A_220 = tpu.vector_load_idx %parallel_loop3A_219[%add3A_11, %parallel_loop3A_215] : memref<32x516xf32, #tpu.memory_space<vmem>>[vector<16xi32>, vector<16xi32>], vector<16xf32>,
      %parallel_loop3A_221 = arith.constant 0 : i32
      %parallel_loop3A_222 = arith.constant 0 : i32
      %parallel_loop3A_223 = tpu.memref_slice %arg6[%parallel_loop3A_82, %parallel_loop3A_221, %parallel_loop3A_222] : memref<2x128x128xf32, #tpu.memory_space<vmem>> -> memref<1x128x128xf32, #tpu.memory_space<vmem>>
      %parallel_loop3A_224 = tpu.memref_squeeze %parallel_loop3A_223 : memref<1x128x128xf32, #tpu.memory_space<vmem>> -> memref<128x128xf32, #tpu.memory_space<vmem>>
      %parallel_loop3A_225 = arith.index_cast %parallel_loop3A_134 : i32 to index
      %parallel_loop3A_226 = arith.constant 80 : index
      %parallel_loop3A_227 = tpu.vector_load %parallel_loop3A_224[%parallel_loop3A_225, %parallel_loop3A_226] {strides = array<i32>} : memref<128x128xf32, #tpu.memory_space<vmem>>, vector<16xf32>,
      tpu.vector_store %parallel_loop3A_224[%parallel_loop3A_225, %parallel_loop3A_226], %parallel_loop3A_220 {strides = array<i32>} : memref<128x128xf32, #tpu.memory_space<vmem>>, vector<16xf32>,
      %parallel_loop3A_228 = arith.constant 3 : i32
      %parallel_loop3A_229 = vector.broadcast %parallel_loop3A_228 : i32 to vector<16xi32>
      %parallel_loop3A_230 = arith.addi %parallel_loop3A_137, %parallel_loop3A_229 : vector<16xi32>
      %parallel_loop3A_231 = arith.constant 0 : i32
      %parallel_loop3A_232 = arith.constant 0 : i32
      %parallel_loop3A_233 = tpu.memref_slice %arg5[%parallel_loop3A_81, %parallel_loop3A_231, %parallel_loop3A_232] : memref<2x32x516xf32, #tpu.memory_space<vmem>> -> memref<1x32x516xf32, #tpu.memory_space<vmem>>
      %parallel_loop3A_234 = tpu.memref_squeeze %parallel_loop3A_233 : memref<1x32x516xf32, #tpu.memory_space<vmem>> -> memref<32x516xf32, #tpu.memory_space<vmem>>
      %parallel_loop3A_235 = tpu.vector_load_idx %parallel_loop3A_234[%iota3A, %parallel_loop3A_230] : memref<32x516xf32, #tpu.memory_space<vmem>>[vector<16xi32>, vector<16xi32>], vector<16xf32>,
      %parallel_loop3A_236 = arith.constant 0 : i32
      %parallel_loop3A_237 = arith.constant 0 : i32
      %parallel_loop3A_238 = tpu.memref_slice %arg6[%parallel_loop3A_82, %parallel_loop3A_236, %parallel_loop3A_237] : memref<2x128x128xf32, #tpu.memory_space<vmem>> -> memref<1x128x128xf32, #tpu.memory_space<vmem>>
      %parallel_loop3A_239 = tpu.memref_squeeze %parallel_loop3A_238 : memref<1x128x128xf32, #tpu.memory_space<vmem>> -> memref<128x128xf32, #tpu.memory_space<vmem>>
      %parallel_loop3A_240 = arith.index_cast %parallel_loop3A_134 : i32 to index
      %parallel_loop3A_241 = arith.constant 96 : index
      %parallel_loop3A_242 = tpu.vector_load %parallel_loop3A_239[%parallel_loop3A_240, %parallel_loop3A_241] {strides = array<i32>} : memref<128x128xf32, #tpu.memory_space<vmem>>, vector<16xf32>,
      tpu.vector_store %parallel_loop3A_239[%parallel_loop3A_240, %parallel_loop3A_241], %parallel_loop3A_235 {strides = array<i32>} : memref<128x128xf32, #tpu.memory_space<vmem>>, vector<16xf32>,
      %parallel_loop3A_243 = arith.constant 3 : i32
      %parallel_loop3A_244 = vector.broadcast %parallel_loop3A_243 : i32 to vector<16xi32>
      %parallel_loop3A_245 = arith.addi %parallel_loop3A_137, %parallel_loop3A_244 : vector<16xi32>
      %parallel_loop3A_246 = arith.constant 0 : i32
      %parallel_loop3A_247 = arith.constant 0 : i32
      %parallel_loop3A_248 = tpu.memref_slice %arg5[%parallel_loop3A_81, %parallel_loop3A_246, %parallel_loop3A_247] : memref<2x32x516xf32, #tpu.memory_space<vmem>> -> memref<1x32x516xf32, #tpu.memory_space<vmem>>
      %parallel_loop3A_249 = tpu.memref_squeeze %parallel_loop3A_248 : memref<1x32x516xf32, #tpu.memory_space<vmem>> -> memref<32x516xf32, #tpu.memory_space<vmem>>
      %parallel_loop3A_250 = tpu.vector_load_idx %parallel_loop3A_249[%add3A_11, %parallel_loop3A_245] : memref<32x516xf32, #tpu.memory_space<vmem>>[vector<16xi32>, vector<16xi32>], vector<16xf32>,
      %parallel_loop3A_251 = arith.constant 0 : i32
      %parallel_loop3A_252 = arith.constant 0 : i32
      %parallel_loop3A_253 = tpu.memref_slice %arg6[%parallel_loop3A_82, %parallel_loop3A_251, %parallel_loop3A_252] : memref<2x128x128xf32, #tpu.memory_space<vmem>> -> memref<1x128x128xf32, #tpu.memory_space<vmem>>
      %parallel_loop3A_254 = tpu.memref_squeeze %parallel_loop3A_253 : memref<1x128x128xf32, #tpu.memory_space<vmem>> -> memref<128x128xf32, #tpu.memory_space<vmem>>
      %parallel_loop3A_255 = arith.index_cast %parallel_loop3A_134 : i32 to index
      %parallel_loop3A_256 = arith.constant 112 : index
      %parallel_loop3A_257 = tpu.vector_load %parallel_loop3A_254[%parallel_loop3A_255, %parallel_loop3A_256] {strides = array<i32>} : memref<128x128xf32, #tpu.memory_space<vmem>>, vector<16xf32>,
      tpu.vector_store %parallel_loop3A_254[%parallel_loop3A_255, %parallel_loop3A_256], %parallel_loop3A_250 {strides = array<i32>} : memref<128x128xf32, #tpu.memory_space<vmem>>, vector<16xf32>,
    } {sc.loop_unroll_factor = 4 : i64, sc.parallel_access}
    %add3A_83 = arith.constant 61 : i32
    %add3A_84 = arith.addi %mul3A_2, %add3A_83 : i32
    %sub3A = arith.constant 1 : i32
    %sub3A_85 = arith.subi %add3A_84, %sub3A : i32
    %mul3A_86 = arith.constant 128 : i32
    %mul3A_87 = arith.muli %sub3A_85, %mul3A_86 : i32
    %multiple_of3A_88 = tpu.assume_multiple %mul3A_87, 128 : i32
    %dma_start3A_89 = arith.constant 0 : i32
    %dma_start3A_90 = arith.constant 0 : i32
    %dma_start3A_91 = arith.constant 0 : i32
    %dma_start3A_92 = tpu.memref_slice %arg6[%dma_start3A_89, %dma_start3A_90, %dma_start3A_91] : memref<2x128x128xf32, #tpu.memory_space<vmem>> -> memref<1x128x128xf32, #tpu.memory_space<vmem>>
    %dma_start3A_93 = tpu.memref_squeeze %dma_start3A_92 : memref<1x128x128xf32, #tpu.memory_space<vmem>> -> memref<128x128xf32, #tpu.memory_space<vmem>>
    %dma_start3A_94 = arith.constant 0 : i32
    %dma_start3A_95 = tpu.memref_slice %arg4[%multiple_of3A_88, %dma_start3A_94] : memref<250000x128xf32, #tpu.memory_space<hbm>> -> memref<128x128xf32, #tpu.memory_space<hbm>>
    %dma_start3A_96 = arith.constant 0 : i32
    %dma_start3A_97 = tpu.memref_slice %arg4[%multiple_of3A_88, %dma_start3A_96] : memref<250000x128xf32, #tpu.memory_space<hbm>> -> memref<128x128xf32, #tpu.memory_space<hbm>>
    %dma_start3A_98 = arith.constant 0 : i32
    %dma_start3A_99 = arith.constant 0 : i32
    %dma_start3A_100 = tpu.memref_slice %arg6[%dma_start3A_89, %dma_start3A_98, %dma_start3A_99] : memref<2x128x128xf32, #tpu.memory_space<vmem>> -> memref<1x128x128xf32, #tpu.memory_space<vmem>>
    %dma_start3A_101 = tpu.memref_squeeze %dma_start3A_100 : memref<1x128x128xf32, #tpu.memory_space<vmem>> -> memref<128x128xf32, #tpu.memory_space<vmem>>
    tpu.enqueue_dma source(%dma_start3A_101 : memref<128x128xf32, #tpu.memory_space<vmem>>) target(%dma_start3A_97 : memref<128x128xf32, #tpu.memory_space<hbm>>) target_semaphore(%arg11 : memref<!tpu.dma_semaphore, #tpu.memory_space<semaphore_mem>>)
    %dma_wait3A_102 = arith.constant 0 : i32
    %dma_wait3A_103 = arith.constant 0 : i32
    %dma_wait3A_104 = arith.constant 0 : i32
    %dma_wait3A_105 = tpu.memref_slice %arg6[%dma_wait3A_102, %dma_wait3A_103, %dma_wait3A_104] : memref<2x128x128xf32, #tpu.memory_space<vmem>> -> memref<1x128x128xf32, #tpu.memory_space<vmem>>
    %dma_wait3A_106 = tpu.memref_squeeze %dma_wait3A_105 : memref<1x128x128xf32, #tpu.memory_space<vmem>> -> memref<128x128xf32, #tpu.memory_space<vmem>>
    %dma_wait3A_107 = arith.constant 0 : i32
    %dma_wait3A_108 = arith.constant 0 : i32
    %dma_wait3A_109 = tpu.memref_slice %arg4[%dma_wait3A_107, %dma_wait3A_108] : memref<250000x128xf32, #tpu.memory_space<hbm>> -> memref<128x128xf32, #tpu.memory_space<hbm>>
    %dma_wait3A_110 = arith.constant 0 : i32
    %dma_wait3A_111 = arith.constant 0 : i32
    %dma_wait3A_112 = tpu.memref_slice %arg4[%dma_wait3A_110, %dma_wait3A_111] : memref<250000x128xf32, #tpu.memory_space<hbm>> -> memref<128x128xf32, #tpu.memory_space<hbm>>
    %dma_wait3A_113 = arith.constant 0 : i32
    %dma_wait3A_114 = arith.constant 0 : i32
    %dma_wait3A_115 = tpu.memref_slice %arg6[%dma_wait3A_102, %dma_wait3A_113, %dma_wait3A_114] : memref<2x128x128xf32, #tpu.memory_space<vmem>> -> memref<1x128x128xf32, #tpu.memory_space<vmem>>
    %dma_wait3A_116 = tpu.memref_squeeze %dma_wait3A_115 : memref<1x128x128xf32, #tpu.memory_space<vmem>> -> memref<128x128xf32, #tpu.memory_space<vmem>>
    tpu.wait_dma2 semaphore(%arg11 : memref<!tpu.dma_semaphore, #tpu.memory_space<semaphore_mem>>) src(%dma_wait3A_116 : memref<128x128xf32, #tpu.memory_space<vmem>>) dst(%dma_wait3A_112 : memref<128x128xf32, #tpu.memory_space<hbm>>)
    %dma_wait3A_117 = arith.constant 1 : i32
    %dma_wait3A_118 = arith.constant 0 : i32
    %dma_wait3A_119 = arith.constant 0 : i32
    %dma_wait3A_120 = tpu.memref_slice %arg6[%dma_wait3A_117, %dma_wait3A_118, %dma_wait3A_119] : memref<2x128x128xf32, #tpu.memory_space<vmem>> -> memref<1x128x128xf32, #tpu.memory_space<vmem>>
    %dma_wait3A_121 = tpu.memref_squeeze %dma_wait3A_120 : memref<1x128x128xf32, #tpu.memory_space<vmem>> -> memref<128x128xf32, #tpu.memory_space<vmem>>
    %dma_wait3A_122 = arith.constant 0 : i32
    %dma_wait3A_123 = arith.constant 0 : i32
    %dma_wait3A_124 = tpu.memref_slice %arg4[%dma_wait3A_122, %dma_wait3A_123] : memref<250000x128xf32, #tpu.memory_space<hbm>> -> memref<128x128xf32, #tpu.memory_space<hbm>>
    %dma_wait3A_125 = arith.constant 0 : i32
    %dma_wait3A_126 = arith.constant 0 : i32
    %dma_wait3A_127 = tpu.memref_slice %arg4[%dma_wait3A_125, %dma_wait3A_126] : memref<250000x128xf32, #tpu.memory_space<hbm>> -> memref<128x128xf32, #tpu.memory_space<hbm>>
    %dma_wait3A_128 = arith.constant 0 : i32
    %dma_wait3A_129 = arith.constant 0 : i32
    %dma_wait3A_130 = tpu.memref_slice %arg6[%dma_wait3A_117, %dma_wait3A_128, %dma_wait3A_129] : memref<2x128x128xf32, #tpu.memory_space<vmem>> -> memref<1x128x128xf32, #tpu.memory_space<vmem>>
    %dma_wait3A_131 = tpu.memref_squeeze %dma_wait3A_130 : memref<1x128x128xf32, #tpu.memory_space<vmem>> -> memref<128x128xf32, #tpu.memory_space<vmem>>
    tpu.wait_dma2 semaphore(%arg12 : memref<!tpu.dma_semaphore, #tpu.memory_space<semaphore_mem>>) src(%dma_wait3A_131 : memref<128x128xf32, #tpu.memory_space<vmem>>) dst(%dma_wait3A_127 : memref<128x128xf32, #tpu.memory_space<hbm>>)
    %eq3A = arith.constant 31 : i32
    %eq3A_132 = arith.cmpi eq, %add3A, %eq3A : i32
    %convert_element_type3A = arith.extui %eq3A_132 : i1 to i32
    %cond3A = arith.constant 0 : i32
    %cond3A_133 = arith.cmpi ne, %convert_element_type3A, %cond3A : i32
    scf.if %cond3A_133 {
      %multiple_of3A_134 = arith.constant 999424 : i32
      %multiple_of3A_135 = tpu.assume_multiple %multiple_of3A_134, 512 : i32
      %run_scoped3A = arith.constant 0 : i32
      "tpu.region"() ({
        %run_scoped3A_151 = tpu.sem_alloc : memref<!tpu.dma_semaphore, #tpu.memory_space<semaphore_mem>>
        %dma_start3A_152 = arith.constant 0 : i32
        %dma_start3A_153 = arith.constant 0 : i32
        %dma_start3A_154 = tpu.memref_slice %arg5[%run_scoped3A, %dma_start3A_152, %dma_start3A_153] : memref<2x32x516xf32, #tpu.memory_space<vmem>> -> memref<1x32x512xf32, #tpu.memory_space<vmem>>
        %dma_start3A_155 = tpu.memref_squeeze %dma_start3A_154 : memref<1x32x512xf32, #tpu.memory_space<vmem>> -> memref<32x512xf32, #tpu.memory_space<vmem>>
        %dma_start3A_156 = arith.constant 0 : i32
        %dma_start3A_157 = tpu.memref_slice %arg2[%dma_start3A_156, %multiple_of3A_135] : memref<32x1000000xf32, #tpu.memory_space<hbm>> -> memref<32x512xf32, #tpu.memory_space<hbm>>
        %dma_start3A_158 = arith.constant 0 : i32
        %dma_start3A_159 = arith.constant 0 : i32
        %dma_start3A_160 = tpu.memref_slice %arg5[%run_scoped3A, %dma_start3A_158, %dma_start3A_159] : memref<2x32x516xf32, #tpu.memory_space<vmem>> -> memref<1x32x512xf32, #tpu.memory_space<vmem>>
        %dma_start3A_161 = tpu.memref_squeeze %dma_start3A_160 : memref<1x32x512xf32, #tpu.memory_space<vmem>> -> memref<32x512xf32, #tpu.memory_space<vmem>>
        %dma_start3A_162 = arith.constant 0 : i32
        %dma_start3A_163 = tpu.memref_slice %arg2[%dma_start3A_162, %multiple_of3A_135] : memref<32x1000000xf32, #tpu.memory_space<hbm>> -> memref<32x512xf32, #tpu.memory_space<hbm>>
        tpu.enqueue_dma source(%dma_start3A_163 : memref<32x512xf32, #tpu.memory_space<hbm>>) target(%dma_start3A_161 : memref<32x512xf32, #tpu.memory_space<vmem>>) target_semaphore(%run_scoped3A_151 : memref<!tpu.dma_semaphore, #tpu.memory_space<semaphore_mem>>)
        %dma_wait3A_164 = arith.constant 0 : i32
        %dma_wait3A_165 = arith.constant 0 : i32
        %dma_wait3A_166 = tpu.memref_slice %arg5[%run_scoped3A, %dma_wait3A_164, %dma_wait3A_165] : memref<2x32x516xf32, #tpu.memory_space<vmem>> -> memref<1x32x512xf32, #tpu.memory_space<vmem>>
        %dma_wait3A_167 = tpu.memref_squeeze %dma_wait3A_166 : memref<1x32x512xf32, #tpu.memory_space<vmem>> -> memref<32x512xf32, #tpu.memory_space<vmem>>
        %dma_wait3A_168 = arith.constant 0 : i32
        %dma_wait3A_169 = tpu.memref_slice %arg2[%dma_wait3A_168, %multiple_of3A_135] : memref<32x1000000xf32, #tpu.memory_space<hbm>> -> memref<32x512xf32, #tpu.memory_space<hbm>>
        %dma_wait3A_170 = arith.constant 0 : i32
        %dma_wait3A_171 = arith.constant 0 : i32
        %dma_wait3A_172 = tpu.memref_slice %arg5[%run_scoped3A, %dma_wait3A_170, %dma_wait3A_171] : memref<2x32x516xf32, #tpu.memory_space<vmem>> -> memref<1x32x512xf32, #tpu.memory_space<vmem>>
        %dma_wait3A_173 = tpu.memref_squeeze %dma_wait3A_172 : memref<1x32x512xf32, #tpu.memory_space<vmem>> -> memref<32x512xf32, #tpu.memory_space<vmem>>
        %dma_wait3A_174 = arith.constant 0 : i32
        %dma_wait3A_175 = tpu.memref_slice %arg2[%dma_wait3A_174, %multiple_of3A_135] : memref<32x1000000xf32, #tpu.memory_space<hbm>> -> memref<32x512xf32, #tpu.memory_space<hbm>>
        tpu.wait_dma2 semaphore(%run_scoped3A_151 : memref<!tpu.dma_semaphore, #tpu.memory_space<semaphore_mem>>) src(%dma_wait3A_175 : memref<32x512xf32, #tpu.memory_space<hbm>>) dst(%dma_wait3A_173 : memref<32x512xf32, #tpu.memory_space<vmem>>)
        tpu.yield
      }) : () -> ()
      %parallel_loop3A_136 = arith.constant 0 : i32
      %parallel_loop3A_137 = arith.constant 128 : i32
      %parallel_loop3A_138 = arith.constant 1 : i32
      %parallel_loop3A_139 = arith.constant 0 : i32
      %parallel_loop3A_140 = arith.constant 0 : i32
      scf.for %parallel_loop3A_151 = %parallel_loop3A_136 to %parallel_loop3A_137 step %parallel_loop3A_138  : i32 {
        %parallel_loop3A_152 = arith.constant 4 : i32
        %parallel_loop3A_153 = arith.muli %parallel_loop3A_152, %parallel_loop3A_151 : i32
        %parallel_loop3A_154 = vector.broadcast %parallel_loop3A_153 : i32 to vector<16xi32>
        %parallel_loop3A_155 = arith.constant 0 : i32
        %parallel_loop3A_156 = vector.broadcast %parallel_loop3A_155 : i32 to vector<16xi32>
        %parallel_loop3A_157 = arith.addi %parallel_loop3A_154, %parallel_loop3A_156 : vector<16xi32>
        %parallel_loop3A_158 = arith.constant 0 : i32
        %parallel_loop3A_159 = arith.constant 0 : i32
        %parallel_loop3A_160 = tpu.memref_slice %arg5[%parallel_loop3A_139, %parallel_loop3A_158, %parallel_loop3A_159] : memref<2x32x516xf32, #tpu.memory_space<vmem>> -> memref<1x32x516xf32, #tpu.memory_space<vmem>>
        %parallel_loop3A_161 = tpu.memref_squeeze %parallel_loop3A_160 : memref<1x32x516xf32, #tpu.memory_space<vmem>> -> memref<32x516xf32, #tpu.memory_space<vmem>>
        %parallel_loop3A_162 = tpu.vector_load_idx %parallel_loop3A_161[%iota3A, %parallel_loop3A_157] : memref<32x516xf32, #tpu.memory_space<vmem>>[vector<16xi32>, vector<16xi32>], vector<16xf32>,
        %parallel_loop3A_163 = arith.constant 0 : i32
        %parallel_loop3A_164 = arith.constant 0 : i32
        %parallel_loop3A_165 = tpu.memref_slice %arg6[%parallel_loop3A_140, %parallel_loop3A_163, %parallel_loop3A_164] : memref<2x128x128xf32, #tpu.memory_space<vmem>> -> memref<1x128x128xf32, #tpu.memory_space<vmem>>
        %parallel_loop3A_166 = tpu.memref_squeeze %parallel_loop3A_165 : memref<1x128x128xf32, #tpu.memory_space<vmem>> -> memref<128x128xf32, #tpu.memory_space<vmem>>
        %parallel_loop3A_167 = arith.index_cast %parallel_loop3A_151 : i32 to index
        %parallel_loop3A_168 = arith.constant 0 : index
        %parallel_loop3A_169 = tpu.vector_load %parallel_loop3A_166[%parallel_loop3A_167, %parallel_loop3A_168] {strides = array<i32>} : memref<128x128xf32, #tpu.memory_space<vmem>>, vector<16xf32>,
        tpu.vector_store %parallel_loop3A_166[%parallel_loop3A_167, %parallel_loop3A_168], %parallel_loop3A_162 {strides = array<i32>} : memref<128x128xf32, #tpu.memory_space<vmem>>, vector<16xf32>,
        %parallel_loop3A_170 = arith.constant 0 : i32
        %parallel_loop3A_171 = vector.broadcast %parallel_loop3A_170 : i32 to vector<16xi32>
        %parallel_loop3A_172 = arith.addi %parallel_loop3A_154, %parallel_loop3A_171 : vector<16xi32>
        %parallel_loop3A_173 = arith.constant 0 : i32
        %parallel_loop3A_174 = arith.constant 0 : i32
        %parallel_loop3A_175 = tpu.memref_slice %arg5[%parallel_loop3A_139, %parallel_loop3A_173, %parallel_loop3A_174] : memref<2x32x516xf32, #tpu.memory_space<vmem>> -> memref<1x32x516xf32, #tpu.memory_space<vmem>>
        %parallel_loop3A_176 = tpu.memref_squeeze %parallel_loop3A_175 : memref<1x32x516xf32, #tpu.memory_space<vmem>> -> memref<32x516xf32, #tpu.memory_space<vmem>>
        %parallel_loop3A_177 = tpu.vector_load_idx %parallel_loop3A_176[%add3A_11, %parallel_loop3A_172] : memref<32x516xf32, #tpu.memory_space<vmem>>[vector<16xi32>, vector<16xi32>], vector<16xf32>,
        %parallel_loop3A_178 = arith.constant 0 : i32
        %parallel_loop3A_179 = arith.constant 0 : i32
        %parallel_loop3A_180 = tpu.memref_slice %arg6[%parallel_loop3A_140, %parallel_loop3A_178, %parallel_loop3A_179] : memref<2x128x128xf32, #tpu.memory_space<vmem>> -> memref<1x128x128xf32, #tpu.memory_space<vmem>>
        %parallel_loop3A_181 = tpu.memref_squeeze %parallel_loop3A_180 : memref<1x128x128xf32, #tpu.memory_space<vmem>> -> memref<128x128xf32, #tpu.memory_space<vmem>>
        %parallel_loop3A_182 = arith.index_cast %parallel_loop3A_151 : i32 to index
        %parallel_loop3A_183 = arith.constant 16 : index
        %parallel_loop3A_184 = tpu.vector_load %parallel_loop3A_181[%parallel_loop3A_182, %parallel_loop3A_183] {strides = array<i32>} : memref<128x128xf32, #tpu.memory_space<vmem>>, vector<16xf32>,
        tpu.vector_store %parallel_loop3A_181[%parallel_loop3A_182, %parallel_loop3A_183], %parallel_loop3A_177 {strides = array<i32>} : memref<128x128xf32, #tpu.memory_space<vmem>>, vector<16xf32>,
        %parallel_loop3A_185 = arith.constant 1 : i32
        %parallel_loop3A_186 = vector.broadcast %parallel_loop3A_185 : i32 to vector<16xi32>
        %parallel_loop3A_187 = arith.addi %parallel_loop3A_154, %parallel_loop3A_186 : vector<16xi32>
        %parallel_loop3A_188 = arith.constant 0 : i32
        %parallel_loop3A_189 = arith.constant 0 : i32
        %parallel_loop3A_190 = tpu.memref_slice %arg5[%parallel_loop3A_139, %parallel_loop3A_188, %parallel_loop3A_189] : memref<2x32x516xf32, #tpu.memory_space<vmem>> -> memref<1x32x516xf32, #tpu.memory_space<vmem>>
        %parallel_loop3A_191 = tpu.memref_squeeze %parallel_loop3A_190 : memref<1x32x516xf32, #tpu.memory_space<vmem>> -> memref<32x516xf32, #tpu.memory_space<vmem>>
        %parallel_loop3A_192 = tpu.vector_load_idx %parallel_loop3A_191[%iota3A, %parallel_loop3A_187] : memref<32x516xf32, #tpu.memory_space<vmem>>[vector<16xi32>, vector<16xi32>], vector<16xf32>,
        %parallel_loop3A_193 = arith.constant 0 : i32
        %parallel_loop3A_194 = arith.constant 0 : i32
        %parallel_loop3A_195 = tpu.memref_slice %arg6[%parallel_loop3A_140, %parallel_loop3A_193, %parallel_loop3A_194] : memref<2x128x128xf32, #tpu.memory_space<vmem>> -> memref<1x128x128xf32, #tpu.memory_space<vmem>>
        %parallel_loop3A_196 = tpu.memref_squeeze %parallel_loop3A_195 : memref<1x128x128xf32, #tpu.memory_space<vmem>> -> memref<128x128xf32, #tpu.memory_space<vmem>>
        %parallel_loop3A_197 = arith.index_cast %parallel_loop3A_151 : i32 to index
        %parallel_loop3A_198 = arith.constant 32 : index
        %parallel_loop3A_199 = tpu.vector_load %parallel_loop3A_196[%parallel_loop3A_197, %parallel_loop3A_198] {strides = array<i32>} : memref<128x128xf32, #tpu.memory_space<vmem>>, vector<16xf32>,
        tpu.vector_store %parallel_loop3A_196[%parallel_loop3A_197, %parallel_loop3A_198], %parallel_loop3A_192 {strides = array<i32>} : memref<128x128xf32, #tpu.memory_space<vmem>>, vector<16xf32>,
        %parallel_loop3A_200 = arith.constant 1 : i32
        %parallel_loop3A_201 = vector.broadcast %parallel_loop3A_200 : i32 to vector<16xi32>
        %parallel_loop3A_202 = arith.addi %parallel_loop3A_154, %parallel_loop3A_201 : vector<16xi32>
        %parallel_loop3A_203 = arith.constant 0 : i32
        %parallel_loop3A_204 = arith.constant 0 : i32
        %parallel_loop3A_205 = tpu.memref_slice %arg5[%parallel_loop3A_139, %parallel_loop3A_203, %parallel_loop3A_204] : memref<2x32x516xf32, #tpu.memory_space<vmem>> -> memref<1x32x516xf32, #tpu.memory_space<vmem>>
        %parallel_loop3A_206 = tpu.memref_squeeze %parallel_loop3A_205 : memref<1x32x516xf32, #tpu.memory_space<vmem>> -> memref<32x516xf32, #tpu.memory_space<vmem>>
        %parallel_loop3A_207 = tpu.vector_load_idx %parallel_loop3A_206[%add3A_11, %parallel_loop3A_202] : memref<32x516xf32, #tpu.memory_space<vmem>>[vector<16xi32>, vector<16xi32>], vector<16xf32>,
        %parallel_loop3A_208 = arith.constant 0 : i32
        %parallel_loop3A_209 = arith.constant 0 : i32
        %parallel_loop3A_210 = tpu.memref_slice %arg6[%parallel_loop3A_140, %parallel_loop3A_208, %parallel_loop3A_209] : memref<2x128x128xf32, #tpu.memory_space<vmem>> -> memref<1x128x128xf32, #tpu.memory_space<vmem>>
        %parallel_loop3A_211 = tpu.memref_squeeze %parallel_loop3A_210 : memref<1x128x128xf32, #tpu.memory_space<vmem>> -> memref<128x128xf32, #tpu.memory_space<vmem>>
        %parallel_loop3A_212 = arith.index_cast %parallel_loop3A_151 : i32 to index
        %parallel_loop3A_213 = arith.constant 48 : index
        %parallel_loop3A_214 = tpu.vector_load %parallel_loop3A_211[%parallel_loop3A_212, %parallel_loop3A_213] {strides = array<i32>} : memref<128x128xf32, #tpu.memory_space<vmem>>, vector<16xf32>,
        tpu.vector_store %parallel_loop3A_211[%parallel_loop3A_212, %parallel_loop3A_213], %parallel_loop3A_207 {strides = array<i32>} : memref<128x128xf32, #tpu.memory_space<vmem>>, vector<16xf32>,
        %parallel_loop3A_215 = arith.constant 2 : i32
        %parallel_loop3A_216 = vector.broadcast %parallel_loop3A_215 : i32 to vector<16xi32>
        %parallel_loop3A_217 = arith.addi %parallel_loop3A_154, %parallel_loop3A_216 : vector<16xi32>
        %parallel_loop3A_218 = arith.constant 0 : i32
        %parallel_loop3A_219 = arith.constant 0 : i32
        %parallel_loop3A_220 = tpu.memref_slice %arg5[%parallel_loop3A_139, %parallel_loop3A_218, %parallel_loop3A_219] : memref<2x32x516xf32, #tpu.memory_space<vmem>> -> memref<1x32x516xf32, #tpu.memory_space<vmem>>
        %parallel_loop3A_221 = tpu.memref_squeeze %parallel_loop3A_220 : memref<1x32x516xf32, #tpu.memory_space<vmem>> -> memref<32x516xf32, #tpu.memory_space<vmem>>
        %parallel_loop3A_222 = tpu.vector_load_idx %parallel_loop3A_221[%iota3A, %parallel_loop3A_217] : memref<32x516xf32, #tpu.memory_space<vmem>>[vector<16xi32>, vector<16xi32>], vector<16xf32>,
        %parallel_loop3A_223 = arith.constant 0 : i32
        %parallel_loop3A_224 = arith.constant 0 : i32
        %parallel_loop3A_225 = tpu.memref_slice %arg6[%parallel_loop3A_140, %parallel_loop3A_223, %parallel_loop3A_224] : memref<2x128x128xf32, #tpu.memory_space<vmem>> -> memref<1x128x128xf32, #tpu.memory_space<vmem>>
        %parallel_loop3A_226 = tpu.memref_squeeze %parallel_loop3A_225 : memref<1x128x128xf32, #tpu.memory_space<vmem>> -> memref<128x128xf32, #tpu.memory_space<vmem>>
        %parallel_loop3A_227 = arith.index_cast %parallel_loop3A_151 : i32 to index
        %parallel_loop3A_228 = arith.constant 64 : index
        %parallel_loop3A_229 = tpu.vector_load %parallel_loop3A_226[%parallel_loop3A_227, %parallel_loop3A_228] {strides = array<i32>} : memref<128x128xf32, #tpu.memory_space<vmem>>, vector<16xf32>,
        tpu.vector_store %parallel_loop3A_226[%parallel_loop3A_227, %parallel_loop3A_228], %parallel_loop3A_222 {strides = array<i32>} : memref<128x128xf32, #tpu.memory_space<vmem>>, vector<16xf32>,
        %parallel_loop3A_230 = arith.constant 2 : i32
        %parallel_loop3A_231 = vector.broadcast %parallel_loop3A_230 : i32 to vector<16xi32>
        %parallel_loop3A_232 = arith.addi %parallel_loop3A_154, %parallel_loop3A_231 : vector<16xi32>
        %parallel_loop3A_233 = arith.constant 0 : i32
        %parallel_loop3A_234 = arith.constant 0 : i32
        %parallel_loop3A_235 = tpu.memref_slice %arg5[%parallel_loop3A_139, %parallel_loop3A_233, %parallel_loop3A_234] : memref<2x32x516xf32, #tpu.memory_space<vmem>> -> memref<1x32x516xf32, #tpu.memory_space<vmem>>
        %parallel_loop3A_236 = tpu.memref_squeeze %parallel_loop3A_235 : memref<1x32x516xf32, #tpu.memory_space<vmem>> -> memref<32x516xf32, #tpu.memory_space<vmem>>
        %parallel_loop3A_237 = tpu.vector_load_idx %parallel_loop3A_236[%add3A_11, %parallel_loop3A_232] : memref<32x516xf32, #tpu.memory_space<vmem>>[vector<16xi32>, vector<16xi32>], vector<16xf32>,
        %parallel_loop3A_238 = arith.constant 0 : i32
        %parallel_loop3A_239 = arith.constant 0 : i32
        %parallel_loop3A_240 = tpu.memref_slice %arg6[%parallel_loop3A_140, %parallel_loop3A_238, %parallel_loop3A_239] : memref<2x128x128xf32, #tpu.memory_space<vmem>> -> memref<1x128x128xf32, #tpu.memory_space<vmem>>
        %parallel_loop3A_241 = tpu.memref_squeeze %parallel_loop3A_240 : memref<1x128x128xf32, #tpu.memory_space<vmem>> -> memref<128x128xf32, #tpu.memory_space<vmem>>
        %parallel_loop3A_242 = arith.index_cast %parallel_loop3A_151 : i32 to index
        %parallel_loop3A_243 = arith.constant 80 : index
        %parallel_loop3A_244 = tpu.vector_load %parallel_loop3A_241[%parallel_loop3A_242, %parallel_loop3A_243] {strides = array<i32>} : memref<128x128xf32, #tpu.memory_space<vmem>>, vector<16xf32>,
        tpu.vector_store %parallel_loop3A_241[%parallel_loop3A_242, %parallel_loop3A_243], %parallel_loop3A_237 {strides = array<i32>} : memref<128x128xf32, #tpu.memory_space<vmem>>, vector<16xf32>,
        %parallel_loop3A_245 = arith.constant 3 : i32
        %parallel_loop3A_246 = vector.broadcast %parallel_loop3A_245 : i32 to vector<16xi32>
        %parallel_loop3A_247 = arith.addi %parallel_loop3A_154, %parallel_loop3A_246 : vector<16xi32>
        %parallel_loop3A_248 = arith.constant 0 : i32
        %parallel_loop3A_249 = arith.constant 0 : i32
        %parallel_loop3A_250 = tpu.memref_slice %arg5[%parallel_loop3A_139, %parallel_loop3A_248, %parallel_loop3A_249] : memref<2x32x516xf32, #tpu.memory_space<vmem>> -> memref<1x32x516xf32, #tpu.memory_space<vmem>>
        %parallel_loop3A_251 = tpu.memref_squeeze %parallel_loop3A_250 : memref<1x32x516xf32, #tpu.memory_space<vmem>> -> memref<32x516xf32, #tpu.memory_space<vmem>>
        %parallel_loop3A_252 = tpu.vector_load_idx %parallel_loop3A_251[%iota3A, %parallel_loop3A_247] : memref<32x516xf32, #tpu.memory_space<vmem>>[vector<16xi32>, vector<16xi32>], vector<16xf32>,
        %parallel_loop3A_253 = arith.constant 0 : i32
        %parallel_loop3A_254 = arith.constant 0 : i32
        %parallel_loop3A_255 = tpu.memref_slice %arg6[%parallel_loop3A_140, %parallel_loop3A_253, %parallel_loop3A_254] : memref<2x128x128xf32, #tpu.memory_space<vmem>> -> memref<1x128x128xf32, #tpu.memory_space<vmem>>
        %parallel_loop3A_256 = tpu.memref_squeeze %parallel_loop3A_255 : memref<1x128x128xf32, #tpu.memory_space<vmem>> -> memref<128x128xf32, #tpu.memory_space<vmem>>
        %parallel_loop3A_257 = arith.index_cast %parallel_loop3A_151 : i32 to index
        %parallel_loop3A_258 = arith.constant 96 : index
        %parallel_loop3A_259 = tpu.vector_load %parallel_loop3A_256[%parallel_loop3A_257, %parallel_loop3A_258] {strides = array<i32>} : memref<128x128xf32, #tpu.memory_space<vmem>>, vector<16xf32>,
        tpu.vector_store %parallel_loop3A_256[%parallel_loop3A_257, %parallel_loop3A_258], %parallel_loop3A_252 {strides = array<i32>} : memref<128x128xf32, #tpu.memory_space<vmem>>, vector<16xf32>,
        %parallel_loop3A_260 = arith.constant 3 : i32
        %parallel_loop3A_261 = vector.broadcast %parallel_loop3A_260 : i32 to vector<16xi32>
        %parallel_loop3A_262 = arith.addi %parallel_loop3A_154, %parallel_loop3A_261 : vector<16xi32>
        %parallel_loop3A_263 = arith.constant 0 : i32
        %parallel_loop3A_264 = arith.constant 0 : i32
        %parallel_loop3A_265 = tpu.memref_slice %arg5[%parallel_loop3A_139, %parallel_loop3A_263, %parallel_loop3A_264] : memref<2x32x516xf32, #tpu.memory_space<vmem>> -> memref<1x32x516xf32, #tpu.memory_space<vmem>>
        %parallel_loop3A_266 = tpu.memref_squeeze %parallel_loop3A_265 : memref<1x32x516xf32, #tpu.memory_space<vmem>> -> memref<32x516xf32, #tpu.memory_space<vmem>>
        %parallel_loop3A_267 = tpu.vector_load_idx %parallel_loop3A_266[%add3A_11, %parallel_loop3A_262] : memref<32x516xf32, #tpu.memory_space<vmem>>[vector<16xi32>, vector<16xi32>], vector<16xf32>,
        %parallel_loop3A_268 = arith.constant 0 : i32
        %parallel_loop3A_269 = arith.constant 0 : i32
        %parallel_loop3A_270 = tpu.memref_slice %arg6[%parallel_loop3A_140, %parallel_loop3A_268, %parallel_loop3A_269] : memref<2x128x128xf32, #tpu.memory_space<vmem>> -> memref<1x128x128xf32, #tpu.memory_space<vmem>>
        %parallel_loop3A_271 = tpu.memref_squeeze %parallel_loop3A_270 : memref<1x128x128xf32, #tpu.memory_space<vmem>> -> memref<128x128xf32, #tpu.memory_space<vmem>>
        %parallel_loop3A_272 = arith.index_cast %parallel_loop3A_151 : i32 to index
        %parallel_loop3A_273 = arith.constant 112 : index
        %parallel_loop3A_274 = tpu.vector_load %parallel_loop3A_271[%parallel_loop3A_272, %parallel_loop3A_273] {strides = array<i32>} : memref<128x128xf32, #tpu.memory_space<vmem>>, vector<16xf32>,
        tpu.vector_store %parallel_loop3A_271[%parallel_loop3A_272, %parallel_loop3A_273], %parallel_loop3A_267 {strides = array<i32>} : memref<128x128xf32, #tpu.memory_space<vmem>>, vector<16xf32>,
      } {sc.loop_unroll_factor = 4 : i64, sc.parallel_access}
      %multiple_of3A_141 = arith.constant 249856 : i32
      %multiple_of3A_142 = tpu.assume_multiple %multiple_of3A_141, 128 : i32
      %run_scoped3A_143 = arith.constant 0 : i32
      "tpu.region"() ({
        %run_scoped3A_151 = tpu.sem_alloc : memref<!tpu.dma_semaphore, #tpu.memory_space<semaphore_mem>>
        %dma_start3A_152 = arith.constant 0 : i32
        %dma_start3A_153 = arith.constant 0 : i32
        %dma_start3A_154 = tpu.memref_slice %arg6[%run_scoped3A_143, %dma_start3A_152, %dma_start3A_153] : memref<2x128x128xf32, #tpu.memory_space<vmem>> -> memref<1x128x128xf32, #tpu.memory_space<vmem>>
        %dma_start3A_155 = tpu.memref_squeeze %dma_start3A_154 : memref<1x128x128xf32, #tpu.memory_space<vmem>> -> memref<128x128xf32, #tpu.memory_space<vmem>>
        %dma_start3A_156 = arith.constant 0 : i32
        %dma_start3A_157 = tpu.memref_slice %arg4[%multiple_of3A_142, %dma_start3A_156] : memref<250000x128xf32, #tpu.memory_space<hbm>> -> memref<128x128xf32, #tpu.memory_space<hbm>>
        %dma_start3A_158 = arith.constant 0 : i32
        %dma_start3A_159 = tpu.memref_slice %arg4[%multiple_of3A_142, %dma_start3A_158] : memref<250000x128xf32, #tpu.memory_space<hbm>> -> memref<128x128xf32, #tpu.memory_space<hbm>>
        %dma_start3A_160 = arith.constant 0 : i32
        %dma_start3A_161 = arith.constant 0 : i32
        %dma_start3A_162 = tpu.memref_slice %arg6[%run_scoped3A_143, %dma_start3A_160, %dma_start3A_161] : memref<2x128x128xf32, #tpu.memory_space<vmem>> -> memref<1x128x128xf32, #tpu.memory_space<vmem>>
        %dma_start3A_163 = tpu.memref_squeeze %dma_start3A_162 : memref<1x128x128xf32, #tpu.memory_space<vmem>> -> memref<128x128xf32, #tpu.memory_space<vmem>>
        tpu.enqueue_dma source(%dma_start3A_163 : memref<128x128xf32, #tpu.memory_space<vmem>>) target(%dma_start3A_159 : memref<128x128xf32, #tpu.memory_space<hbm>>) target_semaphore(%run_scoped3A_151 : memref<!tpu.dma_semaphore, #tpu.memory_space<semaphore_mem>>)
        %dma_wait3A_164 = arith.constant 0 : i32
        %dma_wait3A_165 = arith.constant 0 : i32
        %dma_wait3A_166 = tpu.memref_slice %arg6[%run_scoped3A_143, %dma_wait3A_164, %dma_wait3A_165] : memref<2x128x128xf32, #tpu.memory_space<vmem>> -> memref<1x128x128xf32, #tpu.memory_space<vmem>>
        %dma_wait3A_167 = tpu.memref_squeeze %dma_wait3A_166 : memref<1x128x128xf32, #tpu.memory_space<vmem>> -> memref<128x128xf32, #tpu.memory_space<vmem>>
        %dma_wait3A_168 = arith.constant 0 : i32
        %dma_wait3A_169 = tpu.memref_slice %arg4[%multiple_of3A_142, %dma_wait3A_168] : memref<250000x128xf32, #tpu.memory_space<hbm>> -> memref<128x128xf32, #tpu.memory_space<hbm>>
        %dma_wait3A_170 = arith.constant 0 : i32
        %dma_wait3A_171 = tpu.memref_slice %arg4[%multiple_of3A_142, %dma_wait3A_170] : memref<250000x128xf32, #tpu.memory_space<hbm>> -> memref<128x128xf32, #tpu.memory_space<hbm>>
        %dma_wait3A_172 = arith.constant 0 : i32
        %dma_wait3A_173 = arith.constant 0 : i32
        %dma_wait3A_174 = tpu.memref_slice %arg6[%run_scoped3A_143, %dma_wait3A_172, %dma_wait3A_173] : memref<2x128x128xf32, #tpu.memory_space<vmem>> -> memref<1x128x128xf32, #tpu.memory_space<vmem>>
        %dma_wait3A_175 = tpu.memref_squeeze %dma_wait3A_174 : memref<1x128x128xf32, #tpu.memory_space<vmem>> -> memref<128x128xf32, #tpu.memory_space<vmem>>
        tpu.wait_dma2 semaphore(%run_scoped3A_151 : memref<!tpu.dma_semaphore, #tpu.memory_space<semaphore_mem>>) src(%dma_wait3A_175 : memref<128x128xf32, #tpu.memory_space<vmem>>) dst(%dma_wait3A_171 : memref<128x128xf32, #tpu.memory_space<hbm>>)
        tpu.yield
      }) : () -> ()
      "tpu.region"() ({
        %run_scoped3A_151 = tpu.sem_alloc : memref<!tpu.dma_semaphore, #tpu.memory_space<semaphore_mem>>
        tpu.enqueue_dma source(%arg3 : memref<32x64xf32, #tpu.memory_space<hbm>>) target(%arg7 : memref<32x64xf32, #tpu.memory_space<vmem>>) target_semaphore(%run_scoped3A_151 : memref<!tpu.dma_semaphore, #tpu.memory_space<semaphore_mem>>)
        tpu.wait_dma2 semaphore(%run_scoped3A_151 : memref<!tpu.dma_semaphore, #tpu.memory_space<semaphore_mem>>) src(%arg3 : memref<32x64xf32, #tpu.memory_space<hbm>>) dst(%arg7 : memref<32x64xf32, #tpu.memory_space<vmem>>)
        tpu.yield
      }) : () -> ()
      %scan3A_144 = arith.constant 0 : i32
      %scan3A_145 = arith.constant 16 : i32
      %scan3A_146 = arith.addi %scan3A_144, %scan3A_145 : i32
      %scan3A_147 = arith.constant 1 : i32
      scf.for %scan3A_151 = %scan3A_144 to %scan3A_146 step %scan3A_147  : i32 {
        %add3A_152 = arith.constant 0 : i32
        %add3A_153 = vector.broadcast %add3A_152 : i32 to vector<16xi32>
        %add3A_154 = arith.addi %iota3A, %add3A_153 : vector<16xi32>
        %mul3A_155 = arith.constant 4 : i32
        %mul3A_156 = arith.muli %mul3A_155, %scan3A_151 : i32
        %add3A_157 = arith.constant 0 : i32
        %add3A_158 = arith.addi %mul3A_156, %add3A_157 : i32
        %broadcast_in_dim3A = vector.broadcast %add3A_158 : i32 to vector<16xi32>
        %gather3A = tpu.vector_load_idx %arg7[%add3A_154, %broadcast_in_dim3A] : memref<32x64xf32, #tpu.memory_space<vmem>>[vector<16xi32>, vector<16xi32>], vector<16xf32>,
        %swap3A = arith.index_cast %scan3A_151 : i32 to index
        %swap3A_159 = arith.constant 0 : index
        %swap3A_160 = tpu.vector_load %arg8[%swap3A, %swap3A_159] {strides = array<i32>} : memref<16x128xf32, #tpu.memory_space<vmem>>, vector<16xf32>,
        tpu.vector_store %arg8[%swap3A, %swap3A_159], %gather3A {strides = array<i32>} : memref<16x128xf32, #tpu.memory_space<vmem>>, vector<16xf32>,
        %add3A_161 = arith.constant 16 : i32
        %add3A_162 = vector.broadcast %add3A_161 : i32 to vector<16xi32>
        %add3A_163 = arith.addi %iota3A, %add3A_162 : vector<16xi32>
        %mul3A_164 = arith.constant 4 : i32
        %mul3A_165 = arith.muli %mul3A_164, %scan3A_151 : i32
        %add3A_166 = arith.constant 0 : i32
        %add3A_167 = arith.addi %mul3A_165, %add3A_166 : i32
        %broadcast_in_dim3A_168 = vector.broadcast %add3A_167 : i32 to vector<16xi32>
        %gather3A_169 = tpu.vector_load_idx %arg7[%add3A_163, %broadcast_in_dim3A_168] : memref<32x64xf32, #tpu.memory_space<vmem>>[vector<16xi32>, vector<16xi32>], vector<16xf32>,
        %swap3A_170 = arith.index_cast %scan3A_151 : i32 to index
        %swap3A_171 = arith.constant 16 : index
        %swap3A_172 = tpu.vector_load %arg8[%swap3A_170, %swap3A_171] {strides = array<i32>} : memref<16x128xf32, #tpu.memory_space<vmem>>, vector<16xf32>,
        tpu.vector_store %arg8[%swap3A_170, %swap3A_171], %gather3A_169 {strides = array<i32>} : memref<16x128xf32, #tpu.memory_space<vmem>>, vector<16xf32>,
        %add3A_173 = arith.constant 0 : i32
        %add3A_174 = vector.broadcast %add3A_173 : i32 to vector<16xi32>
        %add3A_175 = arith.addi %iota3A, %add3A_174 : vector<16xi32>
        %mul3A_176 = arith.constant 4 : i32
        %mul3A_177 = arith.muli %mul3A_176, %scan3A_151 : i32
        %add3A_178 = arith.constant 1 : i32
        %add3A_179 = arith.addi %mul3A_177, %add3A_178 : i32
        %broadcast_in_dim3A_180 = vector.broadcast %add3A_179 : i32 to vector<16xi32>
        %gather3A_181 = tpu.vector_load_idx %arg7[%add3A_175, %broadcast_in_dim3A_180] : memref<32x64xf32, #tpu.memory_space<vmem>>[vector<16xi32>, vector<16xi32>], vector<16xf32>,
        %swap3A_182 = arith.index_cast %scan3A_151 : i32 to index
        %swap3A_183 = arith.constant 32 : index
        %swap3A_184 = tpu.vector_load %arg8[%swap3A_182, %swap3A_183] {strides = array<i32>} : memref<16x128xf32, #tpu.memory_space<vmem>>, vector<16xf32>,
        tpu.vector_store %arg8[%swap3A_182, %swap3A_183], %gather3A_181 {strides = array<i32>} : memref<16x128xf32, #tpu.memory_space<vmem>>, vector<16xf32>,
        %add3A_185 = arith.constant 16 : i32
        %add3A_186 = vector.broadcast %add3A_185 : i32 to vector<16xi32>
        %add3A_187 = arith.addi %iota3A, %add3A_186 : vector<16xi32>
        %mul3A_188 = arith.constant 4 : i32
        %mul3A_189 = arith.muli %mul3A_188, %scan3A_151 : i32
        %add3A_190 = arith.constant 1 : i32
        %add3A_191 = arith.addi %mul3A_189, %add3A_190 : i32
        %broadcast_in_dim3A_192 = vector.broadcast %add3A_191 : i32 to vector<16xi32>
        %gather3A_193 = tpu.vector_load_idx %arg7[%add3A_187, %broadcast_in_dim3A_192] : memref<32x64xf32, #tpu.memory_space<vmem>>[vector<16xi32>, vector<16xi32>], vector<16xf32>,
        %swap3A_194 = arith.index_cast %scan3A_151 : i32 to index
        %swap3A_195 = arith.constant 48 : index
        %swap3A_196 = tpu.vector_load %arg8[%swap3A_194, %swap3A_195] {strides = array<i32>} : memref<16x128xf32, #tpu.memory_space<vmem>>, vector<16xf32>,
        tpu.vector_store %arg8[%swap3A_194, %swap3A_195], %gather3A_193 {strides = array<i32>} : memref<16x128xf32, #tpu.memory_space<vmem>>, vector<16xf32>,
        %add3A_197 = arith.constant 0 : i32
        %add3A_198 = vector.broadcast %add3A_197 : i32 to vector<16xi32>
        %add3A_199 = arith.addi %iota3A, %add3A_198 : vector<16xi32>
        %mul3A_200 = arith.constant 4 : i32
        %mul3A_201 = arith.muli %mul3A_200, %scan3A_151 : i32
        %add3A_202 = arith.constant 2 : i32
        %add3A_203 = arith.addi %mul3A_201, %add3A_202 : i32
        %broadcast_in_dim3A_204 = vector.broadcast %add3A_203 : i32 to vector<16xi32>
        %gather3A_205 = tpu.vector_load_idx %arg7[%add3A_199, %broadcast_in_dim3A_204] : memref<32x64xf32, #tpu.memory_space<vmem>>[vector<16xi32>, vector<16xi32>], vector<16xf32>,
        %swap3A_206 = arith.index_cast %scan3A_151 : i32 to index
        %swap3A_207 = arith.constant 64 : index
        %swap3A_208 = tpu.vector_load %arg8[%swap3A_206, %swap3A_207] {strides = array<i32>} : memref<16x128xf32, #tpu.memory_space<vmem>>, vector<16xf32>,
        tpu.vector_store %arg8[%swap3A_206, %swap3A_207], %gather3A_205 {strides = array<i32>} : memref<16x128xf32, #tpu.memory_space<vmem>>, vector<16xf32>,
        %add3A_209 = arith.constant 16 : i32
        %add3A_210 = vector.broadcast %add3A_209 : i32 to vector<16xi32>
        %add3A_211 = arith.addi %iota3A, %add3A_210 : vector<16xi32>
        %mul3A_212 = arith.constant 4 : i32
        %mul3A_213 = arith.muli %mul3A_212, %scan3A_151 : i32
        %add3A_214 = arith.constant 2 : i32
        %add3A_215 = arith.addi %mul3A_213, %add3A_214 : i32
        %broadcast_in_dim3A_216 = vector.broadcast %add3A_215 : i32 to vector<16xi32>
        %gather3A_217 = tpu.vector_load_idx %arg7[%add3A_211, %broadcast_in_dim3A_216] : memref<32x64xf32, #tpu.memory_space<vmem>>[vector<16xi32>, vector<16xi32>], vector<16xf32>,
        %swap3A_218 = arith.index_cast %scan3A_151 : i32 to index
        %swap3A_219 = arith.constant 80 : index
        %swap3A_220 = tpu.vector_load %arg8[%swap3A_218, %swap3A_219] {strides = array<i32>} : memref<16x128xf32, #tpu.memory_space<vmem>>, vector<16xf32>,
        tpu.vector_store %arg8[%swap3A_218, %swap3A_219], %gather3A_217 {strides = array<i32>} : memref<16x128xf32, #tpu.memory_space<vmem>>, vector<16xf32>,
        %add3A_221 = arith.constant 0 : i32
        %add3A_222 = vector.broadcast %add3A_221 : i32 to vector<16xi32>
        %add3A_223 = arith.addi %iota3A, %add3A_222 : vector<16xi32>
        %mul3A_224 = arith.constant 4 : i32
        %mul3A_225 = arith.muli %mul3A_224, %scan3A_151 : i32
        %add3A_226 = arith.constant 3 : i32
        %add3A_227 = arith.addi %mul3A_225, %add3A_226 : i32
        %broadcast_in_dim3A_228 = vector.broadcast %add3A_227 : i32 to vector<16xi32>
        %gather3A_229 = tpu.vector_load_idx %arg7[%add3A_223, %broadcast_in_dim3A_228] : memref<32x64xf32, #tpu.memory_space<vmem>>[vector<16xi32>, vector<16xi32>], vector<16xf32>,
        %swap3A_230 = arith.index_cast %scan3A_151 : i32 to index
        %swap3A_231 = arith.constant 96 : index
        %swap3A_232 = tpu.vector_load %arg8[%swap3A_230, %swap3A_231] {strides = array<i32>} : memref<16x128xf32, #tpu.memory_space<vmem>>, vector<16xf32>,
        tpu.vector_store %arg8[%swap3A_230, %swap3A_231], %gather3A_229 {strides = array<i32>} : memref<16x128xf32, #tpu.memory_space<vmem>>, vector<16xf32>,
        %add3A_233 = arith.constant 16 : i32
        %add3A_234 = vector.broadcast %add3A_233 : i32 to vector<16xi32>
        %add3A_235 = arith.addi %iota3A, %add3A_234 : vector<16xi32>
        %mul3A_236 = arith.constant 4 : i32
        %mul3A_237 = arith.muli %mul3A_236, %scan3A_151 : i32
        %add3A_238 = arith.constant 3 : i32
        %add3A_239 = arith.addi %mul3A_237, %add3A_238 : i32
        %broadcast_in_dim3A_240 = vector.broadcast %add3A_239 : i32 to vector<16xi32>
        %gather3A_241 = tpu.vector_load_idx %arg7[%add3A_235, %broadcast_in_dim3A_240] : memref<32x64xf32, #tpu.memory_space<vmem>>[vector<16xi32>, vector<16xi32>], vector<16xf32>,
        %swap3A_242 = arith.index_cast %scan3A_151 : i32 to index
        %swap3A_243 = arith.constant 112 : index
        %swap3A_244 = tpu.vector_load %arg8[%swap3A_242, %swap3A_243] {strides = array<i32>} : memref<16x128xf32, #tpu.memory_space<vmem>>, vector<16xf32>,
        tpu.vector_store %arg8[%swap3A_242, %swap3A_243], %gather3A_241 {strides = array<i32>} : memref<16x128xf32, #tpu.memory_space<vmem>>, vector<16xf32>,
      }
      %scan3A_148 = arith.constant 16 : i32
      %multiple_of3A_149 = arith.constant 249984 : i32
      %multiple_of3A_150 = tpu.assume_multiple %multiple_of3A_149, 8 : i32
      "tpu.region"() ({
        %run_scoped3A_151 = tpu.sem_alloc : memref<!tpu.dma_semaphore, #tpu.memory_space<semaphore_mem>>
        %dma_start3A_152 = arith.constant 0 : i32
        %dma_start3A_153 = tpu.memref_slice %arg4[%multiple_of3A_150, %dma_start3A_152] : memref<250000x128xf32, #tpu.memory_space<hbm>> -> memref<16x128xf32, #tpu.memory_space<hbm>>
        %dma_start3A_154 = arith.constant 0 : i32
        %dma_start3A_155 = tpu.memref_slice %arg4[%multiple_of3A_150, %dma_start3A_154] : memref<250000x128xf32, #tpu.memory_space<hbm>> -> memref<16x128xf32, #tpu.memory_space<hbm>>
        tpu.enqueue_dma source(%arg8 : memref<16x128xf32, #tpu.memory_space<vmem>>) target(%dma_start3A_155 : memref<16x128xf32, #tpu.memory_space<hbm>>) target_semaphore(%run_scoped3A_151 : memref<!tpu.dma_semaphore, #tpu.memory_space<semaphore_mem>>)
        %dma_wait3A_156 = arith.constant 0 : i32
        %dma_wait3A_157 = tpu.memref_slice %arg4[%multiple_of3A_150, %dma_wait3A_156] : memref<250000x128xf32, #tpu.memory_space<hbm>> -> memref<16x128xf32, #tpu.memory_space<hbm>>
        %dma_wait3A_158 = arith.constant 0 : i32
        %dma_wait3A_159 = tpu.memref_slice %arg4[%multiple_of3A_150, %dma_wait3A_158] : memref<250000x128xf32, #tpu.memory_space<hbm>> -> memref<16x128xf32, #tpu.memory_space<hbm>>
        tpu.wait_dma2 semaphore(%run_scoped3A_151 : memref<!tpu.dma_semaphore, #tpu.memory_space<semaphore_mem>>) src(%arg8 : memref<16x128xf32, #tpu.memory_space<vmem>>) dst(%dma_wait3A_159 : memref<16x128xf32, #tpu.memory_space<hbm>>)
        tpu.yield
      }) : () -> ()
    } else {
    }
    return
  }
}

#map = affine_map<(d0, d1) -> (0)>
#map1 = affine_map<(d0, d1) -> (0, 0)>
module attributes {stable_mosaic.version = 14 : i64} {
  func.func @k2(%arg0: i32, %arg1: i32, %arg2: memref<425984xi32, #tpu.memory_space<hbm>>, %arg3: memref<1000000x32xf32, #tpu.memory_space<hbm>>, %arg4: memref<425984x32xf32, #tpu.memory_space<hbm>>, %arg5: memref<2x1664xi32, #tpu.memory_space<vmem>>, %arg6: memref<2x1664x32xf32, #tpu.memory_space<vmem>>, %arg7: memref<!tpu.dma_semaphore, #tpu.memory_space<semaphore_mem>>, %arg8: memref<!tpu.dma_semaphore, #tpu.memory_space<semaphore_mem>>) attributes {dimension_semantics = [#tpu.dimension_semantics<core_parallel>, #tpu.dimension_semantics<subcore_parallel>], iteration_bounds = array<i64: 2, 16>, scalar_prefetch = 0 : i64, scratch_operands = 4 : i64, tpu.core_type = #tpu.core_type<sc_vector_subcore>, window_params = [{transform_indices = #map}, {transform_indices = #map1}, {transform_indices = #map1}]} {
    %mul3A = arith.constant 2 : i32
    %mul3A_0 = arith.muli %arg1, %mul3A : i32
    %add3A = arith.addi %mul3A_0, %arg0 : i32
    %mul3A_1 = arith.constant 13312 : i32
    %mul3A_2 = arith.muli %add3A, %mul3A_1 : i32
    %add3A_3 = arith.constant 0 : i32
    %add3A_4 = arith.addi %mul3A_2, %add3A_3 : i32
    %run_scoped3A = arith.constant 0 : i32
    "tpu.region"() ({
      %run_scoped3A_440 = tpu.sem_alloc : memref<!tpu.dma_semaphore, #tpu.memory_space<semaphore_mem>>
      %dma_start3A_441 = arith.constant 0 : i32
      %dma_start3A_442 = tpu.memref_slice %arg5[%run_scoped3A, %dma_start3A_441] : memref<2x1664xi32, #tpu.memory_space<vmem>> -> memref<1x1664xi32, #tpu.memory_space<vmem>>
      %dma_start3A_443 = tpu.memref_squeeze %dma_start3A_442 : memref<1x1664xi32, #tpu.memory_space<vmem>> -> memref<1664xi32, #tpu.memory_space<vmem>>
      %dma_start3A_444 = tpu.memref_slice %arg2[%add3A_4] : memref<425984xi32, #tpu.memory_space<hbm>> -> memref<1664xi32, #tpu.memory_space<hbm>>
      %dma_start3A_445 = arith.constant 0 : i32
      %dma_start3A_446 = tpu.memref_slice %arg5[%run_scoped3A, %dma_start3A_445] : memref<2x1664xi32, #tpu.memory_space<vmem>> -> memref<1x1664xi32, #tpu.memory_space<vmem>>
      %dma_start3A_447 = tpu.memref_squeeze %dma_start3A_446 : memref<1x1664xi32, #tpu.memory_space<vmem>> -> memref<1664xi32, #tpu.memory_space<vmem>>
      %dma_start3A_448 = tpu.memref_slice %arg2[%add3A_4] : memref<425984xi32, #tpu.memory_space<hbm>> -> memref<1664xi32, #tpu.memory_space<hbm>>
      tpu.enqueue_dma source(%dma_start3A_448 : memref<1664xi32, #tpu.memory_space<hbm>>) target(%dma_start3A_447 : memref<1664xi32, #tpu.memory_space<vmem>>) target_semaphore(%run_scoped3A_440 : memref<!tpu.dma_semaphore, #tpu.memory_space<semaphore_mem>>)
      %dma_wait3A_449 = arith.constant 0 : i32
      %dma_wait3A_450 = tpu.memref_slice %arg5[%run_scoped3A, %dma_wait3A_449] : memref<2x1664xi32, #tpu.memory_space<vmem>> -> memref<1x1664xi32, #tpu.memory_space<vmem>>
      %dma_wait3A_451 = tpu.memref_squeeze %dma_wait3A_450 : memref<1x1664xi32, #tpu.memory_space<vmem>> -> memref<1664xi32, #tpu.memory_space<vmem>>
      %dma_wait3A_452 = tpu.memref_slice %arg2[%add3A_4] : memref<425984xi32, #tpu.memory_space<hbm>> -> memref<1664xi32, #tpu.memory_space<hbm>>
      %dma_wait3A_453 = arith.constant 0 : i32
      %dma_wait3A_454 = tpu.memref_slice %arg5[%run_scoped3A, %dma_wait3A_453] : memref<2x1664xi32, #tpu.memory_space<vmem>> -> memref<1x1664xi32, #tpu.memory_space<vmem>>
      %dma_wait3A_455 = tpu.memref_squeeze %dma_wait3A_454 : memref<1x1664xi32, #tpu.memory_space<vmem>> -> memref<1664xi32, #tpu.memory_space<vmem>>
      %dma_wait3A_456 = tpu.memref_slice %arg2[%add3A_4] : memref<425984xi32, #tpu.memory_space<hbm>> -> memref<1664xi32, #tpu.memory_space<hbm>>
      tpu.wait_dma2 semaphore(%run_scoped3A_440 : memref<!tpu.dma_semaphore, #tpu.memory_space<semaphore_mem>>) src(%dma_wait3A_456 : memref<1664xi32, #tpu.memory_space<hbm>>) dst(%dma_wait3A_455 : memref<1664xi32, #tpu.memory_space<vmem>>)
      tpu.yield
    }) : () -> ()
    %dma_start3A = arith.constant 0 : i32
    %dma_start3A_5 = arith.constant 0 : i32
    %dma_start3A_6 = arith.constant 0 : i32
    %dma_start3A_7 = arith.constant 0 : i32
    %dma_start3A_8 = tpu.memref_slice %arg6[%dma_start3A_5, %dma_start3A_6, %dma_start3A_7] : memref<2x1664x32xf32, #tpu.memory_space<vmem>> -> memref<1x1664x32xf32, #tpu.memory_space<vmem>>
    %dma_start3A_9 = tpu.memref_squeeze %dma_start3A_8 : memref<1x1664x32xf32, #tpu.memory_space<vmem>> -> memref<1664x32xf32, #tpu.memory_space<vmem>>
    %dma_start3A_10 = arith.constant 0 : i32
    %dma_start3A_11 = tpu.memref_slice %arg5[%dma_start3A, %dma_start3A_10] : memref<2x1664xi32, #tpu.memory_space<vmem>> -> memref<1x1664xi32, #tpu.memory_space<vmem>>
    %dma_start3A_12 = tpu.memref_squeeze %dma_start3A_11 : memref<1x1664xi32, #tpu.memory_space<vmem>> -> memref<1664xi32, #tpu.memory_space<vmem>>
    %dma_start3A_13 = arith.constant 0 : i32
    %dma_start3A_14 = arith.constant 0 : i32
    %dma_start3A_15 = tpu.memref_slice %arg3[%dma_start3A_13, %dma_start3A_14] : memref<1000000x32xf32, #tpu.memory_space<hbm>> -> memref<1000000x32xf32, #tpu.memory_space<hbm>>
    tpu.enqueue_indirect_dma source(%dma_start3A_15 : memref<1000000x32xf32, #tpu.memory_space<hbm>>) target(%dma_start3A_9 : memref<1664x32xf32, #tpu.memory_space<vmem>>) offsets(%dma_start3A_12 : memref<1664xi32, #tpu.memory_space<vmem>>) semaphore(%arg7 : memref<!tpu.dma_semaphore, #tpu.memory_space<semaphore_mem>>)
    %add3A_16 = arith.constant 1664 : i32
    %add3A_17 = arith.addi %mul3A_2, %add3A_16 : i32
    %run_scoped3A_18 = arith.constant 1 : i32
    "tpu.region"() ({
      %run_scoped3A_440 = tpu.sem_alloc : memref<!tpu.dma_semaphore, #tpu.memory_space<semaphore_mem>>
      %dma_start3A_441 = arith.constant 0 : i32
      %dma_start3A_442 = tpu.memref_slice %arg5[%run_scoped3A_18, %dma_start3A_441] : memref<2x1664xi32, #tpu.memory_space<vmem>> -> memref<1x1664xi32, #tpu.memory_space<vmem>>
      %dma_start3A_443 = tpu.memref_squeeze %dma_start3A_442 : memref<1x1664xi32, #tpu.memory_space<vmem>> -> memref<1664xi32, #tpu.memory_space<vmem>>
      %dma_start3A_444 = tpu.memref_slice %arg2[%add3A_17] : memref<425984xi32, #tpu.memory_space<hbm>> -> memref<1664xi32, #tpu.memory_space<hbm>>
      %dma_start3A_445 = arith.constant 0 : i32
      %dma_start3A_446 = tpu.memref_slice %arg5[%run_scoped3A_18, %dma_start3A_445] : memref<2x1664xi32, #tpu.memory_space<vmem>> -> memref<1x1664xi32, #tpu.memory_space<vmem>>
      %dma_start3A_447 = tpu.memref_squeeze %dma_start3A_446 : memref<1x1664xi32, #tpu.memory_space<vmem>> -> memref<1664xi32, #tpu.memory_space<vmem>>
      %dma_start3A_448 = tpu.memref_slice %arg2[%add3A_17] : memref<425984xi32, #tpu.memory_space<hbm>> -> memref<1664xi32, #tpu.memory_space<hbm>>
      tpu.enqueue_dma source(%dma_start3A_448 : memref<1664xi32, #tpu.memory_space<hbm>>) target(%dma_start3A_447 : memref<1664xi32, #tpu.memory_space<vmem>>) target_semaphore(%run_scoped3A_440 : memref<!tpu.dma_semaphore, #tpu.memory_space<semaphore_mem>>)
      %dma_wait3A_449 = arith.constant 0 : i32
      %dma_wait3A_450 = tpu.memref_slice %arg5[%run_scoped3A_18, %dma_wait3A_449] : memref<2x1664xi32, #tpu.memory_space<vmem>> -> memref<1x1664xi32, #tpu.memory_space<vmem>>
      %dma_wait3A_451 = tpu.memref_squeeze %dma_wait3A_450 : memref<1x1664xi32, #tpu.memory_space<vmem>> -> memref<1664xi32, #tpu.memory_space<vmem>>
      %dma_wait3A_452 = tpu.memref_slice %arg2[%add3A_17] : memref<425984xi32, #tpu.memory_space<hbm>> -> memref<1664xi32, #tpu.memory_space<hbm>>
      %dma_wait3A_453 = arith.constant 0 : i32
      %dma_wait3A_454 = tpu.memref_slice %arg5[%run_scoped3A_18, %dma_wait3A_453] : memref<2x1664xi32, #tpu.memory_space<vmem>> -> memref<1x1664xi32, #tpu.memory_space<vmem>>
      %dma_wait3A_455 = tpu.memref_squeeze %dma_wait3A_454 : memref<1x1664xi32, #tpu.memory_space<vmem>> -> memref<1664xi32, #tpu.memory_space<vmem>>
      %dma_wait3A_456 = tpu.memref_slice %arg2[%add3A_17] : memref<425984xi32, #tpu.memory_space<hbm>> -> memref<1664xi32, #tpu.memory_space<hbm>>
      tpu.wait_dma2 semaphore(%run_scoped3A_440 : memref<!tpu.dma_semaphore, #tpu.memory_space<semaphore_mem>>) src(%dma_wait3A_456 : memref<1664xi32, #tpu.memory_space<hbm>>) dst(%dma_wait3A_455 : memref<1664xi32, #tpu.memory_space<vmem>>)
      tpu.yield
    }) : () -> ()
    %dma_start3A_19 = arith.constant 1 : i32
    %dma_start3A_20 = arith.constant 1 : i32
    %dma_start3A_21 = arith.constant 0 : i32
    %dma_start3A_22 = arith.constant 0 : i32
    %dma_start3A_23 = tpu.memref_slice %arg6[%dma_start3A_20, %dma_start3A_21, %dma_start3A_22] : memref<2x1664x32xf32, #tpu.memory_space<vmem>> -> memref<1x1664x32xf32, #tpu.memory_space<vmem>>
    %dma_start3A_24 = tpu.memref_squeeze %dma_start3A_23 : memref<1x1664x32xf32, #tpu.memory_space<vmem>> -> memref<1664x32xf32, #tpu.memory_space<vmem>>
    %dma_start3A_25 = arith.constant 0 : i32
    %dma_start3A_26 = tpu.memref_slice %arg5[%dma_start3A_19, %dma_start3A_25] : memref<2x1664xi32, #tpu.memory_space<vmem>> -> memref<1x1664xi32, #tpu.memory_space<vmem>>
    %dma_start3A_27 = tpu.memref_squeeze %dma_start3A_26 : memref<1x1664xi32, #tpu.memory_space<vmem>> -> memref<1664xi32, #tpu.memory_space<vmem>>
    %dma_start3A_28 = arith.constant 0 : i32
    %dma_start3A_29 = arith.constant 0 : i32
    %dma_start3A_30 = tpu.memref_slice %arg3[%dma_start3A_28, %dma_start3A_29] : memref<1000000x32xf32, #tpu.memory_space<hbm>> -> memref<1000000x32xf32, #tpu.memory_space<hbm>>
    tpu.enqueue_indirect_dma source(%dma_start3A_30 : memref<1000000x32xf32, #tpu.memory_space<hbm>>) target(%dma_start3A_24 : memref<1664x32xf32, #tpu.memory_space<vmem>>) offsets(%dma_start3A_27 : memref<1664xi32, #tpu.memory_space<vmem>>) semaphore(%arg7 : memref<!tpu.dma_semaphore, #tpu.memory_space<semaphore_mem>>)
    %dma_wait3A = arith.constant 0 : i32
    %dma_wait3A_31 = arith.constant 0 : i32
    %dma_wait3A_32 = arith.constant 0 : i32
    %dma_wait3A_33 = arith.constant 0 : i32
    %dma_wait3A_34 = tpu.memref_slice %arg6[%dma_wait3A_31, %dma_wait3A_32, %dma_wait3A_33] : memref<2x1664x32xf32, #tpu.memory_space<vmem>> -> memref<1x1664x32xf32, #tpu.memory_space<vmem>>
    %dma_wait3A_35 = tpu.memref_squeeze %dma_wait3A_34 : memref<1x1664x32xf32, #tpu.memory_space<vmem>> -> memref<1664x32xf32, #tpu.memory_space<vmem>>
    %dma_wait3A_36 = arith.constant 0 : i32
    %dma_wait3A_37 = tpu.memref_slice %arg5[%dma_wait3A, %dma_wait3A_36] : memref<2x1664xi32, #tpu.memory_space<vmem>> -> memref<1x1664xi32, #tpu.memory_space<vmem>>
    %dma_wait3A_38 = tpu.memref_squeeze %dma_wait3A_37 : memref<1x1664xi32, #tpu.memory_space<vmem>> -> memref<1664xi32, #tpu.memory_space<vmem>>
    %dma_wait3A_39 = arith.constant 0 : i32
    %dma_wait3A_40 = arith.constant 0 : i32
    %dma_wait3A_41 = tpu.memref_slice %arg3[%dma_wait3A_39, %dma_wait3A_40] : memref<1000000x32xf32, #tpu.memory_space<hbm>> -> memref<1000000x32xf32, #tpu.memory_space<hbm>>
    tpu.wait_indirect_dma semaphore(%arg7 : memref<!tpu.dma_semaphore, #tpu.memory_space<semaphore_mem>>) src(%dma_wait3A_41 : memref<1000000x32xf32, #tpu.memory_space<hbm>>) dst(%dma_wait3A_35 : memref<1664x32xf32, #tpu.memory_space<vmem>>)
    %add3A_42 = arith.constant 0 : i32
    %add3A_43 = arith.addi %mul3A_2, %add3A_42 : i32
    %dma_start3A_44 = arith.constant 0 : i32
    %dma_start3A_45 = arith.constant 0 : i32
    %dma_start3A_46 = arith.constant 0 : i32
    %dma_start3A_47 = tpu.memref_slice %arg6[%dma_start3A_44, %dma_start3A_45, %dma_start3A_46] : memref<2x1664x32xf32, #tpu.memory_space<vmem>> -> memref<1x1664x32xf32, #tpu.memory_space<vmem>>
    %dma_start3A_48 = tpu.memref_squeeze %dma_start3A_47 : memref<1x1664x32xf32, #tpu.memory_space<vmem>> -> memref<1664x32xf32, #tpu.memory_space<vmem>>
    %dma_start3A_49 = arith.constant 0 : i32
    %dma_start3A_50 = tpu.memref_slice %arg4[%add3A_43, %dma_start3A_49] : memref<425984x32xf32, #tpu.memory_space<hbm>> -> memref<1664x32xf32, #tpu.memory_space<hbm>>
    %dma_start3A_51 = arith.constant 0 : i32
    %dma_start3A_52 = tpu.memref_slice %arg4[%add3A_43, %dma_start3A_51] : memref<425984x32xf32, #tpu.memory_space<hbm>> -> memref<1664x32xf32, #tpu.memory_space<hbm>>
    %dma_start3A_53 = arith.constant 0 : i32
    %dma_start3A_54 = arith.constant 0 : i32
    %dma_start3A_55 = tpu.memref_slice %arg6[%dma_start3A_44, %dma_start3A_53, %dma_start3A_54] : memref<2x1664x32xf32, #tpu.memory_space<vmem>> -> memref<1x1664x32xf32, #tpu.memory_space<vmem>>
    %dma_start3A_56 = tpu.memref_squeeze %dma_start3A_55 : memref<1x1664x32xf32, #tpu.memory_space<vmem>> -> memref<1664x32xf32, #tpu.memory_space<vmem>>
    tpu.enqueue_dma source(%dma_start3A_56 : memref<1664x32xf32, #tpu.memory_space<vmem>>) target(%dma_start3A_52 : memref<1664x32xf32, #tpu.memory_space<hbm>>) target_semaphore(%arg8 : memref<!tpu.dma_semaphore, #tpu.memory_space<semaphore_mem>>)
    %add3A_57 = arith.constant 3328 : i32
    %add3A_58 = arith.addi %mul3A_2, %add3A_57 : i32
    %run_scoped3A_59 = arith.constant 0 : i32
    "tpu.region"() ({
      %run_scoped3A_440 = tpu.sem_alloc : memref<!tpu.dma_semaphore, #tpu.memory_space<semaphore_mem>>
      %dma_start3A_441 = arith.constant 0 : i32
      %dma_start3A_442 = tpu.memref_slice %arg5[%run_scoped3A_59, %dma_start3A_441] : memref<2x1664xi32, #tpu.memory_space<vmem>> -> memref<1x1664xi32, #tpu.memory_space<vmem>>
      %dma_start3A_443 = tpu.memref_squeeze %dma_start3A_442 : memref<1x1664xi32, #tpu.memory_space<vmem>> -> memref<1664xi32, #tpu.memory_space<vmem>>
      %dma_start3A_444 = tpu.memref_slice %arg2[%add3A_58] : memref<425984xi32, #tpu.memory_space<hbm>> -> memref<1664xi32, #tpu.memory_space<hbm>>
      %dma_start3A_445 = arith.constant 0 : i32
      %dma_start3A_446 = tpu.memref_slice %arg5[%run_scoped3A_59, %dma_start3A_445] : memref<2x1664xi32, #tpu.memory_space<vmem>> -> memref<1x1664xi32, #tpu.memory_space<vmem>>
      %dma_start3A_447 = tpu.memref_squeeze %dma_start3A_446 : memref<1x1664xi32, #tpu.memory_space<vmem>> -> memref<1664xi32, #tpu.memory_space<vmem>>
      %dma_start3A_448 = tpu.memref_slice %arg2[%add3A_58] : memref<425984xi32, #tpu.memory_space<hbm>> -> memref<1664xi32, #tpu.memory_space<hbm>>
      tpu.enqueue_dma source(%dma_start3A_448 : memref<1664xi32, #tpu.memory_space<hbm>>) target(%dma_start3A_447 : memref<1664xi32, #tpu.memory_space<vmem>>) target_semaphore(%run_scoped3A_440 : memref<!tpu.dma_semaphore, #tpu.memory_space<semaphore_mem>>)
      %dma_wait3A_449 = arith.constant 0 : i32
      %dma_wait3A_450 = tpu.memref_slice %arg5[%run_scoped3A_59, %dma_wait3A_449] : memref<2x1664xi32, #tpu.memory_space<vmem>> -> memref<1x1664xi32, #tpu.memory_space<vmem>>
      %dma_wait3A_451 = tpu.memref_squeeze %dma_wait3A_450 : memref<1x1664xi32, #tpu.memory_space<vmem>> -> memref<1664xi32, #tpu.memory_space<vmem>>
      %dma_wait3A_452 = tpu.memref_slice %arg2[%add3A_58] : memref<425984xi32, #tpu.memory_space<hbm>> -> memref<1664xi32, #tpu.memory_space<hbm>>
      %dma_wait3A_453 = arith.constant 0 : i32
      %dma_wait3A_454 = tpu.memref_slice %arg5[%run_scoped3A_59, %dma_wait3A_453] : memref<2x1664xi32, #tpu.memory_space<vmem>> -> memref<1x1664xi32, #tpu.memory_space<vmem>>
      %dma_wait3A_455 = tpu.memref_squeeze %dma_wait3A_454 : memref<1x1664xi32, #tpu.memory_space<vmem>> -> memref<1664xi32, #tpu.memory_space<vmem>>
      %dma_wait3A_456 = tpu.memref_slice %arg2[%add3A_58] : memref<425984xi32, #tpu.memory_space<hbm>> -> memref<1664xi32, #tpu.memory_space<hbm>>
      tpu.wait_dma2 semaphore(%run_scoped3A_440 : memref<!tpu.dma_semaphore, #tpu.memory_space<semaphore_mem>>) src(%dma_wait3A_456 : memref<1664xi32, #tpu.memory_space<hbm>>) dst(%dma_wait3A_455 : memref<1664xi32, #tpu.memory_space<vmem>>)
      tpu.yield
    }) : () -> ()
    %dma_wait3A_60 = arith.constant 0 : i32
    %dma_wait3A_61 = arith.constant 0 : i32
    %dma_wait3A_62 = arith.constant 0 : i32
    %dma_wait3A_63 = tpu.memref_slice %arg6[%dma_wait3A_60, %dma_wait3A_61, %dma_wait3A_62] : memref<2x1664x32xf32, #tpu.memory_space<vmem>> -> memref<1x1664x32xf32, #tpu.memory_space<vmem>>
    %dma_wait3A_64 = tpu.memref_squeeze %dma_wait3A_63 : memref<1x1664x32xf32, #tpu.memory_space<vmem>> -> memref<1664x32xf32, #tpu.memory_space<vmem>>
    %dma_wait3A_65 = arith.constant 0 : i32
    %dma_wait3A_66 = tpu.memref_slice %arg4[%add3A_43, %dma_wait3A_65] : memref<425984x32xf32, #tpu.memory_space<hbm>> -> memref<1664x32xf32, #tpu.memory_space<hbm>>
    %dma_wait3A_67 = arith.constant 0 : i32
    %dma_wait3A_68 = tpu.memref_slice %arg4[%add3A_43, %dma_wait3A_67] : memref<425984x32xf32, #tpu.memory_space<hbm>> -> memref<1664x32xf32, #tpu.memory_space<hbm>>
    %dma_wait3A_69 = arith.constant 0 : i32
    %dma_wait3A_70 = arith.constant 0 : i32
    %dma_wait3A_71 = tpu.memref_slice %arg6[%dma_wait3A_60, %dma_wait3A_69, %dma_wait3A_70] : memref<2x1664x32xf32, #tpu.memory_space<vmem>> -> memref<1x1664x32xf32, #tpu.memory_space<vmem>>
    %dma_wait3A_72 = tpu.memref_squeeze %dma_wait3A_71 : memref<1x1664x32xf32, #tpu.memory_space<vmem>> -> memref<1664x32xf32, #tpu.memory_space<vmem>>
    tpu.wait_dma2 semaphore(%arg8 : memref<!tpu.dma_semaphore, #tpu.memory_space<semaphore_mem>>) src(%dma_wait3A_72 : memref<1664x32xf32, #tpu.memory_space<vmem>>) dst(%dma_wait3A_68 : memref<1664x32xf32, #tpu.memory_space<hbm>>)
    %dma_start3A_73 = arith.constant 0 : i32
    %dma_start3A_74 = arith.constant 0 : i32
    %dma_start3A_75 = arith.constant 0 : i32
    %dma_start3A_76 = arith.constant 0 : i32
    %dma_start3A_77 = tpu.memref_slice %arg6[%dma_start3A_74, %dma_start3A_75, %dma_start3A_76] : memref<2x1664x32xf32, #tpu.memory_space<vmem>> -> memref<1x1664x32xf32, #tpu.memory_space<vmem>>
    %dma_start3A_78 = tpu.memref_squeeze %dma_start3A_77 : memref<1x1664x32xf32, #tpu.memory_space<vmem>> -> memref<1664x32xf32, #tpu.memory_space<vmem>>
    %dma_start3A_79 = arith.constant 0 : i32
    %dma_start3A_80 = tpu.memref_slice %arg5[%dma_start3A_73, %dma_start3A_79] : memref<2x1664xi32, #tpu.memory_space<vmem>> -> memref<1x1664xi32, #tpu.memory_space<vmem>>
    %dma_start3A_81 = tpu.memref_squeeze %dma_start3A_80 : memref<1x1664xi32, #tpu.memory_space<vmem>> -> memref<1664xi32, #tpu.memory_space<vmem>>
    %dma_start3A_82 = arith.constant 0 : i32
    %dma_start3A_83 = arith.constant 0 : i32
    %dma_start3A_84 = tpu.memref_slice %arg3[%dma_start3A_82, %dma_start3A_83] : memref<1000000x32xf32, #tpu.memory_space<hbm>> -> memref<1000000x32xf32, #tpu.memory_space<hbm>>
    tpu.enqueue_indirect_dma source(%dma_start3A_84 : memref<1000000x32xf32, #tpu.memory_space<hbm>>) target(%dma_start3A_78 : memref<1664x32xf32, #tpu.memory_space<vmem>>) offsets(%dma_start3A_81 : memref<1664xi32, #tpu.memory_space<vmem>>) semaphore(%arg7 : memref<!tpu.dma_semaphore, #tpu.memory_space<semaphore_mem>>)
    %dma_wait3A_85 = arith.constant 1 : i32
    %dma_wait3A_86 = arith.constant 1 : i32
    %dma_wait3A_87 = arith.constant 0 : i32
    %dma_wait3A_88 = arith.constant 0 : i32
    %dma_wait3A_89 = tpu.memref_slice %arg6[%dma_wait3A_86, %dma_wait3A_87, %dma_wait3A_88] : memref<2x1664x32xf32, #tpu.memory_space<vmem>> -> memref<1x1664x32xf32, #tpu.memory_space<vmem>>
    %dma_wait3A_90 = tpu.memref_squeeze %dma_wait3A_89 : memref<1x1664x32xf32, #tpu.memory_space<vmem>> -> memref<1664x32xf32, #tpu.memory_space<vmem>>
    %dma_wait3A_91 = arith.constant 0 : i32
    %dma_wait3A_92 = tpu.memref_slice %arg5[%dma_wait3A_85, %dma_wait3A_91] : memref<2x1664xi32, #tpu.memory_space<vmem>> -> memref<1x1664xi32, #tpu.memory_space<vmem>>
    %dma_wait3A_93 = tpu.memref_squeeze %dma_wait3A_92 : memref<1x1664xi32, #tpu.memory_space<vmem>> -> memref<1664xi32, #tpu.memory_space<vmem>>
    %dma_wait3A_94 = arith.constant 0 : i32
    %dma_wait3A_95 = arith.constant 0 : i32
    %dma_wait3A_96 = tpu.memref_slice %arg3[%dma_wait3A_94, %dma_wait3A_95] : memref<1000000x32xf32, #tpu.memory_space<hbm>> -> memref<1000000x32xf32, #tpu.memory_space<hbm>>
    tpu.wait_indirect_dma semaphore(%arg7 : memref<!tpu.dma_semaphore, #tpu.memory_space<semaphore_mem>>) src(%dma_wait3A_96 : memref<1000000x32xf32, #tpu.memory_space<hbm>>) dst(%dma_wait3A_90 : memref<1664x32xf32, #tpu.memory_space<vmem>>)
    %add3A_97 = arith.constant 1664 : i32
    %add3A_98 = arith.addi %mul3A_2, %add3A_97 : i32
    %dma_start3A_99 = arith.constant 1 : i32
    %dma_start3A_100 = arith.constant 0 : i32
    %dma_start3A_101 = arith.constant 0 : i32
    %dma_start3A_102 = tpu.memref_slice %arg6[%dma_start3A_99, %dma_start3A_100, %dma_start3A_101] : memref<2x1664x32xf32, #tpu.memory_space<vmem>> -> memref<1x1664x32xf32, #tpu.memory_space<vmem>>
    %dma_start3A_103 = tpu.memref_squeeze %dma_start3A_102 : memref<1x1664x32xf32, #tpu.memory_space<vmem>> -> memref<1664x32xf32, #tpu.memory_space<vmem>>
    %dma_start3A_104 = arith.constant 0 : i32
    %dma_start3A_105 = tpu.memref_slice %arg4[%add3A_98, %dma_start3A_104] : memref<425984x32xf32, #tpu.memory_space<hbm>> -> memref<1664x32xf32, #tpu.memory_space<hbm>>
    %dma_start3A_106 = arith.constant 0 : i32
    %dma_start3A_107 = tpu.memref_slice %arg4[%add3A_98, %dma_start3A_106] : memref<425984x32xf32, #tpu.memory_space<hbm>> -> memref<1664x32xf32, #tpu.memory_space<hbm>>
    %dma_start3A_108 = arith.constant 0 : i32
    %dma_start3A_109 = arith.constant 0 : i32
    %dma_start3A_110 = tpu.memref_slice %arg6[%dma_start3A_99, %dma_start3A_108, %dma_start3A_109] : memref<2x1664x32xf32, #tpu.memory_space<vmem>> -> memref<1x1664x32xf32, #tpu.memory_space<vmem>>
    %dma_start3A_111 = tpu.memref_squeeze %dma_start3A_110 : memref<1x1664x32xf32, #tpu.memory_space<vmem>> -> memref<1664x32xf32, #tpu.memory_space<vmem>>
    tpu.enqueue_dma source(%dma_start3A_111 : memref<1664x32xf32, #tpu.memory_space<vmem>>) target(%dma_start3A_107 : memref<1664x32xf32, #tpu.memory_space<hbm>>) target_semaphore(%arg8 : memref<!tpu.dma_semaphore, #tpu.memory_space<semaphore_mem>>)
    %add3A_112 = arith.constant 4992 : i32
    %add3A_113 = arith.addi %mul3A_2, %add3A_112 : i32
    %run_scoped3A_114 = arith.constant 1 : i32
    "tpu.region"() ({
      %run_scoped3A_440 = tpu.sem_alloc : memref<!tpu.dma_semaphore, #tpu.memory_space<semaphore_mem>>
      %dma_start3A_441 = arith.constant 0 : i32
      %dma_start3A_442 = tpu.memref_slice %arg5[%run_scoped3A_114, %dma_start3A_441] : memref<2x1664xi32, #tpu.memory_space<vmem>> -> memref<1x1664xi32, #tpu.memory_space<vmem>>
      %dma_start3A_443 = tpu.memref_squeeze %dma_start3A_442 : memref<1x1664xi32, #tpu.memory_space<vmem>> -> memref<1664xi32, #tpu.memory_space<vmem>>
      %dma_start3A_444 = tpu.memref_slice %arg2[%add3A_113] : memref<425984xi32, #tpu.memory_space<hbm>> -> memref<1664xi32, #tpu.memory_space<hbm>>
      %dma_start3A_445 = arith.constant 0 : i32
      %dma_start3A_446 = tpu.memref_slice %arg5[%run_scoped3A_114, %dma_start3A_445] : memref<2x1664xi32, #tpu.memory_space<vmem>> -> memref<1x1664xi32, #tpu.memory_space<vmem>>
      %dma_start3A_447 = tpu.memref_squeeze %dma_start3A_446 : memref<1x1664xi32, #tpu.memory_space<vmem>> -> memref<1664xi32, #tpu.memory_space<vmem>>
      %dma_start3A_448 = tpu.memref_slice %arg2[%add3A_113] : memref<425984xi32, #tpu.memory_space<hbm>> -> memref<1664xi32, #tpu.memory_space<hbm>>
      tpu.enqueue_dma source(%dma_start3A_448 : memref<1664xi32, #tpu.memory_space<hbm>>) target(%dma_start3A_447 : memref<1664xi32, #tpu.memory_space<vmem>>) target_semaphore(%run_scoped3A_440 : memref<!tpu.dma_semaphore, #tpu.memory_space<semaphore_mem>>)
      %dma_wait3A_449 = arith.constant 0 : i32
      %dma_wait3A_450 = tpu.memref_slice %arg5[%run_scoped3A_114, %dma_wait3A_449] : memref<2x1664xi32, #tpu.memory_space<vmem>> -> memref<1x1664xi32, #tpu.memory_space<vmem>>
      %dma_wait3A_451 = tpu.memref_squeeze %dma_wait3A_450 : memref<1x1664xi32, #tpu.memory_space<vmem>> -> memref<1664xi32, #tpu.memory_space<vmem>>
      %dma_wait3A_452 = tpu.memref_slice %arg2[%add3A_113] : memref<425984xi32, #tpu.memory_space<hbm>> -> memref<1664xi32, #tpu.memory_space<hbm>>
      %dma_wait3A_453 = arith.constant 0 : i32
      %dma_wait3A_454 = tpu.memref_slice %arg5[%run_scoped3A_114, %dma_wait3A_453] : memref<2x1664xi32, #tpu.memory_space<vmem>> -> memref<1x1664xi32, #tpu.memory_space<vmem>>
      %dma_wait3A_455 = tpu.memref_squeeze %dma_wait3A_454 : memref<1x1664xi32, #tpu.memory_space<vmem>> -> memref<1664xi32, #tpu.memory_space<vmem>>
      %dma_wait3A_456 = tpu.memref_slice %arg2[%add3A_113] : memref<425984xi32, #tpu.memory_space<hbm>> -> memref<1664xi32, #tpu.memory_space<hbm>>
      tpu.wait_dma2 semaphore(%run_scoped3A_440 : memref<!tpu.dma_semaphore, #tpu.memory_space<semaphore_mem>>) src(%dma_wait3A_456 : memref<1664xi32, #tpu.memory_space<hbm>>) dst(%dma_wait3A_455 : memref<1664xi32, #tpu.memory_space<vmem>>)
      tpu.yield
    }) : () -> ()
    %dma_wait3A_115 = arith.constant 1 : i32
    %dma_wait3A_116 = arith.constant 0 : i32
    %dma_wait3A_117 = arith.constant 0 : i32
    %dma_wait3A_118 = tpu.memref_slice %arg6[%dma_wait3A_115, %dma_wait3A_116, %dma_wait3A_117] : memref<2x1664x32xf32, #tpu.memory_space<vmem>> -> memref<1x1664x32xf32, #tpu.memory_space<vmem>>
    %dma_wait3A_119 = tpu.memref_squeeze %dma_wait3A_118 : memref<1x1664x32xf32, #tpu.memory_space<vmem>> -> memref<1664x32xf32, #tpu.memory_space<vmem>>
    %dma_wait3A_120 = arith.constant 0 : i32
    %dma_wait3A_121 = tpu.memref_slice %arg4[%add3A_98, %dma_wait3A_120] : memref<425984x32xf32, #tpu.memory_space<hbm>> -> memref<1664x32xf32, #tpu.memory_space<hbm>>
    %dma_wait3A_122 = arith.constant 0 : i32
    %dma_wait3A_123 = tpu.memref_slice %arg4[%add3A_98, %dma_wait3A_122] : memref<425984x32xf32, #tpu.memory_space<hbm>> -> memref<1664x32xf32, #tpu.memory_space<hbm>>
    %dma_wait3A_124 = arith.constant 0 : i32
    %dma_wait3A_125 = arith.constant 0 : i32
    %dma_wait3A_126 = tpu.memref_slice %arg6[%dma_wait3A_115, %dma_wait3A_124, %dma_wait3A_125] : memref<2x1664x32xf32, #tpu.memory_space<vmem>> -> memref<1x1664x32xf32, #tpu.memory_space<vmem>>
    %dma_wait3A_127 = tpu.memref_squeeze %dma_wait3A_126 : memref<1x1664x32xf32, #tpu.memory_space<vmem>> -> memref<1664x32xf32, #tpu.memory_space<vmem>>
    tpu.wait_dma2 semaphore(%arg8 : memref<!tpu.dma_semaphore, #tpu.memory_space<semaphore_mem>>) src(%dma_wait3A_127 : memref<1664x32xf32, #tpu.memory_space<vmem>>) dst(%dma_wait3A_123 : memref<1664x32xf32, #tpu.memory_space<hbm>>)
    %dma_start3A_128 = arith.constant 1 : i32
    %dma_start3A_129 = arith.constant 1 : i32
    %dma_start3A_130 = arith.constant 0 : i32
    %dma_start3A_131 = arith.constant 0 : i32
    %dma_start3A_132 = tpu.memref_slice %arg6[%dma_start3A_129, %dma_start3A_130, %dma_start3A_131] : memref<2x1664x32xf32, #tpu.memory_space<vmem>> -> memref<1x1664x32xf32, #tpu.memory_space<vmem>>
    %dma_start3A_133 = tpu.memref_squeeze %dma_start3A_132 : memref<1x1664x32xf32, #tpu.memory_space<vmem>> -> memref<1664x32xf32, #tpu.memory_space<vmem>>
    %dma_start3A_134 = arith.constant 0 : i32
    %dma_start3A_135 = tpu.memref_slice %arg5[%dma_start3A_128, %dma_start3A_134] : memref<2x1664xi32, #tpu.memory_space<vmem>> -> memref<1x1664xi32, #tpu.memory_space<vmem>>
    %dma_start3A_136 = tpu.memref_squeeze %dma_start3A_135 : memref<1x1664xi32, #tpu.memory_space<vmem>> -> memref<1664xi32, #tpu.memory_space<vmem>>
    %dma_start3A_137 = arith.constant 0 : i32
    %dma_start3A_138 = arith.constant 0 : i32
    %dma_start3A_139 = tpu.memref_slice %arg3[%dma_start3A_137, %dma_start3A_138] : memref<1000000x32xf32, #tpu.memory_space<hbm>> -> memref<1000000x32xf32, #tpu.memory_space<hbm>>
    tpu.enqueue_indirect_dma source(%dma_start3A_139 : memref<1000000x32xf32, #tpu.memory_space<hbm>>) target(%dma_start3A_133 : memref<1664x32xf32, #tpu.memory_space<vmem>>) offsets(%dma_start3A_136 : memref<1664xi32, #tpu.memory_space<vmem>>) semaphore(%arg7 : memref<!tpu.dma_semaphore, #tpu.memory_space<semaphore_mem>>)
    %dma_wait3A_140 = arith.constant 0 : i32
    %dma_wait3A_141 = arith.constant 0 : i32
    %dma_wait3A_142 = arith.constant 0 : i32
    %dma_wait3A_143 = arith.constant 0 : i32
    %dma_wait3A_144 = tpu.memref_slice %arg6[%dma_wait3A_141, %dma_wait3A_142, %dma_wait3A_143] : memref<2x1664x32xf32, #tpu.memory_space<vmem>> -> memref<1x1664x32xf32, #tpu.memory_space<vmem>>
    %dma_wait3A_145 = tpu.memref_squeeze %dma_wait3A_144 : memref<1x1664x32xf32, #tpu.memory_space<vmem>> -> memref<1664x32xf32, #tpu.memory_space<vmem>>
    %dma_wait3A_146 = arith.constant 0 : i32
    %dma_wait3A_147 = tpu.memref_slice %arg5[%dma_wait3A_140, %dma_wait3A_146] : memref<2x1664xi32, #tpu.memory_space<vmem>> -> memref<1x1664xi32, #tpu.memory_space<vmem>>
    %dma_wait3A_148 = tpu.memref_squeeze %dma_wait3A_147 : memref<1x1664xi32, #tpu.memory_space<vmem>> -> memref<1664xi32, #tpu.memory_space<vmem>>
    %dma_wait3A_149 = arith.constant 0 : i32
    %dma_wait3A_150 = arith.constant 0 : i32
    %dma_wait3A_151 = tpu.memref_slice %arg3[%dma_wait3A_149, %dma_wait3A_150] : memref<1000000x32xf32, #tpu.memory_space<hbm>> -> memref<1000000x32xf32, #tpu.memory_space<hbm>>
    tpu.wait_indirect_dma semaphore(%arg7 : memref<!tpu.dma_semaphore, #tpu.memory_space<semaphore_mem>>) src(%dma_wait3A_151 : memref<1000000x32xf32, #tpu.memory_space<hbm>>) dst(%dma_wait3A_145 : memref<1664x32xf32, #tpu.memory_space<vmem>>)
    %add3A_152 = arith.constant 3328 : i32
    %add3A_153 = arith.addi %mul3A_2, %add3A_152 : i32
    %dma_start3A_154 = arith.constant 0 : i32
    %dma_start3A_155 = arith.constant 0 : i32
    %dma_start3A_156 = arith.constant 0 : i32
    %dma_start3A_157 = tpu.memref_slice %arg6[%dma_start3A_154, %dma_start3A_155, %dma_start3A_156] : memref<2x1664x32xf32, #tpu.memory_space<vmem>> -> memref<1x1664x32xf32, #tpu.memory_space<vmem>>
    %dma_start3A_158 = tpu.memref_squeeze %dma_start3A_157 : memref<1x1664x32xf32, #tpu.memory_space<vmem>> -> memref<1664x32xf32, #tpu.memory_space<vmem>>
    %dma_start3A_159 = arith.constant 0 : i32
    %dma_start3A_160 = tpu.memref_slice %arg4[%add3A_153, %dma_start3A_159] : memref<425984x32xf32, #tpu.memory_space<hbm>> -> memref<1664x32xf32, #tpu.memory_space<hbm>>
    %dma_start3A_161 = arith.constant 0 : i32
    %dma_start3A_162 = tpu.memref_slice %arg4[%add3A_153, %dma_start3A_161] : memref<425984x32xf32, #tpu.memory_space<hbm>> -> memref<1664x32xf32, #tpu.memory_space<hbm>>
    %dma_start3A_163 = arith.constant 0 : i32
    %dma_start3A_164 = arith.constant 0 : i32
    %dma_start3A_165 = tpu.memref_slice %arg6[%dma_start3A_154, %dma_start3A_163, %dma_start3A_164] : memref<2x1664x32xf32, #tpu.memory_space<vmem>> -> memref<1x1664x32xf32, #tpu.memory_space<vmem>>
    %dma_start3A_166 = tpu.memref_squeeze %dma_start3A_165 : memref<1x1664x32xf32, #tpu.memory_space<vmem>> -> memref<1664x32xf32, #tpu.memory_space<vmem>>
    tpu.enqueue_dma source(%dma_start3A_166 : memref<1664x32xf32, #tpu.memory_space<vmem>>) target(%dma_start3A_162 : memref<1664x32xf32, #tpu.memory_space<hbm>>) target_semaphore(%arg8 : memref<!tpu.dma_semaphore, #tpu.memory_space<semaphore_mem>>)
    %add3A_167 = arith.constant 6656 : i32
    %add3A_168 = arith.addi %mul3A_2, %add3A_167 : i32
    %run_scoped3A_169 = arith.constant 0 : i32
    "tpu.region"() ({
      %run_scoped3A_440 = tpu.sem_alloc : memref<!tpu.dma_semaphore, #tpu.memory_space<semaphore_mem>>
      %dma_start3A_441 = arith.constant 0 : i32
      %dma_start3A_442 = tpu.memref_slice %arg5[%run_scoped3A_169, %dma_start3A_441] : memref<2x1664xi32, #tpu.memory_space<vmem>> -> memref<1x1664xi32, #tpu.memory_space<vmem>>
      %dma_start3A_443 = tpu.memref_squeeze %dma_start3A_442 : memref<1x1664xi32, #tpu.memory_space<vmem>> -> memref<1664xi32, #tpu.memory_space<vmem>>
      %dma_start3A_444 = tpu.memref_slice %arg2[%add3A_168] : memref<425984xi32, #tpu.memory_space<hbm>> -> memref<1664xi32, #tpu.memory_space<hbm>>
      %dma_start3A_445 = arith.constant 0 : i32
      %dma_start3A_446 = tpu.memref_slice %arg5[%run_scoped3A_169, %dma_start3A_445] : memref<2x1664xi32, #tpu.memory_space<vmem>> -> memref<1x1664xi32, #tpu.memory_space<vmem>>
      %dma_start3A_447 = tpu.memref_squeeze %dma_start3A_446 : memref<1x1664xi32, #tpu.memory_space<vmem>> -> memref<1664xi32, #tpu.memory_space<vmem>>
      %dma_start3A_448 = tpu.memref_slice %arg2[%add3A_168] : memref<425984xi32, #tpu.memory_space<hbm>> -> memref<1664xi32, #tpu.memory_space<hbm>>
      tpu.enqueue_dma source(%dma_start3A_448 : memref<1664xi32, #tpu.memory_space<hbm>>) target(%dma_start3A_447 : memref<1664xi32, #tpu.memory_space<vmem>>) target_semaphore(%run_scoped3A_440 : memref<!tpu.dma_semaphore, #tpu.memory_space<semaphore_mem>>)
      %dma_wait3A_449 = arith.constant 0 : i32
      %dma_wait3A_450 = tpu.memref_slice %arg5[%run_scoped3A_169, %dma_wait3A_449] : memref<2x1664xi32, #tpu.memory_space<vmem>> -> memref<1x1664xi32, #tpu.memory_space<vmem>>
      %dma_wait3A_451 = tpu.memref_squeeze %dma_wait3A_450 : memref<1x1664xi32, #tpu.memory_space<vmem>> -> memref<1664xi32, #tpu.memory_space<vmem>>
      %dma_wait3A_452 = tpu.memref_slice %arg2[%add3A_168] : memref<425984xi32, #tpu.memory_space<hbm>> -> memref<1664xi32, #tpu.memory_space<hbm>>
      %dma_wait3A_453 = arith.constant 0 : i32
      %dma_wait3A_454 = tpu.memref_slice %arg5[%run_scoped3A_169, %dma_wait3A_453] : memref<2x1664xi32, #tpu.memory_space<vmem>> -> memref<1x1664xi32, #tpu.memory_space<vmem>>
      %dma_wait3A_455 = tpu.memref_squeeze %dma_wait3A_454 : memref<1x1664xi32, #tpu.memory_space<vmem>> -> memref<1664xi32, #tpu.memory_space<vmem>>
      %dma_wait3A_456 = tpu.memref_slice %arg2[%add3A_168] : memref<425984xi32, #tpu.memory_space<hbm>> -> memref<1664xi32, #tpu.memory_space<hbm>>
      tpu.wait_dma2 semaphore(%run_scoped3A_440 : memref<!tpu.dma_semaphore, #tpu.memory_space<semaphore_mem>>) src(%dma_wait3A_456 : memref<1664xi32, #tpu.memory_space<hbm>>) dst(%dma_wait3A_455 : memref<1664xi32, #tpu.memory_space<vmem>>)
      tpu.yield
    }) : () -> ()
    %dma_wait3A_170 = arith.constant 0 : i32
    %dma_wait3A_171 = arith.constant 0 : i32
    %dma_wait3A_172 = arith.constant 0 : i32
    %dma_wait3A_173 = tpu.memref_slice %arg6[%dma_wait3A_170, %dma_wait3A_171, %dma_wait3A_172] : memref<2x1664x32xf32, #tpu.memory_space<vmem>> -> memref<1x1664x32xf32, #tpu.memory_space<vmem>>
    %dma_wait3A_174 = tpu.memref_squeeze %dma_wait3A_173 : memref<1x1664x32xf32, #tpu.memory_space<vmem>> -> memref<1664x32xf32, #tpu.memory_space<vmem>>
    %dma_wait3A_175 = arith.constant 0 : i32
    %dma_wait3A_176 = tpu.memref_slice %arg4[%add3A_153, %dma_wait3A_175] : memref<425984x32xf32, #tpu.memory_space<hbm>> -> memref<1664x32xf32, #tpu.memory_space<hbm>>
    %dma_wait3A_177 = arith.constant 0 : i32
    %dma_wait3A_178 = tpu.memref_slice %arg4[%add3A_153, %dma_wait3A_177] : memref<425984x32xf32, #tpu.memory_space<hbm>> -> memref<1664x32xf32, #tpu.memory_space<hbm>>
    %dma_wait3A_179 = arith.constant 0 : i32
    %dma_wait3A_180 = arith.constant 0 : i32
    %dma_wait3A_181 = tpu.memref_slice %arg6[%dma_wait3A_170, %dma_wait3A_179, %dma_wait3A_180] : memref<2x1664x32xf32, #tpu.memory_space<vmem>> -> memref<1x1664x32xf32, #tpu.memory_space<vmem>>
    %dma_wait3A_182 = tpu.memref_squeeze %dma_wait3A_181 : memref<1x1664x32xf32, #tpu.memory_space<vmem>> -> memref<1664x32xf32, #tpu.memory_space<vmem>>
    tpu.wait_dma2 semaphore(%arg8 : memref<!tpu.dma_semaphore, #tpu.memory_space<semaphore_mem>>) src(%dma_wait3A_182 : memref<1664x32xf32, #tpu.memory_space<vmem>>) dst(%dma_wait3A_178 : memref<1664x32xf32, #tpu.memory_space<hbm>>)
    %dma_start3A_183 = arith.constant 0 : i32
    %dma_start3A_184 = arith.constant 0 : i32
    %dma_start3A_185 = arith.constant 0 : i32
    %dma_start3A_186 = arith.constant 0 : i32
    %dma_start3A_187 = tpu.memref_slice %arg6[%dma_start3A_184, %dma_start3A_185, %dma_start3A_186] : memref<2x1664x32xf32, #tpu.memory_space<vmem>> -> memref<1x1664x32xf32, #tpu.memory_space<vmem>>
    %dma_start3A_188 = tpu.memref_squeeze %dma_start3A_187 : memref<1x1664x32xf32, #tpu.memory_space<vmem>> -> memref<1664x32xf32, #tpu.memory_space<vmem>>
    %dma_start3A_189 = arith.constant 0 : i32
    %dma_start3A_190 = tpu.memref_slice %arg5[%dma_start3A_183, %dma_start3A_189] : memref<2x1664xi32, #tpu.memory_space<vmem>> -> memref<1x1664xi32, #tpu.memory_space<vmem>>
    %dma_start3A_191 = tpu.memref_squeeze %dma_start3A_190 : memref<1x1664xi32, #tpu.memory_space<vmem>> -> memref<1664xi32, #tpu.memory_space<vmem>>
    %dma_start3A_192 = arith.constant 0 : i32
    %dma_start3A_193 = arith.constant 0 : i32
    %dma_start3A_194 = tpu.memref_slice %arg3[%dma_start3A_192, %dma_start3A_193] : memref<1000000x32xf32, #tpu.memory_space<hbm>> -> memref<1000000x32xf32, #tpu.memory_space<hbm>>
    tpu.enqueue_indirect_dma source(%dma_start3A_194 : memref<1000000x32xf32, #tpu.memory_space<hbm>>) target(%dma_start3A_188 : memref<1664x32xf32, #tpu.memory_space<vmem>>) offsets(%dma_start3A_191 : memref<1664xi32, #tpu.memory_space<vmem>>) semaphore(%arg7 : memref<!tpu.dma_semaphore, #tpu.memory_space<semaphore_mem>>)
    %dma_wait3A_195 = arith.constant 1 : i32
    %dma_wait3A_196 = arith.constant 1 : i32
    %dma_wait3A_197 = arith.constant 0 : i32
    %dma_wait3A_198 = arith.constant 0 : i32
    %dma_wait3A_199 = tpu.memref_slice %arg6[%dma_wait3A_196, %dma_wait3A_197, %dma_wait3A_198] : memref<2x1664x32xf32, #tpu.memory_space<vmem>> -> memref<1x1664x32xf32, #tpu.memory_space<vmem>>
    %dma_wait3A_200 = tpu.memref_squeeze %dma_wait3A_199 : memref<1x1664x32xf32, #tpu.memory_space<vmem>> -> memref<1664x32xf32, #tpu.memory_space<vmem>>
    %dma_wait3A_201 = arith.constant 0 : i32
    %dma_wait3A_202 = tpu.memref_slice %arg5[%dma_wait3A_195, %dma_wait3A_201] : memref<2x1664xi32, #tpu.memory_space<vmem>> -> memref<1x1664xi32, #tpu.memory_space<vmem>>
    %dma_wait3A_203 = tpu.memref_squeeze %dma_wait3A_202 : memref<1x1664xi32, #tpu.memory_space<vmem>> -> memref<1664xi32, #tpu.memory_space<vmem>>
    %dma_wait3A_204 = arith.constant 0 : i32
    %dma_wait3A_205 = arith.constant 0 : i32
    %dma_wait3A_206 = tpu.memref_slice %arg3[%dma_wait3A_204, %dma_wait3A_205] : memref<1000000x32xf32, #tpu.memory_space<hbm>> -> memref<1000000x32xf32, #tpu.memory_space<hbm>>
    tpu.wait_indirect_dma semaphore(%arg7 : memref<!tpu.dma_semaphore, #tpu.memory_space<semaphore_mem>>) src(%dma_wait3A_206 : memref<1000000x32xf32, #tpu.memory_space<hbm>>) dst(%dma_wait3A_200 : memref<1664x32xf32, #tpu.memory_space<vmem>>)
    %add3A_207 = arith.constant 4992 : i32
    %add3A_208 = arith.addi %mul3A_2, %add3A_207 : i32
    %dma_start3A_209 = arith.constant 1 : i32
    %dma_start3A_210 = arith.constant 0 : i32
    %dma_start3A_211 = arith.constant 0 : i32
    %dma_start3A_212 = tpu.memref_slice %arg6[%dma_start3A_209, %dma_start3A_210, %dma_start3A_211] : memref<2x1664x32xf32, #tpu.memory_space<vmem>> -> memref<1x1664x32xf32, #tpu.memory_space<vmem>>
    %dma_start3A_213 = tpu.memref_squeeze %dma_start3A_212 : memref<1x1664x32xf32, #tpu.memory_space<vmem>> -> memref<1664x32xf32, #tpu.memory_space<vmem>>
    %dma_start3A_214 = arith.constant 0 : i32
    %dma_start3A_215 = tpu.memref_slice %arg4[%add3A_208, %dma_start3A_214] : memref<425984x32xf32, #tpu.memory_space<hbm>> -> memref<1664x32xf32, #tpu.memory_space<hbm>>
    %dma_start3A_216 = arith.constant 0 : i32
    %dma_start3A_217 = tpu.memref_slice %arg4[%add3A_208, %dma_start3A_216] : memref<425984x32xf32, #tpu.memory_space<hbm>> -> memref<1664x32xf32, #tpu.memory_space<hbm>>
    %dma_start3A_218 = arith.constant 0 : i32
    %dma_start3A_219 = arith.constant 0 : i32
    %dma_start3A_220 = tpu.memref_slice %arg6[%dma_start3A_209, %dma_start3A_218, %dma_start3A_219] : memref<2x1664x32xf32, #tpu.memory_space<vmem>> -> memref<1x1664x32xf32, #tpu.memory_space<vmem>>
    %dma_start3A_221 = tpu.memref_squeeze %dma_start3A_220 : memref<1x1664x32xf32, #tpu.memory_space<vmem>> -> memref<1664x32xf32, #tpu.memory_space<vmem>>
    tpu.enqueue_dma source(%dma_start3A_221 : memref<1664x32xf32, #tpu.memory_space<vmem>>) target(%dma_start3A_217 : memref<1664x32xf32, #tpu.memory_space<hbm>>) target_semaphore(%arg8 : memref<!tpu.dma_semaphore, #tpu.memory_space<semaphore_mem>>)
    %add3A_222 = arith.constant 8320 : i32
    %add3A_223 = arith.addi %mul3A_2, %add3A_222 : i32
    %run_scoped3A_224 = arith.constant 1 : i32
    "tpu.region"() ({
      %run_scoped3A_440 = tpu.sem_alloc : memref<!tpu.dma_semaphore, #tpu.memory_space<semaphore_mem>>
      %dma_start3A_441 = arith.constant 0 : i32
      %dma_start3A_442 = tpu.memref_slice %arg5[%run_scoped3A_224, %dma_start3A_441] : memref<2x1664xi32, #tpu.memory_space<vmem>> -> memref<1x1664xi32, #tpu.memory_space<vmem>>
      %dma_start3A_443 = tpu.memref_squeeze %dma_start3A_442 : memref<1x1664xi32, #tpu.memory_space<vmem>> -> memref<1664xi32, #tpu.memory_space<vmem>>
      %dma_start3A_444 = tpu.memref_slice %arg2[%add3A_223] : memref<425984xi32, #tpu.memory_space<hbm>> -> memref<1664xi32, #tpu.memory_space<hbm>>
      %dma_start3A_445 = arith.constant 0 : i32
      %dma_start3A_446 = tpu.memref_slice %arg5[%run_scoped3A_224, %dma_start3A_445] : memref<2x1664xi32, #tpu.memory_space<vmem>> -> memref<1x1664xi32, #tpu.memory_space<vmem>>
      %dma_start3A_447 = tpu.memref_squeeze %dma_start3A_446 : memref<1x1664xi32, #tpu.memory_space<vmem>> -> memref<1664xi32, #tpu.memory_space<vmem>>
      %dma_start3A_448 = tpu.memref_slice %arg2[%add3A_223] : memref<425984xi32, #tpu.memory_space<hbm>> -> memref<1664xi32, #tpu.memory_space<hbm>>
      tpu.enqueue_dma source(%dma_start3A_448 : memref<1664xi32, #tpu.memory_space<hbm>>) target(%dma_start3A_447 : memref<1664xi32, #tpu.memory_space<vmem>>) target_semaphore(%run_scoped3A_440 : memref<!tpu.dma_semaphore, #tpu.memory_space<semaphore_mem>>)
      %dma_wait3A_449 = arith.constant 0 : i32
      %dma_wait3A_450 = tpu.memref_slice %arg5[%run_scoped3A_224, %dma_wait3A_449] : memref<2x1664xi32, #tpu.memory_space<vmem>> -> memref<1x1664xi32, #tpu.memory_space<vmem>>
      %dma_wait3A_451 = tpu.memref_squeeze %dma_wait3A_450 : memref<1x1664xi32, #tpu.memory_space<vmem>> -> memref<1664xi32, #tpu.memory_space<vmem>>
      %dma_wait3A_452 = tpu.memref_slice %arg2[%add3A_223] : memref<425984xi32, #tpu.memory_space<hbm>> -> memref<1664xi32, #tpu.memory_space<hbm>>
      %dma_wait3A_453 = arith.constant 0 : i32
      %dma_wait3A_454 = tpu.memref_slice %arg5[%run_scoped3A_224, %dma_wait3A_453] : memref<2x1664xi32, #tpu.memory_space<vmem>> -> memref<1x1664xi32, #tpu.memory_space<vmem>>
      %dma_wait3A_455 = tpu.memref_squeeze %dma_wait3A_454 : memref<1x1664xi32, #tpu.memory_space<vmem>> -> memref<1664xi32, #tpu.memory_space<vmem>>
      %dma_wait3A_456 = tpu.memref_slice %arg2[%add3A_223] : memref<425984xi32, #tpu.memory_space<hbm>> -> memref<1664xi32, #tpu.memory_space<hbm>>
      tpu.wait_dma2 semaphore(%run_scoped3A_440 : memref<!tpu.dma_semaphore, #tpu.memory_space<semaphore_mem>>) src(%dma_wait3A_456 : memref<1664xi32, #tpu.memory_space<hbm>>) dst(%dma_wait3A_455 : memref<1664xi32, #tpu.memory_space<vmem>>)
      tpu.yield
    }) : () -> ()
    %dma_wait3A_225 = arith.constant 1 : i32
    %dma_wait3A_226 = arith.constant 0 : i32
    %dma_wait3A_227 = arith.constant 0 : i32
    %dma_wait3A_228 = tpu.memref_slice %arg6[%dma_wait3A_225, %dma_wait3A_226, %dma_wait3A_227] : memref<2x1664x32xf32, #tpu.memory_space<vmem>> -> memref<1x1664x32xf32, #tpu.memory_space<vmem>>
    %dma_wait3A_229 = tpu.memref_squeeze %dma_wait3A_228 : memref<1x1664x32xf32, #tpu.memory_space<vmem>> -> memref<1664x32xf32, #tpu.memory_space<vmem>>
    %dma_wait3A_230 = arith.constant 0 : i32
    %dma_wait3A_231 = tpu.memref_slice %arg4[%add3A_208, %dma_wait3A_230] : memref<425984x32xf32, #tpu.memory_space<hbm>> -> memref<1664x32xf32, #tpu.memory_space<hbm>>
    %dma_wait3A_232 = arith.constant 0 : i32
    %dma_wait3A_233 = tpu.memref_slice %arg4[%add3A_208, %dma_wait3A_232] : memref<425984x32xf32, #tpu.memory_space<hbm>> -> memref<1664x32xf32, #tpu.memory_space<hbm>>
    %dma_wait3A_234 = arith.constant 0 : i32
    %dma_wait3A_235 = arith.constant 0 : i32
    %dma_wait3A_236 = tpu.memref_slice %arg6[%dma_wait3A_225, %dma_wait3A_234, %dma_wait3A_235] : memref<2x1664x32xf32, #tpu.memory_space<vmem>> -> memref<1x1664x32xf32, #tpu.memory_space<vmem>>
    %dma_wait3A_237 = tpu.memref_squeeze %dma_wait3A_236 : memref<1x1664x32xf32, #tpu.memory_space<vmem>> -> memref<1664x32xf32, #tpu.memory_space<vmem>>
    tpu.wait_dma2 semaphore(%arg8 : memref<!tpu.dma_semaphore, #tpu.memory_space<semaphore_mem>>) src(%dma_wait3A_237 : memref<1664x32xf32, #tpu.memory_space<vmem>>) dst(%dma_wait3A_233 : memref<1664x32xf32, #tpu.memory_space<hbm>>)
    %dma_start3A_238 = arith.constant 1 : i32
    %dma_start3A_239 = arith.constant 1 : i32
    %dma_start3A_240 = arith.constant 0 : i32
    %dma_start3A_241 = arith.constant 0 : i32
    %dma_start3A_242 = tpu.memref_slice %arg6[%dma_start3A_239, %dma_start3A_240, %dma_start3A_241] : memref<2x1664x32xf32, #tpu.memory_space<vmem>> -> memref<1x1664x32xf32, #tpu.memory_space<vmem>>
    %dma_start3A_243 = tpu.memref_squeeze %dma_start3A_242 : memref<1x1664x32xf32, #tpu.memory_space<vmem>> -> memref<1664x32xf32, #tpu.memory_space<vmem>>
    %dma_start3A_244 = arith.constant 0 : i32
    %dma_start3A_245 = tpu.memref_slice %arg5[%dma_start3A_238, %dma_start3A_244] : memref<2x1664xi32, #tpu.memory_space<vmem>> -> memref<1x1664xi32, #tpu.memory_space<vmem>>
    %dma_start3A_246 = tpu.memref_squeeze %dma_start3A_245 : memref<1x1664xi32, #tpu.memory_space<vmem>> -> memref<1664xi32, #tpu.memory_space<vmem>>
    %dma_start3A_247 = arith.constant 0 : i32
    %dma_start3A_248 = arith.constant 0 : i32
    %dma_start3A_249 = tpu.memref_slice %arg3[%dma_start3A_247, %dma_start3A_248] : memref<1000000x32xf32, #tpu.memory_space<hbm>> -> memref<1000000x32xf32, #tpu.memory_space<hbm>>
    tpu.enqueue_indirect_dma source(%dma_start3A_249 : memref<1000000x32xf32, #tpu.memory_space<hbm>>) target(%dma_start3A_243 : memref<1664x32xf32, #tpu.memory_space<vmem>>) offsets(%dma_start3A_246 : memref<1664xi32, #tpu.memory_space<vmem>>) semaphore(%arg7 : memref<!tpu.dma_semaphore, #tpu.memory_space<semaphore_mem>>)
    %dma_wait3A_250 = arith.constant 0 : i32
    %dma_wait3A_251 = arith.constant 0 : i32
    %dma_wait3A_252 = arith.constant 0 : i32
    %dma_wait3A_253 = arith.constant 0 : i32
    %dma_wait3A_254 = tpu.memref_slice %arg6[%dma_wait3A_251, %dma_wait3A_252, %dma_wait3A_253] : memref<2x1664x32xf32, #tpu.memory_space<vmem>> -> memref<1x1664x32xf32, #tpu.memory_space<vmem>>
    %dma_wait3A_255 = tpu.memref_squeeze %dma_wait3A_254 : memref<1x1664x32xf32, #tpu.memory_space<vmem>> -> memref<1664x32xf32, #tpu.memory_space<vmem>>
    %dma_wait3A_256 = arith.constant 0 : i32
    %dma_wait3A_257 = tpu.memref_slice %arg5[%dma_wait3A_250, %dma_wait3A_256] : memref<2x1664xi32, #tpu.memory_space<vmem>> -> memref<1x1664xi32, #tpu.memory_space<vmem>>
    %dma_wait3A_258 = tpu.memref_squeeze %dma_wait3A_257 : memref<1x1664xi32, #tpu.memory_space<vmem>> -> memref<1664xi32, #tpu.memory_space<vmem>>
    %dma_wait3A_259 = arith.constant 0 : i32
    %dma_wait3A_260 = arith.constant 0 : i32
    %dma_wait3A_261 = tpu.memref_slice %arg3[%dma_wait3A_259, %dma_wait3A_260] : memref<1000000x32xf32, #tpu.memory_space<hbm>> -> memref<1000000x32xf32, #tpu.memory_space<hbm>>
    tpu.wait_indirect_dma semaphore(%arg7 : memref<!tpu.dma_semaphore, #tpu.memory_space<semaphore_mem>>) src(%dma_wait3A_261 : memref<1000000x32xf32, #tpu.memory_space<hbm>>) dst(%dma_wait3A_255 : memref<1664x32xf32, #tpu.memory_space<vmem>>)
    %add3A_262 = arith.constant 6656 : i32
    %add3A_263 = arith.addi %mul3A_2, %add3A_262 : i32
    %dma_start3A_264 = arith.constant 0 : i32
    %dma_start3A_265 = arith.constant 0 : i32
    %dma_start3A_266 = arith.constant 0 : i32
    %dma_start3A_267 = tpu.memref_slice %arg6[%dma_start3A_264, %dma_start3A_265, %dma_start3A_266] : memref<2x1664x32xf32, #tpu.memory_space<vmem>> -> memref<1x1664x32xf32, #tpu.memory_space<vmem>>
    %dma_start3A_268 = tpu.memref_squeeze %dma_start3A_267 : memref<1x1664x32xf32, #tpu.memory_space<vmem>> -> memref<1664x32xf32, #tpu.memory_space<vmem>>
    %dma_start3A_269 = arith.constant 0 : i32
    %dma_start3A_270 = tpu.memref_slice %arg4[%add3A_263, %dma_start3A_269] : memref<425984x32xf32, #tpu.memory_space<hbm>> -> memref<1664x32xf32, #tpu.memory_space<hbm>>
    %dma_start3A_271 = arith.constant 0 : i32
    %dma_start3A_272 = tpu.memref_slice %arg4[%add3A_263, %dma_start3A_271] : memref<425984x32xf32, #tpu.memory_space<hbm>> -> memref<1664x32xf32, #tpu.memory_space<hbm>>
    %dma_start3A_273 = arith.constant 0 : i32
    %dma_start3A_274 = arith.constant 0 : i32
    %dma_start3A_275 = tpu.memref_slice %arg6[%dma_start3A_264, %dma_start3A_273, %dma_start3A_274] : memref<2x1664x32xf32, #tpu.memory_space<vmem>> -> memref<1x1664x32xf32, #tpu.memory_space<vmem>>
    %dma_start3A_276 = tpu.memref_squeeze %dma_start3A_275 : memref<1x1664x32xf32, #tpu.memory_space<vmem>> -> memref<1664x32xf32, #tpu.memory_space<vmem>>
    tpu.enqueue_dma source(%dma_start3A_276 : memref<1664x32xf32, #tpu.memory_space<vmem>>) target(%dma_start3A_272 : memref<1664x32xf32, #tpu.memory_space<hbm>>) target_semaphore(%arg8 : memref<!tpu.dma_semaphore, #tpu.memory_space<semaphore_mem>>)
    %add3A_277 = arith.constant 9984 : i32
    %add3A_278 = arith.addi %mul3A_2, %add3A_277 : i32
    %run_scoped3A_279 = arith.constant 0 : i32
    "tpu.region"() ({
      %run_scoped3A_440 = tpu.sem_alloc : memref<!tpu.dma_semaphore, #tpu.memory_space<semaphore_mem>>
      %dma_start3A_441 = arith.constant 0 : i32
      %dma_start3A_442 = tpu.memref_slice %arg5[%run_scoped3A_279, %dma_start3A_441] : memref<2x1664xi32, #tpu.memory_space<vmem>> -> memref<1x1664xi32, #tpu.memory_space<vmem>>
      %dma_start3A_443 = tpu.memref_squeeze %dma_start3A_442 : memref<1x1664xi32, #tpu.memory_space<vmem>> -> memref<1664xi32, #tpu.memory_space<vmem>>
      %dma_start3A_444 = tpu.memref_slice %arg2[%add3A_278] : memref<425984xi32, #tpu.memory_space<hbm>> -> memref<1664xi32, #tpu.memory_space<hbm>>
      %dma_start3A_445 = arith.constant 0 : i32
      %dma_start3A_446 = tpu.memref_slice %arg5[%run_scoped3A_279, %dma_start3A_445] : memref<2x1664xi32, #tpu.memory_space<vmem>> -> memref<1x1664xi32, #tpu.memory_space<vmem>>
      %dma_start3A_447 = tpu.memref_squeeze %dma_start3A_446 : memref<1x1664xi32, #tpu.memory_space<vmem>> -> memref<1664xi32, #tpu.memory_space<vmem>>
      %dma_start3A_448 = tpu.memref_slice %arg2[%add3A_278] : memref<425984xi32, #tpu.memory_space<hbm>> -> memref<1664xi32, #tpu.memory_space<hbm>>
      tpu.enqueue_dma source(%dma_start3A_448 : memref<1664xi32, #tpu.memory_space<hbm>>) target(%dma_start3A_447 : memref<1664xi32, #tpu.memory_space<vmem>>) target_semaphore(%run_scoped3A_440 : memref<!tpu.dma_semaphore, #tpu.memory_space<semaphore_mem>>)
      %dma_wait3A_449 = arith.constant 0 : i32
      %dma_wait3A_450 = tpu.memref_slice %arg5[%run_scoped3A_279, %dma_wait3A_449] : memref<2x1664xi32, #tpu.memory_space<vmem>> -> memref<1x1664xi32, #tpu.memory_space<vmem>>
      %dma_wait3A_451 = tpu.memref_squeeze %dma_wait3A_450 : memref<1x1664xi32, #tpu.memory_space<vmem>> -> memref<1664xi32, #tpu.memory_space<vmem>>
      %dma_wait3A_452 = tpu.memref_slice %arg2[%add3A_278] : memref<425984xi32, #tpu.memory_space<hbm>> -> memref<1664xi32, #tpu.memory_space<hbm>>
      %dma_wait3A_453 = arith.constant 0 : i32
      %dma_wait3A_454 = tpu.memref_slice %arg5[%run_scoped3A_279, %dma_wait3A_453] : memref<2x1664xi32, #tpu.memory_space<vmem>> -> memref<1x1664xi32, #tpu.memory_space<vmem>>
      %dma_wait3A_455 = tpu.memref_squeeze %dma_wait3A_454 : memref<1x1664xi32, #tpu.memory_space<vmem>> -> memref<1664xi32, #tpu.memory_space<vmem>>
      %dma_wait3A_456 = tpu.memref_slice %arg2[%add3A_278] : memref<425984xi32, #tpu.memory_space<hbm>> -> memref<1664xi32, #tpu.memory_space<hbm>>
      tpu.wait_dma2 semaphore(%run_scoped3A_440 : memref<!tpu.dma_semaphore, #tpu.memory_space<semaphore_mem>>) src(%dma_wait3A_456 : memref<1664xi32, #tpu.memory_space<hbm>>) dst(%dma_wait3A_455 : memref<1664xi32, #tpu.memory_space<vmem>>)
      tpu.yield
    }) : () -> ()
    %dma_wait3A_280 = arith.constant 0 : i32
    %dma_wait3A_281 = arith.constant 0 : i32
    %dma_wait3A_282 = arith.constant 0 : i32
    %dma_wait3A_283 = tpu.memref_slice %arg6[%dma_wait3A_280, %dma_wait3A_281, %dma_wait3A_282] : memref<2x1664x32xf32, #tpu.memory_space<vmem>> -> memref<1x1664x32xf32, #tpu.memory_space<vmem>>
    %dma_wait3A_284 = tpu.memref_squeeze %dma_wait3A_283 : memref<1x1664x32xf32, #tpu.memory_space<vmem>> -> memref<1664x32xf32, #tpu.memory_space<vmem>>
    %dma_wait3A_285 = arith.constant 0 : i32
    %dma_wait3A_286 = tpu.memref_slice %arg4[%add3A_263, %dma_wait3A_285] : memref<425984x32xf32, #tpu.memory_space<hbm>> -> memref<1664x32xf32, #tpu.memory_space<hbm>>
    %dma_wait3A_287 = arith.constant 0 : i32
    %dma_wait3A_288 = tpu.memref_slice %arg4[%add3A_263, %dma_wait3A_287] : memref<425984x32xf32, #tpu.memory_space<hbm>> -> memref<1664x32xf32, #tpu.memory_space<hbm>>
    %dma_wait3A_289 = arith.constant 0 : i32
    %dma_wait3A_290 = arith.constant 0 : i32
    %dma_wait3A_291 = tpu.memref_slice %arg6[%dma_wait3A_280, %dma_wait3A_289, %dma_wait3A_290] : memref<2x1664x32xf32, #tpu.memory_space<vmem>> -> memref<1x1664x32xf32, #tpu.memory_space<vmem>>
    %dma_wait3A_292 = tpu.memref_squeeze %dma_wait3A_291 : memref<1x1664x32xf32, #tpu.memory_space<vmem>> -> memref<1664x32xf32, #tpu.memory_space<vmem>>
    tpu.wait_dma2 semaphore(%arg8 : memref<!tpu.dma_semaphore, #tpu.memory_space<semaphore_mem>>) src(%dma_wait3A_292 : memref<1664x32xf32, #tpu.memory_space<vmem>>) dst(%dma_wait3A_288 : memref<1664x32xf32, #tpu.memory_space<hbm>>)
    %dma_start3A_293 = arith.constant 0 : i32
    %dma_start3A_294 = arith.constant 0 : i32
    %dma_start3A_295 = arith.constant 0 : i32
    %dma_start3A_296 = arith.constant 0 : i32
    %dma_start3A_297 = tpu.memref_slice %arg6[%dma_start3A_294, %dma_start3A_295, %dma_start3A_296] : memref<2x1664x32xf32, #tpu.memory_space<vmem>> -> memref<1x1664x32xf32, #tpu.memory_space<vmem>>
    %dma_start3A_298 = tpu.memref_squeeze %dma_start3A_297 : memref<1x1664x32xf32, #tpu.memory_space<vmem>> -> memref<1664x32xf32, #tpu.memory_space<vmem>>
    %dma_start3A_299 = arith.constant 0 : i32
    %dma_start3A_300 = tpu.memref_slice %arg5[%dma_start3A_293, %dma_start3A_299] : memref<2x1664xi32, #tpu.memory_space<vmem>> -> memref<1x1664xi32, #tpu.memory_space<vmem>>
    %dma_start3A_301 = tpu.memref_squeeze %dma_start3A_300 : memref<1x1664xi32, #tpu.memory_space<vmem>> -> memref<1664xi32, #tpu.memory_space<vmem>>
    %dma_start3A_302 = arith.constant 0 : i32
    %dma_start3A_303 = arith.constant 0 : i32
    %dma_start3A_304 = tpu.memref_slice %arg3[%dma_start3A_302, %dma_start3A_303] : memref<1000000x32xf32, #tpu.memory_space<hbm>> -> memref<1000000x32xf32, #tpu.memory_space<hbm>>
    tpu.enqueue_indirect_dma source(%dma_start3A_304 : memref<1000000x32xf32, #tpu.memory_space<hbm>>) target(%dma_start3A_298 : memref<1664x32xf32, #tpu.memory_space<vmem>>) offsets(%dma_start3A_301 : memref<1664xi32, #tpu.memory_space<vmem>>) semaphore(%arg7 : memref<!tpu.dma_semaphore, #tpu.memory_space<semaphore_mem>>)
    %dma_wait3A_305 = arith.constant 1 : i32
    %dma_wait3A_306 = arith.constant 1 : i32
    %dma_wait3A_307 = arith.constant 0 : i32
    %dma_wait3A_308 = arith.constant 0 : i32
    %dma_wait3A_309 = tpu.memref_slice %arg6[%dma_wait3A_306, %dma_wait3A_307, %dma_wait3A_308] : memref<2x1664x32xf32, #tpu.memory_space<vmem>> -> memref<1x1664x32xf32, #tpu.memory_space<vmem>>
    %dma_wait3A_310 = tpu.memref_squeeze %dma_wait3A_309 : memref<1x1664x32xf32, #tpu.memory_space<vmem>> -> memref<1664x32xf32, #tpu.memory_space<vmem>>
    %dma_wait3A_311 = arith.constant 0 : i32
    %dma_wait3A_312 = tpu.memref_slice %arg5[%dma_wait3A_305, %dma_wait3A_311] : memref<2x1664xi32, #tpu.memory_space<vmem>> -> memref<1x1664xi32, #tpu.memory_space<vmem>>
    %dma_wait3A_313 = tpu.memref_squeeze %dma_wait3A_312 : memref<1x1664xi32, #tpu.memory_space<vmem>> -> memref<1664xi32, #tpu.memory_space<vmem>>
    %dma_wait3A_314 = arith.constant 0 : i32
    %dma_wait3A_315 = arith.constant 0 : i32
    %dma_wait3A_316 = tpu.memref_slice %arg3[%dma_wait3A_314, %dma_wait3A_315] : memref<1000000x32xf32, #tpu.memory_space<hbm>> -> memref<1000000x32xf32, #tpu.memory_space<hbm>>
    tpu.wait_indirect_dma semaphore(%arg7 : memref<!tpu.dma_semaphore, #tpu.memory_space<semaphore_mem>>) src(%dma_wait3A_316 : memref<1000000x32xf32, #tpu.memory_space<hbm>>) dst(%dma_wait3A_310 : memref<1664x32xf32, #tpu.memory_space<vmem>>)
    %add3A_317 = arith.constant 8320 : i32
    %add3A_318 = arith.addi %mul3A_2, %add3A_317 : i32
    %dma_start3A_319 = arith.constant 1 : i32
    %dma_start3A_320 = arith.constant 0 : i32
    %dma_start3A_321 = arith.constant 0 : i32
    %dma_start3A_322 = tpu.memref_slice %arg6[%dma_start3A_319, %dma_start3A_320, %dma_start3A_321] : memref<2x1664x32xf32, #tpu.memory_space<vmem>> -> memref<1x1664x32xf32, #tpu.memory_space<vmem>>
    %dma_start3A_323 = tpu.memref_squeeze %dma_start3A_322 : memref<1x1664x32xf32, #tpu.memory_space<vmem>> -> memref<1664x32xf32, #tpu.memory_space<vmem>>
    %dma_start3A_324 = arith.constant 0 : i32
    %dma_start3A_325 = tpu.memref_slice %arg4[%add3A_318, %dma_start3A_324] : memref<425984x32xf32, #tpu.memory_space<hbm>> -> memref<1664x32xf32, #tpu.memory_space<hbm>>
    %dma_start3A_326 = arith.constant 0 : i32
    %dma_start3A_327 = tpu.memref_slice %arg4[%add3A_318, %dma_start3A_326] : memref<425984x32xf32, #tpu.memory_space<hbm>> -> memref<1664x32xf32, #tpu.memory_space<hbm>>
    %dma_start3A_328 = arith.constant 0 : i32
    %dma_start3A_329 = arith.constant 0 : i32
    %dma_start3A_330 = tpu.memref_slice %arg6[%dma_start3A_319, %dma_start3A_328, %dma_start3A_329] : memref<2x1664x32xf32, #tpu.memory_space<vmem>> -> memref<1x1664x32xf32, #tpu.memory_space<vmem>>
    %dma_start3A_331 = tpu.memref_squeeze %dma_start3A_330 : memref<1x1664x32xf32, #tpu.memory_space<vmem>> -> memref<1664x32xf32, #tpu.memory_space<vmem>>
    tpu.enqueue_dma source(%dma_start3A_331 : memref<1664x32xf32, #tpu.memory_space<vmem>>) target(%dma_start3A_327 : memref<1664x32xf32, #tpu.memory_space<hbm>>) target_semaphore(%arg8 : memref<!tpu.dma_semaphore, #tpu.memory_space<semaphore_mem>>)
    %add3A_332 = arith.constant 11648 : i32
    %add3A_333 = arith.addi %mul3A_2, %add3A_332 : i32
    %run_scoped3A_334 = arith.constant 1 : i32
    "tpu.region"() ({
      %run_scoped3A_440 = tpu.sem_alloc : memref<!tpu.dma_semaphore, #tpu.memory_space<semaphore_mem>>
      %dma_start3A_441 = arith.constant 0 : i32
      %dma_start3A_442 = tpu.memref_slice %arg5[%run_scoped3A_334, %dma_start3A_441] : memref<2x1664xi32, #tpu.memory_space<vmem>> -> memref<1x1664xi32, #tpu.memory_space<vmem>>
      %dma_start3A_443 = tpu.memref_squeeze %dma_start3A_442 : memref<1x1664xi32, #tpu.memory_space<vmem>> -> memref<1664xi32, #tpu.memory_space<vmem>>
      %dma_start3A_444 = tpu.memref_slice %arg2[%add3A_333] : memref<425984xi32, #tpu.memory_space<hbm>> -> memref<1664xi32, #tpu.memory_space<hbm>>
      %dma_start3A_445 = arith.constant 0 : i32
      %dma_start3A_446 = tpu.memref_slice %arg5[%run_scoped3A_334, %dma_start3A_445] : memref<2x1664xi32, #tpu.memory_space<vmem>> -> memref<1x1664xi32, #tpu.memory_space<vmem>>
      %dma_start3A_447 = tpu.memref_squeeze %dma_start3A_446 : memref<1x1664xi32, #tpu.memory_space<vmem>> -> memref<1664xi32, #tpu.memory_space<vmem>>
      %dma_start3A_448 = tpu.memref_slice %arg2[%add3A_333] : memref<425984xi32, #tpu.memory_space<hbm>> -> memref<1664xi32, #tpu.memory_space<hbm>>
      tpu.enqueue_dma source(%dma_start3A_448 : memref<1664xi32, #tpu.memory_space<hbm>>) target(%dma_start3A_447 : memref<1664xi32, #tpu.memory_space<vmem>>) target_semaphore(%run_scoped3A_440 : memref<!tpu.dma_semaphore, #tpu.memory_space<semaphore_mem>>)
      %dma_wait3A_449 = arith.constant 0 : i32
      %dma_wait3A_450 = tpu.memref_slice %arg5[%run_scoped3A_334, %dma_wait3A_449] : memref<2x1664xi32, #tpu.memory_space<vmem>> -> memref<1x1664xi32, #tpu.memory_space<vmem>>
      %dma_wait3A_451 = tpu.memref_squeeze %dma_wait3A_450 : memref<1x1664xi32, #tpu.memory_space<vmem>> -> memref<1664xi32, #tpu.memory_space<vmem>>
      %dma_wait3A_452 = tpu.memref_slice %arg2[%add3A_333] : memref<425984xi32, #tpu.memory_space<hbm>> -> memref<1664xi32, #tpu.memory_space<hbm>>
      %dma_wait3A_453 = arith.constant 0 : i32
      %dma_wait3A_454 = tpu.memref_slice %arg5[%run_scoped3A_334, %dma_wait3A_453] : memref<2x1664xi32, #tpu.memory_space<vmem>> -> memref<1x1664xi32, #tpu.memory_space<vmem>>
      %dma_wait3A_455 = tpu.memref_squeeze %dma_wait3A_454 : memref<1x1664xi32, #tpu.memory_space<vmem>> -> memref<1664xi32, #tpu.memory_space<vmem>>
      %dma_wait3A_456 = tpu.memref_slice %arg2[%add3A_333] : memref<425984xi32, #tpu.memory_space<hbm>> -> memref<1664xi32, #tpu.memory_space<hbm>>
      tpu.wait_dma2 semaphore(%run_scoped3A_440 : memref<!tpu.dma_semaphore, #tpu.memory_space<semaphore_mem>>) src(%dma_wait3A_456 : memref<1664xi32, #tpu.memory_space<hbm>>) dst(%dma_wait3A_455 : memref<1664xi32, #tpu.memory_space<vmem>>)
      tpu.yield
    }) : () -> ()
    %dma_wait3A_335 = arith.constant 1 : i32
    %dma_wait3A_336 = arith.constant 0 : i32
    %dma_wait3A_337 = arith.constant 0 : i32
    %dma_wait3A_338 = tpu.memref_slice %arg6[%dma_wait3A_335, %dma_wait3A_336, %dma_wait3A_337] : memref<2x1664x32xf32, #tpu.memory_space<vmem>> -> memref<1x1664x32xf32, #tpu.memory_space<vmem>>
    %dma_wait3A_339 = tpu.memref_squeeze %dma_wait3A_338 : memref<1x1664x32xf32, #tpu.memory_space<vmem>> -> memref<1664x32xf32, #tpu.memory_space<vmem>>
    %dma_wait3A_340 = arith.constant 0 : i32
    %dma_wait3A_341 = tpu.memref_slice %arg4[%add3A_318, %dma_wait3A_340] : memref<425984x32xf32, #tpu.memory_space<hbm>> -> memref<1664x32xf32, #tpu.memory_space<hbm>>
    %dma_wait3A_342 = arith.constant 0 : i32
    %dma_wait3A_343 = tpu.memref_slice %arg4[%add3A_318, %dma_wait3A_342] : memref<425984x32xf32, #tpu.memory_space<hbm>> -> memref<1664x32xf32, #tpu.memory_space<hbm>>
    %dma_wait3A_344 = arith.constant 0 : i32
    %dma_wait3A_345 = arith.constant 0 : i32
    %dma_wait3A_346 = tpu.memref_slice %arg6[%dma_wait3A_335, %dma_wait3A_344, %dma_wait3A_345] : memref<2x1664x32xf32, #tpu.memory_space<vmem>> -> memref<1x1664x32xf32, #tpu.memory_space<vmem>>
    %dma_wait3A_347 = tpu.memref_squeeze %dma_wait3A_346 : memref<1x1664x32xf32, #tpu.memory_space<vmem>> -> memref<1664x32xf32, #tpu.memory_space<vmem>>
    tpu.wait_dma2 semaphore(%arg8 : memref<!tpu.dma_semaphore, #tpu.memory_space<semaphore_mem>>) src(%dma_wait3A_347 : memref<1664x32xf32, #tpu.memory_space<vmem>>) dst(%dma_wait3A_343 : memref<1664x32xf32, #tpu.memory_space<hbm>>)
    %dma_start3A_348 = arith.constant 1 : i32
    %dma_start3A_349 = arith.constant 1 : i32
    %dma_start3A_350 = arith.constant 0 : i32
    %dma_start3A_351 = arith.constant 0 : i32
    %dma_start3A_352 = tpu.memref_slice %arg6[%dma_start3A_349, %dma_start3A_350, %dma_start3A_351] : memref<2x1664x32xf32, #tpu.memory_space<vmem>> -> memref<1x1664x32xf32, #tpu.memory_space<vmem>>
    %dma_start3A_353 = tpu.memref_squeeze %dma_start3A_352 : memref<1x1664x32xf32, #tpu.memory_space<vmem>> -> memref<1664x32xf32, #tpu.memory_space<vmem>>
    %dma_start3A_354 = arith.constant 0 : i32
    %dma_start3A_355 = tpu.memref_slice %arg5[%dma_start3A_348, %dma_start3A_354] : memref<2x1664xi32, #tpu.memory_space<vmem>> -> memref<1x1664xi32, #tpu.memory_space<vmem>>
    %dma_start3A_356 = tpu.memref_squeeze %dma_start3A_355 : memref<1x1664xi32, #tpu.memory_space<vmem>> -> memref<1664xi32, #tpu.memory_space<vmem>>
    %dma_start3A_357 = arith.constant 0 : i32
    %dma_start3A_358 = arith.constant 0 : i32
    %dma_start3A_359 = tpu.memref_slice %arg3[%dma_start3A_357, %dma_start3A_358] : memref<1000000x32xf32, #tpu.memory_space<hbm>> -> memref<1000000x32xf32, #tpu.memory_space<hbm>>
    tpu.enqueue_indirect_dma source(%dma_start3A_359 : memref<1000000x32xf32, #tpu.memory_space<hbm>>) target(%dma_start3A_353 : memref<1664x32xf32, #tpu.memory_space<vmem>>) offsets(%dma_start3A_356 : memref<1664xi32, #tpu.memory_space<vmem>>) semaphore(%arg7 : memref<!tpu.dma_semaphore, #tpu.memory_space<semaphore_mem>>)
    %dma_wait3A_360 = arith.constant 0 : i32
    %dma_wait3A_361 = arith.constant 0 : i32
    %dma_wait3A_362 = arith.constant 0 : i32
    %dma_wait3A_363 = arith.constant 0 : i32
    %dma_wait3A_364 = tpu.memref_slice %arg6[%dma_wait3A_361, %dma_wait3A_362, %dma_wait3A_363] : memref<2x1664x32xf32, #tpu.memory_space<vmem>> -> memref<1x1664x32xf32, #tpu.memory_space<vmem>>
    %dma_wait3A_365 = tpu.memref_squeeze %dma_wait3A_364 : memref<1x1664x32xf32, #tpu.memory_space<vmem>> -> memref<1664x32xf32, #tpu.memory_space<vmem>>
    %dma_wait3A_366 = arith.constant 0 : i32
    %dma_wait3A_367 = tpu.memref_slice %arg5[%dma_wait3A_360, %dma_wait3A_366] : memref<2x1664xi32, #tpu.memory_space<vmem>> -> memref<1x1664xi32, #tpu.memory_space<vmem>>
    %dma_wait3A_368 = tpu.memref_squeeze %dma_wait3A_367 : memref<1x1664xi32, #tpu.memory_space<vmem>> -> memref<1664xi32, #tpu.memory_space<vmem>>
    %dma_wait3A_369 = arith.constant 0 : i32
    %dma_wait3A_370 = arith.constant 0 : i32
    %dma_wait3A_371 = tpu.memref_slice %arg3[%dma_wait3A_369, %dma_wait3A_370] : memref<1000000x32xf32, #tpu.memory_space<hbm>> -> memref<1000000x32xf32, #tpu.memory_space<hbm>>
    tpu.wait_indirect_dma semaphore(%arg7 : memref<!tpu.dma_semaphore, #tpu.memory_space<semaphore_mem>>) src(%dma_wait3A_371 : memref<1000000x32xf32, #tpu.memory_space<hbm>>) dst(%dma_wait3A_365 : memref<1664x32xf32, #tpu.memory_space<vmem>>)
    %add3A_372 = arith.constant 9984 : i32
    %add3A_373 = arith.addi %mul3A_2, %add3A_372 : i32
    %dma_start3A_374 = arith.constant 0 : i32
    %dma_start3A_375 = arith.constant 0 : i32
    %dma_start3A_376 = arith.constant 0 : i32
    %dma_start3A_377 = tpu.memref_slice %arg6[%dma_start3A_374, %dma_start3A_375, %dma_start3A_376] : memref<2x1664x32xf32, #tpu.memory_space<vmem>> -> memref<1x1664x32xf32, #tpu.memory_space<vmem>>
    %dma_start3A_378 = tpu.memref_squeeze %dma_start3A_377 : memref<1x1664x32xf32, #tpu.memory_space<vmem>> -> memref<1664x32xf32, #tpu.memory_space<vmem>>
    %dma_start3A_379 = arith.constant 0 : i32
    %dma_start3A_380 = tpu.memref_slice %arg4[%add3A_373, %dma_start3A_379] : memref<425984x32xf32, #tpu.memory_space<hbm>> -> memref<1664x32xf32, #tpu.memory_space<hbm>>
    %dma_start3A_381 = arith.constant 0 : i32
    %dma_start3A_382 = tpu.memref_slice %arg4[%add3A_373, %dma_start3A_381] : memref<425984x32xf32, #tpu.memory_space<hbm>> -> memref<1664x32xf32, #tpu.memory_space<hbm>>
    %dma_start3A_383 = arith.constant 0 : i32
    %dma_start3A_384 = arith.constant 0 : i32
    %dma_start3A_385 = tpu.memref_slice %arg6[%dma_start3A_374, %dma_start3A_383, %dma_start3A_384] : memref<2x1664x32xf32, #tpu.memory_space<vmem>> -> memref<1x1664x32xf32, #tpu.memory_space<vmem>>
    %dma_start3A_386 = tpu.memref_squeeze %dma_start3A_385 : memref<1x1664x32xf32, #tpu.memory_space<vmem>> -> memref<1664x32xf32, #tpu.memory_space<vmem>>
    tpu.enqueue_dma source(%dma_start3A_386 : memref<1664x32xf32, #tpu.memory_space<vmem>>) target(%dma_start3A_382 : memref<1664x32xf32, #tpu.memory_space<hbm>>) target_semaphore(%arg8 : memref<!tpu.dma_semaphore, #tpu.memory_space<semaphore_mem>>)
    %dma_wait3A_387 = arith.constant 1 : i32
    %dma_wait3A_388 = arith.constant 1 : i32
    %dma_wait3A_389 = arith.constant 0 : i32
    %dma_wait3A_390 = arith.constant 0 : i32
    %dma_wait3A_391 = tpu.memref_slice %arg6[%dma_wait3A_388, %dma_wait3A_389, %dma_wait3A_390] : memref<2x1664x32xf32, #tpu.memory_space<vmem>> -> memref<1x1664x32xf32, #tpu.memory_space<vmem>>
    %dma_wait3A_392 = tpu.memref_squeeze %dma_wait3A_391 : memref<1x1664x32xf32, #tpu.memory_space<vmem>> -> memref<1664x32xf32, #tpu.memory_space<vmem>>
    %dma_wait3A_393 = arith.constant 0 : i32
    %dma_wait3A_394 = tpu.memref_slice %arg5[%dma_wait3A_387, %dma_wait3A_393] : memref<2x1664xi32, #tpu.memory_space<vmem>> -> memref<1x1664xi32, #tpu.memory_space<vmem>>
    %dma_wait3A_395 = tpu.memref_squeeze %dma_wait3A_394 : memref<1x1664xi32, #tpu.memory_space<vmem>> -> memref<1664xi32, #tpu.memory_space<vmem>>
    %dma_wait3A_396 = arith.constant 0 : i32
    %dma_wait3A_397 = arith.constant 0 : i32
    %dma_wait3A_398 = tpu.memref_slice %arg3[%dma_wait3A_396, %dma_wait3A_397] : memref<1000000x32xf32, #tpu.memory_space<hbm>> -> memref<1000000x32xf32, #tpu.memory_space<hbm>>
    tpu.wait_indirect_dma semaphore(%arg7 : memref<!tpu.dma_semaphore, #tpu.memory_space<semaphore_mem>>) src(%dma_wait3A_398 : memref<1000000x32xf32, #tpu.memory_space<hbm>>) dst(%dma_wait3A_392 : memref<1664x32xf32, #tpu.memory_space<vmem>>)
    %add3A_399 = arith.constant 11648 : i32
    %add3A_400 = arith.addi %mul3A_2, %add3A_399 : i32
    %dma_start3A_401 = arith.constant 1 : i32
    %dma_start3A_402 = arith.constant 0 : i32
    %dma_start3A_403 = arith.constant 0 : i32
    %dma_start3A_404 = tpu.memref_slice %arg6[%dma_start3A_401, %dma_start3A_402, %dma_start3A_403] : memref<2x1664x32xf32, #tpu.memory_space<vmem>> -> memref<1x1664x32xf32, #tpu.memory_space<vmem>>
    %dma_start3A_405 = tpu.memref_squeeze %dma_start3A_404 : memref<1x1664x32xf32, #tpu.memory_space<vmem>> -> memref<1664x32xf32, #tpu.memory_space<vmem>>
    %dma_start3A_406 = arith.constant 0 : i32
    %dma_start3A_407 = tpu.memref_slice %arg4[%add3A_400, %dma_start3A_406] : memref<425984x32xf32, #tpu.memory_space<hbm>> -> memref<1664x32xf32, #tpu.memory_space<hbm>>
    %dma_start3A_408 = arith.constant 0 : i32
    %dma_start3A_409 = tpu.memref_slice %arg4[%add3A_400, %dma_start3A_408] : memref<425984x32xf32, #tpu.memory_space<hbm>> -> memref<1664x32xf32, #tpu.memory_space<hbm>>
    %dma_start3A_410 = arith.constant 0 : i32
    %dma_start3A_411 = arith.constant 0 : i32
    %dma_start3A_412 = tpu.memref_slice %arg6[%dma_start3A_401, %dma_start3A_410, %dma_start3A_411] : memref<2x1664x32xf32, #tpu.memory_space<vmem>> -> memref<1x1664x32xf32, #tpu.memory_space<vmem>>
    %dma_start3A_413 = tpu.memref_squeeze %dma_start3A_412 : memref<1x1664x32xf32, #tpu.memory_space<vmem>> -> memref<1664x32xf32, #tpu.memory_space<vmem>>
    tpu.enqueue_dma source(%dma_start3A_413 : memref<1664x32xf32, #tpu.memory_space<vmem>>) target(%dma_start3A_409 : memref<1664x32xf32, #tpu.memory_space<hbm>>) target_semaphore(%arg8 : memref<!tpu.dma_semaphore, #tpu.memory_space<semaphore_mem>>)
    %dma_wait3A_414 = arith.constant 0 : i32
    %dma_wait3A_415 = arith.constant 0 : i32
    %dma_wait3A_416 = arith.constant 0 : i32
    %dma_wait3A_417 = tpu.memref_slice %arg6[%dma_wait3A_414, %dma_wait3A_415, %dma_wait3A_416] : memref<2x1664x32xf32, #tpu.memory_space<vmem>> -> memref<1x1664x32xf32, #tpu.memory_space<vmem>>
    %dma_wait3A_418 = tpu.memref_squeeze %dma_wait3A_417 : memref<1x1664x32xf32, #tpu.memory_space<vmem>> -> memref<1664x32xf32, #tpu.memory_space<vmem>>
    %dma_wait3A_419 = arith.constant 0 : i32
    %dma_wait3A_420 = tpu.memref_slice %arg4[%add3A_373, %dma_wait3A_419] : memref<425984x32xf32, #tpu.memory_space<hbm>> -> memref<1664x32xf32, #tpu.memory_space<hbm>>
    %dma_wait3A_421 = arith.constant 0 : i32
    %dma_wait3A_422 = tpu.memref_slice %arg4[%add3A_373, %dma_wait3A_421] : memref<425984x32xf32, #tpu.memory_space<hbm>> -> memref<1664x32xf32, #tpu.memory_space<hbm>>
    %dma_wait3A_423 = arith.constant 0 : i32
    %dma_wait3A_424 = arith.constant 0 : i32
    %dma_wait3A_425 = tpu.memref_slice %arg6[%dma_wait3A_414, %dma_wait3A_423, %dma_wait3A_424] : memref<2x1664x32xf32, #tpu.memory_space<vmem>> -> memref<1x1664x32xf32, #tpu.memory_space<vmem>>
    %dma_wait3A_426 = tpu.memref_squeeze %dma_wait3A_425 : memref<1x1664x32xf32, #tpu.memory_space<vmem>> -> memref<1664x32xf32, #tpu.memory_space<vmem>>
    tpu.wait_dma2 semaphore(%arg8 : memref<!tpu.dma_semaphore, #tpu.memory_space<semaphore_mem>>) src(%dma_wait3A_426 : memref<1664x32xf32, #tpu.memory_space<vmem>>) dst(%dma_wait3A_422 : memref<1664x32xf32, #tpu.memory_space<hbm>>)
    %dma_wait3A_427 = arith.constant 1 : i32
    %dma_wait3A_428 = arith.constant 0 : i32
    %dma_wait3A_429 = arith.constant 0 : i32
    %dma_wait3A_430 = tpu.memref_slice %arg6[%dma_wait3A_427, %dma_wait3A_428, %dma_wait3A_429] : memref<2x1664x32xf32, #tpu.memory_space<vmem>> -> memref<1x1664x32xf32, #tpu.memory_space<vmem>>
    %dma_wait3A_431 = tpu.memref_squeeze %dma_wait3A_430 : memref<1x1664x32xf32, #tpu.memory_space<vmem>> -> memref<1664x32xf32, #tpu.memory_space<vmem>>
    %dma_wait3A_432 = arith.constant 0 : i32
    %dma_wait3A_433 = tpu.memref_slice %arg4[%add3A_400, %dma_wait3A_432] : memref<425984x32xf32, #tpu.memory_space<hbm>> -> memref<1664x32xf32, #tpu.memory_space<hbm>>
    %dma_wait3A_434 = arith.constant 0 : i32
    %dma_wait3A_435 = tpu.memref_slice %arg4[%add3A_400, %dma_wait3A_434] : memref<425984x32xf32, #tpu.memory_space<hbm>> -> memref<1664x32xf32, #tpu.memory_space<hbm>>
    %dma_wait3A_436 = arith.constant 0 : i32
    %dma_wait3A_437 = arith.constant 0 : i32
    %dma_wait3A_438 = tpu.memref_slice %arg6[%dma_wait3A_427, %dma_wait3A_436, %dma_wait3A_437] : memref<2x1664x32xf32, #tpu.memory_space<vmem>> -> memref<1x1664x32xf32, #tpu.memory_space<vmem>>
    %dma_wait3A_439 = tpu.memref_squeeze %dma_wait3A_438 : memref<1x1664x32xf32, #tpu.memory_space<vmem>> -> memref<1664x32xf32, #tpu.memory_space<vmem>>
    tpu.wait_dma2 semaphore(%arg8 : memref<!tpu.dma_semaphore, #tpu.memory_space<semaphore_mem>>) src(%dma_wait3A_439 : memref<1664x32xf32, #tpu.memory_space<vmem>>) dst(%dma_wait3A_435 : memref<1664x32xf32, #tpu.memory_space<hbm>>)
    return
  }
}

#map = affine_map<(d0, d1) -> (0, 0)>
#map1 = affine_map<(d0, d1) -> (0, 0, 0)>
module attributes {stable_mosaic.version = 14 : i64} {
  func.func @k3(%arg0: i32, %arg1: i32, %arg2: memref<106496x128xf32, #tpu.memory_space<hbm>>, %arg3: memref<26x32x16384xf32, #tpu.memory_space<hbm>>, %arg4: memref<2x128x132xf32, #tpu.memory_space<vmem>>, %arg5: memref<2x32x512xf32, #tpu.memory_space<vmem>>, %arg6: memref<!tpu.dma_semaphore, #tpu.memory_space<semaphore_mem>>, %arg7: memref<!tpu.dma_semaphore, #tpu.memory_space<semaphore_mem>>, %arg8: memref<!tpu.dma_semaphore, #tpu.memory_space<semaphore_mem>>, %arg9: memref<!tpu.dma_semaphore, #tpu.memory_space<semaphore_mem>>) attributes {dimension_semantics = [#tpu.dimension_semantics<core_parallel>, #tpu.dimension_semantics<subcore_parallel>], iteration_bounds = array<i64: 2, 16>, scalar_prefetch = 0 : i64, scratch_operands = 6 : i64, tpu.core_type = #tpu.core_type<sc_vector_subcore>, window_params = [{transform_indices = #map}, {transform_indices = #map1}]} {
    %mul3A = arith.constant 2 : i32
    %mul3A_0 = arith.muli %arg1, %mul3A : i32
    %add3A = arith.addi %mul3A_0, %arg0 : i32
    %mul3A_1 = arith.constant 26 : i32
    %mul3A_2 = arith.muli %add3A, %mul3A_1 : i32
    %iota3A = tpu.iota {dimensions = array<i32: 0>} : vector<16xi32>
    %shift_right_logical3A = arith.constant 2 : i32
    %shift_right_logical3A_3 = vector.broadcast %shift_right_logical3A : i32 to vector<16xi32>
    %shift_right_logical3A_4 = arith.shrui %iota3A, %shift_right_logical3A_3 : vector<16xi32>
    %and3A = arith.constant 3 : i32
    %and3A_5 = vector.broadcast %and3A : i32 to vector<16xi32>
    %and3A_6 = arith.andi %iota3A, %and3A_5 : vector<16xi32>
    %shift_left3A = arith.constant 5 : i32
    %shift_left3A_7 = vector.broadcast %shift_left3A : i32 to vector<16xi32>
    %shift_left3A_8 = arith.shli %and3A_6, %shift_left3A_7 : vector<16xi32>
    %add3A_9 = arith.constant 0 : i32
    %add3A_10 = arith.addi %mul3A_2, %add3A_9 : i32
    %jit3A = arith.constant 32 : i32
    %div3A = arith.divsi %add3A_10, %jit3A : i32
    %sign3A = arith.constant 0 : i32
    %sign3A_11 = arith.cmpi sgt, %add3A_10, %sign3A : i32
    %sign3A_12 = arith.extui %sign3A_11 : i1 to i32
    %sign3A_13 = arith.constant 0 : i32
    %sign3A_14 = arith.cmpi slt, %add3A_10, %sign3A_13 : i32
    %sign3A_15 = arith.extui %sign3A_14 : i1 to i32
    %sign3A_16 = arith.subi %sign3A_12, %sign3A_15 : i32
    %sign3A_17 = arith.constant 0 : i32
    %sign3A_18 = arith.cmpi sgt, %jit3A, %sign3A_17 : i32
    %sign3A_19 = arith.extui %sign3A_18 : i1 to i32
    %sign3A_20 = arith.constant 0 : i32
    %sign3A_21 = arith.cmpi slt, %jit3A, %sign3A_20 : i32
    %sign3A_22 = arith.extui %sign3A_21 : i1 to i32
    %sign3A_23 = arith.subi %sign3A_19, %sign3A_22 : i32
    %ne3A = arith.cmpi ne, %sign3A_16, %sign3A_23 : i32
    %rem3A = arith.remsi %add3A_10, %jit3A : i32
    %ne3A_24 = arith.constant 0 : i32
    %ne3A_25 = arith.cmpi ne, %rem3A, %ne3A_24 : i32
    %and3A_26 = arith.andi %ne3A, %ne3A_25 : i1
    %sub3A = arith.constant 1 : i32
    %sub3A_27 = arith.subi %div3A, %sub3A : i32
    %select_n3A = arith.select %and3A_26, %sub3A_27, %div3A : i32
    %jit3A_28 = arith.constant 32 : i32
    %eq3A = arith.constant 0 : i32
    %eq3A_29 = arith.cmpi eq, %jit3A_28, %eq3A : i32
    %jit3A_30 = arith.constant 1 : i32
    %select_n3A_31 = arith.select %eq3A_29, %jit3A_30, %jit3A_28 : i32
    %rem3A_32 = arith.remsi %add3A_10, %select_n3A_31 : i32
    %ne3A_33 = arith.constant 0 : i32
    %ne3A_34 = arith.cmpi ne, %rem3A_32, %ne3A_33 : i32
    %lt3A = arith.constant 0 : i32
    %lt3A_35 = arith.cmpi slt, %rem3A_32, %lt3A : i32
    %lt3A_36 = arith.constant 0 : i32
    %lt3A_37 = arith.cmpi slt, %select_n3A_31, %lt3A_36 : i32
    %ne3A_38 = arith.xori %lt3A_35, %lt3A_37 : i1
    %and3A_39 = arith.andi %ne3A_38, %ne3A_34 : i1
    %add3A_40 = arith.addi %rem3A_32, %select_n3A_31 : i32
    %select_n3A_41 = arith.select %and3A_39, %add3A_40, %rem3A_32 : i32
    %mul3A_42 = arith.constant 512 : i32
    %mul3A_43 = arith.muli %select_n3A_41, %mul3A_42 : i32
    %multiple_of3A = tpu.assume_multiple %mul3A_43, 512 : i32
    %mul3A_44 = arith.constant 4096 : i32
    %mul3A_45 = arith.muli %select_n3A, %mul3A_44 : i32
    %mul3A_46 = arith.constant 128 : i32
    %mul3A_47 = arith.muli %select_n3A_41, %mul3A_46 : i32
    %add3A_48 = arith.addi %mul3A_45, %mul3A_47 : i32
    %multiple_of3A_49 = tpu.assume_multiple %add3A_48, 128 : i32
    %dma_start3A = arith.constant 0 : i32
    %dma_start3A_50 = arith.constant 0 : i32
    %dma_start3A_51 = arith.constant 0 : i32
    %dma_start3A_52 = tpu.memref_slice %arg4[%dma_start3A, %dma_start3A_50, %dma_start3A_51] : memref<2x128x132xf32, #tpu.memory_space<vmem>> -> memref<1x128x128xf32, #tpu.memory_space<vmem>>
    %dma_start3A_53 = tpu.memref_squeeze %dma_start3A_52 : memref<1x128x128xf32, #tpu.memory_space<vmem>> -> memref<128x128xf32, #tpu.memory_space<vmem>>
    %dma_start3A_54 = arith.constant 0 : i32
    %dma_start3A_55 = tpu.memref_slice %arg2[%multiple_of3A_49, %dma_start3A_54] : memref<106496x128xf32, #tpu.memory_space<hbm>> -> memref<128x128xf32, #tpu.memory_space<hbm>>
    %dma_start3A_56 = arith.constant 0 : i32
    %dma_start3A_57 = arith.constant 0 : i32
    %dma_start3A_58 = tpu.memref_slice %arg4[%dma_start3A, %dma_start3A_56, %dma_start3A_57] : memref<2x128x132xf32, #tpu.memory_space<vmem>> -> memref<1x128x128xf32, #tpu.memory_space<vmem>>
    %dma_start3A_59 = tpu.memref_squeeze %dma_start3A_58 : memref<1x128x128xf32, #tpu.memory_space<vmem>> -> memref<128x128xf32, #tpu.memory_space<vmem>>
    %dma_start3A_60 = arith.constant 0 : i32
    %dma_start3A_61 = tpu.memref_slice %arg2[%multiple_of3A_49, %dma_start3A_60] : memref<106496x128xf32, #tpu.memory_space<hbm>> -> memref<128x128xf32, #tpu.memory_space<hbm>>
    tpu.enqueue_dma source(%dma_start3A_61 : memref<128x128xf32, #tpu.memory_space<hbm>>) target(%dma_start3A_59 : memref<128x128xf32, #tpu.memory_space<vmem>>) target_semaphore(%arg6 : memref<!tpu.dma_semaphore, #tpu.memory_space<semaphore_mem>>)
    %add3A_62 = arith.constant 1 : i32
    %add3A_63 = arith.addi %mul3A_2, %add3A_62 : i32
    %jit3A_64 = arith.constant 32 : i32
    %div3A_65 = arith.divsi %add3A_63, %jit3A_64 : i32
    %sign3A_66 = arith.constant 0 : i32
    %sign3A_67 = arith.cmpi sgt, %add3A_63, %sign3A_66 : i32
    %sign3A_68 = arith.extui %sign3A_67 : i1 to i32
    %sign3A_69 = arith.constant 0 : i32
    %sign3A_70 = arith.cmpi slt, %add3A_63, %sign3A_69 : i32
    %sign3A_71 = arith.extui %sign3A_70 : i1 to i32
    %sign3A_72 = arith.subi %sign3A_68, %sign3A_71 : i32
    %sign3A_73 = arith.constant 0 : i32
    %sign3A_74 = arith.cmpi sgt, %jit3A_64, %sign3A_73 : i32
    %sign3A_75 = arith.extui %sign3A_74 : i1 to i32
    %sign3A_76 = arith.constant 0 : i32
    %sign3A_77 = arith.cmpi slt, %jit3A_64, %sign3A_76 : i32
    %sign3A_78 = arith.extui %sign3A_77 : i1 to i32
    %sign3A_79 = arith.subi %sign3A_75, %sign3A_78 : i32
    %ne3A_80 = arith.cmpi ne, %sign3A_72, %sign3A_79 : i32
    %rem3A_81 = arith.remsi %add3A_63, %jit3A_64 : i32
    %ne3A_82 = arith.constant 0 : i32
    %ne3A_83 = arith.cmpi ne, %rem3A_81, %ne3A_82 : i32
    %and3A_84 = arith.andi %ne3A_80, %ne3A_83 : i1
    %sub3A_85 = arith.constant 1 : i32
    %sub3A_86 = arith.subi %div3A_65, %sub3A_85 : i32
    %select_n3A_87 = arith.select %and3A_84, %sub3A_86, %div3A_65 : i32
    %jit3A_88 = arith.constant 32 : i32
    %eq3A_89 = arith.constant 0 : i32
    %eq3A_90 = arith.cmpi eq, %jit3A_88, %eq3A_89 : i32
    %jit3A_91 = arith.constant 1 : i32
    %select_n3A_92 = arith.select %eq3A_90, %jit3A_91, %jit3A_88 : i32
    %rem3A_93 = arith.remsi %add3A_63, %select_n3A_92 : i32
    %ne3A_94 = arith.constant 0 : i32
    %ne3A_95 = arith.cmpi ne, %rem3A_93, %ne3A_94 : i32
    %lt3A_96 = arith.constant 0 : i32
    %lt3A_97 = arith.cmpi slt, %rem3A_93, %lt3A_96 : i32
    %lt3A_98 = arith.constant 0 : i32
    %lt3A_99 = arith.cmpi slt, %select_n3A_92, %lt3A_98 : i32
    %ne3A_100 = arith.xori %lt3A_97, %lt3A_99 : i1
    %and3A_101 = arith.andi %ne3A_100, %ne3A_95 : i1
    %add3A_102 = arith.addi %rem3A_93, %select_n3A_92 : i32
    %select_n3A_103 = arith.select %and3A_101, %add3A_102, %rem3A_93 : i32
    %mul3A_104 = arith.constant 512 : i32
    %mul3A_105 = arith.muli %select_n3A_103, %mul3A_104 : i32
    %multiple_of3A_106 = tpu.assume_multiple %mul3A_105, 512 : i32
    %mul3A_107 = arith.constant 4096 : i32
    %mul3A_108 = arith.muli %select_n3A_87, %mul3A_107 : i32
    %mul3A_109 = arith.constant 128 : i32
    %mul3A_110 = arith.muli %select_n3A_103, %mul3A_109 : i32
    %add3A_111 = arith.addi %mul3A_108, %mul3A_110 : i32
    %multiple_of3A_112 = tpu.assume_multiple %add3A_111, 128 : i32
    %dma_start3A_113 = arith.constant 1 : i32
    %dma_start3A_114 = arith.constant 0 : i32
    %dma_start3A_115 = arith.constant 0 : i32
    %dma_start3A_116 = tpu.memref_slice %arg4[%dma_start3A_113, %dma_start3A_114, %dma_start3A_115] : memref<2x128x132xf32, #tpu.memory_space<vmem>> -> memref<1x128x128xf32, #tpu.memory_space<vmem>>
    %dma_start3A_117 = tpu.memref_squeeze %dma_start3A_116 : memref<1x128x128xf32, #tpu.memory_space<vmem>> -> memref<128x128xf32, #tpu.memory_space<vmem>>
    %dma_start3A_118 = arith.constant 0 : i32
    %dma_start3A_119 = tpu.memref_slice %arg2[%multiple_of3A_112, %dma_start3A_118] : memref<106496x128xf32, #tpu.memory_space<hbm>> -> memref<128x128xf32, #tpu.memory_space<hbm>>
    %dma_start3A_120 = arith.constant 0 : i32
    %dma_start3A_121 = arith.constant 0 : i32
    %dma_start3A_122 = tpu.memref_slice %arg4[%dma_start3A_113, %dma_start3A_120, %dma_start3A_121] : memref<2x128x132xf32, #tpu.memory_space<vmem>> -> memref<1x128x128xf32, #tpu.memory_space<vmem>>
    %dma_start3A_123 = tpu.memref_squeeze %dma_start3A_122 : memref<1x128x128xf32, #tpu.memory_space<vmem>> -> memref<128x128xf32, #tpu.memory_space<vmem>>
    %dma_start3A_124 = arith.constant 0 : i32
    %dma_start3A_125 = tpu.memref_slice %arg2[%multiple_of3A_112, %dma_start3A_124] : memref<106496x128xf32, #tpu.memory_space<hbm>> -> memref<128x128xf32, #tpu.memory_space<hbm>>
    tpu.enqueue_dma source(%dma_start3A_125 : memref<128x128xf32, #tpu.memory_space<hbm>>) target(%dma_start3A_123 : memref<128x128xf32, #tpu.memory_space<vmem>>) target_semaphore(%arg7 : memref<!tpu.dma_semaphore, #tpu.memory_space<semaphore_mem>>)
    %scan3A = arith.constant 0 : i32
    %scan3A_126 = arith.constant 13 : i32
    %scan3A_127 = arith.addi %scan3A, %scan3A_126 : i32
    %scan3A_128 = arith.constant 1 : i32
    scf.for %scan3A_165 = %scan3A to %scan3A_127 step %scan3A_128  : i32 {
      %mul3A_166 = arith.constant 2 : i32
      %mul3A_167 = arith.muli %mul3A_166, %scan3A_165 : i32
      %add3A_168 = arith.addi %mul3A_2, %mul3A_167 : i32
      %dma_wait3A_169 = arith.constant 0 : i32
      %dma_wait3A_170 = arith.constant 0 : i32
      %dma_wait3A_171 = arith.constant 0 : i32
      %dma_wait3A_172 = tpu.memref_slice %arg4[%dma_wait3A_169, %dma_wait3A_170, %dma_wait3A_171] : memref<2x128x132xf32, #tpu.memory_space<vmem>> -> memref<1x128x128xf32, #tpu.memory_space<vmem>>
      %dma_wait3A_173 = tpu.memref_squeeze %dma_wait3A_172 : memref<1x128x128xf32, #tpu.memory_space<vmem>> -> memref<128x128xf32, #tpu.memory_space<vmem>>
      %dma_wait3A_174 = arith.constant 0 : i32
      %dma_wait3A_175 = arith.constant 0 : i32
      %dma_wait3A_176 = tpu.memref_slice %arg2[%dma_wait3A_174, %dma_wait3A_175] : memref<106496x128xf32, #tpu.memory_space<hbm>> -> memref<128x128xf32, #tpu.memory_space<hbm>>
      %dma_wait3A_177 = arith.constant 0 : i32
      %dma_wait3A_178 = arith.constant 0 : i32
      %dma_wait3A_179 = tpu.memref_slice %arg4[%dma_wait3A_169, %dma_wait3A_177, %dma_wait3A_178] : memref<2x128x132xf32, #tpu.memory_space<vmem>> -> memref<1x128x128xf32, #tpu.memory_space<vmem>>
      %dma_wait3A_180 = tpu.memref_squeeze %dma_wait3A_179 : memref<1x128x128xf32, #tpu.memory_space<vmem>> -> memref<128x128xf32, #tpu.memory_space<vmem>>
      %dma_wait3A_181 = arith.constant 0 : i32
      %dma_wait3A_182 = arith.constant 0 : i32
      %dma_wait3A_183 = tpu.memref_slice %arg2[%dma_wait3A_181, %dma_wait3A_182] : memref<106496x128xf32, #tpu.memory_space<hbm>> -> memref<128x128xf32, #tpu.memory_space<hbm>>
      tpu.wait_dma2 semaphore(%arg6 : memref<!tpu.dma_semaphore, #tpu.memory_space<semaphore_mem>>) src(%dma_wait3A_183 : memref<128x128xf32, #tpu.memory_space<hbm>>) dst(%dma_wait3A_180 : memref<128x128xf32, #tpu.memory_space<vmem>>)
      %gt3A = arith.constant 0 : i32
      %gt3A_184 = arith.cmpi sgt, %scan3A_165, %gt3A : i32
      %convert_element_type3A = arith.extui %gt3A_184 : i1 to i32
      %cond3A = arith.constant 0 : i32
      %cond3A_185 = arith.cmpi ne, %convert_element_type3A, %cond3A : i32
      scf.if %cond3A_185 {
        %dma_wait3A_368 = arith.constant 0 : i32
        %dma_wait3A_369 = arith.constant 0 : i32
        %dma_wait3A_370 = arith.constant 0 : i32
        %dma_wait3A_371 = arith.constant 0 : i32
        %dma_wait3A_372 = tpu.memref_slice %arg5[%dma_wait3A_368, %dma_wait3A_370, %dma_wait3A_371] : memref<2x32x512xf32, #tpu.memory_space<vmem>> -> memref<1x32x512xf32, #tpu.memory_space<vmem>>
        %dma_wait3A_373 = tpu.memref_squeeze %dma_wait3A_372 : memref<1x32x512xf32, #tpu.memory_space<vmem>> -> memref<32x512xf32, #tpu.memory_space<vmem>>
        %dma_wait3A_374 = arith.constant 0 : i32
        %dma_wait3A_375 = arith.constant 0 : i32
        %dma_wait3A_376 = tpu.memref_slice %arg3[%dma_wait3A_369, %dma_wait3A_374, %dma_wait3A_375] : memref<26x32x16384xf32, #tpu.memory_space<hbm>> -> memref<1x32x512xf32, #tpu.memory_space<hbm>>
        %dma_wait3A_377 = tpu.memref_squeeze %dma_wait3A_376 : memref<1x32x512xf32, #tpu.memory_space<hbm>> -> memref<32x512xf32, #tpu.memory_space<hbm>>
        %dma_wait3A_378 = arith.constant 0 : i32
        %dma_wait3A_379 = arith.constant 0 : i32
        %dma_wait3A_380 = tpu.memref_slice %arg3[%dma_wait3A_369, %dma_wait3A_378, %dma_wait3A_379] : memref<26x32x16384xf32, #tpu.memory_space<hbm>> -> memref<1x32x512xf32, #tpu.memory_space<hbm>>
        %dma_wait3A_381 = tpu.memref_squeeze %dma_wait3A_380 : memref<1x32x512xf32, #tpu.memory_space<hbm>> -> memref<32x512xf32, #tpu.memory_space<hbm>>
        %dma_wait3A_382 = arith.constant 0 : i32
        %dma_wait3A_383 = arith.constant 0 : i32
        %dma_wait3A_384 = tpu.memref_slice %arg5[%dma_wait3A_368, %dma_wait3A_382, %dma_wait3A_383] : memref<2x32x512xf32, #tpu.memory_space<vmem>> -> memref<1x32x512xf32, #tpu.memory_space<vmem>>
        %dma_wait3A_385 = tpu.memref_squeeze %dma_wait3A_384 : memref<1x32x512xf32, #tpu.memory_space<vmem>> -> memref<32x512xf32, #tpu.memory_space<vmem>>
        tpu.wait_dma2 semaphore(%arg8 : memref<!tpu.dma_semaphore, #tpu.memory_space<semaphore_mem>>) src(%dma_wait3A_385 : memref<32x512xf32, #tpu.memory_space<vmem>>) dst(%dma_wait3A_381 : memref<32x512xf32, #tpu.memory_space<hbm>>)
      } else {
      }
      %scan3A_186 = arith.constant 0 : i32
      %scan3A_187 = arith.constant 0 : i32
      %scan3A_188 = arith.constant 0 : i32
      %scan3A_189 = arith.constant 32 : i32
      %scan3A_190 = arith.addi %scan3A_188, %scan3A_189 : i32
      %scan3A_191 = arith.constant 1 : i32
      scf.for %scan3A_368 = %scan3A_188 to %scan3A_190 step %scan3A_191  : i32 {
        %add3A_369 = vector.broadcast %scan3A_368 : i32 to vector<16xi32>
        %add3A_370 = arith.addi %shift_left3A_8, %add3A_369 : vector<16xi32>
        %parallel_loop3A = arith.constant 0 : i32
        %parallel_loop3A_371 = arith.constant 32 : i32
        %parallel_loop3A_372 = arith.constant 1 : i32
        scf.for %parallel_loop3A_373 = %parallel_loop3A to %parallel_loop3A_371 step %parallel_loop3A_372  : i32 {
          %parallel_loop3A_374 = arith.constant 4 : i32
          %parallel_loop3A_375 = arith.muli %parallel_loop3A_374, %parallel_loop3A_373 : i32
          %parallel_loop3A_376 = vector.broadcast %parallel_loop3A_375 : i32 to vector<16xi32>
          %parallel_loop3A_377 = arith.addi %shift_right_logical3A_4, %parallel_loop3A_376 : vector<16xi32>
          %parallel_loop3A_378 = arith.constant 0 : i32
          %parallel_loop3A_379 = arith.constant 0 : i32
          %parallel_loop3A_380 = tpu.memref_slice %arg4[%scan3A_186, %parallel_loop3A_378, %parallel_loop3A_379] : memref<2x128x132xf32, #tpu.memory_space<vmem>> -> memref<1x128x132xf32, #tpu.memory_space<vmem>>
          %parallel_loop3A_381 = tpu.memref_squeeze %parallel_loop3A_380 : memref<1x128x132xf32, #tpu.memory_space<vmem>> -> memref<128x132xf32, #tpu.memory_space<vmem>>
          %parallel_loop3A_382 = tpu.vector_load_idx %parallel_loop3A_381[%parallel_loop3A_377, %add3A_370] : memref<128x132xf32, #tpu.memory_space<vmem>>[vector<16xi32>, vector<16xi32>], vector<16xf32>,
          %parallel_loop3A_383 = arith.constant 16 : i32
          %parallel_loop3A_384 = arith.muli %parallel_loop3A_383, %parallel_loop3A_373 : i32
          %parallel_loop3A_385 = arith.constant 0 : i32
          %parallel_loop3A_386 = arith.constant 0 : i32
          %parallel_loop3A_387 = tpu.memref_slice %arg5[%scan3A_187, %parallel_loop3A_385, %parallel_loop3A_386] : memref<2x32x512xf32, #tpu.memory_space<vmem>> -> memref<1x32x512xf32, #tpu.memory_space<vmem>>
          %parallel_loop3A_388 = tpu.memref_squeeze %parallel_loop3A_387 : memref<1x32x512xf32, #tpu.memory_space<vmem>> -> memref<32x512xf32, #tpu.memory_space<vmem>>
          %parallel_loop3A_389 = arith.index_cast %scan3A_368 : i32 to index
          %parallel_loop3A_390 = arith.index_cast %parallel_loop3A_384 : i32 to index
          %parallel_loop3A_391 = tpu.vector_load %parallel_loop3A_388[%parallel_loop3A_389, %parallel_loop3A_390] {strides = array<i32>} : memref<32x512xf32, #tpu.memory_space<vmem>>, vector<16xf32>,
          tpu.vector_store %parallel_loop3A_388[%parallel_loop3A_389, %parallel_loop3A_390], %parallel_loop3A_382 {strides = array<i32>} : memref<32x512xf32, #tpu.memory_space<vmem>>, vector<16xf32>,
        } {sc.loop_unroll_factor = 8 : i64, sc.parallel_access}
      }
      %scan3A_192 = arith.constant 32 : i32
      %mul3A_193 = arith.constant 2 : i32
      %mul3A_194 = arith.muli %mul3A_193, %scan3A_165 : i32
      %add3A_195 = arith.constant 2 : i32
      %add3A_196 = arith.addi %mul3A_194, %add3A_195 : i32
      %lt3A_197 = arith.constant 26 : i32
      %lt3A_198 = arith.cmpi slt, %add3A_196, %lt3A_197 : i32
      %convert_element_type3A_199 = arith.extui %lt3A_198 : i1 to i32
      %cond3A_200 = arith.constant 0 : i32
      %cond3A_201 = arith.cmpi ne, %convert_element_type3A_199, %cond3A_200 : i32
      scf.if %cond3A_201 {
        %add3A_368 = arith.constant 2 : i32
        %add3A_369 = arith.addi %add3A_168, %add3A_368 : i32
        %jit3A_370 = arith.constant 32 : i32
        %div3A_371 = arith.divsi %add3A_369, %jit3A_370 : i32
        %sign3A_372 = arith.constant 0 : i32
        %sign3A_373 = arith.cmpi sgt, %add3A_369, %sign3A_372 : i32
        %sign3A_374 = arith.extui %sign3A_373 : i1 to i32
        %sign3A_375 = arith.constant 0 : i32
        %sign3A_376 = arith.cmpi slt, %add3A_369, %sign3A_375 : i32
        %sign3A_377 = arith.extui %sign3A_376 : i1 to i32
        %sign3A_378 = arith.subi %sign3A_374, %sign3A_377 : i32
        %sign3A_379 = arith.constant 0 : i32
        %sign3A_380 = arith.cmpi sgt, %jit3A_370, %sign3A_379 : i32
        %sign3A_381 = arith.extui %sign3A_380 : i1 to i32
        %sign3A_382 = arith.constant 0 : i32
        %sign3A_383 = arith.cmpi slt, %jit3A_370, %sign3A_382 : i32
        %sign3A_384 = arith.extui %sign3A_383 : i1 to i32
        %sign3A_385 = arith.subi %sign3A_381, %sign3A_384 : i32
        %ne3A_386 = arith.cmpi ne, %sign3A_378, %sign3A_385 : i32
        %rem3A_387 = arith.remsi %add3A_369, %jit3A_370 : i32
        %ne3A_388 = arith.constant 0 : i32
        %ne3A_389 = arith.cmpi ne, %rem3A_387, %ne3A_388 : i32
        %and3A_390 = arith.andi %ne3A_386, %ne3A_389 : i1
        %sub3A_391 = arith.constant 1 : i32
        %sub3A_392 = arith.subi %div3A_371, %sub3A_391 : i32
        %select_n3A_393 = arith.select %and3A_390, %sub3A_392, %div3A_371 : i32
        %jit3A_394 = arith.constant 32 : i32
        %eq3A_395 = arith.constant 0 : i32
        %eq3A_396 = arith.cmpi eq, %jit3A_394, %eq3A_395 : i32
        %jit3A_397 = arith.constant 1 : i32
        %select_n3A_398 = arith.select %eq3A_396, %jit3A_397, %jit3A_394 : i32
        %rem3A_399 = arith.remsi %add3A_369, %select_n3A_398 : i32
        %ne3A_400 = arith.constant 0 : i32
        %ne3A_401 = arith.cmpi ne, %rem3A_399, %ne3A_400 : i32
        %lt3A_402 = arith.constant 0 : i32
        %lt3A_403 = arith.cmpi slt, %rem3A_399, %lt3A_402 : i32
        %lt3A_404 = arith.constant 0 : i32
        %lt3A_405 = arith.cmpi slt, %select_n3A_398, %lt3A_404 : i32
        %ne3A_406 = arith.xori %lt3A_403, %lt3A_405 : i1
        %and3A_407 = arith.andi %ne3A_406, %ne3A_401 : i1
        %add3A_408 = arith.addi %rem3A_399, %select_n3A_398 : i32
        %select_n3A_409 = arith.select %and3A_407, %add3A_408, %rem3A_399 : i32
        %mul3A_410 = arith.constant 512 : i32
        %mul3A_411 = arith.muli %select_n3A_409, %mul3A_410 : i32
        %multiple_of3A_412 = tpu.assume_multiple %mul3A_411, 512 : i32
        %mul3A_413 = arith.constant 4096 : i32
        %mul3A_414 = arith.muli %select_n3A_393, %mul3A_413 : i32
        %mul3A_415 = arith.constant 128 : i32
        %mul3A_416 = arith.muli %select_n3A_409, %mul3A_415 : i32
        %add3A_417 = arith.addi %mul3A_414, %mul3A_416 : i32
        %multiple_of3A_418 = tpu.assume_multiple %add3A_417, 128 : i32
        %dma_start3A_419 = arith.constant 0 : i32
        %dma_start3A_420 = arith.constant 0 : i32
        %dma_start3A_421 = arith.constant 0 : i32
        %dma_start3A_422 = tpu.memref_slice %arg4[%dma_start3A_419, %dma_start3A_420, %dma_start3A_421] : memref<2x128x132xf32, #tpu.memory_space<vmem>> -> memref<1x128x128xf32, #tpu.memory_space<vmem>>
        %dma_start3A_423 = tpu.memref_squeeze %dma_start3A_422 : memref<1x128x128xf32, #tpu.memory_space<vmem>> -> memref<128x128xf32, #tpu.memory_space<vmem>>
        %dma_start3A_424 = arith.constant 0 : i32
        %dma_start3A_425 = tpu.memref_slice %arg2[%multiple_of3A_418, %dma_start3A_424] : memref<106496x128xf32, #tpu.memory_space<hbm>> -> memref<128x128xf32, #tpu.memory_space<hbm>>
        %dma_start3A_426 = arith.constant 0 : i32
        %dma_start3A_427 = arith.constant 0 : i32
        %dma_start3A_428 = tpu.memref_slice %arg4[%dma_start3A_419, %dma_start3A_426, %dma_start3A_427] : memref<2x128x132xf32, #tpu.memory_space<vmem>> -> memref<1x128x128xf32, #tpu.memory_space<vmem>>
        %dma_start3A_429 = tpu.memref_squeeze %dma_start3A_428 : memref<1x128x128xf32, #tpu.memory_space<vmem>> -> memref<128x128xf32, #tpu.memory_space<vmem>>
        %dma_start3A_430 = arith.constant 0 : i32
        %dma_start3A_431 = tpu.memref_slice %arg2[%multiple_of3A_418, %dma_start3A_430] : memref<106496x128xf32, #tpu.memory_space<hbm>> -> memref<128x128xf32, #tpu.memory_space<hbm>>
        tpu.enqueue_dma source(%dma_start3A_431 : memref<128x128xf32, #tpu.memory_space<hbm>>) target(%dma_start3A_429 : memref<128x128xf32, #tpu.memory_space<vmem>>) target_semaphore(%arg6 : memref<!tpu.dma_semaphore, #tpu.memory_space<semaphore_mem>>)
      } else {
      }
      %jit3A_202 = arith.constant 32 : i32
      %div3A_203 = arith.divsi %add3A_168, %jit3A_202 : i32
      %sign3A_204 = arith.constant 0 : i32
      %sign3A_205 = arith.cmpi sgt, %add3A_168, %sign3A_204 : i32
      %sign3A_206 = arith.extui %sign3A_205 : i1 to i32
      %sign3A_207 = arith.constant 0 : i32
      %sign3A_208 = arith.cmpi slt, %add3A_168, %sign3A_207 : i32
      %sign3A_209 = arith.extui %sign3A_208 : i1 to i32
      %sign3A_210 = arith.subi %sign3A_206, %sign3A_209 : i32
      %sign3A_211 = arith.constant 0 : i32
      %sign3A_212 = arith.cmpi sgt, %jit3A_202, %sign3A_211 : i32
      %sign3A_213 = arith.extui %sign3A_212 : i1 to i32
      %sign3A_214 = arith.constant 0 : i32
      %sign3A_215 = arith.cmpi slt, %jit3A_202, %sign3A_214 : i32
      %sign3A_216 = arith.extui %sign3A_215 : i1 to i32
      %sign3A_217 = arith.subi %sign3A_213, %sign3A_216 : i32
      %ne3A_218 = arith.cmpi ne, %sign3A_210, %sign3A_217 : i32
      %rem3A_219 = arith.remsi %add3A_168, %jit3A_202 : i32
      %ne3A_220 = arith.constant 0 : i32
      %ne3A_221 = arith.cmpi ne, %rem3A_219, %ne3A_220 : i32
      %and3A_222 = arith.andi %ne3A_218, %ne3A_221 : i1
      %sub3A_223 = arith.constant 1 : i32
      %sub3A_224 = arith.subi %div3A_203, %sub3A_223 : i32
      %select_n3A_225 = arith.select %and3A_222, %sub3A_224, %div3A_203 : i32
      %jit3A_226 = arith.constant 32 : i32
      %eq3A_227 = arith.constant 0 : i32
      %eq3A_228 = arith.cmpi eq, %jit3A_226, %eq3A_227 : i32
      %jit3A_229 = arith.constant 1 : i32
      %select_n3A_230 = arith.select %eq3A_228, %jit3A_229, %jit3A_226 : i32
      %rem3A_231 = arith.remsi %add3A_168, %select_n3A_230 : i32
      %ne3A_232 = arith.constant 0 : i32
      %ne3A_233 = arith.cmpi ne, %rem3A_231, %ne3A_232 : i32
      %lt3A_234 = arith.constant 0 : i32
      %lt3A_235 = arith.cmpi slt, %rem3A_231, %lt3A_234 : i32
      %lt3A_236 = arith.constant 0 : i32
      %lt3A_237 = arith.cmpi slt, %select_n3A_230, %lt3A_236 : i32
      %ne3A_238 = arith.xori %lt3A_235, %lt3A_237 : i1
      %and3A_239 = arith.andi %ne3A_238, %ne3A_233 : i1
      %add3A_240 = arith.addi %rem3A_231, %select_n3A_230 : i32
      %select_n3A_241 = arith.select %and3A_239, %add3A_240, %rem3A_231 : i32
      %mul3A_242 = arith.constant 512 : i32
      %mul3A_243 = arith.muli %select_n3A_241, %mul3A_242 : i32
      %multiple_of3A_244 = tpu.assume_multiple %mul3A_243, 512 : i32
      %mul3A_245 = arith.constant 4096 : i32
      %mul3A_246 = arith.muli %select_n3A_225, %mul3A_245 : i32
      %mul3A_247 = arith.constant 128 : i32
      %mul3A_248 = arith.muli %select_n3A_241, %mul3A_247 : i32
      %add3A_249 = arith.addi %mul3A_246, %mul3A_248 : i32
      %multiple_of3A_250 = tpu.assume_multiple %add3A_249, 128 : i32
      %dma_start3A_251 = arith.constant 0 : i32
      %dma_start3A_252 = arith.constant 0 : i32
      %dma_start3A_253 = arith.constant 0 : i32
      %dma_start3A_254 = tpu.memref_slice %arg5[%dma_start3A_251, %dma_start3A_252, %dma_start3A_253] : memref<2x32x512xf32, #tpu.memory_space<vmem>> -> memref<1x32x512xf32, #tpu.memory_space<vmem>>
      %dma_start3A_255 = tpu.memref_squeeze %dma_start3A_254 : memref<1x32x512xf32, #tpu.memory_space<vmem>> -> memref<32x512xf32, #tpu.memory_space<vmem>>
      %dma_start3A_256 = arith.constant 0 : i32
      %dma_start3A_257 = tpu.memref_slice %arg3[%select_n3A_225, %dma_start3A_256, %multiple_of3A_244] : memref<26x32x16384xf32, #tpu.memory_space<hbm>> -> memref<1x32x512xf32, #tpu.memory_space<hbm>>
      %dma_start3A_258 = tpu.memref_squeeze %dma_start3A_257 : memref<1x32x512xf32, #tpu.memory_space<hbm>> -> memref<32x512xf32, #tpu.memory_space<hbm>>
      %dma_start3A_259 = arith.constant 0 : i32
      %dma_start3A_260 = tpu.memref_slice %arg3[%select_n3A_225, %dma_start3A_259, %multiple_of3A_244] : memref<26x32x16384xf32, #tpu.memory_space<hbm>> -> memref<1x32x512xf32, #tpu.memory_space<hbm>>
      %dma_start3A_261 = tpu.memref_squeeze %dma_start3A_260 : memref<1x32x512xf32, #tpu.memory_space<hbm>> -> memref<32x512xf32, #tpu.memory_space<hbm>>
      %dma_start3A_262 = arith.constant 0 : i32
      %dma_start3A_263 = arith.constant 0 : i32
      %dma_start3A_264 = tpu.memref_slice %arg5[%dma_start3A_251, %dma_start3A_262, %dma_start3A_263] : memref<2x32x512xf32, #tpu.memory_space<vmem>> -> memref<1x32x512xf32, #tpu.memory_space<vmem>>
      %dma_start3A_265 = tpu.memref_squeeze %dma_start3A_264 : memref<1x32x512xf32, #tpu.memory_space<vmem>> -> memref<32x512xf32, #tpu.memory_space<vmem>>
      tpu.enqueue_dma source(%dma_start3A_265 : memref<32x512xf32, #tpu.memory_space<vmem>>) target(%dma_start3A_261 : memref<32x512xf32, #tpu.memory_space<hbm>>) target_semaphore(%arg8 : memref<!tpu.dma_semaphore, #tpu.memory_space<semaphore_mem>>)
      %dma_wait3A_266 = arith.constant 1 : i32
      %dma_wait3A_267 = arith.constant 0 : i32
      %dma_wait3A_268 = arith.constant 0 : i32
      %dma_wait3A_269 = tpu.memref_slice %arg4[%dma_wait3A_266, %dma_wait3A_267, %dma_wait3A_268] : memref<2x128x132xf32, #tpu.memory_space<vmem>> -> memref<1x128x128xf32, #tpu.memory_space<vmem>>
      %dma_wait3A_270 = tpu.memref_squeeze %dma_wait3A_269 : memref<1x128x128xf32, #tpu.memory_space<vmem>> -> memref<128x128xf32, #tpu.memory_space<vmem>>
      %dma_wait3A_271 = arith.constant 0 : i32
      %dma_wait3A_272 = arith.constant 0 : i32
      %dma_wait3A_273 = tpu.memref_slice %arg2[%dma_wait3A_271, %dma_wait3A_272] : memref<106496x128xf32, #tpu.memory_space<hbm>> -> memref<128x128xf32, #tpu.memory_space<hbm>>
      %dma_wait3A_274 = arith.constant 0 : i32
      %dma_wait3A_275 = arith.constant 0 : i32
      %dma_wait3A_276 = tpu.memref_slice %arg4[%dma_wait3A_266, %dma_wait3A_274, %dma_wait3A_275] : memref<2x128x132xf32, #tpu.memory_space<vmem>> -> memref<1x128x128xf32, #tpu.memory_space<vmem>>
      %dma_wait3A_277 = tpu.memref_squeeze %dma_wait3A_276 : memref<1x128x128xf32, #tpu.memory_space<vmem>> -> memref<128x128xf32, #tpu.memory_space<vmem>>
      %dma_wait3A_278 = arith.constant 0 : i32
      %dma_wait3A_279 = arith.constant 0 : i32
      %dma_wait3A_280 = tpu.memref_slice %arg2[%dma_wait3A_278, %dma_wait3A_279] : memref<106496x128xf32, #tpu.memory_space<hbm>> -> memref<128x128xf32, #tpu.memory_space<hbm>>
      tpu.wait_dma2 semaphore(%arg7 : memref<!tpu.dma_semaphore, #tpu.memory_space<semaphore_mem>>) src(%dma_wait3A_280 : memref<128x128xf32, #tpu.memory_space<hbm>>) dst(%dma_wait3A_277 : memref<128x128xf32, #tpu.memory_space<vmem>>)
      %gt3A_281 = arith.constant 0 : i32
      %gt3A_282 = arith.cmpi sgt, %scan3A_165, %gt3A_281 : i32
      %convert_element_type3A_283 = arith.extui %gt3A_282 : i1 to i32
      %cond3A_284 = arith.constant 0 : i32
      %cond3A_285 = arith.cmpi ne, %convert_element_type3A_283, %cond3A_284 : i32
      scf.if %cond3A_285 {
        %dma_wait3A_368 = arith.constant 1 : i32
        %dma_wait3A_369 = arith.constant 0 : i32
        %dma_wait3A_370 = arith.constant 0 : i32
        %dma_wait3A_371 = arith.constant 0 : i32
        %dma_wait3A_372 = tpu.memref_slice %arg5[%dma_wait3A_368, %dma_wait3A_370, %dma_wait3A_371] : memref<2x32x512xf32, #tpu.memory_space<vmem>> -> memref<1x32x512xf32, #tpu.memory_space<vmem>>
        %dma_wait3A_373 = tpu.memref_squeeze %dma_wait3A_372 : memref<1x32x512xf32, #tpu.memory_space<vmem>> -> memref<32x512xf32, #tpu.memory_space<vmem>>
        %dma_wait3A_374 = arith.constant 0 : i32
        %dma_wait3A_375 = arith.constant 0 : i32
        %dma_wait3A_376 = tpu.memref_slice %arg3[%dma_wait3A_369, %dma_wait3A_374, %dma_wait3A_375] : memref<26x32x16384xf32, #tpu.memory_space<hbm>> -> memref<1x32x512xf32, #tpu.memory_space<hbm>>
        %dma_wait3A_377 = tpu.memref_squeeze %dma_wait3A_376 : memref<1x32x512xf32, #tpu.memory_space<hbm>> -> memref<32x512xf32, #tpu.memory_space<hbm>>
        %dma_wait3A_378 = arith.constant 0 : i32
        %dma_wait3A_379 = arith.constant 0 : i32
        %dma_wait3A_380 = tpu.memref_slice %arg3[%dma_wait3A_369, %dma_wait3A_378, %dma_wait3A_379] : memref<26x32x16384xf32, #tpu.memory_space<hbm>> -> memref<1x32x512xf32, #tpu.memory_space<hbm>>
        %dma_wait3A_381 = tpu.memref_squeeze %dma_wait3A_380 : memref<1x32x512xf32, #tpu.memory_space<hbm>> -> memref<32x512xf32, #tpu.memory_space<hbm>>
        %dma_wait3A_382 = arith.constant 0 : i32
        %dma_wait3A_383 = arith.constant 0 : i32
        %dma_wait3A_384 = tpu.memref_slice %arg5[%dma_wait3A_368, %dma_wait3A_382, %dma_wait3A_383] : memref<2x32x512xf32, #tpu.memory_space<vmem>> -> memref<1x32x512xf32, #tpu.memory_space<vmem>>
        %dma_wait3A_385 = tpu.memref_squeeze %dma_wait3A_384 : memref<1x32x512xf32, #tpu.memory_space<vmem>> -> memref<32x512xf32, #tpu.memory_space<vmem>>
        tpu.wait_dma2 semaphore(%arg9 : memref<!tpu.dma_semaphore, #tpu.memory_space<semaphore_mem>>) src(%dma_wait3A_385 : memref<32x512xf32, #tpu.memory_space<vmem>>) dst(%dma_wait3A_381 : memref<32x512xf32, #tpu.memory_space<hbm>>)
      } else {
      }
      %scan3A_286 = arith.constant 1 : i32
      %scan3A_287 = arith.constant 1 : i32
      %scan3A_288 = arith.constant 0 : i32
      %scan3A_289 = arith.constant 32 : i32
      %scan3A_290 = arith.addi %scan3A_288, %scan3A_289 : i32
      %scan3A_291 = arith.constant 1 : i32
      scf.for %scan3A_368 = %scan3A_288 to %scan3A_290 step %scan3A_291  : i32 {
        %add3A_369 = vector.broadcast %scan3A_368 : i32 to vector<16xi32>
        %add3A_370 = arith.addi %shift_left3A_8, %add3A_369 : vector<16xi32>
        %parallel_loop3A = arith.constant 0 : i32
        %parallel_loop3A_371 = arith.constant 32 : i32
        %parallel_loop3A_372 = arith.constant 1 : i32
        scf.for %parallel_loop3A_373 = %parallel_loop3A to %parallel_loop3A_371 step %parallel_loop3A_372  : i32 {
          %parallel_loop3A_374 = arith.constant 4 : i32
          %parallel_loop3A_375 = arith.muli %parallel_loop3A_374, %parallel_loop3A_373 : i32
          %parallel_loop3A_376 = vector.broadcast %parallel_loop3A_375 : i32 to vector<16xi32>
          %parallel_loop3A_377 = arith.addi %shift_right_logical3A_4, %parallel_loop3A_376 : vector<16xi32>
          %parallel_loop3A_378 = arith.constant 0 : i32
          %parallel_loop3A_379 = arith.constant 0 : i32
          %parallel_loop3A_380 = tpu.memref_slice %arg4[%scan3A_286, %parallel_loop3A_378, %parallel_loop3A_379] : memref<2x128x132xf32, #tpu.memory_space<vmem>> -> memref<1x128x132xf32, #tpu.memory_space<vmem>>
          %parallel_loop3A_381 = tpu.memref_squeeze %parallel_loop3A_380 : memref<1x128x132xf32, #tpu.memory_space<vmem>> -> memref<128x132xf32, #tpu.memory_space<vmem>>
          %parallel_loop3A_382 = tpu.vector_load_idx %parallel_loop3A_381[%parallel_loop3A_377, %add3A_370] : memref<128x132xf32, #tpu.memory_space<vmem>>[vector<16xi32>, vector<16xi32>], vector<16xf32>,
          %parallel_loop3A_383 = arith.constant 16 : i32
          %parallel_loop3A_384 = arith.muli %parallel_loop3A_383, %parallel_loop3A_373 : i32
          %parallel_loop3A_385 = arith.constant 0 : i32
          %parallel_loop3A_386 = arith.constant 0 : i32
          %parallel_loop3A_387 = tpu.memref_slice %arg5[%scan3A_287, %parallel_loop3A_385, %parallel_loop3A_386] : memref<2x32x512xf32, #tpu.memory_space<vmem>> -> memref<1x32x512xf32, #tpu.memory_space<vmem>>
          %parallel_loop3A_388 = tpu.memref_squeeze %parallel_loop3A_387 : memref<1x32x512xf32, #tpu.memory_space<vmem>> -> memref<32x512xf32, #tpu.memory_space<vmem>>
          %parallel_loop3A_389 = arith.index_cast %scan3A_368 : i32 to index
          %parallel_loop3A_390 = arith.index_cast %parallel_loop3A_384 : i32 to index
          %parallel_loop3A_391 = tpu.vector_load %parallel_loop3A_388[%parallel_loop3A_389, %parallel_loop3A_390] {strides = array<i32>} : memref<32x512xf32, #tpu.memory_space<vmem>>, vector<16xf32>,
          tpu.vector_store %parallel_loop3A_388[%parallel_loop3A_389, %parallel_loop3A_390], %parallel_loop3A_382 {strides = array<i32>} : memref<32x512xf32, #tpu.memory_space<vmem>>, vector<16xf32>,
        } {sc.loop_unroll_factor = 8 : i64, sc.parallel_access}
      }
      %scan3A_292 = arith.constant 32 : i32
      %mul3A_293 = arith.constant 2 : i32
      %mul3A_294 = arith.muli %mul3A_293, %scan3A_165 : i32
      %add3A_295 = arith.constant 3 : i32
      %add3A_296 = arith.addi %mul3A_294, %add3A_295 : i32
      %lt3A_297 = arith.constant 26 : i32
      %lt3A_298 = arith.cmpi slt, %add3A_296, %lt3A_297 : i32
      %convert_element_type3A_299 = arith.extui %lt3A_298 : i1 to i32
      %cond3A_300 = arith.constant 0 : i32
      %cond3A_301 = arith.cmpi ne, %convert_element_type3A_299, %cond3A_300 : i32
      scf.if %cond3A_301 {
        %add3A_368 = arith.constant 3 : i32
        %add3A_369 = arith.addi %add3A_168, %add3A_368 : i32
        %jit3A_370 = arith.constant 32 : i32
        %div3A_371 = arith.divsi %add3A_369, %jit3A_370 : i32
        %sign3A_372 = arith.constant 0 : i32
        %sign3A_373 = arith.cmpi sgt, %add3A_369, %sign3A_372 : i32
        %sign3A_374 = arith.extui %sign3A_373 : i1 to i32
        %sign3A_375 = arith.constant 0 : i32
        %sign3A_376 = arith.cmpi slt, %add3A_369, %sign3A_375 : i32
        %sign3A_377 = arith.extui %sign3A_376 : i1 to i32
        %sign3A_378 = arith.subi %sign3A_374, %sign3A_377 : i32
        %sign3A_379 = arith.constant 0 : i32
        %sign3A_380 = arith.cmpi sgt, %jit3A_370, %sign3A_379 : i32
        %sign3A_381 = arith.extui %sign3A_380 : i1 to i32
        %sign3A_382 = arith.constant 0 : i32
        %sign3A_383 = arith.cmpi slt, %jit3A_370, %sign3A_382 : i32
        %sign3A_384 = arith.extui %sign3A_383 : i1 to i32
        %sign3A_385 = arith.subi %sign3A_381, %sign3A_384 : i32
        %ne3A_386 = arith.cmpi ne, %sign3A_378, %sign3A_385 : i32
        %rem3A_387 = arith.remsi %add3A_369, %jit3A_370 : i32
        %ne3A_388 = arith.constant 0 : i32
        %ne3A_389 = arith.cmpi ne, %rem3A_387, %ne3A_388 : i32
        %and3A_390 = arith.andi %ne3A_386, %ne3A_389 : i1
        %sub3A_391 = arith.constant 1 : i32
        %sub3A_392 = arith.subi %div3A_371, %sub3A_391 : i32
        %select_n3A_393 = arith.select %and3A_390, %sub3A_392, %div3A_371 : i32
        %jit3A_394 = arith.constant 32 : i32
        %eq3A_395 = arith.constant 0 : i32
        %eq3A_396 = arith.cmpi eq, %jit3A_394, %eq3A_395 : i32
        %jit3A_397 = arith.constant 1 : i32
        %select_n3A_398 = arith.select %eq3A_396, %jit3A_397, %jit3A_394 : i32
        %rem3A_399 = arith.remsi %add3A_369, %select_n3A_398 : i32
        %ne3A_400 = arith.constant 0 : i32
        %ne3A_401 = arith.cmpi ne, %rem3A_399, %ne3A_400 : i32
        %lt3A_402 = arith.constant 0 : i32
        %lt3A_403 = arith.cmpi slt, %rem3A_399, %lt3A_402 : i32
        %lt3A_404 = arith.constant 0 : i32
        %lt3A_405 = arith.cmpi slt, %select_n3A_398, %lt3A_404 : i32
        %ne3A_406 = arith.xori %lt3A_403, %lt3A_405 : i1
        %and3A_407 = arith.andi %ne3A_406, %ne3A_401 : i1
        %add3A_408 = arith.addi %rem3A_399, %select_n3A_398 : i32
        %select_n3A_409 = arith.select %and3A_407, %add3A_408, %rem3A_399 : i32
        %mul3A_410 = arith.constant 512 : i32
        %mul3A_411 = arith.muli %select_n3A_409, %mul3A_410 : i32
        %multiple_of3A_412 = tpu.assume_multiple %mul3A_411, 512 : i32
        %mul3A_413 = arith.constant 4096 : i32
        %mul3A_414 = arith.muli %select_n3A_393, %mul3A_413 : i32
        %mul3A_415 = arith.constant 128 : i32
        %mul3A_416 = arith.muli %select_n3A_409, %mul3A_415 : i32
        %add3A_417 = arith.addi %mul3A_414, %mul3A_416 : i32
        %multiple_of3A_418 = tpu.assume_multiple %add3A_417, 128 : i32
        %dma_start3A_419 = arith.constant 1 : i32
        %dma_start3A_420 = arith.constant 0 : i32
        %dma_start3A_421 = arith.constant 0 : i32
        %dma_start3A_422 = tpu.memref_slice %arg4[%dma_start3A_419, %dma_start3A_420, %dma_start3A_421] : memref<2x128x132xf32, #tpu.memory_space<vmem>> -> memref<1x128x128xf32, #tpu.memory_space<vmem>>
        %dma_start3A_423 = tpu.memref_squeeze %dma_start3A_422 : memref<1x128x128xf32, #tpu.memory_space<vmem>> -> memref<128x128xf32, #tpu.memory_space<vmem>>
        %dma_start3A_424 = arith.constant 0 : i32
        %dma_start3A_425 = tpu.memref_slice %arg2[%multiple_of3A_418, %dma_start3A_424] : memref<106496x128xf32, #tpu.memory_space<hbm>> -> memref<128x128xf32, #tpu.memory_space<hbm>>
        %dma_start3A_426 = arith.constant 0 : i32
        %dma_start3A_427 = arith.constant 0 : i32
        %dma_start3A_428 = tpu.memref_slice %arg4[%dma_start3A_419, %dma_start3A_426, %dma_start3A_427] : memref<2x128x132xf32, #tpu.memory_space<vmem>> -> memref<1x128x128xf32, #tpu.memory_space<vmem>>
        %dma_start3A_429 = tpu.memref_squeeze %dma_start3A_428 : memref<1x128x128xf32, #tpu.memory_space<vmem>> -> memref<128x128xf32, #tpu.memory_space<vmem>>
        %dma_start3A_430 = arith.constant 0 : i32
        %dma_start3A_431 = tpu.memref_slice %arg2[%multiple_of3A_418, %dma_start3A_430] : memref<106496x128xf32, #tpu.memory_space<hbm>> -> memref<128x128xf32, #tpu.memory_space<hbm>>
        tpu.enqueue_dma source(%dma_start3A_431 : memref<128x128xf32, #tpu.memory_space<hbm>>) target(%dma_start3A_429 : memref<128x128xf32, #tpu.memory_space<vmem>>) target_semaphore(%arg7 : memref<!tpu.dma_semaphore, #tpu.memory_space<semaphore_mem>>)
      } else {
      }
      %add3A_302 = arith.constant 1 : i32
      %add3A_303 = arith.addi %add3A_168, %add3A_302 : i32
      %jit3A_304 = arith.constant 32 : i32
      %div3A_305 = arith.divsi %add3A_303, %jit3A_304 : i32
      %sign3A_306 = arith.constant 0 : i32
      %sign3A_307 = arith.cmpi sgt, %add3A_303, %sign3A_306 : i32
      %sign3A_308 = arith.extui %sign3A_307 : i1 to i32
      %sign3A_309 = arith.constant 0 : i32
      %sign3A_310 = arith.cmpi slt, %add3A_303, %sign3A_309 : i32
      %sign3A_311 = arith.extui %sign3A_310 : i1 to i32
      %sign3A_312 = arith.subi %sign3A_308, %sign3A_311 : i32
      %sign3A_313 = arith.constant 0 : i32
      %sign3A_314 = arith.cmpi sgt, %jit3A_304, %sign3A_313 : i32
      %sign3A_315 = arith.extui %sign3A_314 : i1 to i32
      %sign3A_316 = arith.constant 0 : i32
      %sign3A_317 = arith.cmpi slt, %jit3A_304, %sign3A_316 : i32
      %sign3A_318 = arith.extui %sign3A_317 : i1 to i32
      %sign3A_319 = arith.subi %sign3A_315, %sign3A_318 : i32
      %ne3A_320 = arith.cmpi ne, %sign3A_312, %sign3A_319 : i32
      %rem3A_321 = arith.remsi %add3A_303, %jit3A_304 : i32
      %ne3A_322 = arith.constant 0 : i32
      %ne3A_323 = arith.cmpi ne, %rem3A_321, %ne3A_322 : i32
      %and3A_324 = arith.andi %ne3A_320, %ne3A_323 : i1
      %sub3A_325 = arith.constant 1 : i32
      %sub3A_326 = arith.subi %div3A_305, %sub3A_325 : i32
      %select_n3A_327 = arith.select %and3A_324, %sub3A_326, %div3A_305 : i32
      %jit3A_328 = arith.constant 32 : i32
      %eq3A_329 = arith.constant 0 : i32
      %eq3A_330 = arith.cmpi eq, %jit3A_328, %eq3A_329 : i32
      %jit3A_331 = arith.constant 1 : i32
      %select_n3A_332 = arith.select %eq3A_330, %jit3A_331, %jit3A_328 : i32
      %rem3A_333 = arith.remsi %add3A_303, %select_n3A_332 : i32
      %ne3A_334 = arith.constant 0 : i32
      %ne3A_335 = arith.cmpi ne, %rem3A_333, %ne3A_334 : i32
      %lt3A_336 = arith.constant 0 : i32
      %lt3A_337 = arith.cmpi slt, %rem3A_333, %lt3A_336 : i32
      %lt3A_338 = arith.constant 0 : i32
      %lt3A_339 = arith.cmpi slt, %select_n3A_332, %lt3A_338 : i32
      %ne3A_340 = arith.xori %lt3A_337, %lt3A_339 : i1
      %and3A_341 = arith.andi %ne3A_340, %ne3A_335 : i1
      %add3A_342 = arith.addi %rem3A_333, %select_n3A_332 : i32
      %select_n3A_343 = arith.select %and3A_341, %add3A_342, %rem3A_333 : i32
      %mul3A_344 = arith.constant 512 : i32
      %mul3A_345 = arith.muli %select_n3A_343, %mul3A_344 : i32
      %multiple_of3A_346 = tpu.assume_multiple %mul3A_345, 512 : i32
      %mul3A_347 = arith.constant 4096 : i32
      %mul3A_348 = arith.muli %select_n3A_327, %mul3A_347 : i32
      %mul3A_349 = arith.constant 128 : i32
      %mul3A_350 = arith.muli %select_n3A_343, %mul3A_349 : i32
      %add3A_351 = arith.addi %mul3A_348, %mul3A_350 : i32
      %multiple_of3A_352 = tpu.assume_multiple %add3A_351, 128 : i32
      %dma_start3A_353 = arith.constant 1 : i32
      %dma_start3A_354 = arith.constant 0 : i32
      %dma_start3A_355 = arith.constant 0 : i32
      %dma_start3A_356 = tpu.memref_slice %arg5[%dma_start3A_353, %dma_start3A_354, %dma_start3A_355] : memref<2x32x512xf32, #tpu.memory_space<vmem>> -> memref<1x32x512xf32, #tpu.memory_space<vmem>>
      %dma_start3A_357 = tpu.memref_squeeze %dma_start3A_356 : memref<1x32x512xf32, #tpu.memory_space<vmem>> -> memref<32x512xf32, #tpu.memory_space<vmem>>
      %dma_start3A_358 = arith.constant 0 : i32
      %dma_start3A_359 = tpu.memref_slice %arg3[%select_n3A_327, %dma_start3A_358, %multiple_of3A_346] : memref<26x32x16384xf32, #tpu.memory_space<hbm>> -> memref<1x32x512xf32, #tpu.memory_space<hbm>>
      %dma_start3A_360 = tpu.memref_squeeze %dma_start3A_359 : memref<1x32x512xf32, #tpu.memory_space<hbm>> -> memref<32x512xf32, #tpu.memory_space<hbm>>
      %dma_start3A_361 = arith.constant 0 : i32
      %dma_start3A_362 = tpu.memref_slice %arg3[%select_n3A_327, %dma_start3A_361, %multiple_of3A_346] : memref<26x32x16384xf32, #tpu.memory_space<hbm>> -> memref<1x32x512xf32, #tpu.memory_space<hbm>>
      %dma_start3A_363 = tpu.memref_squeeze %dma_start3A_362 : memref<1x32x512xf32, #tpu.memory_space<hbm>> -> memref<32x512xf32, #tpu.memory_space<hbm>>
      %dma_start3A_364 = arith.constant 0 : i32
      %dma_start3A_365 = arith.constant 0 : i32
      %dma_start3A_366 = tpu.memref_slice %arg5[%dma_start3A_353, %dma_start3A_364, %dma_start3A_365] : memref<2x32x512xf32, #tpu.memory_space<vmem>> -> memref<1x32x512xf32, #tpu.memory_space<vmem>>
      %dma_start3A_367 = tpu.memref_squeeze %dma_start3A_366 : memref<1x32x512xf32, #tpu.memory_space<vmem>> -> memref<32x512xf32, #tpu.memory_space<vmem>>
      tpu.enqueue_dma source(%dma_start3A_367 : memref<32x512xf32, #tpu.memory_space<vmem>>) target(%dma_start3A_363 : memref<32x512xf32, #tpu.memory_space<hbm>>) target_semaphore(%arg9 : memref<!tpu.dma_semaphore, #tpu.memory_space<semaphore_mem>>)
    }
    %scan3A_129 = arith.constant 13 : i32
    %dma_wait3A = arith.constant 0 : i32
    %dma_wait3A_130 = arith.constant 0 : i32
    %dma_wait3A_131 = arith.constant 0 : i32
    %dma_wait3A_132 = arith.constant 0 : i32
    %dma_wait3A_133 = tpu.memref_slice %arg5[%dma_wait3A, %dma_wait3A_131, %dma_wait3A_132] : memref<2x32x512xf32, #tpu.memory_space<vmem>> -> memref<1x32x512xf32, #tpu.memory_space<vmem>>
    %dma_wait3A_134 = tpu.memref_squeeze %dma_wait3A_133 : memref<1x32x512xf32, #tpu.memory_space<vmem>> -> memref<32x512xf32, #tpu.memory_space<vmem>>
    %dma_wait3A_135 = arith.constant 0 : i32
    %dma_wait3A_136 = arith.constant 0 : i32
    %dma_wait3A_137 = tpu.memref_slice %arg3[%dma_wait3A_130, %dma_wait3A_135, %dma_wait3A_136] : memref<26x32x16384xf32, #tpu.memory_space<hbm>> -> memref<1x32x512xf32, #tpu.memory_space<hbm>>
    %dma_wait3A_138 = tpu.memref_squeeze %dma_wait3A_137 : memref<1x32x512xf32, #tpu.memory_space<hbm>> -> memref<32x512xf32, #tpu.memory_space<hbm>>
    %dma_wait3A_139 = arith.constant 0 : i32
    %dma_wait3A_140 = arith.constant 0 : i32
    %dma_wait3A_141 = tpu.memref_slice %arg3[%dma_wait3A_130, %dma_wait3A_139, %dma_wait3A_140] : memref<26x32x16384xf32, #tpu.memory_space<hbm>> -> memref<1x32x512xf32, #tpu.memory_space<hbm>>
    %dma_wait3A_142 = tpu.memref_squeeze %dma_wait3A_141 : memref<1x32x512xf32, #tpu.memory_space<hbm>> -> memref<32x512xf32, #tpu.memory_space<hbm>>
    %dma_wait3A_143 = arith.constant 0 : i32
    %dma_wait3A_144 = arith.constant 0 : i32
    %dma_wait3A_145 = tpu.memref_slice %arg5[%dma_wait3A, %dma_wait3A_143, %dma_wait3A_144] : memref<2x32x512xf32, #tpu.memory_space<vmem>> -> memref<1x32x512xf32, #tpu.memory_space<vmem>>
    %dma_wait3A_146 = tpu.memref_squeeze %dma_wait3A_145 : memref<1x32x512xf32, #tpu.memory_space<vmem>> -> memref<32x512xf32, #tpu.memory_space<vmem>>
    tpu.wait_dma2 semaphore(%arg8 : memref<!tpu.dma_semaphore, #tpu.memory_space<semaphore_mem>>) src(%dma_wait3A_146 : memref<32x512xf32, #tpu.memory_space<vmem>>) dst(%dma_wait3A_142 : memref<32x512xf32, #tpu.memory_space<hbm>>)
    %dma_wait3A_147 = arith.constant 1 : i32
    %dma_wait3A_148 = arith.constant 0 : i32
    %dma_wait3A_149 = arith.constant 0 : i32
    %dma_wait3A_150 = arith.constant 0 : i32
    %dma_wait3A_151 = tpu.memref_slice %arg5[%dma_wait3A_147, %dma_wait3A_149, %dma_wait3A_150] : memref<2x32x512xf32, #tpu.memory_space<vmem>> -> memref<1x32x512xf32, #tpu.memory_space<vmem>>
    %dma_wait3A_152 = tpu.memref_squeeze %dma_wait3A_151 : memref<1x32x512xf32, #tpu.memory_space<vmem>> -> memref<32x512xf32, #tpu.memory_space<vmem>>
    %dma_wait3A_153 = arith.constant 0 : i32
    %dma_wait3A_154 = arith.constant 0 : i32
    %dma_wait3A_155 = tpu.memref_slice %arg3[%dma_wait3A_148, %dma_wait3A_153, %dma_wait3A_154] : memref<26x32x16384xf32, #tpu.memory_space<hbm>> -> memref<1x32x512xf32, #tpu.memory_space<hbm>>
    %dma_wait3A_156 = tpu.memref_squeeze %dma_wait3A_155 : memref<1x32x512xf32, #tpu.memory_space<hbm>> -> memref<32x512xf32, #tpu.memory_space<hbm>>
    %dma_wait3A_157 = arith.constant 0 : i32
    %dma_wait3A_158 = arith.constant 0 : i32
    %dma_wait3A_159 = tpu.memref_slice %arg3[%dma_wait3A_148, %dma_wait3A_157, %dma_wait3A_158] : memref<26x32x16384xf32, #tpu.memory_space<hbm>> -> memref<1x32x512xf32, #tpu.memory_space<hbm>>
    %dma_wait3A_160 = tpu.memref_squeeze %dma_wait3A_159 : memref<1x32x512xf32, #tpu.memory_space<hbm>> -> memref<32x512xf32, #tpu.memory_space<hbm>>
    %dma_wait3A_161 = arith.constant 0 : i32
    %dma_wait3A_162 = arith.constant 0 : i32
    %dma_wait3A_163 = tpu.memref_slice %arg5[%dma_wait3A_147, %dma_wait3A_161, %dma_wait3A_162] : memref<2x32x512xf32, #tpu.memory_space<vmem>> -> memref<1x32x512xf32, #tpu.memory_space<vmem>>
    %dma_wait3A_164 = tpu.memref_squeeze %dma_wait3A_163 : memref<1x32x512xf32, #tpu.memory_space<vmem>> -> memref<32x512xf32, #tpu.memory_space<vmem>>
    tpu.wait_dma2 semaphore(%arg9 : memref<!tpu.dma_semaphore, #tpu.memory_space<semaphore_mem>>) src(%dma_wait3A_164 : memref<32x512xf32, #tpu.memory_space<vmem>>) dst(%dma_wait3A_160 : memref<32x512xf32, #tpu.memory_space<hbm>>)
    return
  }
}

</mosaic_0001>

<sc_bundles>
// kernel: kernel.11.cloned.1.call-start
scs
__scs_entry_jumppad:
0x0: {  	(pc) =	sbr.rel $0x88, $3  }
0x1: {  	(tag) =	ssettag $0x0;
	lr =	simm.s32 $0x1  }
0x2: {  	[smem:$0x3F9F] =	sst lr;
	_ =	strace $0xD0000000  }
0x3: {  	_ = 	snop  }
0x4: {  	_ = 	snop  }
0x5: {  	_ = 	snop  }
0x6: {  	_ = 	snop  }
0x7: {  	_ = 	snop  }
__scs_overlays_trampoline_lowered:
0x8: {  	[smem:$0x3FAE] =	sst s0  }
0x9: {  	[smem:$0x3FAF] =	sst s1  }
0xa: {  	[smem:$0x3FB0] =	sst s2  }
0xb: {  	[smem:$0x3FB1] =	sst s3  }
0xc: {  	[smem:$0x3FB2] =	sst s4  }
0xd: {  	[smem:$0x3FB3] =	sst s5  }
0xe: {  	[smem:$0x3FB4] =	sst s6  }
0xf: {  	[smem:$0x3FB5] =	sst s7  }
0x10: {  	[smem:$0x3FB6] =	sst s8  }
0x11: {  	[smem:$0x3FB7] =	sst s9;
	s0 =	simm.s32 @!p0 $0x0  }
0x12: {  	s1 =	sld [smem:$0x3F9D];
	s0 =	simm.s32 @p0 $0x1  }
0x13: {  	[smem:$0x3FB8] =	sst s0;
	s0 =	simm.s32 @!p1 $0x0  }
0x14: {  	s2 =	sld [smem:$0x3F9C];
	s0 =	simm.s32 @p1 $0x1  }
0x15: {  	[smem:$0x3FB9] =	sst s0;
	s0 =	simm.s32 @!p2 $0x0  }
0x16: {  	s3 =	sld [smem:$0x3FDB];
	s0 =	simm.s32 @p2 $0x1  }
0x17: {  	s4 =	simm.s32 $0x1BF5;
	[smem:$0x3FBB] =	sst s0  }
0x18: {  	s0 =	sld [smem:$0x3F9E];
	_ =	swait.ge [sflag:s4], $0x0  }
0x19: {  	s7 =	sld [smem:$0x3F9F]  }
0x1a: {  	s8 =	sadd.s32 $0xFFFFE003, lr  }
0x1b: {  	s9 =	sadd.s32 $0xFFFFFEF7, lr;
	s5 =	simm.s32 $0xFFFFFFFF;
	p2 =	slt.u32 s8, $0xFFFFF086  }
0x1c: {  	p1 =	slt.u32 s9, $0xF7A;
	s5 =	simm.s32 @!p2 $0x0  }
0x1d: {  	s5 =	simm.s32 @p1 $0x1;
	p0 =	seq.s32 s7, s2  }
0x1e: {  	s7 =	smul.u32 @!p0 $0xF7A, s2;
	p2 =	seq.s32 @!p0 s5, $0x0  }
0x1f: {  	s9 =	smul.u32 $0xF7A, s1;
	s8 =	simm.s32 @!p0 $0x1BF5;
	p2 =	por !p2, p0  }
0x20: {  	[sflag:s8] =	ssyncset.s32 @!p0 $0xFFFFF086;
	s6 =	sadd.s32 @!p0 s3, s7;
	s7 =	simm.s32 @!p0 $0x108  }
0x21: {  	s3 =	sadd.s32 s3, s9;
	s6 =	sadd.s32 @!p0 $0x88, s6;
	s7 =	simm.s32 @p2 $0x1082  }
0x22: {  	[simem:s7], [sflag:s8] =	dma.local @!p0 [hbm:s6], $0xF7A  }
0x23: {  	s9 =	sor.u32 $0xD0000000, s2;
	s6 =	simm.s32 $0x108;
	_ =	swait.ge @!p0 [sflag:s8], $0x0  }
0x24: {  	s3 =	sadd.s32 $0x88, s3;
	s6 =	simm.s32 @!p1 $0x1082;
	[sflag:s4] =	ssyncset.s32 $0xFFFFF086  }
0x25: {  	[simem:s6], [sflag:s4] =	dma.local [hbm:s3], $0xF7A  }
0x26: {  	[smem:$0x3F9F] =	sst s1;
	(tag) =	ssettag s2;
	_ =	strace s9  }
0x27: {  	s1 =	sld [smem:$0x3FAF]  }
0x28: {  	s2 =	sld [smem:$0x3FB0]  }
0x29: {  	s4 =	sld [smem:$0x3FB2]  }
0x2a: {  	p0 =	seq.s32 s5, $0x0;
	s5 =	sld [smem:$0x3FB3]  }
0x2b: {  	s6 =	sld [smem:$0x3FB4]  }
0x2c: {  	s7 =	sld [smem:$0x3FB5]  }
0x2d: {  	s3 =	simm.s32 $0x108;
	s8 =	sld [smem:$0x3FB6]  }
0x2e: {  	s3 =	simm.s32 @!p0 $0x1082;
	s9 =	sld [smem:$0x3FB7]  }
0x2f: {  	lr =	sadd.s32 s0, s3;
	s0 =	sld [smem:$0x3FAE]  }
0x30: {  	s3 =	sld [smem:$0x3FB1]  }
0x31: {  	[smem:$0x3FBA] =	sst s10  }
0x32: {  	s10 =	sld [smem:$0x3FB8];
	_ =	sdelay $0x3  }
0x33: {  	p0 =	seq.s32 s10, $0x1;
	s10 =	sld [smem:$0x3FBA];
	_ =	sdelay $0x3  }
0x34: {  	[smem:$0x3FBA] =	sst s10  }
0x35: {  	s10 =	sld [smem:$0x3FB9];
	_ =	sdelay $0x3  }
0x36: {  	p1 =	seq.s32 s10, $0x1;
	s10 =	sld [smem:$0x3FBA];
	_ =	sdelay $0x3  }
0x37: {  	[smem:$0x3FBA] =	sst s10  }
0x38: {  	s10 =	sld [smem:$0x3FBB]  }
0x39: {  	_ = 	snop;
	(pc) =	sbr.ind lr, $3  }
0x3a: {  	_ = 	snop  }
0x3b: {  	_ = 	snop  }
0x3c: {  	p2 =	seq.s32 s10, $0x1;
	s10 =	sld [smem:$0x3FBA]  }
0x3d: {  	_ =	shalt  }
0x3e: {  	_ =	shalt  }
0x3f: {  	_ =	shalt  }
0x40: {  	_ =	shalt  }
0x41: {  	_ =	shalt  }
0x42: {  	_ =	shalt  }
0x43: {  	_ =	shalt  }
0x44: {  	_ =	shalt  }
0x45: {  	_ =	shalt  }
0x46: {  	_ =	shalt  }
0x47: {  	_ =	shalt  }
0x48: {  	_ =	shalt  }
0x49: {  	_ =	shalt  }
0x4a: {  	_ =	shalt  }
0x4b: {  	_ =	shalt  }
0x4c: {  	_ =	shalt  }
0x4d: {  	_ =	shalt  }
0x4e: {  	_ =	shalt  }
0x4f: {  	_ =	shalt  }
0x50: {  	_ =	shalt  }
0x51: {  	_ =	shalt  }
0x52: {  	_ =	shalt  }
0x53: {  	_ =	shalt  }
0x54: {  	_ =	shalt  }
0x55: {  	_ =	shalt  }
0x56: {  	_ =	shalt  }
0x57: {  	_ =	shalt  }
0x58: {  	_ =	shalt  }
0x59: {  	_ =	shalt  }
0x5a: {  	_ =	shalt  }
0x5b: {  	_ =	shalt  }
0x5c: {  	_ =	shalt  }
0x5d: {  	_ =	shalt  }
0x5e: {  	_ =	shalt  }
0x5f: {  	_ =	shalt  }
0x60: {  	_ =	shalt  }
0x61: {  	_ =	shalt  }
0x62: {  	_ =	shalt  }
0x63: {  	_ =	shalt  }
0x64: {  	_ =	shalt  }
0x65: {  	_ =	shalt  }
0x66: {  	_ =	shalt  }
0x67: {  	_ =	shalt  }
0x68: {  	_ =	shalt  }
0x69: {  	_ =	shalt  }
0x6a: {  	_ =	shalt  }
0x6b: {  	_ =	shalt  }
0x6c: {  	_ =	shalt  }
0x6d: {  	_ =	shalt  }
0x6e: {  	_ =	shalt  }
0x6f: {  	_ =	shalt  }
0x70: {  	_ =	shalt  }
0x71: {  	_ =	shalt  }
0x72: {  	_ =	shalt  }
0x73: {  	_ =	shalt  }
0x74: {  	_ =	shalt  }
0x75: {  	_ =	shalt  }
0x76: {  	_ =	shalt  }
0x77: {  	_ =	shalt  }
0x78: {  	_ =	shalt  }
0x79: {  	_ =	shalt  }
0x7a: {  	_ =	shalt  }
0x7b: {  	_ =	shalt  }
0x7c: {  	_ =	shalt  }
0x7d: {  	_ =	shalt  }
0x7e: {  	_ =	shalt  }
0x7f: {  	_ =	shalt  }
0x80: {  	_ =	shalt  }
0x81: {  	_ =	shalt  }
0x82: {  	_ =	shalt  }
0x83: {  	_ =	shalt  }
0x84: {  	_ =	shalt  }
0x85: {  	_ =	shalt  }
0x86: {  	_ =	shalt  }
0x87: {  	_ =	shalt  }
.Lfunc_end0:
.L_simem_size_0:
called_computation.2_lowered:
.L_overlay_start_0:
0x88: {  	s2 =	sld [smem:$0x3FD9]  }
0x89: {  	s3 =	sld [smem:$0x3FFE];
	_ =	sdelay $0x1  }
0x8a: {  	s1 =	srdreg.scid  }
0x8b: {  	s0 =	sand.u32 $0x1, s1  }
0x8c: {  	s17 =	sshll.u32 s0, $0xA;
	s2 =	sadd.s32 s3, s2  }
0x8d: {  	s2 =	sadd.s32 s2, s17  }
0x8e: {  	[smem:$0x3FC6] =	sst s2  }
0x8f: {  	_ = 	snop  }
0x90: {  	s2 =	sld [smem:$0x3FD0];
	(tm) =	ssettm $0x1  }
0x91: {  	s18 =	sld [smem:$0x3FFB];
	_ =	sdelay $0x3  }
0x92: {  	_ =	strace s18  }
0x93: {  	s3 =	sld [smem:$0x3FFC];
	_ =	sdelay $0x3  }
0x94: {  	_ =	strace s3  }
0x95: {  	s3 =	sld [smem:$0x3FFD];
	_ =	sdelay $0x3  }
0x96: {  	_ =	strace s3  }
0x97: {  	_ =	strace $0x8FFFFFFF  }
0x98: {  	s19 =	sld [smem:$0x3FDB];
	_ =	sdelay $0x1  }
0x99: {  	s4 =	simm.s32 $_scs_section_size  }
0x9a: {  	s5 =	simm.s32 $_size__tile_overlayer_lowered;
	s6 =	simm.s32 $_tile_overlayer_lowered  }
0x9b: {  	s22 =	simm.s32 $0x1BFF;
	s21 =	sshll.u32 s6, $0x1;
	s3 =	sadd.s32 s4, s19  }
0x9c: {  	s7 =	simm.s32 $0x0;
	s20 =	sshll.u32 s5, $0x1;
	s5 =	sadd.s32 s21, s3  }
0x9d: {  	[timem:s7], [sflag:s22] =	dma.local [hbm:s5], s20  }
0x9e: {  	_ =	swait.ge [sflag:s22], s20  }
0x9f: {  	s4 =	ssub.s32 $0x0, s20;
	[sflag:s22] =	ssyncset.done $0x0  }
0xa0: {  	[sflag:s22] =	ssyncadd.s32 s4;
	_ =	sdelay $0x1  }
0xa1: {  	s23 =	simm.s32 $0x1B8B  }
0xa2: {  	_ =	swait.ge [sflag:s23], $0x1  }
0xa3: {  	[sflag:s23] =	ssyncset.done $0x0  }
0xa4: {  	s25 =	simm.s32 $0x1B8E;
	s24 =	sld [smem:$0x3FFE];
	[sflag:s23] =	ssyncadd.s32 $0xFFFFFFFF  }
0xa5: {  	s26 =	simm.s32 $execute0_lowered;
	[smem:$0x3FD2] =	sst s25  }
0xa6: {  	s5 =	sshll.u32 s26, $0x1;
	_ =	strace $0x8000004C;
	[dreg:$0x1] =	wrdreg $0xFFFFFFFF  }
0xa7: {  	s28 =	simm.s32 $_size_execute0_lowered;
	s3 =	sadd.s32 s3, s5;
	[dreg:$0x0] =	wrdreg $0x0  }
0xa8: {  	s5 =	sshll.u32 s28, $0x1;
	[dreg:$0x2] =	wrdreg s3  }
0xa9: {  	[dreg:$0x3] =	wrdreg s5  }
0xaa: {  	[dreg:$0x4] =	wrdreg $0xC0  }
0xab: {  	_ =	task [dreg:s7], $0x5FFFF  }
0xac: {  	[dreg:$0x1] =	wrdreg $0xFFFFFFFF  }
0xad: {  	[dreg:$0x0] =	wrdreg $0x60  }
0xae: {  	[dreg:$0x2] =	wrdreg s24  }
0xaf: {  	[dreg:$0x3] =	wrdreg s2  }
0xb0: {  	[dreg:$0x4] =	wrdreg $0x9  }
0xb1: {  	_ =	task.clear_ibuf [dreg:s7], $0x5FFFF;
	_ =	strace $0x9000004C  }
0xb2: {  	s29 =	simm.s32 $0x9;
	_ =	strace $0x8000004E  }
0xb3: {  	_ =	swait.ge [sflag:s29], $0x1  }
0xb4: {  	[sflag:s29] =	ssyncadd.s32 $0xFFFFFFFF  }
0xb5: {  	_ =	strace $0x9000004E  }
0xb6: {  	_ =	sfence  }
0xb7: {  	s30 =	sld [smem:$0x0];
	_ =	sdelay $0x2  }
0xb8: {  	s31 =	sshll.u32 s1, $0xD;
	s1 =	sshrl.u32 s1, $0x2  }
0xb9: {  	s3 =	sand.u32 $0x4000, s31;
	s1 =	sadd.s32 s1, s30  }
0xba: {  	s0 =	sor.u32 s3, s0;
	s1 =	sshll.u32 s1, $0x11  }
0xbb: {  	s0 =	sor.u32 s1, s0  }
0xbc: {  	s0 =	sadd.s32 $0x8F2B, s0  }
0xbd: {  	[sflag:s0] =	ssyncadd.remote.s32 $0x1  }
0xbe: {  	_ =	sfence.sel $0xFFFF  }
0xbf: {  	[dreg:$0x0] =	wrdreg $0xFFFFFFFF;
	(pc) =	sbr.abs _section_cstart, $3  }
0xc0: {  	[dreg:$0x1] =	wrdreg $0xFFFFFFFF  }
0xc1: {  	_ =	task.clear_ibuf [dreg:s7], $0x2FFFF;
	_ =	strace $0x9FFFFFFF  }
0xc2: {  	(tm) =	ssettm $0x7FFFFFFF  }
0xc3: {  	_ =	shalt  }
tec
execute0_lowered:
.L_overlay_start_1:
0x0: {  	(tag) =	ssettag $0x1  }
0x1: {  	s0 =	srdreg.scid;
	s2 =	stileid.u32  }
0x2: {  	s0 =	sand.u32 $0x1, s0;
	s3 =	sshll.u32 s2, $0x1  }
0x3: {  	s4 =	sor.u32 s0, s3  }
0x4: {  	s5 =	smul.u32 $0xD000, s4  }
0x5: {  	s1 =	rddreg [dreg:$0x0]  }
0x6: {  	s2 =	rddreg [dreg:$0x1];
	s3 =	simm.s32 $0x0;
	s7 =	sadd.s32 s5, s1  }
0x7: {  	[smem:$0x7FF] =	sst s3;
	s5 =	sadd.s32 $0x3D1A00, s7  }
0x8: {  	_ =	strace $0x8000004D;
	s25 =	sadd.s32 $0x3D2200, s7;
	[dreg:$0x3] =	wrdreg s5  }
0x9: {  	s26 =	sadd.s32 $0x3D1A80, s7;
	[dreg:$0x4] =	wrdreg s25  }
0xa: {  	s28 =	sadd.s32 $0x3D1B00, s7;
	[dreg:$0x5] =	wrdreg s26  }
0xb: {  	s29 =	sadd.s32 $0x3D1B80, s7;
	[dreg:$0x6] =	wrdreg s28  }
0xc: {  	s30 =	sadd.s32 $0x3D1C00, s7;
	[dreg:$0x7] =	wrdreg s29  }
0xd: {  	s31 =	sadd.s32 $0x3D1C80, s7;
	[dreg:$0x8] =	wrdreg s30  }
0xe: {  	s6 =	sadd.s32 $0x3D1D00, s7;
	[dreg:$0x9] =	wrdreg s31  }
0xf: {  	s8 =	sadd.s32 $0x3D1D80, s7;
	[dreg:$0xa] =	wrdreg s6  }
0x10: {  	s9 =	sadd.s32 $0x3D1E00, s7;
	[dreg:$0xb] =	wrdreg s8  }
0x11: {  	s10 =	sadd.s32 $0x3D1E80, s7;
	[dreg:$0xc] =	wrdreg s9  }
0x12: {  	s11 =	sadd.s32 $0x3D1F00, s7;
	[dreg:$0xd] =	wrdreg s10  }
0x13: {  	s12 =	sadd.s32 $0x3D1F80, s7;
	[dreg:$0xe] =	wrdreg s11  }
0x14: {  	s13 =	sadd.s32 $0x3D2000, s7;
	[dreg:$0xf] =	wrdreg s12  }
0x15: {  	s14 =	sadd.s32 $0x3D2080, s7;
	[dreg:$0x10] =	wrdreg s13  }
0x16: {  	s15 =	sadd.s32 $0x3D2100, s7;
	[dreg:$0x11] =	wrdreg s14  }
0x17: {  	s17 =	sadd.s32 $0x3D2180, s7;
	[dreg:$0x12] =	wrdreg s15  }
0x18: {  	s18 =	sadd.s32 $0x3D2280, s7;
	[dreg:$0x13] =	wrdreg s17  }
0x19: {  	s19 =	sadd.s32 $0x3D2300, s7;
	[dreg:$0x14] =	wrdreg s18  }
0x1a: {  	s16 =	smul.u32 $0x1A, s4;
	s20 =	sadd.s32 $0x3D2380, s7;
	[dreg:$0x15] =	wrdreg s19  }
0x1b: {  	s21 =	sadd.s32 $0x3D2400, s7;
	s22 =	sadd.s32 $0x3D2480, s7;
	[dreg:$0x16] =	wrdreg s20  }
0x1c: {  	s23 =	sadd.s32 $0x3D2500, s7;
	s24 =	sadd.s32 $0x3D2580, s7;
	[dreg:$0x17] =	wrdreg s21  }
0x1d: {  	[dreg:$0x18] =	wrdreg s22;
	s25 =	sadd.s32 $0x3D2600, s7;
	s26 =	sadd.s32 $0x3D2680, s7  }
0x1e: {  	[dreg:$0x19] =	wrdreg s23;
	s28 =	sadd.s32 $0x3D2700, s7;
	s29 =	sadd.s32 $0x3D2780, s7  }
0x1f: {  	[dreg:$0x1a] =	wrdreg s24;
	s30 =	sadd.s32 $0x3D2800, s7;
	s31 =	sadd.s32 $0x3D2880, s7  }
0x20: {  	s6 =	ssub.s32 $0x2, s0;
	s9 =	sadd.s32 $0x3D2A00, s1;
	s10 =	sadd.s32 $0x3D3200, s1  }
0x21: {  	s11 =	simm.s32 $0x1000;
	s12 =	simm.s32 $0x8000;
	[dreg:$0x1b] =	wrdreg s25  }
0x22: {  	s13 =	simm.s32 $0x1;
	s14 =	simm.s32 $0x20000;
	[dreg:$0x1c] =	wrdreg s26  }
0x23: {  	s15 =	simm.s32 $0x10000;
	s17 =	simm.s32 $0x2;
	[dreg:$0x1d] =	wrdreg s28  }
0x24: {  	v0 =	vlaneseq.u32;
	s18 =	simm.s32 $0x14000;
	s19 =	simm.s32 $0x3;
	[dreg:$0x1e] =	wrdreg s29  }
0x25: {  	v0 =	vmul.u32 $0x20, v0;
	s20 =	simm.s32 $0x4;
	s8 =	sshrl.u32 s6, $0x1;
	[dreg:$0x1f] =	wrdreg s30  }
0x26: {  	v1 =	vimm.s32 $0x0;
	vm0 =	vcmask $0x300;
	s21 =	simm.s32 $0x0;
	[smem:$0x7FD] =	sst s31;
	s8 =	ssub.s32 s6, s8  }
0x27: {  	v1 =	vsel vm0, $0xB, v1;
	v2 =	vor.u32 $0x200, v0;
	s6 =	sadd.s32 $0x3D2900, s7;
	s7 =	sadd.s32 $0x3D2980, s7;
	s8 =	smax.u32 s8, $0x1  }
.LBB2_1:
0x28: {  	s0 =	rddreg [dreg:$0x3]  }
0x29: {  	s5 =	rddreg [dreg:$0x5]  }
0x2a: {  	[tilespmem:s3], [sflag:$0x1] =	stream.linear.gather [hbm4b:s0+s3], $0x400, $0x38;
	[tilespmem:$0x18000] =	vst v63  }
0x2b: {  	s1 =	simm.s32 $0x800;
	s22 =	rddreg [dreg:$0x6]  }
0x2c: {  	[tilespmem:s1], [sflag:$0x1] =	stream.linear.gather [hbm4b:s5+s3], $0x400, $0x38;
	[tilespmem:$0x18000] =	vst v63  }
0x2d: {  	s23 =	rddreg [dreg:$0x7]  }
0x2e: {  	[tilespmem:s11], [sflag:$0x1] =	stream.linear.gather [hbm4b:s22+s3], $0x400, $0x38;
	[tilespmem:$0x18000] =	vst v63  }
0x2f: {  	s24 =	simm.s32 $0x1800;
	s25 =	rddreg [dreg:$0x8]  }
0x30: {  	[tilespmem:s24], [sflag:$0x1] =	stream.linear.gather [hbm4b:s23+s3], $0x400, $0x38;
	[tilespmem:$0x18000] =	vst v63  }
0x31: {  	s26 =	simm.s32 $0x2000;
	s28 =	rddreg [dreg:$0x9]  }
0x32: {  	[tilespmem:s26], [sflag:$0x1] =	stream.linear.gather [hbm4b:s25+s3], $0x400, $0x38;
	[tilespmem:$0x18000] =	vst v63  }
0x33: {  	s29 =	simm.s32 $0x2800;
	s30 =	rddreg [dreg:$0xa]  }
0x34: {  	[tilespmem:s29], [sflag:$0x1] =	stream.linear.gather [hbm4b:s28+s3], $0x400, $0x38;
	[tilespmem:$0x18000] =	vst v63  }
0x35: {  	s31 =	simm.s32 $0x3000;
	s1 =	rddreg [dreg:$0xb]  }
0x36: {  	[tilespmem:s31], [sflag:$0x1] =	stream.linear.gather [hbm4b:s30+s3], $0x400, $0x38;
	[tilespmem:$0x18000] =	vst v63  }
0x37: {  	s4 =	simm.s32 $0x3800;
	s5 =	rddreg [dreg:$0xc]  }
0x38: {  	[tilespmem:s4], [sflag:$0x1] =	stream.linear.gather [hbm4b:s1+s3], $0x400, $0x38;
	[tilespmem:$0x18000] =	vst v63  }
0x39: {  	s22 =	simm.s32 $0x4000;
	s23 =	rddreg [dreg:$0xd]  }
0x3a: {  	[tilespmem:s22], [sflag:$0x1] =	stream.linear.gather [hbm4b:s5+s3], $0x400, $0x38;
	[tilespmem:$0x18000] =	vst v63  }
0x3b: {  	s24 =	simm.s32 $0x4800;
	s25 =	rddreg [dreg:$0xe]  }
0x3c: {  	[tilespmem:s24], [sflag:$0x1] =	stream.linear.gather [hbm4b:s23+s3], $0x400, $0x38;
	[tilespmem:$0x18000] =	vst v63  }
0x3d: {  	s26 =	simm.s32 $0x5000;
	s28 =	rddreg [dreg:$0xf]  }
0x3e: {  	[tilespmem:s26], [sflag:$0x1] =	stream.linear.gather [hbm4b:s25+s3], $0x400, $0x38;
	[tilespmem:$0x18000] =	vst v63  }
0x3f: {  	s29 =	simm.s32 $0x5800;
	s30 =	rddreg [dreg:$0x10]  }
0x40: {  	[tilespmem:s29], [sflag:$0x1] =	stream.linear.gather [hbm4b:s28+s3], $0x400, $0x38;
	[tilespmem:$0x18000] =	vst v63  }
0x41: {  	s31 =	simm.s32 $0x6000;
	s4 =	rddreg [dreg:$0x11]  }
0x42: {  	[tilespmem:s31], [sflag:$0x1] =	stream.linear.gather [hbm4b:s30+s3], $0x400, $0x38;
	[tilespmem:$0x18000] =	vst v63  }
0x43: {  	s1 =	rddreg [dreg:$0x16];
	s5 =	simm.s32 $0x6800  }
0x44: {  	[tilespmem:s5], [sflag:$0x1] =	stream.linear.gather [hbm4b:s4+s3], $0x400, $0x38;
	[tilespmem:$0x18000] =	vst v63  }
0x45: {  	s22 =	rddreg [dreg:$0x12];
	s23 =	simm.s32 $0x7000  }
0x46: {  	[tilespmem:s23], [sflag:$0x1] =	stream.linear.gather [hbm4b:s22+s3], $0x400, $0x38;
	[tilespmem:$0x18000] =	vst v63  }
0x47: {  	s24 =	rddreg [dreg:$0x13];
	s25 =	simm.s32 $0x7800  }
0x48: {  	[tilespmem:s25], [sflag:$0x1] =	stream.linear.gather [hbm4b:s24+s3], $0x400, $0x38;
	[tilespmem:$0x18000] =	vst v63  }
0x49: {  	s26 =	rddreg [dreg:$0x4]  }
0x4a: {  	[tilespmem:s12], [sflag:$0x2] =	stream.linear.gather [hbm4b:s26+s3], $0x400, $0x38;
	[tilespmem:$0x18000] =	vst v63  }
0x4b: {  	s28 =	rddreg [dreg:$0x14];
	s29 =	simm.s32 $0x8800  }
0x4c: {  	[tilespmem:s29], [sflag:$0x2] =	stream.linear.gather [hbm4b:s28+s3], $0x400, $0x38;
	[tilespmem:$0x18000] =	vst v63  }
0x4d: {  	s30 =	rddreg [dreg:$0x15];
	s31 =	simm.s32 $0x9000  }
0x4e: {  	[tilespmem:s31], [sflag:$0x2] =	stream.linear.gather [hbm4b:s30+s3], $0x400, $0x38;
	[tilespmem:$0x18000] =	vst v63  }
0x4f: {  	s4 =	simm.s32 $0x9800;
	s5 =	rddreg [dreg:$0x17]  }
0x50: {  	[tilespmem:s4], [sflag:$0x2] =	stream.linear.gather [hbm4b:s1+s3], $0x400, $0x38;
	[tilespmem:$0x18000] =	vst v63  }
0x51: {  	s22 =	simm.s32 $0xA000;
	s23 =	rddreg [dreg:$0x18]  }
0x52: {  	[tilespmem:s22], [sflag:$0x2] =	stream.linear.gather [hbm4b:s5+s3], $0x400, $0x38;
	[tilespmem:$0x18000] =	vst v63  }
0x53: {  	s24 =	simm.s32 $0xA800;
	s25 =	rddreg [dreg:$0x19]  }
0x54: {  	[tilespmem:s24], [sflag:$0x2] =	stream.linear.gather [hbm4b:s23+s3], $0x400, $0x38;
	[tilespmem:$0x18000] =	vst v63  }
0x55: {  	s26 =	simm.s32 $0xB000;
	s28 =	rddreg [dreg:$0x1a]  }
0x56: {  	[tilespmem:s26], [sflag:$0x2] =	stream.linear.gather [hbm4b:s25+s3], $0x400, $0x38;
	[tilespmem:$0x18000] =	vst v63  }
0x57: {  	s29 =	simm.s32 $0xB800;
	s30 =	rddreg [dreg:$0x1b]  }
0x58: {  	[tilespmem:s29], [sflag:$0x2] =	stream.linear.gather [hbm4b:s28+s3], $0x400, $0x38;
	[tilespmem:$0x18000] =	vst v63  }
0x59: {  	s31 =	simm.s32 $0xC000;
	s1 =	rddreg [dreg:$0x1c]  }
0x5a: {  	[tilespmem:s31], [sflag:$0x2] =	stream.linear.gather [hbm4b:s30+s3], $0x400, $0x38;
	[tilespmem:$0x18000] =	vst v63  }
0x5b: {  	s4 =	simm.s32 $0xC800;
	s5 =	rddreg [dreg:$0x1d]  }
0x5c: {  	[tilespmem:s4], [sflag:$0x2] =	stream.linear.gather [hbm4b:s1+s3], $0x400, $0x38;
	[tilespmem:$0x18000] =	vst v63  }
0x5d: {  	s22 =	simm.s32 $0xD000;
	s23 =	rddreg [dreg:$0x1e]  }
0x5e: {  	[tilespmem:s22], [sflag:$0x2] =	stream.linear.gather [hbm4b:s5+s3], $0x400, $0x38;
	[tilespmem:$0x18000] =	vst v63  }
0x5f: {  	s24 =	simm.s32 $0xD800;
	s25 =	rddreg [dreg:$0x1f]  }
0x60: {  	[tilespmem:s24], [sflag:$0x2] =	stream.linear.gather [hbm4b:s23+s3], $0x400, $0x38;
	[tilespmem:$0x18000] =	vst v63  }
0x61: {  	s26 =	simm.s32 $0xE000;
	s28 =	sld [smem:$0x7FD]  }
0x62: {  	[tilespmem:s26], [sflag:$0x2] =	stream.linear.gather [hbm4b:s25+s3], $0x400, $0x38;
	[tilespmem:$0x18000] =	vst v63  }
0x63: {  	s29 =	simm.s32 $0xE800  }
0x64: {  	[tilespmem:s29], [sflag:$0x2] =	stream.linear.gather [hbm4b:s28+s3], $0x400, $0x38;
	[tilespmem:$0x18000] =	vst v63  }
0x65: {  	s30 =	simm.s32 $0xF000  }
0x66: {  	[tilespmem:s30], [sflag:$0x2] =	stream.linear.gather [hbm4b:s6+s3], $0x400, $0x38;
	[tilespmem:$0x18000] =	vst v63  }
0x67: {  	s31 =	simm.s32 $0xF800;
	s22 =	simm.s32 $0x0  }
0x68: {  	[tilespmem:s31], [sflag:$0x2] =	stream.linear.gather [hbm4b:s7+s3], $0x400, $0x38;
	[tilespmem:$0x18000] =	vst v63  }
.LBB2_2:
0x69: {  	_ =	swait.ge [sflag:s13], $0x4000  }
0x6a: {  	p1 =	seq.s32 s22, $0x0;
	[sflag:s13] =	ssyncset.done $0x0  }
0x6b: {  	s1 =	simm.s32 @!p1 $0x3;
	[sflag:s13] =	ssyncadd.s32 $0xFFFFC000  }
0x6c: {  	s23 =	sshll.u32 s22, $0x1;
	s25 =	simm.s32 $0x0;
	_ =	swait.ge @!p1 [sflag:s1], $0x4000  }
0x6d: {  	s26 =	simm.s32 $0x0;
	s28 =	simm.s32 $0x0;
	[sflag:s1] =	ssyncset.done @!p1 $0x0  }
0x6e: {  	s24 =	sadd.s32 s16, s23;
	s23 =	simm.s32 $0x0;
	[sflag:s1] =	ssyncadd.s32 @!p1 $0xFFFFC000  }
.LBB2_3:
0x6f: {  	v4 =	vmov s23;
	s1 =	simm.s32 $0x8;
	v3 =	vmov s28;
	s29 =	simm.s32 $0x1C  }
0x70: {  	s5 =	simm.s32 $0xC;
	s30 =	simm.s32 $0x10;
	s0 =	simm.s32 $0x14;
	v4 =	vshrl.u32 v4, $0x3;
	v5 =	vmov s1;
	v6 =	vmov s29  }
0x71: {  	s4 =	simm.s32 $0x20;
	s31 =	simm.s32 $0x2C;
	v7 =	vmov s5;
	v8 =	vmov s30;
	v9 =	vmov s0  }
0x72: {  	s29 =	simm.s32 $0x18;
	v11 =	vmov s4;
	v15 =	vmov s31;
	v6 =	vshrl.u32 v6, $0x3  }
0x73: {  	v10 =	vmov s29;
	v5 =	vshrl.u32 v5, $0x3;
	v7 =	vshrl.u32 v7, $0x3  }
0x74: {  	s5 =	simm.s32 $0x28;
	v8 =	vshrl.u32 v8, $0x3;
	v9 =	vshrl.u32 v9, $0x3;
	v4 =	vshll.u32 v4, v1  }
0x75: {  	v11 =	vshrl.u32 v11, $0x3;
	v13 =	vmov s5;
	v6 =	vshll.u32 v6, v1  }
0x76: {  	v5 =	vshll.u32 v5, v1;
	v7 =	vshll.u32 v7, v1;
	v4 =	vor.u32 v3, v4  }
0x77: {  	v10 =	vshrl.u32 v10, $0x3;
	v8 =	vshll.u32 v8, v1;
	v4 =	vbroadcast v4, $0x0  }
0x78: {  	v9 =	vshll.u32 v9, v1;
	v6 =	vor.u32 v3, v6;
	v5 =	vor.u32 v3, v5  }
0x79: {  	v10 =	vshll.u32 v10, v1;
	v6 =	vbroadcast v6, $0x0;
	v12 =	vor.u32 v0, v4  }
0x7a: {  	v8 =	vor.u32 v3, v8;
	v5 =	vbroadcast v5, $0x0;
	v4 =	vor.u32 v2, v4  }
0x7b: {  	v7 =	vor.u32 v3, v7;
	v8 =	vbroadcast v8, $0x0;
	v6 =	vor.u32 v2, v6  }
0x7c: {  	v9 =	vor.u32 v3, v9;
	v7 =	vbroadcast v7, $0x0;
	v5 =	vor.u32 v0, v5  }
0x7d: {  	s30 =	simm.s32 $0x3C;
	v10 =	vor.u32 v3, v10;
	v9 =	vbroadcast v9, $0x0;
	v8 =	vor.u32 v0, v8  }
0x7e: {  	s4 =	simm.s32 $0x30;
	v14 =	vmov s30;
	v10 =	vbroadcast v10, $0x0;
	v7 =	vor.u32 v2, v7;
	v12 =	vld.idx.msk [tilespmem:v12+s3+$0x0], $0xffff  }
0x7f: {  	s30 =	simm.s32 $0x34;
	v16 =	vmov s4;
	v15 =	vshrl.u32 v15, $0x3;
	v9 =	vor.u32 v2, v9;
	v4 =	vld.idx.msk [tilespmem:v4+s3+$0x0], $0xffff  }
0x80: {  	s0 =	sand.u32 $0x7, s25;
	s29 =	sshll.u32 s26, $0x2;
	s5 =	simm.s32 $0x38;
	v14 =	vshrl.u32 v14, $0x3;
	v17 =	vmov s30;
	v10 =	vor.u32 v0, v10;
	v6 =	vld.idx.msk [tilespmem:v6+s3+$0x0], $0xffff  }
0x81: {  	s0 =	sshll.u32 s0, $0x9;
	s29 =	sand.u32 $0xFFFFC000, s29;
	v18 =	vmov s5;
	v13 =	vshrl.u32 v13, $0x3;
	v14 =	vshll.u32 v14, v1;
	v5 =	vld.idx.msk [tilespmem:v5+s3+$0x0], $0xffff  }
0x82: {  	v16 =	vshrl.u32 v16, $0x3;
	v11 =	vshll.u32 v11, v1;
	s0 =	sor.u32 s0, s29;
	v14 =	vor.u32 v3, v14;
	v8 =	vld.idx.msk [tilespmem:v8+s3+$0x0], $0xffff  }
0x83: {  	v17 =	vshrl.u32 v17, $0x3;
	v13 =	vshll.u32 v13, v1;
	s0 =	sshrl.u32 s0, $0x2;
	v14 =	vbroadcast v14, $0x0;
	v7 =	vld.idx.msk [tilespmem:v7+s3+$0x0], $0xffff  }
0x84: {  	v59 =	vshrl.u32 v18, $0x3;
	v61 =	vshll.u32 v17, v1;
	v13 =	vor.u32 v3, v13;
	s29 =	sadd.s32 $0x10040, s0;
	v9 =	vld.idx.msk [tilespmem:v9+s3+$0x0], $0xffff  }
0x85: {  	v13 =	vbroadcast v13, $0x0;
	v14 =	vor.u32 v2, v14;
	v60 =	vld.idx.msk [tilespmem:v10+s3+$0x0], $0xffff;
	v10 =	vshll.u32 v16, v1;
	[tilespmem:s29+$0x30] =	vst v6  }
0x86: {  	v6 =	vshll.u32 v15, v1;
	v15 =	vshll.u32 v59, v1;
	[tilespmem:s29+$0xFFFFFFE0] =	vst v5;
	v5 =	vor.u32 v3, v10  }
0x87: {  	v10 =	vor.u32 v3, v61;
	[tilespmem:s29+$0x0] =	vst v8;
	v8 =	vor.u32 v3, v11;
	v6 =	vor.u32 v3, v6  }
0x88: {  	[tilespmem:s29+$0xFFFFFFF0] =	vst v7;
	v7 =	vor.u32 v3, v15;
	v62 =	vbroadcast v5, $0x0;
	v6 =	vbroadcast v6, $0x0  }
0x89: {  	[tilespmem:s29+$0x10] =	vst v9;
	v9 =	vor.u32 v0, v13;
	v16 =	vbroadcast v10, $0x0;
	v63 =	vbroadcast v7, $0x0  }
0x8a: {  	[tilespmem:s29+$0xFFFFFFC0] =	vst v12;
	v5 =	vld.idx.msk [tilespmem:v14+s3+$0x0], $0xffff;
	v11 =	vbroadcast v8, $0x0;
	v10 =	vor.u32 v2, v6  }
0x8b: {  	s31 =	simm.s32 $0x40;
	s30 =	simm.s32 $0x8;
	[tilespmem:s29+$0x20] =	vst v60;
	v8 =	vor.u32 v0, v62;
	v7 =	vor.u32 v2, v16;
	v6 =	vor.u32 v0, v63  }
.LBB2_4:
0x8c: {  	v12 =	vmov s31;
	s0 =	sadd.s32 $0x8, s31;
	s1 =	sadd.s32 $0x1C, s31;
	s30 =	sadd.s32 $0x8, s30;
	v13 =	vor.u32 v0, v11;
	v11 =	vor.u32 v2, v11;
	[tilespmem:s29+$0xFFFFFFD0] =	vst v4  }
0x8d: {  	s4 =	sadd.s32 $0x10, s31;
	v4 =	vshrl.u32 v12, $0x3;
	v12 =	vmov s0;
	s0 =	sadd.s32 $0xC, s31;
	v14 =	vmov s1;
	p0 =	slt.u32 s30, $0x18  }
0x8e: {  	s29 =	sadd.s32 $0x400, s29;
	v16 =	vmov s4;
	s1 =	sadd.s32 $0x18, s31;
	v15 =	vmov s0;
	s0 =	sadd.s32 $0x14, s31;
	v14 =	vshrl.u32 v14, $0x3;
	v9 =	vld.idx.msk [tilespmem:v9+s3+$0x0], $0xffff  }
0x8f: {  	v18 =	vmov s1;
	v17 =	vmov s0;
	v14 =	vshll.u32 v14, v1;
	v10 =	vld.idx.msk [tilespmem:v10+s3+$0x0], $0xffff;
	[tilespmem:s29+$0x30] =	vst v5  }
0x90: {  	v5 =	vshrl.u32 v12, $0x3;
	v12 =	vshrl.u32 v15, $0x3;
	v14 =	vor.u32 v3, v14;
	v8 =	vld.idx.msk [tilespmem:v8+s3+$0x0], $0xffff  }
0x91: {  	v15 =	vshrl.u32 v16, $0x3;
	v16 =	vshrl.u32 v17, $0x3;
	v14 =	vbroadcast v14, $0x0;
	v7 =	vld.idx.msk [tilespmem:v7+s3+$0x0], $0xffff  }
0x92: {  	v5 =	vshll.u32 v5, v1;
	v12 =	vshll.u32 v12, v1;
	v17 =	vshrl.u32 v18, $0x3;
	v6 =	vld.idx.msk [tilespmem:v6+s3+$0x0], $0xffff  }
0x93: {  	v15 =	vshll.u32 v15, v1;
	v16 =	vshll.u32 v16, v1;
	v14 =	vor.u32 v2, v14;
	v13 =	vld.idx.msk [tilespmem:v13+s3+$0x0], $0xffff  }
0x94: {  	v18 =	vshll.u32 v4, v1;
	v5 =	vor.u32 v3, v5;
	v17 =	vshll.u32 v17, v1;
	v4 =	vld.idx.msk [tilespmem:v11+s3+$0x0], $0xffff  }
0x95: {  	v11 =	vor.u32 v3, v12;
	v12 =	vor.u32 v3, v15;
	v15 =	vor.u32 v3, v16;
	[tilespmem:s29+$0xFFFFFFE0] =	vst v9  }
.Ltmp0:
0x96: {  	v5 =	vbroadcast v5, $0x0;
	v17 =	vor.u32 v3, v17;
	v16 =	vor.u32 v3, v18;
	[tilespmem:s29+$0xFFFFFFF0] =	vst v10;
	(pc) =	sbr.rel @p0 .LBB2_4-.Ltmp0, $4  }
0x97: {  	v12 =	vbroadcast v12, $0x0;
	v10 =	vbroadcast v11, $0x0;
	[tilespmem:s29+$0x0] =	vst v8  }
0x98: {  	v17 =	vbroadcast v17, $0x0;
	v9 =	vor.u32 v0, v5;
	v15 =	vbroadcast v15, $0x0;
	v5 =	vld.idx.msk [tilespmem:v14+s3+$0x0], $0xffff;
	[tilespmem:s29+$0x10] =	vst v7  }
0x99: {  	v11 =	vbroadcast v16, $0x0;
	v8 =	vor.u32 v0, v12;
	v10 =	vor.u32 v2, v10;
	[tilespmem:s29+$0x20] =	vst v6  }
0x9a: {  	s31 =	sadd.s32 $0x20, s31;
	v7 =	vor.u32 v2, v15;
	v6 =	vor.u32 v0, v17;
	[tilespmem:s29+$0xFFFFFFC0] =	vst v13  }
0x9b: {  	_ =	sdelay $0x3  }
0x9c: {  	v3 =	vor.u32 v0, v11;
	v9 =	vld.idx.msk [tilespmem:v9+s3+$0x0], $0xffff  }
0x9d: {  	v60 =	vor.u32 v2, v11;
	v10 =	vld.idx.msk [tilespmem:v10+s3+$0x0], $0xffff  }
0x9e: {  	v8 =	vld.idx.msk [tilespmem:v8+s3+$0x0], $0xffff  }
0x9f: {  	[tilespmem:s29+$0xFFFFFFD0] =	vst v4;
	s0 =	sadd.s32 $0x400, s29;
	v61 =	vld.idx.msk [tilespmem:v7+s3+$0x0], $0xffff  }
0xa0: {  	v62 =	vld.idx.msk [tilespmem:v6+s3+$0x0], $0xffff;
	[tilespmem:s0+$0x30] =	vst v5  }
0xa1: {  	s28 =	sadd.s32 $0x1, s28;
	v3 =	vld.idx.msk [tilespmem:v3+s3+$0x0], $0xffff;
	[tilespmem:s0+$0xFFFFFFE0] =	vst v9  }
0xa2: {  	p0 =	sne.s32 s28, $0x20;
	v63 =	vld.idx.msk [tilespmem:v60+s3+$0x0], $0xffff;
	[tilespmem:s0+$0xFFFFFFF0] =	vst v10  }
.Ltmp1:
0xa3: {  	[tilespmem:s0+$0x0] =	vst v8;
	(pc) =	sbr.rel @p0 .LBB2_3-.Ltmp1, $4  }
0xa4: {  	[tilespmem:s0+$0x10] =	vst v61  }
0xa5: {  	[tilespmem:s0+$0x20] =	vst v62  }
0xa6: {  	[tilespmem:s0+$0xFFFFFFC0] =	vst v3  }
0xa7: {  	s26 =	sadd.s32 $0x200, s26;
	s25 =	sadd.s32 $0x1, s25;
	[tilespmem:s0+$0xFFFFFFD0] =	vst v63  }
0xa8: {  	p0 =	seq.s32 s22, $0xC;
	s23 =	sshll.u32 s24, $0xB  }
0xa9: {  	s0 =	sadd.s32 @!p0 s9, s23;
	s1 =	simm.s32 @!p0 $0x0  }
0xaa: {  	[tilespmem:s1], [sflag:$0x1] =	stream.linear.gather @!p0 [hbm4b:s0+s1], $0x400, $0x38;
	[tilespmem:$0x18000] =	vst v63  }
0xab: {  	s25 =	simm.s32 @!p0 $0x800;
	s4 =	sadd.s32 @!p0 $0x80, s0  }
0xac: {  	[tilespmem:s25], [sflag:$0x1] =	stream.linear.gather @!p0 [hbm4b:s4+s1], $0x400, $0x38;
	[tilespmem:$0x18000] =	vst v63  }
0xad: {  	s4 =	sadd.s32 @!p0 $0x100, s0;
	s25 =	simm.s32 @!p0 $0x1000  }
0xae: {  	[tilespmem:s25], [sflag:$0x1] =	stream.linear.gather @!p0 [hbm4b:s4+s1], $0x400, $0x38;
	[tilespmem:$0x18000] =	vst v63  }
0xaf: {  	s4 =	sadd.s32 @!p0 $0x180, s0;
	s25 =	simm.s32 @!p0 $0x1800  }
0xb0: {  	[tilespmem:s25], [sflag:$0x1] =	stream.linear.gather @!p0 [hbm4b:s4+s1], $0x400, $0x38;
	[tilespmem:$0x18000] =	vst v63  }
0xb1: {  	s4 =	sadd.s32 @!p0 $0x200, s0;
	s25 =	simm.s32 @!p0 $0x2000  }
0xb2: {  	[tilespmem:s25], [sflag:$0x1] =	stream.linear.gather @!p0 [hbm4b:s4+s1], $0x400, $0x38;
	[tilespmem:$0x18000] =	vst v63  }
0xb3: {  	s4 =	sadd.s32 @!p0 $0x280, s0;
	s25 =	simm.s32 @!p0 $0x2800  }
0xb4: {  	[tilespmem:s25], [sflag:$0x1] =	stream.linear.gather @!p0 [hbm4b:s4+s1], $0x400, $0x38;
	[tilespmem:$0x18000] =	vst v63  }
0xb5: {  	s4 =	sadd.s32 @!p0 $0x300, s0;
	s25 =	simm.s32 @!p0 $0x3000  }
0xb6: {  	[tilespmem:s25], [sflag:$0x1] =	stream.linear.gather @!p0 [hbm4b:s4+s1], $0x400, $0x38;
	[tilespmem:$0x18000] =	vst v63  }
0xb7: {  	s4 =	sadd.s32 @!p0 $0x380, s0;
	s25 =	simm.s32 @!p0 $0x3800  }
0xb8: {  	[tilespmem:s25], [sflag:$0x1] =	stream.linear.gather @!p0 [hbm4b:s4+s1], $0x400, $0x38;
	[tilespmem:$0x18000] =	vst v63  }
0xb9: {  	s4 =	sadd.s32 @!p0 $0x400, s0;
	s25 =	simm.s32 @!p0 $0x4000  }
0xba: {  	[tilespmem:s25], [sflag:$0x1] =	stream.linear.gather @!p0 [hbm4b:s4+s1], $0x400, $0x38;
	[tilespmem:$0x18000] =	vst v63  }
0xbb: {  	s4 =	sadd.s32 @!p0 $0x480, s0;
	s25 =	simm.s32 @!p0 $0x4800  }
0xbc: {  	[tilespmem:s25], [sflag:$0x1] =	stream.linear.gather @!p0 [hbm4b:s4+s1], $0x400, $0x38;
	[tilespmem:$0x18000] =	vst v63  }
0xbd: {  	s4 =	sadd.s32 @!p0 $0x500, s0;
	s25 =	simm.s32 @!p0 $0x5000  }
0xbe: {  	[tilespmem:s25], [sflag:$0x1] =	stream.linear.gather @!p0 [hbm4b:s4+s1], $0x400, $0x38;
	[tilespmem:$0x18000] =	vst v63  }
0xbf: {  	s4 =	sadd.s32 @!p0 $0x580, s0;
	s25 =	simm.s32 @!p0 $0x5800  }
0xc0: {  	[tilespmem:s25], [sflag:$0x1] =	stream.linear.gather @!p0 [hbm4b:s4+s1], $0x400, $0x38;
	[tilespmem:$0x18000] =	vst v63  }
0xc1: {  	s4 =	sadd.s32 @!p0 $0x600, s0;
	s25 =	simm.s32 @!p0 $0x6000  }
0xc2: {  	[tilespmem:s25], [sflag:$0x1] =	stream.linear.gather @!p0 [hbm4b:s4+s1], $0x400, $0x38;
	[tilespmem:$0x18000] =	vst v63  }
0xc3: {  	s4 =	sadd.s32 @!p0 $0x680, s0;
	s25 =	simm.s32 @!p0 $0x6800  }
0xc4: {  	[tilespmem:s25], [sflag:$0x1] =	stream.linear.gather @!p0 [hbm4b:s4+s1], $0x400, $0x38;
	[tilespmem:$0x18000] =	vst v63  }
0xc5: {  	s31 =	sshll.u32 s24, $0x9;
	s4 =	sadd.s32 @!p0 $0x700, s0;
	s25 =	simm.s32 @!p0 $0x7000  }
0xc6: {  	[tilespmem:s25], [sflag:$0x1] =	stream.linear.gather @!p0 [hbm4b:s4+s1], $0x400, $0x38;
	[tilespmem:$0x18000] =	vst v63  }
0xc7: {  	s24 =	sand.u32 $0x3C00, s31;
	s0 =	sadd.s32 @!p0 $0x780, s0;
	s4 =	simm.s32 @!p0 $0x7800  }
0xc8: {  	[tilespmem:s4], [sflag:$0x1] =	stream.linear.gather @!p0 [hbm4b:s0+s1], $0x400, $0x38;
	[tilespmem:$0x18000] =	vst v63  }
0xc9: {  	s25 =	sand.u32 $0xFFF0000, s23;
	s0 =	sadd.s32 s2, s24  }
0xca: {  	s0 =	sadd.s32 s25, s0  }
0xcb: {  	[hbm4b:s0+s11] =	stream.strided.scatter [tilespmem:s15], [sflag:$0x3], $0x4000, s14, s11, $0x38;
	[tilespmem:$0x18000] =	vst v63  }
0xcc: {  	_ =	swait.ge [sflag:s17], $0x4000  }
0xcd: {  	[sflag:s17] =	ssyncset.done $0x0  }
0xce: {  	s0 =	simm.s32 @!p1 $0x4;
	[sflag:s17] =	ssyncadd.s32 $0xFFFFC000  }
0xcf: {  	_ =	swait.ge @!p1 [sflag:s0], $0x4000  }
0xd0: {  	s26 =	simm.s32 $0x0;
	[sflag:s0] =	ssyncset.done @!p1 $0x0  }
0xd1: {  	s28 =	simm.s32 $0x0;
	s29 =	simm.s32 $0x0;
	[sflag:s0] =	ssyncadd.s32 @!p1 $0xFFFFC000  }
.LBB2_7:
0xd2: {  	s0 =	simm.s32 $0x1C  }
0xd3: {  	v3 =	vmov s29;
	s1 =	simm.s32 $0x8;
	s4 =	simm.s32 $0x18;
	s5 =	simm.s32 $0x10;
	v4 =	vmov s0  }
0xd4: {  	s30 =	simm.s32 $0x30;
	s31 =	simm.s32 $0x20;
	v5 =	vmov s1;
	v6 =	vmov s4;
	v8 =	vmov s5  }
0xd5: {  	s1 =	simm.s32 $0xC;
	s4 =	simm.s32 $0x0;
	v16 =	vmov s30;
	v17 =	vmov s31;
	v4 =	vshrl.u32 v4, $0x3  }
0xd6: {  	s5 =	simm.s32 $0x14;
	v7 =	vmov s1;
	v6 =	vshrl.u32 v6, $0x3;
	v9 =	vmov s4  }
0xd7: {  	v10 =	vmov s5;
	v5 =	vshrl.u32 v5, $0x3;
	v8 =	vshrl.u32 v8, $0x3  }
0xd8: {  	v17 =	vshrl.u32 v17, $0x3;
	v16 =	vshrl.u32 v16, $0x3;
	v6 =	vshll.u32 v6, v1  }
0xd9: {  	v9 =	vshrl.u32 v9, $0x3;
	v7 =	vshrl.u32 v7, $0x3;
	v5 =	vshll.u32 v5, v1  }
0xda: {  	s1 =	simm.s32 $0x3C;
	s5 =	simm.s32 $0x28;
	v10 =	vshrl.u32 v10, $0x3;
	v8 =	vshll.u32 v8, v1;
	v4 =	vshll.u32 v4, v1  }
0xdb: {  	v12 =	vmov s1;
	v13 =	vmov s5;
	v6 =	vor.u32 v3, v6  }
0xdc: {  	s4 =	simm.s32 $0x38;
	v9 =	vshll.u32 v9, v1;
	v5 =	vor.u32 v3, v5;
	v6 =	vbroadcast v6, $0x0  }
0xdd: {  	v14 =	vmov s4;
	v9 =	vor.u32 v3, v9;
	v5 =	vbroadcast v5, $0x0  }
0xde: {  	v7 =	vshll.u32 v7, v1;
	v9 =	vbroadcast v9, $0x0;
	v6 =	vor.u32 v0, v6  }
0xdf: {  	v10 =	vshll.u32 v10, v1;
	v8 =	vor.u32 v3, v8;
	v5 =	vor.u32 v0, v5  }
0xe0: {  	v7 =	vor.u32 v3, v7;
	v8 =	vbroadcast v8, $0x0;
	v11 =	vor.u32 v0, v9  }
0xe1: {  	v10 =	vor.u32 v3, v10;
	v7 =	vbroadcast v7, $0x0;
	v9 =	vor.u32 v2, v9  }
0xe2: {  	v17 =	vshll.u32 v17, v1;
	v10 =	vbroadcast v10, $0x0;
	v8 =	vor.u32 v0, v8  }
0xe3: {  	s0 =	sshll.u32 s28, $0x2;
	s4 =	sand.u32 $0x7, s26;
	v4 =	vor.u32 v3, v4;
	v14 =	vshrl.u32 v14, $0x3;
	v7 =	vor.u32 v2, v7;
	v6 =	vld.idx.msk [tilespmem:v6+s12+$0x0], $0xffff  }
0xe4: {  	s0 =	sand.u32 $0xFFFFC000, s0;
	s5 =	simm.s32 $0x2C;
	s4 =	sshll.u32 s4, $0x9;
	v4 =	vbroadcast v4, $0x0;
	v14 =	vshll.u32 v14, v1;
	v10 =	vor.u32 v2, v10;
	v5 =	vld.idx.msk [tilespmem:v5+s12+$0x0], $0xffff  }
0xe5: {  	v12 =	vshrl.u32 v12, $0x3;
	v15 =	vmov s5;
	s0 =	sor.u32 s4, s0;
	v14 =	vor.u32 v3, v14;
	v11 =	vld.idx.msk [tilespmem:v11+s12+$0x0], $0xffff  }
0xe6: {  	s5 =	simm.s32 $0x34;
	v13 =	vshrl.u32 v13, $0x3;
	s0 =	sshrl.u32 s0, $0x2;
	v4 =	vor.u32 v2, v4;
	v14 =	vbroadcast v14, $0x0;
	v9 =	vld.idx.msk [tilespmem:v9+s12+$0x0], $0xffff  }
0xe7: {  	v18 =	vmov s5;
	v13 =	vshll.u32 v13, v1;
	v12 =	vshll.u32 v12, v1;
	s30 =	sadd.s32 $0x14000, s0;
	v61 =	vld.idx.msk [tilespmem:v8+s12+$0x0], $0xffff  }
0xe8: {  	v15 =	vshrl.u32 v15, $0x3;
	v13 =	vor.u32 v3, v13;
	v14 =	vor.u32 v0, v14;
	v7 =	vld.idx.msk [tilespmem:v7+s12+$0x0], $0xffff;
	[tilespmem:s30+$0x60] =	vst v6  }
0xe9: {  	v8 =	vshll.u32 v15, v1;
	v15 =	vshll.u32 v16, v1;
	v62 =	vld.idx.msk [tilespmem:v10+s12+$0x0], $0xffff;
	v6 =	vshrl.u32 v18, $0x3;
	[tilespmem:s30+$0x20] =	vst v5  }
0xea: {  	v10 =	vor.u32 v3, v17;
	v8 =	vor.u32 v3, v8;
	v6 =	vshll.u32 v6, v1;
	[tilespmem:s30+$0x0] =	vst v11  }
0xeb: {  	v5 =	vld.idx.msk [tilespmem:v4+s12+$0x0], $0xffff;
	v11 =	vor.u32 v3, v15;
	v15 =	vbroadcast v10, $0x0;
	[tilespmem:s30+$0x10] =	vst v9;
	v9 =	vor.u32 v3, v12  }
0xec: {  	v12 =	vbroadcast v13, $0x0;
	v13 =	vbroadcast v8, $0x0;
	v6 =	vor.u32 v3, v6  }
0xed: {  	[tilespmem:s30+$0x40] =	vst v61;
	v4 =	vbroadcast v11, $0x0;
	v10 =	vor.u32 v0, v15;
	v63 =	vbroadcast v6, $0x0  }
0xee: {  	[tilespmem:s30+$0x30] =	vst v7;
	v6 =	vld.idx.msk [tilespmem:v14+s12+$0x0], $0xffff;
	v11 =	vor.u32 v2, v15;
	v8 =	vor.u32 v0, v12;
	v12 =	vbroadcast v9, $0x0  }
0xef: {  	s31 =	simm.s32 $0x8;
	s1 =	simm.s32 $0x5C;
	[tilespmem:s30+$0x50] =	vst v62;
	v9 =	vor.u32 v2, v13;
	v7 =	vor.u32 v0, v4;
	v4 =	vor.u32 v2, v63  }
.LBB2_8:
0xf0: {  	s0 =	sadd.s32 $0xFFFFFFEC, s1;
	s4 =	sadd.s32 $0xFFFFFFFC, s1;
	v13 =	vmov s1;
	s31 =	sadd.s32 $0x8, s31;
	v12 =	vor.u32 v2, v12;
	[tilespmem:s30+$0x70] =	vst v5  }
0xf1: {  	s5 =	sadd.s32 $0xFFFFFFF4, s1;
	v5 =	vmov s0;
	s0 =	sadd.s32 $0xFFFFFFF0, s1;
	v14 =	vmov s4;
	v13 =	vshrl.u32 v13, $0x3;
	p1 =	slt.u32 s31, $0x18  }
0xf2: {  	s30 =	sadd.s32 $0x400, s30;
	s4 =	sadd.s32 $0xFFFFFFE4, s1;
	v16 =	vmov s5;
	v15 =	vmov s0;
	s0 =	sadd.s32 $0xFFFFFFF8, s1;
	v14 =	vshrl.u32 v14, $0x3;
	v10 =	vld.idx.msk [tilespmem:v10+s12+$0x0], $0xffff  }
0xf3: {  	v17 =	vmov s4;
	v18 =	vmov s0;
	v14 =	vshll.u32 v14, v1;
	v11 =	vld.idx.msk [tilespmem:v11+s12+$0x0], $0xffff;
	[tilespmem:s30+$0x60] =	vst v6  }
0xf4: {  	v5 =	vshrl.u32 v5, $0x3;
	v6 =	vshrl.u32 v17, $0x3;
	v14 =	vor.u32 v3, v14;
	v8 =	vld.idx.msk [tilespmem:v8+s12+$0x0], $0xffff  }
0xf5: {  	v16 =	vshrl.u32 v16, $0x3;
	v15 =	vshrl.u32 v15, $0x3;
	v14 =	vbroadcast v14, $0x0;
	v9 =	vld.idx.msk [tilespmem:v9+s12+$0x0], $0xffff  }
0xf6: {  	v17 =	vshll.u32 v5, v1;
	v6 =	vshll.u32 v6, v1;
	v5 =	vshrl.u32 v18, $0x3;
	v7 =	vld.idx.msk [tilespmem:v7+s12+$0x0], $0xffff  }
0xf7: {  	v16 =	vshll.u32 v16, v1;
	v15 =	vshll.u32 v15, v1;
	v14 =	vor.u32 v0, v14;
	v18 =	vld.idx.msk [tilespmem:v4+s12+$0x0], $0xffff  }
0xf8: {  	v13 =	vshll.u32 v13, v1;
	v4 =	vor.u32 v3, v6;
	v6 =	vshll.u32 v5, v1;
	v5 =	vld.idx.msk [tilespmem:v12+s12+$0x0], $0xffff  }
0xf9: {  	v16 =	vor.u32 v3, v16;
	v15 =	vor.u32 v3, v15;
	v12 =	vor.u32 v3, v17;
	[tilespmem:s30+$0x0] =	vst v10  }
.Ltmp2:
0xfa: {  	v13 =	vor.u32 v3, v13;
	v4 =	vbroadcast v4, $0x0;
	v6 =	vor.u32 v3, v6;
	[tilespmem:s30+$0x10] =	vst v11;
	(pc) =	sbr.rel @p1 .LBB2_8-.Ltmp2, $4  }
0xfb: {  	v15 =	vbroadcast v15, $0x0;
	v12 =	vbroadcast v12, $0x0;
	[tilespmem:s30+$0x20] =	vst v8  }
0xfc: {  	v16 =	vbroadcast v16, $0x0;
	v17 =	vbroadcast v6, $0x0;
	v10 =	vor.u32 v0, v4;
	v6 =	vld.idx.msk [tilespmem:v14+s12+$0x0], $0xffff;
	[tilespmem:s30+$0x30] =	vst v9  }
0xfd: {  	v11 =	vor.u32 v2, v4;
	v8 =	vor.u32 v0, v12;
	v12 =	vbroadcast v13, $0x0;
	[tilespmem:s30+$0x40] =	vst v7  }
0xfe: {  	s1 =	sadd.s32 $0x20, s1;
	v4 =	vor.u32 v2, v17;
	v9 =	vor.u32 v2, v15;
	v7 =	vor.u32 v0, v16;
	[tilespmem:s30+$0x50] =	vst v18  }
0xff: {  	_ =	sdelay $0x3  }
0x100: {  	v3 =	vld.idx.msk [tilespmem:v10+s12+$0x0], $0xffff  }
0x101: {  	v61 =	vor.u32 v2, v12;
	v11 =	vld.idx.msk [tilespmem:v11+s12+$0x0], $0xffff  }
0x102: {  	v8 =	vld.idx.msk [tilespmem:v8+s12+$0x0], $0xffff  }
0x103: {  	[tilespmem:s30+$0x70] =	vst v5;
	s0 =	sadd.s32 $0x400, s30;
	v62 =	vld.idx.msk [tilespmem:v9+s12+$0x0], $0xffff  }
0x104: {  	v63 =	vld.idx.msk [tilespmem:v7+s12+$0x0], $0xffff;
	[tilespmem:s0+$0x60] =	vst v6  }
0x105: {  	v4 =	vld.idx.msk [tilespmem:v4+s12+$0x0], $0xffff;
	s29 =	sadd.s32 $0x1, s29;
	[tilespmem:s0+$0x0] =	vst v3  }
0x106: {  	p1 =	sne.s32 s29, $0x20;
	v3 =	vld.idx.msk [tilespmem:v61+s12+$0x0], $0xffff;
	[tilespmem:s0+$0x10] =	vst v11  }
.Ltmp3:
0x107: {  	[tilespmem:s0+$0x20] =	vst v8;
	(pc) =	sbr.rel @p1 .LBB2_7-.Ltmp3, $4  }
0x108: {  	[tilespmem:s0+$0x30] =	vst v62  }
0x109: {  	[tilespmem:s0+$0x40] =	vst v63  }
0x10a: {  	[tilespmem:s0+$0x50] =	vst v4  }
0x10b: {  	s28 =	sadd.s32 $0x200, s28;
	s26 =	sadd.s32 $0x1, s26;
	[tilespmem:s0+$0x70] =	vst v3  }
0x10c: {  	s0 =	sadd.s32 @!p0 s10, s23;
	s1 =	simm.s32 @!p0 $0x0;
	s4 =	simm.s32 @!p0 $0x8000  }
0x10d: {  	[tilespmem:s4], [sflag:$0x2] =	stream.linear.gather @!p0 [hbm4b:s0+s1], $0x400, $0x38;
	[tilespmem:$0x18000] =	vst v63  }
0x10e: {  	s5 =	simm.s32 @!p0 $0x8800;
	s4 =	sadd.s32 @!p0 $0x80, s0  }
0x10f: {  	[tilespmem:s5], [sflag:$0x2] =	stream.linear.gather @!p0 [hbm4b:s4+s1], $0x400, $0x38;
	[tilespmem:$0x18000] =	vst v63  }
0x110: {  	s4 =	sadd.s32 @!p0 $0x100, s0;
	s5 =	simm.s32 @!p0 $0x9000  }
0x111: {  	[tilespmem:s5], [sflag:$0x2] =	stream.linear.gather @!p0 [hbm4b:s4+s1], $0x400, $0x38;
	[tilespmem:$0x18000] =	vst v63  }
0x112: {  	s4 =	sadd.s32 @!p0 $0x180, s0;
	s5 =	simm.s32 @!p0 $0x9800  }
0x113: {  	[tilespmem:s5], [sflag:$0x2] =	stream.linear.gather @!p0 [hbm4b:s4+s1], $0x400, $0x38;
	[tilespmem:$0x18000] =	vst v63  }
0x114: {  	s4 =	sadd.s32 @!p0 $0x200, s0;
	s5 =	simm.s32 @!p0 $0xA000  }
0x115: {  	[tilespmem:s5], [sflag:$0x2] =	stream.linear.gather @!p0 [hbm4b:s4+s1], $0x400, $0x38;
	[tilespmem:$0x18000] =	vst v63  }
0x116: {  	s4 =	sadd.s32 @!p0 $0x280, s0;
	s5 =	simm.s32 @!p0 $0xA800  }
0x117: {  	[tilespmem:s5], [sflag:$0x2] =	stream.linear.gather @!p0 [hbm4b:s4+s1], $0x400, $0x38;
	[tilespmem:$0x18000] =	vst v63  }
0x118: {  	s4 =	sadd.s32 @!p0 $0x300, s0;
	s5 =	simm.s32 @!p0 $0xB000  }
0x119: {  	[tilespmem:s5], [sflag:$0x2] =	stream.linear.gather @!p0 [hbm4b:s4+s1], $0x400, $0x38;
	[tilespmem:$0x18000] =	vst v63  }
0x11a: {  	s4 =	sadd.s32 @!p0 $0x380, s0;
	s5 =	simm.s32 @!p0 $0xB800  }
0x11b: {  	[tilespmem:s5], [sflag:$0x2] =	stream.linear.gather @!p0 [hbm4b:s4+s1], $0x400, $0x38;
	[tilespmem:$0x18000] =	vst v63  }
0x11c: {  	s4 =	sadd.s32 @!p0 $0x400, s0;
	s5 =	simm.s32 @!p0 $0xC000  }
0x11d: {  	[tilespmem:s5], [sflag:$0x2] =	stream.linear.gather @!p0 [hbm4b:s4+s1], $0x400, $0x38;
	[tilespmem:$0x18000] =	vst v63  }
0x11e: {  	s4 =	sadd.s32 @!p0 $0x480, s0;
	s5 =	simm.s32 @!p0 $0xC800  }
0x11f: {  	[tilespmem:s5], [sflag:$0x2] =	stream.linear.gather @!p0 [hbm4b:s4+s1], $0x400, $0x38;
	[tilespmem:$0x18000] =	vst v63  }
0x120: {  	s4 =	sadd.s32 @!p0 $0x500, s0;
	s5 =	simm.s32 @!p0 $0xD000  }
0x121: {  	[tilespmem:s5], [sflag:$0x2] =	stream.linear.gather @!p0 [hbm4b:s4+s1], $0x400, $0x38;
	[tilespmem:$0x18000] =	vst v63  }
0x122: {  	s4 =	sadd.s32 @!p0 $0x580, s0;
	s5 =	simm.s32 @!p0 $0xD800  }
0x123: {  	[tilespmem:s5], [sflag:$0x2] =	stream.linear.gather @!p0 [hbm4b:s4+s1], $0x400, $0x38;
	[tilespmem:$0x18000] =	vst v63  }
0x124: {  	s4 =	sadd.s32 @!p0 $0x600, s0;
	s5 =	simm.s32 @!p0 $0xE000  }
0x125: {  	[tilespmem:s5], [sflag:$0x2] =	stream.linear.gather @!p0 [hbm4b:s4+s1], $0x400, $0x38;
	[tilespmem:$0x18000] =	vst v63  }
0x126: {  	s4 =	sadd.s32 @!p0 $0x680, s0;
	s5 =	simm.s32 @!p0 $0xE800  }
0x127: {  	[tilespmem:s5], [sflag:$0x2] =	stream.linear.gather @!p0 [hbm4b:s4+s1], $0x400, $0x38;
	[tilespmem:$0x18000] =	vst v63  }
0x128: {  	s4 =	sadd.s32 @!p0 $0x700, s0;
	s5 =	simm.s32 @!p0 $0xF000  }
0x129: {  	[tilespmem:s5], [sflag:$0x2] =	stream.linear.gather @!p0 [hbm4b:s4+s1], $0x400, $0x38;
	[tilespmem:$0x18000] =	vst v63  }
0x12a: {  	s22 =	sadd.s32 $0x1, s22;
	s0 =	sadd.s32 @!p0 $0x780, s0;
	s4 =	simm.s32 @!p0 $0xF800  }
0x12b: {  	[tilespmem:s4], [sflag:$0x2] =	stream.linear.gather @!p0 [hbm4b:s0+s1], $0x400, $0x38;
	[tilespmem:$0x18000] =	vst v63  }
0x12c: {  	p0 =	sne.s32 s22, $0xD  }
.Ltmp4:
0x12d: {  	_ = 	snop;
	(pc) =	sbr.rel @p0 .LBB2_2-.Ltmp4, $4  }
0x12e: {  	s31 =	sadd.s32 s2, s25  }
0x12f: {  	s0 =	sadd.s32 s24, s31  }
0x130: {  	s0 =	sadd.s32 $0x200, s0  }
0x131: {  	[hbm4b:s0+s11] =	stream.strided.scatter [tilespmem:s18], [sflag:$0x4], $0x4000, s14, s11, $0x38;
	[tilespmem:$0x18000] =	vst v63  }
0x132: {  	s21 =	sadd.s32 $0x1, s21  }
0x133: {  	_ =	swait.ge [sflag:s19], $0x4000;
	p0 =	sne.s32 s21, s8  }
.Ltmp5:
0x134: {  	[sflag:s19] =	ssyncset.done $0x0;
	(pc) =	sbr.rel @p0 .LBB2_1-.Ltmp5, $4  }
0x135: {  	[sflag:s19] =	ssyncadd.s32 $0xFFFFC000  }
0x136: {  	_ =	swait.ge [sflag:s20], $0x4000  }
0x137: {  	[sflag:s20] =	ssyncset.done $0x0  }
0x138: {  	[sflag:s20] =	ssyncadd.s32 $0xFFFFC000  }
0x139: {  	_ =	sfence.sel $0x180000  }
0x13a: {  	[bflag:$0x0] =	sbarrier.arrive $0xFFFF  }
0x13b: {  	_ =	strace $0x9000004D  }
0x13c: {  	s0 =	stileid.u32;
	[bflag:$0x2] =	sbarrier.arrive $0xFFFF  }
0x13d: {  	p0 =	sne.s32 s0, $0x0;
	s0 =	rddreg [dreg:$0x2]  }
0x13e: {  	s0 =	sadd.s32 @!p0 $0x100000, s0  }
0x13f: {  	[sflag:s0] =	ssyncadd.tile.s32 @!p0 $0x1;
	_ =	shalt  }
.Lfunc_end2:
_tile_overlayer_lowered:
.L_overlay_start_2:
0x140: {  	(tag) =	ssettag $0x2  }
0x141: {  	s0 =	rddreg [dreg:$0x0];
	s2 =	stileid.u32  }
0x142: {  	s1 =	rddreg [dreg:$0x1];
	p0 =	sne.s32 s2, $0x0  }
0x143: {  	s3 =	rddreg [dreg:$0x2];
	[bflag:$0x3] =	sbarrier.arrive $0xFFFF;
	s2 =	simm.s32 @!p0 $0x1C05  }
0x144: {  	[timem:s3], [sflag:s2] =	dma.local @!p0 [hbm:s0], s1  }
0x145: {  	s0 =	simm.s32 @!p0 $0x5  }
0x146: {  	_ =	swait.ge @!p0 [sflag:s0], s1  }
0x147: {  	s1 =	ssub.s32 @!p0 $0x0, s1;
	[sflag:s0] =	ssyncset.done @!p0 $0x0  }
0x148: {  	[sflag:s0] =	ssyncadd.s32 @!p0 s1  }
0x149: {  	[bflag:$0x3] =	sbarrier.arrive $0xFFFF  }
0x14a: {  	_ =	shalt  }

// kernel: kernel.5.cloned.1.call-start
scs
__scs_entry_jumppad:
0x0: {  	(pc) =	sbr.rel $0x88, $3  }
0x1: {  	(tag) =	ssettag $0x0;
	lr =	simm.s32 $0x1  }
0x2: {  	[smem:$0x3F9F] =	sst lr;
	_ =	strace $0xD0000000  }
0x3: {  	_ = 	snop  }
0x4: {  	_ = 	snop  }
0x5: {  	_ = 	snop  }
0x6: {  	_ = 	snop  }
0x7: {  	_ = 	snop  }
__scs_overlays_trampoline_lowered:
0x8: {  	[smem:$0x3FAE] =	sst s0  }
0x9: {  	[smem:$0x3FAF] =	sst s1  }
0xa: {  	[smem:$0x3FB0] =	sst s2  }
0xb: {  	[smem:$0x3FB1] =	sst s3  }
0xc: {  	[smem:$0x3FB2] =	sst s4  }
0xd: {  	[smem:$0x3FB3] =	sst s5  }
0xe: {  	[smem:$0x3FB4] =	sst s6  }
0xf: {  	[smem:$0x3FB5] =	sst s7  }
0x10: {  	[smem:$0x3FB6] =	sst s8  }
0x11: {  	[smem:$0x3FB7] =	sst s9;
	s0 =	simm.s32 @!p0 $0x0  }
0x12: {  	s1 =	sld [smem:$0x3F9D];
	s0 =	simm.s32 @p0 $0x1  }
0x13: {  	[smem:$0x3FB8] =	sst s0;
	s0 =	simm.s32 @!p1 $0x0  }
0x14: {  	s2 =	sld [smem:$0x3F9C];
	s0 =	simm.s32 @p1 $0x1  }
0x15: {  	[smem:$0x3FB9] =	sst s0;
	s0 =	simm.s32 @!p2 $0x0  }
0x16: {  	s3 =	sld [smem:$0x3FDB];
	s0 =	simm.s32 @p2 $0x1  }
0x17: {  	s4 =	simm.s32 $0x1BF5;
	[smem:$0x3FBB] =	sst s0  }
0x18: {  	s0 =	sld [smem:$0x3F9E];
	_ =	swait.ge [sflag:s4], $0x0  }
0x19: {  	s7 =	sld [smem:$0x3F9F]  }
0x1a: {  	s8 =	sadd.s32 $0xFFFFE003, lr  }
0x1b: {  	s9 =	sadd.s32 $0xFFFFFEF7, lr;
	s5 =	simm.s32 $0xFFFFFFFF;
	p2 =	slt.u32 s8, $0xFFFFF086  }
0x1c: {  	p1 =	slt.u32 s9, $0xF7A;
	s5 =	simm.s32 @!p2 $0x0  }
0x1d: {  	s5 =	simm.s32 @p1 $0x1;
	p0 =	seq.s32 s7, s2  }
0x1e: {  	s7 =	smul.u32 @!p0 $0xF7A, s2;
	p2 =	seq.s32 @!p0 s5, $0x0  }
0x1f: {  	s9 =	smul.u32 $0xF7A, s1;
	s8 =	simm.s32 @!p0 $0x1BF5;
	p2 =	por !p2, p0  }
0x20: {  	[sflag:s8] =	ssyncset.s32 @!p0 $0xFFFFF086;
	s6 =	sadd.s32 @!p0 s3, s7;
	s7 =	simm.s32 @!p0 $0x108  }
0x21: {  	s3 =	sadd.s32 s3, s9;
	s6 =	sadd.s32 @!p0 $0x88, s6;
	s7 =	simm.s32 @p2 $0x1082  }
0x22: {  	[simem:s7], [sflag:s8] =	dma.local @!p0 [hbm:s6], $0xF7A  }
0x23: {  	s9 =	sor.u32 $0xD0000000, s2;
	s6 =	simm.s32 $0x108;
	_ =	swait.ge @!p0 [sflag:s8], $0x0  }
0x24: {  	s3 =	sadd.s32 $0x88, s3;
	s6 =	simm.s32 @!p1 $0x1082;
	[sflag:s4] =	ssyncset.s32 $0xFFFFF086  }
0x25: {  	[simem:s6], [sflag:s4] =	dma.local [hbm:s3], $0xF7A  }
0x26: {  	[smem:$0x3F9F] =	sst s1;
	(tag) =	ssettag s2;
	_ =	strace s9  }
0x27: {  	s1 =	sld [smem:$0x3FAF]  }
0x28: {  	s2 =	sld [smem:$0x3FB0]  }
0x29: {  	s4 =	sld [smem:$0x3FB2]  }
0x2a: {  	p0 =	seq.s32 s5, $0x0;
	s5 =	sld [smem:$0x3FB3]  }
0x2b: {  	s6 =	sld [smem:$0x3FB4]  }
0x2c: {  	s7 =	sld [smem:$0x3FB5]  }
0x2d: {  	s3 =	simm.s32 $0x108;
	s8 =	sld [smem:$0x3FB6]  }
0x2e: {  	s3 =	simm.s32 @!p0 $0x1082;
	s9 =	sld [smem:$0x3FB7]  }
0x2f: {  	lr =	sadd.s32 s0, s3;
	s0 =	sld [smem:$0x3FAE]  }
0x30: {  	s3 =	sld [smem:$0x3FB1]  }
0x31: {  	[smem:$0x3FBA] =	sst s10  }
0x32: {  	s10 =	sld [smem:$0x3FB8];
	_ =	sdelay $0x3  }
0x33: {  	p0 =	seq.s32 s10, $0x1;
	s10 =	sld [smem:$0x3FBA];
	_ =	sdelay $0x3  }
0x34: {  	[smem:$0x3FBA] =	sst s10  }
0x35: {  	s10 =	sld [smem:$0x3FB9];
	_ =	sdelay $0x3  }
0x36: {  	p1 =	seq.s32 s10, $0x1;
	s10 =	sld [smem:$0x3FBA];
	_ =	sdelay $0x3  }
0x37: {  	[smem:$0x3FBA] =	sst s10  }
0x38: {  	s10 =	sld [smem:$0x3FBB]  }
0x39: {  	_ = 	snop;
	(pc) =	sbr.ind lr, $3  }
0x3a: {  	_ = 	snop  }
0x3b: {  	_ = 	snop  }
0x3c: {  	p2 =	seq.s32 s10, $0x1;
	s10 =	sld [smem:$0x3FBA]  }
0x3d: {  	_ =	shalt  }
0x3e: {  	_ =	shalt  }
0x3f: {  	_ =	shalt  }
0x40: {  	_ =	shalt  }
0x41: {  	_ =	shalt  }
0x42: {  	_ =	shalt  }
0x43: {  	_ =	shalt  }
0x44: {  	_ =	shalt  }
0x45: {  	_ =	shalt  }
0x46: {  	_ =	shalt  }
0x47: {  	_ =	shalt  }
0x48: {  	_ =	shalt  }
0x49: {  	_ =	shalt  }
0x4a: {  	_ =	shalt  }
0x4b: {  	_ =	shalt  }
0x4c: {  	_ =	shalt  }
0x4d: {  	_ =	shalt  }
0x4e: {  	_ =	shalt  }
0x4f: {  	_ =	shalt  }
0x50: {  	_ =	shalt  }
0x51: {  	_ =	shalt  }
0x52: {  	_ =	shalt  }
0x53: {  	_ =	shalt  }
0x54: {  	_ =	shalt  }
0x55: {  	_ =	shalt  }
0x56: {  	_ =	shalt  }
0x57: {  	_ =	shalt  }
0x58: {  	_ =	shalt  }
0x59: {  	_ =	shalt  }
0x5a: {  	_ =	shalt  }
0x5b: {  	_ =	shalt  }
0x5c: {  	_ =	shalt  }
0x5d: {  	_ =	shalt  }
0x5e: {  	_ =	shalt  }
0x5f: {  	_ =	shalt  }
0x60: {  	_ =	shalt  }
0x61: {  	_ =	shalt  }
0x62: {  	_ =	shalt  }
0x63: {  	_ =	shalt  }
0x64: {  	_ =	shalt  }
0x65: {  	_ =	shalt  }
0x66: {  	_ =	shalt  }
0x67: {  	_ =	shalt  }
0x68: {  	_ =	shalt  }
0x69: {  	_ =	shalt  }
0x6a: {  	_ =	shalt  }
0x6b: {  	_ =	shalt  }
0x6c: {  	_ =	shalt  }
0x6d: {  	_ =	shalt  }
0x6e: {  	_ =	shalt  }
0x6f: {  	_ =	shalt  }
0x70: {  	_ =	shalt  }
0x71: {  	_ =	shalt  }
0x72: {  	_ =	shalt  }
0x73: {  	_ =	shalt  }
0x74: {  	_ =	shalt  }
0x75: {  	_ =	shalt  }
0x76: {  	_ =	shalt  }
0x77: {  	_ =	shalt  }
0x78: {  	_ =	shalt  }
0x79: {  	_ =	shalt  }
0x7a: {  	_ =	shalt  }
0x7b: {  	_ =	shalt  }
0x7c: {  	_ =	shalt  }
0x7d: {  	_ =	shalt  }
0x7e: {  	_ =	shalt  }
0x7f: {  	_ =	shalt  }
0x80: {  	_ =	shalt  }
0x81: {  	_ =	shalt  }
0x82: {  	_ =	shalt  }
0x83: {  	_ =	shalt  }
0x84: {  	_ =	shalt  }
0x85: {  	_ =	shalt  }
0x86: {  	_ =	shalt  }
0x87: {  	_ =	shalt  }
.Lfunc_end0:
.L_simem_size_0:
called_computation_lowered:
.L_overlay_start_0:
0x88: {  	s2 =	sld [smem:$0x3FD9]  }
0x89: {  	s3 =	sld [smem:$0x3FFE];
	_ =	sdelay $0x1  }
0x8a: {  	s1 =	srdreg.scid  }
0x8b: {  	s0 =	sand.u32 $0x1, s1  }
0x8c: {  	s17 =	sshll.u32 s0, $0xA;
	s2 =	sadd.s32 s3, s2  }
0x8d: {  	s2 =	sadd.s32 s2, s17  }
0x8e: {  	[smem:$0x3FC6] =	sst s2  }
0x8f: {  	_ = 	snop  }
0x90: {  	s2 =	sld [smem:$0x3FC8];
	(tm) =	ssettm $0x1  }
0x91: {  	s18 =	sld [smem:$0x3FFB];
	_ =	sdelay $0x3  }
0x92: {  	_ =	strace s18  }
0x93: {  	s3 =	sld [smem:$0x3FFC];
	_ =	sdelay $0x3  }
0x94: {  	_ =	strace s3  }
0x95: {  	s3 =	sld [smem:$0x3FFD];
	_ =	sdelay $0x3  }
0x96: {  	_ =	strace s3  }
0x97: {  	_ =	strace $0x8FFFFFFF  }
0x98: {  	s19 =	sld [smem:$0x3FDB];
	_ =	sdelay $0x1  }
0x99: {  	s4 =	simm.s32 $_scs_section_size  }
0x9a: {  	s5 =	simm.s32 $_size__tile_overlayer_lowered;
	s6 =	simm.s32 $_tile_overlayer_lowered  }
0x9b: {  	s22 =	simm.s32 $0x1BFF;
	s21 =	sshll.u32 s6, $0x1;
	s3 =	sadd.s32 s4, s19  }
0x9c: {  	s7 =	simm.s32 $0x0;
	s20 =	sshll.u32 s5, $0x1;
	s5 =	sadd.s32 s21, s3  }
0x9d: {  	[timem:s7], [sflag:s22] =	dma.local [hbm:s5], s20  }
0x9e: {  	_ =	swait.ge [sflag:s22], s20  }
0x9f: {  	s4 =	ssub.s32 $0x0, s20;
	[sflag:s22] =	ssyncset.done $0x0  }
0xa0: {  	[sflag:s22] =	ssyncadd.s32 s4;
	_ =	sdelay $0x1  }
0xa1: {  	s23 =	simm.s32 $0x1B8B  }
0xa2: {  	_ =	swait.ge [sflag:s23], $0x1  }
0xa3: {  	[sflag:s23] =	ssyncset.done $0x0  }
0xa4: {  	s25 =	simm.s32 $0x1B8E;
	s24 =	sld [smem:$0x3FFE];
	[sflag:s23] =	ssyncadd.s32 $0xFFFFFFFF  }
0xa5: {  	s26 =	simm.s32 $execute0_lowered;
	[smem:$0x3FD2] =	sst s25  }
0xa6: {  	s5 =	sshll.u32 s26, $0x1;
	_ =	strace $0x80000046;
	[dreg:$0x1] =	wrdreg $0xFFFFFFFF  }
0xa7: {  	s28 =	simm.s32 $_size_execute0_lowered;
	s3 =	sadd.s32 s3, s5;
	[dreg:$0x0] =	wrdreg $0x0  }
0xa8: {  	s5 =	sshll.u32 s28, $0x1;
	[dreg:$0x2] =	wrdreg s3  }
0xa9: {  	[dreg:$0x3] =	wrdreg s5  }
0xaa: {  	[dreg:$0x4] =	wrdreg $0xC0  }
0xab: {  	_ =	task [dreg:s7], $0x5FFFF  }
0xac: {  	[dreg:$0x1] =	wrdreg $0xFFFFFFFF  }
0xad: {  	[dreg:$0x0] =	wrdreg $0x60  }
0xae: {  	[dreg:$0x2] =	wrdreg s2  }
0xaf: {  	[dreg:$0x3] =	wrdreg s24  }
0xb0: {  	[dreg:$0x4] =	wrdreg $0x9  }
0xb1: {  	_ =	task.clear_ibuf [dreg:s7], $0x5FFFF;
	_ =	strace $0x90000046  }
0xb2: {  	s29 =	simm.s32 $0x9;
	_ =	strace $0x80000048  }
0xb3: {  	_ =	swait.ge [sflag:s29], $0x1  }
0xb4: {  	[sflag:s29] =	ssyncadd.s32 $0xFFFFFFFF  }
0xb5: {  	_ =	strace $0x90000048  }
0xb6: {  	_ =	sfence  }
0xb7: {  	s30 =	sld [smem:$0x0];
	_ =	sdelay $0x2  }
0xb8: {  	s31 =	sshll.u32 s1, $0xD;
	s1 =	sshrl.u32 s1, $0x2  }
0xb9: {  	s3 =	sand.u32 $0x4000, s31;
	s1 =	sadd.s32 s1, s30  }
0xba: {  	s0 =	sor.u32 s3, s0;
	s1 =	sshll.u32 s1, $0x11  }
0xbb: {  	s0 =	sor.u32 s1, s0  }
0xbc: {  	s0 =	sadd.s32 $0x8F2B, s0  }
0xbd: {  	[sflag:s0] =	ssyncadd.remote.s32 $0x1  }
0xbe: {  	_ =	sfence.sel $0xFFFF  }
0xbf: {  	[dreg:$0x0] =	wrdreg $0xFFFFFFFF;
	(pc) =	sbr.abs _section_cstart, $3  }
0xc0: {  	[dreg:$0x1] =	wrdreg $0xFFFFFFFF  }
0xc1: {  	_ =	task.clear_ibuf [dreg:s7], $0x2FFFF;
	_ =	strace $0x9FFFFFFF  }
0xc2: {  	(tm) =	ssettm $0x7FFFFFFF  }
0xc3: {  	_ =	shalt  }
tec
execute0_lowered:
.L_overlay_start_1:
0x0: {  	(tag) =	ssettag $0x1  }
0x1: {  	s1 =	rddreg [dreg:$0x0];
	s0 =	srdreg.scid  }
0x2: {  	s2 =	stileid.u32;
	s3 =	rddreg [dreg:$0x1]  }
0x3: {  	s30 =	simm.s32 $0x1;
	s31 =	simm.s32 $0xA000;
	s28 =	simm.s32 $0x4  }
0x4: {  	s29 =	simm.s32 $0x5;
	s7 =	sand.u32 $0x1, s0;
	s18 =	sshll.u32 s2, $0x1  }
0x5: {  	v0 =	vimm.s32 $0x1780;
	vm0 =	vcmask $0x300;
	s2 =	simm.s32 $0x0;
	s5 =	sadd.s32 $0xE00, s3;
	s0 =	sor.u32 s7, s18  }
0x6: {  	vm1 =	vcmask $0x704;
	v1 =	vimm.s32 $0x3F80;
	s19 =	sadd.s32 $0x3D1800, s3;
	s13 =	sadd.s32 $0xF4000, s1;
	s4 =	smul.u32 $0x3D000, s0  }
0x7: {  	vm2 =	vcmask $0xB08;
	vm4 =	vcmask $0xF0C;
	v1 =	vsel vm0, $0x2800, v1;
	[smem:$0x7FF] =	sst s2;
	s7 =	ssub.s32 $0x2, s7;
	s6 =	smul.u32 $0x7A00, s0  }
0x8: {  	vm5 =	vcmask $0x1310;
	v0 =	vsel vm0, $0x0, v0;
	v1 =	vsel vm1, $0x2880, v1;
	_ =	strace $0x80000047;
	[dreg:$0x3] =	wrdreg s5;
	s9 =	smul.u32 $0xF4000, s0  }
0x9: {  	vm6 =	vcmask $0x1714;
	v0 =	vsel vm1, $0x80, v0;
	s5 =	smul.u32 $0x3D, s0;
	v1 =	vsel vm2, $0x2900, v1;
	[dreg:$0x7] =	wrdreg s19;
	s21 =	sshrl.u32 s7, $0x1  }
0xa: {  	vm7 =	vcmask $0x1B18;
	v0 =	vsel vm2, $0x100, v0;
	p0 =	sne.s32 s0, $0x1F;
	s0 =	simm.s32 $0xE000;
	v1 =	vsel vm4, $0x2980, v1;
	s8 =	sshrl.u32 s4, $0x3  }
0xb: {  	vm8 =	vcmask $0x1F1C;
	v0 =	vsel vm4, $0x180, v0;
	s4 =	sadd.s32 $0x1000, s3;
	s6 =	sadd.s32 s1, s6;
	s10 =	sshrl.u32 s9, $0x3;
	v1 =	vsel vm5, $0x2A00, v1  }
0xc: {  	vm9 =	vcmask $0x2320;
	v0 =	vsel vm5, $0x200, v0;
	s12 =	sadd.s32 s4, s10;
	s20 =	sadd.s32 $0x1E8500, s6;
	v1 =	vsel vm6, $0x2A80, v1;
	[dreg:$0x4] =	wrdreg s6  }
0xd: {  	vm10 =	vcmask $0x2724;
	s10 =	sadd.s32 $0x1800, s3;
	v0 =	vsel vm6, $0x280, v0;
	s3 =	sadd.s32 $0x3D1000, s3;
	[dreg:$0x8] =	wrdreg s20;
	v1 =	vsel vm7, $0x2B00, v1  }
0xe: {  	vm11 =	vcmask $0x2B28;
	s9 =	sadd.s32 $0x600, s1;
	s22 =	sadd.s32 $0x2DC780, s6;
	v0 =	vsel vm7, $0x300, v0;
	[dreg:$0x9] =	wrdreg s3;
	v1 =	vsel vm8, $0x2B80, v1  }
0xf: {  	vm12 =	vcmask $0x2F2C;
	s11 =	sadd.s32 s1, s8;
	s23 =	sadd.s32 $0xF4280, s6;
	[dreg:$0xa] =	wrdreg s22;
	v0 =	vsel vm8, $0x380, v0;
	v1 =	vsel vm9, $0x3C00, v1  }
0x10: {  	vm13 =	vcmask $0x3330;
	s8 =	sadd.s32 $0x200, s11;
	s12 =	sadd.s32 $0x1E000, s12;
	[dreg:$0xb] =	wrdreg s23;
	v0 =	vsel vm9, $0x1400, v0;
	v1 =	vsel vm10, $0x3C80, v1  }
0x11: {  	vm14 =	vcmask $0x3734;
	s24 =	sadd.s32 $0x1E8700, s11;
	s25 =	sadd.s32 $0xF4480, s11;
	[dreg:$0x5] =	wrdreg s8;
	v0 =	vsel vm10, $0x1480, v0;
	v1 =	vsel vm11, $0x3D00, v1  }
0x12: {  	v2 =	vlaneseq.u32;
	s26 =	sadd.s32 $0x2DC980, s11;
	s22 =	simm.s32 $0x1400;
	[dreg:$0x6] =	wrdreg s12;
	v0 =	vsel vm11, $0x1500, v0;
	v1 =	vsel vm12, $0x3D80, v1  }
.Ltmp0:
0x13: {  	v63 =	vmul.u32 $0x80, v2;
	s23 =	simm.s32 $0x2800;
	[dreg:$0xc] =	wrdreg s24;
	v0 =	vsel vm12, $0x1580, v0;
	v1 =	vsel vm13, $0x3E00, v1;
	(pc) =	sbr.rel .LBB2_1-.Ltmp0, $4  }
0x14: {  	vm15 =	vcmask $0x3B38;
	s3 =	simm.s32 $0x12000;
	s8 =	sadd.s32 $0x400, s1;
	[dreg:$0xe] =	wrdreg s25;
	v0 =	vsel vm13, $0x1600, v0;
	v1 =	vsel vm14, $0x3E80, v1  }
0x15: {  	[tilespmem:$0x1FFE0] =	vst v63;
	s1 =	ssub.s32 s7, s21;
	[dreg:$0xf] =	wrdreg s26;
	s24 =	simm.s32 $0x3C00;
	v0 =	vsel vm14, $0x1680, v0;
	v62 =	vsel vm15, $0x3F00, v1  }
0x16: {  	s25 =	simm.s32 $0x5000;
	s26 =	simm.s32 $0x3;
	s1 =	smax.u32 s1, $0x1;
	v55 =	vsel vm15, $0x1700, v0;
	[tilespmem:$0x1FFD0] =	vst v62  }
0x17: {  	s12 =	simm.s32 $0x0;
	[dreg:$0xd] =	wrdreg s1;
	s1 =	simm.s32 $0x2;
	[tilespmem:$0x1FFF0] =	vst v55  }
.LBB2_15:
0x18: {  	s12 =	sadd.s32 $0x1, s12;
	s6 =	rddreg [dreg:$0xd]  }
0x19: {  	p1 =	sne.s32 s12, s6  }
.Ltmp1:
0x1a: {  	_ = 	snop;
	(pc) =	sbr.rel @!p1 .LBB2_16-.Ltmp1, $1  }
0x1b: {  	_ =	sdelay $0x3  }
.LBB2_1:
0x1c: {  	s6 =	rddreg [dreg:$0x4]  }
0x1d: {  	[tilespmem:s2], [sflag:$0x1] =	stream.linear.gather [hbm4b:s6+s2], $0x1000, $0x38;
	[tilespmem:$0x13800] =	vst v63  }
0x1e: {  	s11 =	rddreg [dreg:$0xb]  }
0x1f: {  	[tilespmem:s22], [sflag:$0x1] =	stream.linear.gather [hbm4b:s11+s2], $0x1000, $0x38;
	[tilespmem:$0x13800] =	vst v63  }
0x20: {  	s14 =	rddreg [dreg:$0x8]  }
0x21: {  	[tilespmem:s23], [sflag:$0x1] =	stream.linear.gather [hbm4b:s14+s2], $0x1000, $0x38;
	[tilespmem:$0x13800] =	vst v63  }
0x22: {  	s15 =	rddreg [dreg:$0xa]  }
0x23: {  	[tilespmem:s24], [sflag:$0x1] =	stream.linear.gather [hbm4b:s15+s2], $0x1000, $0x38;
	[tilespmem:$0x13800] =	vst v63  }
0x24: {  	s16 =	rddreg [dreg:$0x5]  }
0x25: {  	[tilespmem:s25], [sflag:$0x2] =	stream.linear.gather [hbm4b:s16+s2], $0x1000, $0x38;
	[tilespmem:$0x13800] =	vst v63  }
0x26: {  	s17 =	rddreg [dreg:$0xe];
	s7 =	simm.s32 $0x6400  }
0x27: {  	[tilespmem:s7], [sflag:$0x2] =	stream.linear.gather [hbm4b:s17+s2], $0x1000, $0x38;
	[tilespmem:$0x13800] =	vst v63  }
0x28: {  	s18 =	rddreg [dreg:$0xc];
	s19 =	simm.s32 $0x7800  }
0x29: {  	[tilespmem:s19], [sflag:$0x2] =	stream.linear.gather [hbm4b:s18+s2], $0x1000, $0x38;
	[tilespmem:$0x13800] =	vst v63  }
0x2a: {  	s20 =	rddreg [dreg:$0xf];
	s21 =	simm.s32 $0x8C00;
	s15 =	simm.s32 $0x0  }
0x2b: {  	[tilespmem:s21], [sflag:$0x2] =	stream.linear.gather [hbm4b:s20+s2], $0x1000, $0x38;
	[tilespmem:$0x13800] =	vst v63  }
.LBB2_2:
0x2c: {  	s7 =	simm.s32 $0x8  }
0x2d: {  	s11 =	simm.s32 $0x4;
	_ =	swait.ge [sflag:s30], $0x4000;
	v3 =	vmov s7  }
0x2e: {  	p1 =	seq.s32 s15, $0x0;
	v4 =	vmov s11;
	[sflag:s30] =	ssyncset.done $0x0;
	v5 =	vshll.u32 v3, $0x3  }
0x2f: {  	s7 =	simm.s32 @!p1 $0x3;
	v6 =	vshll.u32 v4, $0x3;
	[sflag:s30] =	ssyncadd.s32 $0xFFFFC000;
	v5 =	vand.u32 $0xC00, v5  }
0x30: {  	v10 =	vand.u32 $0x78, v3;
	v6 =	vand.u32 $0xC00, v6;
	_ =	swait.ge @!p1 [sflag:s7], $0x4000;
	v9 =	vadd.s32 v55, v5  }
0x31: {  	v12 =	vand.u32 $0x74, v4;
	v11 =	vadd.s32 v55, v6;
	v59 =	vld [tilespmem:$0x1FFD0];
	v3 =	vor.u32 v10, v9  }
0x32: {  	v4 =	vor.u32 v12, v11;
	_ =	sdelay $0x1  }
0x33: {  	[sflag:s7] =	ssyncset.done @!p1 $0x0  }
0x34: {  	[sflag:s7] =	ssyncadd.s32 @!p1 $0xFFFFC000  }
0x35: {  	v14 =	vadd.s32 v59, v5;
	v3 =	vld.idx.msk [tilespmem:v3+s2+$0x0], $0xffff  }
0x36: {  	v15 =	vadd.s32 v59, v6;
	v5 =	vor.u32 v10, v14;
	v4 =	vld.idx.msk [tilespmem:v4+s2+$0x0], $0xffff  }
0x37: {  	v6 =	vor.u32 v12, v15;
	_ =	sdelay $0x1  }
0x38: {  	s7 =	simm.s32 $0xA100  }
0x39: {  	s14 =	simm.s32 $0xC;
	[tilespmem:s7+$0x0] =	vst v3  }
0x3a: {  	s21 =	simm.s32 $0x0;
	v7 =	vmov s14;
	v8 =	vor.u32 $0x1, v10;
	v13 =	vor.u32 $0x1, v12;
	[tilespmem:s7+$0xFFFFFF80] =	vst v4;
	v4 =	vld.idx.msk [tilespmem:v5+s2+$0x0], $0xffff  }
0x3b: {  	v17 =	vor.u32 v8, v9;
	v3 =	vmov s21;
	v5 =	vshll.u32 v7, $0x3;
	v6 =	vld.idx.msk [tilespmem:v6+s2+$0x0], $0xffff  }
0x3c: {  	v20 =	vor.u32 v13, v11;
	v18 =	vshll.u32 v3, $0x3;
	v19 =	vand.u32 $0xC00, v5  }
0x3d: {  	v16 =	vand.u32 $0x7C, v7;
	v7 =	vand.u32 $0xC00, v18;
	v21 =	vadd.s32 v55, v19  }
0x3e: {  	s6 =	simm.s32 $0x18;
	v37 =	vand.u32 $0x70, v3;
	v1 =	vadd.s32 v55, v7;
	v3 =	vor.u32 v16, v21  }
0x3f: {  	v18 =	vor.u32 v37, v1;
	[tilespmem:s7+$0x10] =	vst v4;
	v4 =	vmov s6  }
0x40: {  	v24 =	vor.u32 v13, v15;
	[tilespmem:s7+$0xFFFFFF90] =	vst v6;
	v13 =	vld.idx.msk [tilespmem:v17+s2+$0x0], $0xffff;
	v6 =	vshll.u32 v4, $0x3  }
0x41: {  	v22 =	vor.u32 $0x2, v10;
	v8 =	vor.u32 v8, v14;
	v17 =	vld.idx.msk [tilespmem:v20+s2+$0x0], $0xffff;
	v6 =	vand.u32 $0xC00, v6  }
0x42: {  	s14 =	simm.s32 $0x14;
	v32 =	vor.u32 $0x2, v12;
	v26 =	vand.u32 $0x78, v4;
	v25 =	vadd.s32 v55, v6  }
0x43: {  	v27 =	vadd.s32 v59, v19;
	v19 =	vmov s14;
	v3 =	vld.idx.msk [tilespmem:v3+s2+$0x0], $0xffff;
	v28 =	vor.u32 v26, v25  }
0x44: {  	v43 =	vadd.s32 v59, v7;
	v29 =	vor.u32 v16, v27;
	v4 =	vshll.u32 v19, $0x3;
	v18 =	vld.idx.msk [tilespmem:v18+s2+$0x0], $0xffff  }
0x45: {  	s17 =	simm.s32 $0x1C;
	v23 =	vor.u32 v22, v9;
	v30 =	vor.u32 v37, v43;
	v31 =	vand.u32 $0xC00, v4;
	[tilespmem:s7+$0x20] =	vst v13  }
0x46: {  	s16 =	simm.s32 $0x10;
	v19 =	vand.u32 $0x74, v19;
	v20 =	vmov s17;
	v13 =	vadd.s32 v55, v31;
	[tilespmem:s7+$0xFFFFFFA0] =	vst v17;
	v33 =	vld.idx.msk [tilespmem:v8+s2+$0x0], $0xffff  }
0x47: {  	v4 =	vmov s16;
	v34 =	vshll.u32 v20, $0x3;
	v17 =	vor.u32 v19, v13;
	v24 =	vld.idx.msk [tilespmem:v24+s2+$0x0], $0xffff  }
0x48: {  	v2 =	vand.u32 $0x7C, v20;
	v20 =	vadd.s32 v59, v6;
	v6 =	vand.u32 $0xC00, v34;
	[tilespmem:s7+$0x80] =	vst v3;
	v35 =	vld.idx.msk [tilespmem:v28+s2+$0x0], $0xffff  }
0x49: {  	v58 =	vor.u32 v32, v11;
	v8 =	vshll.u32 v4, $0x3;
	[tilespmem:s7+$0xFFFFFF00] =	vst v18;
	v3 =	vadd.s32 v55, v6;
	v18 =	vld.idx.msk [tilespmem:v29+s2+$0x0], $0xffff  }
0x4a: {  	v29 =	vand.u32 $0xC00, v8;
	v38 =	vld.idx.msk [tilespmem:v30+s2+$0x0], $0xffff;
	v30 =	vor.u32 v2, v3  }
0x4b: {  	v61 =	vand.u32 $0x70, v4;
	v36 =	vor.u32 v26, v20;
	v62 =	vadd.s32 v55, v29  }
0x4c: {  	v63 =	vor.u32 $0x3, v10;
	v28 =	vadd.s32 v59, v31;
	v31 =	vor.u32 v61, v62;
	[tilespmem:s7+$0x30] =	vst v33;
	v17 =	vld.idx.msk [tilespmem:v17+s2+$0x0], $0xffff  }
0x4d: {  	v10 =	vor.u32 $0x3, v12;
	v39 =	vor.u32 $0x1, v37;
	v12 =	vor.u32 v19, v28;
	[tilespmem:s7+$0xFFFFFFB0] =	vst v24;
	v23 =	vld.idx.msk [tilespmem:v23+s2+$0x0], $0xffff  }
0x4e: {  	s11 =	simm.s32 $0xA300;
	v40 =	vor.u32 $0x1, v16;
	v52 =	vor.u32 v39, v1;
	v34 =	vld.idx.msk [tilespmem:v58+s2+$0x0], $0xffff  }
0x4f: {  	v41 =	vor.u32 v40, v21;
	v42 =	vor.u32 $0x1, v26;
	[tilespmem:s11+$0x0] =	vst v35;
	v30 =	vld.idx.msk [tilespmem:v30+s2+$0x0], $0xffff  }
0x50: {  	v22 =	vor.u32 v22, v14;
	v44 =	vor.u32 v42, v25;
	[tilespmem:s7+$0x90] =	vst v18;
	v36 =	vld.idx.msk [tilespmem:v36+s2+$0x0], $0xffff  }
0x51: {  	v24 =	vor.u32 v63, v9;
	v9 =	vadd.s32 v59, v6;
	v31 =	vld.idx.msk [tilespmem:v31+s2+$0x0], $0xffff;
	[tilespmem:s11+$0xFFFFFF80] =	vst v17  }
0x52: {  	v47 =	vor.u32 $0x1, v19;
	v8 =	vadd.s32 v59, v29;
	v29 =	vor.u32 v2, v9;
	[tilespmem:s7+$0xFFFFFF10] =	vst v38;
	v12 =	vld.idx.msk [tilespmem:v12+s2+$0x0], $0xffff  }
0x53: {  	v48 =	vor.u32 v47, v13;
	v6 =	vor.u32 v10, v15;
	v50 =	vld.idx.msk [tilespmem:v52+s2+$0x0], $0xffff;
	[tilespmem:s7+$0x40] =	vst v23  }
0x54: {  	s19 =	simm.s32 $0x24;
	s20 =	simm.s32 $0x2C;
	v17 =	vor.u32 v63, v14;
	v14 =	vor.u32 v32, v15;
	v15 =	vld.idx.msk [tilespmem:v41+s2+$0x0], $0xffff;
	[tilespmem:s11+$0x80] =	vst v30  }
0x55: {  	v57 =	vmov s19;
	v49 =	vmov s20;
	v53 =	vor.u32 v40, v27;
	v22 =	vld.idx.msk [tilespmem:v22+s2+$0x0], $0xffff;
	[tilespmem:s11+$0x10] =	vst v36  }
0x56: {  	v11 =	vor.u32 v10, v11;
	v45 =	vor.u32 $0x2, v37;
	v23 =	vor.u32 v61, v8;
	v36 =	vld.idx.msk [tilespmem:v44+s2+$0x0], $0xffff;
	[tilespmem:s11+$0xFFFFFF00] =	vst v31  }
0x57: {  	v46 =	vor.u32 v45, v1;
	v54 =	vor.u32 v42, v20;
	v18 =	vor.u32 $0x2, v26;
	v31 =	vld.idx.msk [tilespmem:v29+s2+$0x0], $0xffff;
	[tilespmem:s11+$0xFFFFFF90] =	vst v12  }
0x58: {  	v40 =	vor.u32 $0x3, v26;
	v26 =	vor.u32 v18, v25;
	v32 =	vor.u32 v39, v43;
	[tilespmem:s7+$0xFFFFFFC0] =	vst v34;
	v56 =	vld.idx.msk [tilespmem:v48+s2+$0x0], $0xffff  }
0x59: {  	s16 =	simm.s32 $0x28;
	v41 =	vor.u32 $0x3, v19;
	v30 =	vor.u32 v45, v43;
	v14 =	vld.idx.msk [tilespmem:v14+s2+$0x0], $0xffff;
	[tilespmem:s7+$0xA0] =	vst v15;
	v12 =	vor.u32 v47, v28  }
0x5a: {  	v15 =	vor.u32 $0x2, v16;
	v47 =	vor.u32 $0x2, v19;
	v19 =	vmov s16;
	v33 =	vld.idx.msk [tilespmem:v53+s2+$0x0], $0xffff  }
0x5b: {  	s18 =	simm.s32 $0x20;
	v45 =	vor.u32 v40, v25;
	v23 =	vld.idx.msk [tilespmem:v23+s2+$0x0], $0xffff;
	v38 =	vor.u32 v15, v21;
	v58 =	vshll.u32 v19, $0x3;
	[tilespmem:s11+$0x20] =	vst v36  }
0x5c: {  	v25 =	vmov s18;
	[tilespmem:s7+$0x50] =	vst v22;
	v22 =	vshll.u32 v57, $0x3;
	v44 =	vand.u32 $0xC00, v58;
	v60 =	vld.idx.msk [tilespmem:v54+s2+$0x0], $0xffff  }
0x5d: {  	v52 =	vand.u32 $0x78, v19;
	v39 =	vld.idx.msk [tilespmem:v24+s2+$0x0], $0xffff;
	v24 =	vand.u32 $0xC00, v22;
	v51 =	vadd.s32 v55, v44;
	[tilespmem:s11+$0xFFFFFFA0] =	vst v56  }
0x5e: {  	v58 =	vand.u32 $0x74, v57;
	v19 =	vadd.s32 v55, v24;
	[tilespmem:s7+$0xFFFFFFD0] =	vst v14;
	v22 =	vor.u32 v52, v51;
	v34 =	vld.idx.msk [tilespmem:v12+s2+$0x0], $0xffff  }
0x5f: {  	v36 =	vor.u32 v58, v19;
	v14 =	vshll.u32 v49, $0x3;
	v35 =	vld.idx.msk [tilespmem:v11+s2+$0x0], $0xffff;
	[tilespmem:s7+$0xB0] =	vst v33;
	v12 =	vshll.u32 v25, $0x3  }
0x60: {  	[tilespmem:s7+$0xFFFFFF20] =	vst v50;
	v63 =	vor.u32 v47, v13;
	v33 =	vand.u32 $0xC00, v14;
	v38 =	vld.idx.msk [tilespmem:v38+s2+$0x0], $0xffff;
	v48 =	vand.u32 $0xC00, v12  }
0x61: {  	v4 =	vand.u32 $0x70, v25;
	v14 =	vadd.s32 v55, v33;
	[tilespmem:s11+$0x30] =	vst v60;
	v25 =	vadd.s32 v55, v48;
	v55 =	vld.idx.msk [tilespmem:v32+s2+$0x0], $0xffff  }
0x62: {  	v53 =	vor.u32 v15, v27;
	v11 =	vand.u32 $0x7C, v49;
	[tilespmem:s11+$0xFFFFFF10] =	vst v23;
	v54 =	vld.idx.msk [tilespmem:v26+s2+$0x0], $0xffff  }
0x63: {  	v0 =	vor.u32 v41, v28;
	v50 =	vor.u32 v11, v14;
	v57 =	vld.idx.msk [tilespmem:v22+s2+$0x0], $0xffff;
	[tilespmem:s11+$0xFFFFFFB0] =	vst v34  }
0x64: {  	v23 =	vor.u32 v4, v25;
	v34 =	vld.idx.msk [tilespmem:v36+s2+$0x0], $0xffff;
	[tilespmem:$0x1FFA0] =	vst v0  }
0x65: {  	v0 =	vor.u32 v40, v20;
	[tilespmem:s7+$0xC0] =	vst v38  }
0x66: {  	v42 =	vor.u32 v18, v20;
	v29 =	vor.u32 $0x1, v61;
	v44 =	vadd.s32 v59, v44;
	v63 =	vld.idx.msk [tilespmem:v63+s2+$0x0], $0xffff;
	[tilespmem:$0x1FFB0] =	vst v0  }
0x67: {  	v5 =	vor.u32 v29, v62;
	v60 =	vor.u32 v52, v44;
	[tilespmem:s11+$0x40] =	vst v54;
	v38 =	vld.idx.msk [tilespmem:v53+s2+$0x0], $0xffff  }
0x68: {  	s17 =	simm.s32 $0xA500;
	v49 =	vor.u32 $0x3, v16;
	v16 =	vadd.s32 v59, v33;
	v20 =	vadd.s32 v59, v24;
	v40 =	vld.idx.msk [tilespmem:v50+s2+$0x0], $0xffff;
	[tilespmem:s7+$0xFFFFFF30] =	vst v55  }
0x69: {  	v56 =	vor.u32 $0x2, v61;
	v32 =	vor.u32 v29, v8;
	v29 =	vor.u32 v58, v20;
	v23 =	vld.idx.msk [tilespmem:v23+s2+$0x0], $0xffff;
	[tilespmem:s17+$0x0] =	vst v57  }
0x6a: {  	v21 =	vor.u32 v49, v21;
	v49 =	vor.u32 v49, v27;
	v22 =	vor.u32 v56, v62;
	[tilespmem:s17+$0xFFFFFF80] =	vst v34  }
0x6b: {  	v33 =	vadd.s32 v59, v48;
	v48 =	vor.u32 v11, v16;
	v42 =	vld.idx.msk [tilespmem:v42+s2+$0x0], $0xffff;
	[tilespmem:s11+$0xFFFFFFC0] =	vst v63  }
0x6c: {  	v26 =	vor.u32 v41, v13;
	v50 =	vor.u32 v4, v33;
	v53 =	vld.idx.msk [tilespmem:v60+s2+$0x0], $0xffff;
	[tilespmem:s7+$0xD0] =	vst v38  }
0x6d: {  	v24 =	vor.u32 v56, v8;
	v59 =	vor.u32 $0x1, v2;
	v46 =	vld.idx.msk [tilespmem:v46+s2+$0x0], $0xffff;
	v60 =	vor.u32 $0x3, v52;
	[tilespmem:s17+$0x80] =	vst v40  }
0x6e: {  	v41 =	vor.u32 v59, v3;
	v55 =	vor.u32 $0x1, v52;
	v0 =	vor.u32 v60, v44;
	v57 =	vld.idx.msk [tilespmem:v29+s2+$0x0], $0xffff;
	[tilespmem:s17+$0xFFFFFF00] =	vst v23  }
0x6f: {  	v54 =	vor.u32 $0x2, v52;
	v34 =	vor.u32 v59, v9;
	v52 =	vor.u32 v55, v51;
	v59 =	vld.idx.msk [tilespmem:v21+s2+$0x0], $0xffff;
	[tilespmem:$0x1FFC0] =	vst v0  }
0x70: {  	v18 =	vmov v2;
	v56 =	vor.u32 v47, v28;
	v36 =	vor.u32 v54, v51;
	v40 =	vld.idx.msk [tilespmem:v48+s2+$0x0], $0xffff;
	[tilespmem:s11+$0x50] =	vst v42  }
0x71: {  	v29 =	vor.u32 v54, v44;
	v48 =	vor.u32 v55, v44;
	v44 =	vor.u32 $0x1, v58;
	v55 =	vld.idx.msk [tilespmem:v50+s2+$0x0], $0xffff;
	[tilespmem:s11+$0x90] =	vst v31  }
0x72: {  	v38 =	vor.u32 $0x1, v4;
	v23 =	vor.u32 v60, v51;
	[tilespmem:s17+$0x10] =	vst v53;
	v60 =	vor.u32 v44, v19;
	v27 =	vld.idx.msk [tilespmem:v45+s2+$0x0], $0xffff  }
0x73: {  	v63 =	vmovc v3;
	v42 =	vor.u32 $0x2, v4;
	v50 =	vor.u32 $0x3, v58;
	[tilespmem:s7+$0xFFFFFF40] =	vst v46;
	v44 =	vor.u32 v44, v20;
	v54 =	vld.idx.msk [tilespmem:v41+s2+$0x0], $0xffff  }
0x74: {  	v45 =	vor.u32 v38, v25;
	v28 =	vor.u32 v50, v19;
	v31 =	vor.u32 v42, v25;
	v52 =	vld.idx.msk [tilespmem:v52+s2+$0x0], $0xffff  }
0x75: {  	v41 =	vor.u32 v50, v20;
	v38 =	vor.u32 v38, v33;
	v50 =	vor.u32 $0x1, v11;
	v51 =	vld.idx.msk [tilespmem:v30+s2+$0x0], $0xffff;
	[tilespmem:s7+$0xE0] =	vst v59  }
0x76: {  	s19 =	simm.s32 $0x30;
	s21 =	sshll.u32 s15, $0x1;
	v21 =	vmovc v4;
	v30 =	vor.u32 v42, v33;
	[tilespmem:s17+$0xFFFFFF90] =	vst v57;
	v57 =	vor.u32 $0x3, v37;
	v37 =	vor.u32 $0x2, v58;
	v53 =	vld.idx.msk [tilespmem:v49+s2+$0x0], $0xffff  }
0x77: {  	s14 =	sadd.s32 s5, s21;
	s18 =	simm.s32 $0x8;
	s16 =	simm.s32 $0xA500;
	v42 =	vor.u32 v50, v14;
	v47 =	vor.u32 v57, v43;
	[tilespmem:s17+$0xFFFFFF10] =	vst v55;
	v49 =	vor.u32 $0x2, v2;
	v55 =	vld.idx.msk [tilespmem:v60+s2+$0x0], $0xffff  }
.LBB2_3:
0x78: {  	[tilespmem:$0x1FF90] =	vst v8  }
0x79: {  	[tilespmem:$0x1FF80] =	vst v21  }
0x7a: {  	v43 =	vor.u32 v50, v16;
	v50 =	vld.idx.msk [tilespmem:v56+s2+$0x0], $0xffff;
	[tilespmem:s7+$0xFFFFFFE0] =	vst v35  }
0x7b: {  	v2 =	vld [tilespmem:$0x1FFD0];
	v0 =	vmov v62;
	[tilespmem:s7+$0xFFFFFF50] =	vst v51  }
0x7c: {  	[tilespmem:$0x1FF70] =	vst v0;
	v0 =	vld [tilespmem:$0x1FFA0]  }
0x7d: {  	v15 =	vld [tilespmem:$0x1FFB0];
	[tilespmem:s11+$0xA0] =	vst v54  }
0x7e: {  	v56 =	vor.u32 v57, v1;
	v57 =	vld.idx.msk [tilespmem:v6+s2+$0x0], $0xffff;
	[tilespmem:s17+$0x20] =	vst v52  }
0x7f: {  	v52 =	vld.idx.msk [tilespmem:v34+s2+$0x0], $0xffff;
	[tilespmem:s7+$0xF0] =	vst v53  }
0x80: {  	v58 =	vmov s19;
	s20 =	sadd.s32 $0x4, s19;
	s6 =	sadd.s32 $0x8, s19;
	[tilespmem:s17+$0xFFFFFFA0] =	vst v55;
	v48 =	vld.idx.msk [tilespmem:v48+s2+$0x0], $0xffff  }
0x81: {  	v21 =	vmovc v9;
	v46 =	vmov s20;
	v59 =	vmov s6;
	v44 =	vld.idx.msk [tilespmem:v44+s2+$0x0], $0xffff;
	[tilespmem:s11+$0xFFFFFFD0] =	vst v50;
	v1 =	vmovc v0;
	v0 =	vmov v41  }
0x82: {  	v9 =	vmovc v63;
	v7 =	vmovc v25;
	v25 =	vshll.u32 v46, $0x3;
	v54 =	vor.u32 v49, v63;
	v41 =	vshll.u32 v59, $0x3;
	[tilespmem:$0x1FFA0] =	vst v0;
	v0 =	vld [tilespmem:$0x1FFF0]  }
0x83: {  	v35 =	vshll.u32 v58, $0x3;
	v25 =	vand.u32 $0xC00, v25;
	v34 =	vmovc v43;
	v43 =	vmovc v33;
	[tilespmem:s7+$0x60] =	vst v39;
	v63 =	vand.u32 $0xC00, v41;
	v41 =	vld.idx.msk [tilespmem:v5+s2+$0x0], $0xffff  }
0x84: {  	v33 =	vand.u32 $0xC00, v35;
	v55 =	vor.u32 v49, v21;
	v49 =	vadd.s32 v2, v25;
	v35 =	vld.idx.msk [tilespmem:v26+s2+$0x0], $0xffff;
	[tilespmem:$0x1FF60] =	vst v1  }
0x85: {  	v17 =	vld.idx.msk [tilespmem:v17+s2+$0x0], $0xffff;
	v62 =	vadd.s32 v2, v63;
	v2 =	vor.u32 v37, v19;
	[tilespmem:s11+$0xB0] =	vst v52  }
0x86: {  	s21 =	sadd.s32 $0xC, s19;
	v8 =	vmov v45;
	v45 =	vld.idx.msk [tilespmem:v56+s2+$0x0], $0xffff;
	[tilespmem:s7+$0xFFFFFFF0] =	vst v57  }
0x87: {  	v60 =	vmov s21;
	v46 =	vand.u32 $0x74, v46;
	[tilespmem:s17+$0x30] =	vst v48;
	v48 =	vld.idx.msk [tilespmem:v54+s2+$0x0], $0xffff  }
0x88: {  	v10 =	vor.u32 $0x3, v46;
	v59 =	vand.u32 $0x78, v59;
	v26 =	vmovc v28;
	v1 =	vld.idx.msk [tilespmem:v36+s2+$0x0], $0xffff;
	v53 =	vadd.s32 v0, v63;
	[tilespmem:s11+$0xFFFFFF20] =	vst v41  }
0x89: {  	[tilespmem:s17+$0xFFFFFFB0] =	vst v44;
	v51 =	vadd.s32 v0, v25;
	v41 =	vor.u32 $0x1, v46;
	v50 =	vor.u32 v59, v53;
	v4 =	vld.idx.msk [tilespmem:v32+s2+$0x0], $0xffff  }
0x8a: {  	v25 =	vshll.u32 v60, $0x3;
	v56 =	vor.u32 v46, v51;
	v19 =	vmovc v51;
	v44 =	vor.u32 v41, v49;
	v2 =	vld.idx.msk [tilespmem:v2+s2+$0x0], $0xffff  }
0x8b: {  	[tilespmem:s7+$0xFFFFFF60] =	vst v45;
	v5 =	vor.u32 v41, v19;
	v28 =	vor.u32 v10, v19;
	v41 =	vor.u32 v10, v49;
	v10 =	vld [tilespmem:$0x1FFD0]  }
0x8c: {  	v58 =	vand.u32 $0x70, v58;
	v63 =	vand.u32 $0xC00, v25;
	v25 =	vadd.s32 v0, v33;
	v47 =	vld.idx.msk [tilespmem:v47+s2+$0x0], $0xffff  }
0x8d: {  	v13 =	vmovc v61;
	v61 =	vand.u32 $0x7C, v60;
	v52 =	vadd.s32 v0, v63;
	v51 =	vor.u32 v58, v25;
	[tilespmem:s11+$0xC0] =	vst v48;
	v48 =	vld [tilespmem:$0x1FFC0]  }
0x8e: {  	v3 =	vor.u32 v61, v52;
	v50 =	vld.idx.msk [tilespmem:v50+s2+$0x0], $0xffff  }
0x8f: {  	[tilespmem:s11+$0xFFFFFF30] =	vst v4;
	v4 =	vor.u32 $0x3, v18;
	v18 =	vld [tilespmem:$0x1FFD0]  }
0x90: {  	v6 =	vor.u32 $0x3, v59;
	v56 =	vld.idx.msk [tilespmem:v56+s2+$0x0], $0xffff;
	[tilespmem:s7+$0x70] =	vst v17  }
0x91: {  	v57 =	vor.u32 v6, v53;
	v6 =	vor.u32 v6, v62;
	[tilespmem:s16+$0x40] =	vst v1;
	v1 =	vld.idx.msk [tilespmem:v55+s2+$0x0], $0xffff  }
0x92: {  	v39 =	vor.u32 v46, v49;
	[tilespmem:$0x1FFC0] =	vst v6;
	v6 =	vld.idx.msk [tilespmem:v51+s2+$0x0], $0xffff  }
0x93: {  	v54 =	vor.u32 $0x1, v58;
	v60 =	vor.u32 v59, v62;
	v17 =	vmovc v15;
	v15 =	vmov v48;
	v3 =	vld.idx.msk [tilespmem:v3+s2+$0x0], $0xffff;
	[tilespmem:s7+$0xFFFFFF70] =	vst v47  }
0x94: {  	v10 =	vadd.s32 v10, v63;
	v51 =	vor.u32 v4, v9;
	s7 =	smov.u32 s11;
	s11 =	smov.u32 s16;
	[tilespmem:$0x1FFB0] =	vst v15;
	v33 =	vadd.s32 v18, v33  }
0x95: {  	s17 =	sadd.s32 $0x200, s17;
	v32 =	vor.u32 $0x2, v59;
	v63 =	vmovc v14;
	v14 =	vmov v52;
	[tilespmem:s11+$0xFFFFFFC0] =	vst v2;
	v2 =	vld.idx.msk [tilespmem:v22+s2+$0x0], $0xffff;
	v52 =	vor.u32 v58, v33  }
0x96: {  	v0 =	vor.u32 $0x2, v58;
	v36 =	vor.u32 v32, v53;
	v12 =	vor.u32 v32, v62;
	[tilespmem:s17+$0x0] =	vst v50  }
0x97: {  	v45 =	vor.u32 v54, v25;
	v48 =	vor.u32 v0, v25;
	v55 =	vld.idx.msk [tilespmem:v29+s2+$0x0], $0xffff;
	[tilespmem:s7+$0xD0] =	vst v1  }
0x98: {  	v32 =	vmovc v38;
	v15 =	vmov v11;
	v11 =	vmov v61;
	v38 =	vor.u32 v54, v33;
	v54 =	vld.idx.msk [tilespmem:v60+s2+$0x0], $0xffff;
	[tilespmem:s17+$0x80] =	vst v3  }
0x99: {  	v22 =	vmovc v31;
	v47 =	vor.u32 v11, v10;
	v29 =	vmov v12;
	v12 =	vor.u32 $0x1, v59;
	[tilespmem:s17+$0xFFFFFF00] =	vst v6;
	v1 =	vld.idx.msk [tilespmem:v51+s2+$0x0], $0xffff  }
0x9a: {  	v31 =	vmov v48;
	v53 =	vor.u32 v12, v53;
	v48 =	vor.u32 v12, v62;
	v12 =	vld.idx.msk [tilespmem:v52+s2+$0x0], $0xffff;
	[tilespmem:s7+$0xFFFFFF40] =	vst v2  }
0x9b: {  	v0 =	vor.u32 v0, v33;
	v51 =	vld.idx.msk [tilespmem:v24+s2+$0x0], $0xffff  }
0x9c: {  	[tilespmem:s17+$0xFFFFFF80] =	vst v56;
	v24 =	vmov v30;
	v30 =	vmov v0;
	v0 =	vld [tilespmem:$0x1FF80]  }
0x9d: {  	v59 =	vld.idx.msk [tilespmem:v39+s2+$0x0], $0xffff  }
0x9e: {  	v3 =	vld.idx.msk [tilespmem:v47+s2+$0x0], $0xffff;
	[tilespmem:s11+$0x50] =	vst v55  }
0x9f: {  	v39 =	vmov v27;
	[tilespmem:s11+$0x90] =	vst v40;
	v27 =	vld.idx.msk [tilespmem:v23+s2+$0x0], $0xffff  }
0xa0: {  	s18 =	sadd.s32 $0x4, s18;
	v50 =	vor.u32 $0x1, v11;
	[tilespmem:s17+$0x10] =	vst v54;
	v54 =	vld.idx.msk [tilespmem:v42+s2+$0x0], $0xffff  }
0xa1: {  	p2 =	slt.u32 s18, $0x7C;
	v4 =	vor.u32 v4, v21;
	v6 =	vor.u32 v50, v14;
	v61 =	vmov v0;
	v0 =	vld [tilespmem:$0x1FF90]  }
.Ltmp2:
0xa2: {  	[tilespmem:s17+$0xFFFFFF90] =	vst v59;
	v42 =	vmov v6;
	v6 =	vld [tilespmem:$0x1FF60];
	(pc) =	sbr.rel @p2 .LBB2_3-.Ltmp2, $4  }
0xa3: {  	v9 =	vmov v16;
	v55 =	vld.idx.msk [tilespmem:v5+s2+$0x0], $0xffff  }
0xa4: {  	v21 =	vmovc v58;
	v16 =	vmovc v10;
	v56 =	vor.u32 v37, v20;
	v20 =	vmov v49;
	v37 =	vor.u32 $0x2, v46;
	v52 =	vld.idx.msk [tilespmem:v53+s2+$0x0], $0xffff  }
0xa5: {  	v18 =	vmovc v15;
	v49 =	vor.u32 $0x2, v15;
	v62 =	vmovc v7;
	v23 =	vmov v57;
	v57 =	vor.u32 $0x3, v13;
	[tilespmem:s7+$0xE0] =	vst v1;
	v1 =	vld [tilespmem:$0x1FF70]  }
0xa6: {  	s19 =	sadd.s32 $0x10, s19;
	s16 =	smov.u32 s17;
	v5 =	vmovc v8;
	v8 =	vmov v43;
	v53 =	vld.idx.msk [tilespmem:v4+s2+$0x0], $0xffff;
	v40 =	vmov v3;
	[tilespmem:s17+$0xFFFFFF10] =	vst v12;
	v47 =	vor.u32 v57, v0  }
0xa7: {  	_ =	sdelay $0x1  }
0xa8: {  	[tilespmem:s7+$0xFFFFFFE0] =	vst v35  }
0xa9: {  	[tilespmem:s11+$0xA0] =	vst v54  }
0xaa: {  	[tilespmem:s7+$0xFFFFFF50] =	vst v51;
	v5 =	vld.idx.msk [tilespmem:v5+s2+$0x0], $0xffff  }
0xab: {  	[tilespmem:s7+$0x60] =	vst v39;
	v2 =	vld.idx.msk [tilespmem:v34+s2+$0x0], $0xffff  }
0xac: {  	v0 =	vld.idx.msk [tilespmem:v56+s2+$0x0], $0xffff;
	[tilespmem:s17+$0x20] =	vst v52;
	v1 =	vor.u32 v57, v1  }
0xad: {  	v4 =	vor.u32 v49, v63;
	[tilespmem:s16+$0x90] =	vst v40;
	v3 =	vld.idx.msk [tilespmem:v48+s2+$0x0], $0xffff  }
0xae: {  	[tilespmem:s17+$0xFFFFFFA0] =	vst v55  }
0xaf: {  	[tilespmem:s11+$0xFFFFFF20] =	vst v5;
	v5 =	vld.idx.msk [tilespmem:v42+s2+$0x0], $0xffff  }
0xb0: {  	[tilespmem:s11+$0xB0] =	vst v2;
	v2 =	vld.idx.msk [tilespmem:v6+s2+$0x0], $0xffff  }
0xb1: {  	[tilespmem:s11+$0xFFFFFFD0] =	vst v0;
	v0 =	vld.idx.msk [tilespmem:v1+s2+$0x0], $0xffff  }
0xb2: {  	[tilespmem:s17+$0x30] =	vst v3;
	v3 =	vld.idx.msk [tilespmem:v4+s2+$0x0], $0xffff  }
0xb3: {  	[tilespmem:s7+$0xF0] =	vst v53;
	v1 =	vld.idx.msk [tilespmem:v44+s2+$0x0], $0xffff;
	v4 =	vor.u32 v49, v9  }
0xb4: {  	v6 =	vor.u32 v50, v16;
	v12 =	vld.idx.msk [tilespmem:v32+s2+$0x0], $0xffff;
	[tilespmem:s16+$0xA0] =	vst v5  }
0xb5: {  	v10 =	vld.idx.msk [tilespmem:v17+s2+$0x0], $0xffff;
	[tilespmem:s7+$0xFFFFFFF0] =	vst v2  }
0xb6: {  	v2 =	vld.idx.msk [tilespmem:v45+s2+$0x0], $0xffff;
	[tilespmem:s7+$0xFFFFFF60] =	vst v0  }
0xb7: {  	v0 =	vld.idx.msk [tilespmem:v36+s2+$0x0], $0xffff;
	[tilespmem:s11+$0xC0] =	vst v3  }
0xb8: {  	[tilespmem:s17+$0xFFFFFFB0] =	vst v1;
	v1 =	vor.u32 v37, v19;
	v3 =	vld.idx.msk [tilespmem:v4+s2+$0x0], $0xffff;
	v4 =	vor.u32 $0x3, v18  }
0xb9: {  	v6 =	vld.idx.msk [tilespmem:v6+s2+$0x0], $0xffff;
	[tilespmem:s11+$0xFFFFFF30] =	vst v12;
	v5 =	vor.u32 v4, v63  }
0xba: {  	[tilespmem:s7+$0x70] =	vst v10;
	v10 =	vld.idx.msk [tilespmem:v22+s2+$0x0], $0xffff  }
0xbb: {  	v15 =	vld.idx.msk [tilespmem:v47+s2+$0x0], $0xffff;
	[tilespmem:s16+$0xFFFFFF20] =	vst v2  }
0xbc: {  	v7 =	vor.u32 $0x2, v11;
	v2 =	vld.idx.msk [tilespmem:v38+s2+$0x0], $0xffff;
	[tilespmem:s16+$0x40] =	vst v0  }
0xbd: {  	v0 =	vor.u32 v7, v14;
	v1 =	vld.idx.msk [tilespmem:v1+s2+$0x0], $0xffff;
	[tilespmem:s11+$0xD0] =	vst v3  }
0xbe: {  	[tilespmem:s16+$0xB0] =	vst v6;
	v3 =	vld.idx.msk [tilespmem:v5+s2+$0x0], $0xffff  }
0xbf: {  	v4 =	vor.u32 v4, v9;
	v6 =	vld.idx.msk [tilespmem:v26+s2+$0x0], $0xffff;
	[tilespmem:s11+$0xFFFFFF40] =	vst v10  }
0xc0: {  	v10 =	vld.idx.msk [tilespmem:v24+s2+$0x0], $0xffff;
	[tilespmem:s7+$0xFFFFFF70] =	vst v15  }
0xc1: {  	v5 =	vld.idx.msk [tilespmem:v29+s2+$0x0], $0xffff;
	[tilespmem:s16+$0xFFFFFF30] =	vst v2  }
0xc2: {  	v0 =	vld.idx.msk [tilespmem:v0+s2+$0x0], $0xffff;
	[tilespmem:s16+$0xFFFFFFC0] =	vst v1;
	v1 =	vor.u32 v7, v16;
	v7 =	vor.u32 v37, v20  }
0xc3: {  	v2 =	vld.idx.msk [tilespmem:v31+s2+$0x0], $0xffff;
	[tilespmem:s11+$0xE0] =	vst v3;
	v3 =	vor.u32 $0x3, v61  }
0xc4: {  	[tilespmem:s11+$0xFFFFFFE0] =	vst v6;
	v4 =	vld.idx.msk [tilespmem:v4+s2+$0x0], $0xffff;
	v9 =	vor.u32 v3, v62  }
0xc5: {  	[tilespmem:s11+$0xFFFFFF50] =	vst v10  }
0xc6: {  	[tilespmem:s16+$0x50] =	vst v5  }
0xc7: {  	[tilespmem:s16+$0xC0] =	vst v0;
	v5 =	vld.idx.msk [tilespmem:v7+s2+$0x0], $0xffff  }
0xc8: {  	[tilespmem:s16+$0xFFFFFF40] =	vst v2;
	v0 =	vld.idx.msk [tilespmem:v1+s2+$0x0], $0xffff  }
0xc9: {  	[tilespmem:s11+$0xF0] =	vst v4;
	v4 =	vld.idx.msk [tilespmem:v9+s2+$0x0], $0xffff  }
0xca: {  	v1 =	vor.u32 $0x3, v11;
	v9 =	vld [tilespmem:$0x1FFA0]  }
0xcb: {  	v6 =	vor.u32 v1, v14;
	_ =	sdelay $0x1  }
0xcc: {  	v2 =	vld.idx.msk [tilespmem:v30+s2+$0x0], $0xffff  }
0xcd: {  	[tilespmem:s16+$0xFFFFFFD0] =	vst v5  }
0xce: {  	[tilespmem:s16+$0xD0] =	vst v0;
	v5 =	vld.idx.msk [tilespmem:v28+s2+$0x0], $0xffff  }
0xcf: {  	v0 =	vor.u32 v3, v8;
	v3 =	vld.idx.msk [tilespmem:v6+s2+$0x0], $0xffff  }
0xd0: {  	[tilespmem:s11+$0x60] =	vst v27;
	v6 =	vld.idx.msk [tilespmem:v23+s2+$0x0], $0xffff  }
0xd1: {  	[tilespmem:s16+$0xFFFFFF50] =	vst v2;
	v9 =	vld.idx.msk [tilespmem:v9+s2+$0x0], $0xffff  }
0xd2: {  	v7 =	vor.u32 $0x3, v21;
	[tilespmem:s11+$0xFFFFFF60] =	vst v4  }
0xd3: {  	v10 =	vor.u32 v7, v25;
	v4 =	vld [tilespmem:$0x1FFB0];
	[tilespmem:s16+$0xFFFFFFE0] =	vst v5  }
0xd4: {  	[tilespmem:s16+$0xE0] =	vst v3  }
0xd5: {  	[tilespmem:s16+$0x60] =	vst v6  }
0xd6: {  	v1 =	vor.u32 v1, v16;
	[tilespmem:s11+$0xFFFFFFF0] =	vst v9  }
0xd7: {  	v5 =	vld [tilespmem:$0x1FFC0]  }
0xd8: {  	v2 =	vld.idx.msk [tilespmem:v10+s2+$0x0], $0xffff  }
0xd9: {  	v7 =	vor.u32 v7, v33  }
0xda: {  	v0 =	vld.idx.msk [tilespmem:v0+s2+$0x0], $0xffff  }
0xdb: {  	v1 =	vld.idx.msk [tilespmem:v1+s2+$0x0], $0xffff  }
0xdc: {  	v3 =	vld.idx.msk [tilespmem:v41+s2+$0x0], $0xffff  }
0xdd: {  	v4 =	vld.idx.msk [tilespmem:v4+s2+$0x0], $0xffff;
	[tilespmem:s16+$0xFFFFFF60] =	vst v2  }
0xde: {  	v2 =	vld.idx.msk [tilespmem:v7+s2+$0x0], $0xffff  }
0xdf: {  	[tilespmem:s11+$0xFFFFFF70] =	vst v0;
	v5 =	vld.idx.msk [tilespmem:v5+s2+$0x0], $0xffff  }
0xe0: {  	[tilespmem:s16+$0xF0] =	vst v1  }
0xe1: {  	[tilespmem:s16+$0xFFFFFFF0] =	vst v3  }
0xe2: {  	[tilespmem:s11+$0x70] =	vst v4  }
0xe3: {  	s11 =	sshll.u32 s14, $0x9;
	[tilespmem:s16+$0xFFFFFF70] =	vst v2  }
0xe4: {  	s18 =	sadd.s32 s11, s8;
	[tilespmem:s16+$0x70] =	vst v5  }
0xe5: {  	[tilespmem:s2], [sflag:$0x1] =	stream.linear.gather [hbm4b:s18+s2], $0x1000, $0x38;
	[tilespmem:$0x13800] =	vst v63  }
0xe6: {  	s19 =	sadd.s32 $0xF4280, s18  }
0xe7: {  	[tilespmem:s22], [sflag:$0x1] =	stream.linear.gather [hbm4b:s19+s2], $0x1000, $0x38;
	[tilespmem:$0x13800] =	vst v63  }
0xe8: {  	s20 =	sadd.s32 $0x1E8500, s18  }
0xe9: {  	[tilespmem:s23], [sflag:$0x1] =	stream.linear.gather [hbm4b:s20+s2], $0x1000, $0x38;
	[tilespmem:$0x13800] =	vst v63  }
0xea: {  	s7 =	sadd.s32 $0x2DC780, s18  }
0xeb: {  	[tilespmem:s24], [sflag:$0x1] =	stream.linear.gather [hbm4b:s7+s2], $0x1000, $0x38;
	[tilespmem:$0x13800] =	vst v63  }
0xec: {  	s7 =	sshll.u32 s14, $0xB  }
0xed: {  	s17 =	sadd.s32 s4, s7  }
0xee: {  	[hbm4b:s17+s2] =	stream.linear.scatter [tilespmem:s31], [sflag:$0x3], $0x4000, $0x38;
	[tilespmem:$0x13800] =	vst v63  }
0xef: {  	_ =	swait.ge [sflag:s1], $0x4000  }
0xf0: {  	v55 =	vld [tilespmem:$0x1FFF0]  }
0xf1: {  	s21 =	simm.s32 $0x0  }
0xf2: {  	s6 =	simm.s32 $0x8;
	v0 =	vmov s21  }
0xf3: {  	v1 =	vmov s6;
	v10 =	vand.u32 $0x70, v0;
	v2 =	vshll.u32 v0, $0x3;
	[sflag:s1] =	ssyncset.done $0x0  }
0xf4: {  	v12 =	vand.u32 $0x78, v1;
	v4 =	vshll.u32 v1, $0x3;
	v2 =	vand.u32 $0xC00, v2;
	s16 =	simm.s32 @!p1 $0x4;
	s18 =	simm.s32 $0x4;
	[sflag:s1] =	ssyncadd.s32 $0xFFFFC000  }
0xf5: {  	v0 =	vand.u32 $0xC00, v4;
	v3 =	vmov s18;
	_ =	swait.ge @!p1 [sflag:s16], $0x4000;
	v9 =	vadd.s32 v55, v2  }
0xf6: {  	s19 =	simm.s32 $0xC;
	v5 =	vshll.u32 v3, $0x3;
	v63 =	vld [tilespmem:$0x1FFD0];
	v11 =	vadd.s32 v55, v0;
	v1 =	vor.u32 v10, v9  }
0xf7: {  	v4 =	vmov s19;
	v5 =	vand.u32 $0xC00, v5;
	v6 =	vor.u32 v12, v11  }
0xf8: {  	v13 =	vand.u32 $0x74, v3;
	v7 =	vshll.u32 v4, $0x3;
	v16 =	vadd.s32 v55, v5  }
0xf9: {  	v3 =	vand.u32 $0xC00, v7;
	[sflag:s16] =	ssyncset.done @!p1 $0x0;
	v7 =	vor.u32 v13, v16  }
0xfa: {  	v15 =	vand.u32 $0x7C, v4;
	[sflag:s16] =	ssyncadd.s32 @!p1 $0xFFFFC000;
	v14 =	vadd.s32 v55, v3  }
0xfb: {  	v4 =	vor.u32 v15, v14;
	v2 =	vadd.s32 v63, v2;
	v1 =	vld.idx.msk [tilespmem:v1+s25+$0x0], $0xffff  }
0xfc: {  	v23 =	vadd.s32 v63, v0;
	v8 =	vor.u32 v10, v2;
	v0 =	vld.idx.msk [tilespmem:v6+s25+$0x0], $0xffff  }
0xfd: {  	v6 =	vor.u32 v12, v23  }
0xfe: {  	v17 =	vadd.s32 v63, v5;
	v5 =	vld.idx.msk [tilespmem:v7+s25+$0x0], $0xffff  }
0xff: {  	s14 =	simm.s32 $0xE1F0;
	v24 =	vadd.s32 v63, v3;
	v3 =	vor.u32 v13, v17  }
0x100: {  	v4 =	vld.idx.msk [tilespmem:v4+s25+$0x0], $0xffff;
	[tilespmem:s14+$0xFFFFFE10] =	vst v1  }
0x101: {  	v7 =	vor.u32 v15, v24;
	v1 =	vor.u32 $0x1, v10;
	[tilespmem:s14+$0xFFFFFF10] =	vst v0;
	v8 =	vld.idx.msk [tilespmem:v8+s25+$0x0], $0xffff  }
0x102: {  	v18 =	vor.u32 $0x1, v12;
	v0 =	vor.u32 v1, v9;
	v6 =	vld.idx.msk [tilespmem:v6+s25+$0x0], $0xffff  }
0x103: {  	v19 =	vor.u32 v18, v11;
	[tilespmem:s14+$0xFFFFFE90] =	vst v5  }
0x104: {  	v5 =	vor.u32 $0x1, v13;
	v3 =	vld.idx.msk [tilespmem:v3+s25+$0x0], $0xffff  }
0x105: {  	[tilespmem:s14+$0xFFFFFF90] =	vst v4;
	v4 =	vor.u32 v5, v16  }
0x106: {  	v7 =	vld.idx.msk [tilespmem:v7+s25+$0x0], $0xffff;
	[tilespmem:s14+$0xFFFFFE20] =	vst v8;
	v8 =	vor.u32 $0x1, v15  }
0x107: {  	[tilespmem:s14+$0xFFFFFF20] =	vst v6;
	v0 =	vld.idx.msk [tilespmem:v0+s25+$0x0], $0xffff;
	v6 =	vor.u32 v8, v14  }
0x108: {  	v1 =	vor.u32 v1, v2;
	v19 =	vld.idx.msk [tilespmem:v19+s25+$0x0], $0xffff  }
0x109: {  	v20 =	vor.u32 $0x2, v10;
	v25 =	vor.u32 $0x2, v12;
	s18 =	simm.s32 $0x14;
	v18 =	vor.u32 v18, v23;
	[tilespmem:s14+$0xFFFFFEA0] =	vst v3  }
0x10a: {  	s21 =	simm.s32 $0x10;
	v27 =	vmov s18;
	s20 =	simm.s32 $0x1C;
	v21 =	vor.u32 v20, v9;
	v26 =	vor.u32 v25, v11;
	v4 =	vld.idx.msk [tilespmem:v4+s25+$0x0], $0xffff  }
0x10b: {  	v22 =	vor.u32 v5, v17;
	v5 =	vmov s21;
	[tilespmem:s14+$0xFFFFFFA0] =	vst v7;
	v7 =	vmov s20  }
0x10c: {  	s19 =	simm.s32 $0x18;
	v28 =	vshll.u32 v5, $0x3;
	v8 =	vor.u32 v8, v24;
	v31 =	vshll.u32 v7, $0x3;
	[tilespmem:s14+$0xFFFFFE30] =	vst v0;
	v0 =	vld.idx.msk [tilespmem:v6+s25+$0x0], $0xffff  }
0x10d: {  	v31 =	vand.u32 $0xC00, v31;
	v6 =	vmov s19;
	[tilespmem:s14+$0xFFFFFF30] =	vst v19;
	v19 =	vand.u32 $0xC00, v28;
	v1 =	vld.idx.msk [tilespmem:v1+s25+$0x0], $0xffff  }
0x10e: {  	v28 =	vand.u32 $0x70, v5;
	v3 =	vand.u32 $0x78, v6;
	v6 =	vshll.u32 v6, $0x3;
	v18 =	vld.idx.msk [tilespmem:v18+s25+$0x0], $0xffff  }
0x10f: {  	[tilespmem:s14+$0xFFFFFEB0] =	vst v4;
	v4 =	vadd.s32 v55, v31;
	v30 =	vadd.s32 v55, v19;
	v29 =	vand.u32 $0xC00, v6  }
0x110: {  	v6 =	vshll.u32 v27, $0x3;
	v42 =	vor.u32 v28, v30;
	v5 =	vadd.s32 v55, v29  }
0x111: {  	v22 =	vld.idx.msk [tilespmem:v22+s25+$0x0], $0xffff;
	v43 =	vand.u32 $0xC00, v6;
	v6 =	vand.u32 $0x7C, v7;
	v44 =	vor.u32 v3, v5;
	[tilespmem:s14+$0xFFFFFFB0] =	vst v0  }
0x112: {  	v7 =	vor.u32 v6, v4;
	v0 =	vand.u32 $0x74, v27;
	v27 =	vadd.s32 v55, v43;
	[tilespmem:s14+$0xFFFFFE40] =	vst v1;
	v1 =	vld.idx.msk [tilespmem:v8+s25+$0x0], $0xffff  }
0x113: {  	v45 =	vor.u32 $0x2, v15;
	v46 =	vor.u32 v0, v27;
	[tilespmem:s14+$0xFFFFFF40] =	vst v18;
	v18 =	vld.idx.msk [tilespmem:v21+s25+$0x0], $0xffff  }
0x114: {  	v47 =	vor.u32 v45, v14;
	v21 =	vor.u32 $0x2, v13;
	v26 =	vld.idx.msk [tilespmem:v26+s25+$0x0], $0xffff  }
0x115: {  	v32 =	vld.idx.msk [tilespmem:v42+s25+$0x0], $0xffff;
	v48 =	vor.u32 v21, v16  }
0x116: {  	v25 =	vor.u32 v25, v23;
	v49 =	vadd.s32 v63, v19;
	v19 =	vld.idx.msk [tilespmem:v44+s25+$0x0], $0xffff  }
0x117: {  	v50 =	vor.u32 v28, v49;
	v8 =	vadd.s32 v63, v29;
	[tilespmem:s14+$0xFFFFFEC0] =	vst v22;
	v22 =	vld.idx.msk [tilespmem:v7+s25+$0x0], $0xffff  }
0x118: {  	v29 =	vor.u32 v3, v8;
	v7 =	vadd.s32 v63, v31;
	[tilespmem:s14+$0xFFFFFFC0] =	vst v1;
	v1 =	vld.idx.msk [tilespmem:v46+s25+$0x0], $0xffff  }
0x119: {  	v35 =	vor.u32 v45, v24;
	v31 =	vor.u32 v6, v7;
	[tilespmem:s14+$0xFFFFFE50] =	vst v18;
	v18 =	vld.idx.msk [tilespmem:v47+s25+$0x0], $0xffff  }
0x11a: {  	s16 =	simm.s32 $0xE3F0;
	v20 =	vor.u32 v20, v2;
	v33 =	vadd.s32 v63, v43;
	v13 =	vor.u32 $0x3, v13;
	[tilespmem:s14+$0xFFFFFF50] =	vst v26;
	v52 =	vld.idx.msk [tilespmem:v48+s25+$0x0], $0xffff  }
0x11b: {  	v51 =	vor.u32 v21, v17;
	v21 =	vor.u32 v0, v33;
	v26 =	vor.u32 $0x3, v10;
	[tilespmem:s16+$0xFFFFFE10] =	vst v32;
	v25 =	vld.idx.msk [tilespmem:v25+s25+$0x0], $0xffff  }
0x11c: {  	v53 =	vor.u32 v13, v16;
	v10 =	vor.u32 v26, v9;
	v16 =	vld.idx.msk [tilespmem:v50+s25+$0x0], $0xffff;
	[tilespmem:s16+$0xFFFFFF10] =	vst v19  }
0x11d: {  	v9 =	vor.u32 v13, v17;
	v13 =	vor.u32 v26, v2;
	v2 =	vor.u32 $0x1, v28;
	[tilespmem:s16+$0xFFFFFF90] =	vst v22;
	v19 =	vld.idx.msk [tilespmem:v29+s25+$0x0], $0xffff  }
0x11e: {  	v57 =	vor.u32 $0x3, v12;
	v62 =	vor.u32 $0x1, v6;
	v26 =	vor.u32 v2, v30;
	v29 =	vld.idx.msk [tilespmem:v31+s25+$0x0], $0xffff;
	[tilespmem:s16+$0xFFFFFE90] =	vst v1  }
0x11f: {  	v59 =	vor.u32 $0x3, v15;
	v63 =	vor.u32 v62, v4;
	v60 =	vld.idx.msk [tilespmem:v20+s25+$0x0], $0xffff;
	v1 =	vor.u32 $0x1, v3;
	[tilespmem:s14+$0xFFFFFFD0] =	vst v18  }
0x120: {  	v61 =	vor.u32 v59, v14;
	v12 =	vor.u32 $0x2, v6;
	v54 =	vld.idx.msk [tilespmem:v21+s25+$0x0], $0xffff;
	v56 =	vor.u32 v1, v5;
	[tilespmem:s14+$0xFFFFFED0] =	vst v52  }
0x121: {  	v17 =	vor.u32 $0x1, v0;
	v21 =	vor.u32 v2, v49;
	v2 =	vor.u32 v57, v11;
	v11 =	vld.idx.msk [tilespmem:v35+s25+$0x0], $0xffff;
	[tilespmem:s14+$0xFFFFFF60] =	vst v25  }
0x122: {  	v14 =	vor.u32 v12, v4;
	v15 =	vor.u32 $0x2, v0;
	v58 =	vor.u32 v17, v27;
	[tilespmem:s16+$0xFFFFFE20] =	vst v16;
	v36 =	vld.idx.msk [tilespmem:v51+s25+$0x0], $0xffff  }
0x123: {  	v0 =	vor.u32 $0x3, v0;
	v22 =	vor.u32 v17, v33;
	v17 =	vor.u32 v15, v27;
	v43 =	vld.idx.msk [tilespmem:v26+s25+$0x0], $0xffff;
	[tilespmem:s16+$0xFFFFFFA0] =	vst v29  }
0x124: {  	v15 =	vor.u32 v15, v33;
	v20 =	vor.u32 v0, v33;
	v31 =	vor.u32 $0x2, v28;
	[tilespmem:s16+$0xFFFFFF20] =	vst v19;
	v33 =	vld.idx.msk [tilespmem:v63+s25+$0x0], $0xffff  }
0x125: {  	v18 =	vor.u32 v31, v30;
	v16 =	vor.u32 v31, v49;
	[tilespmem:s14+$0xFFFFFE60] =	vst v60;
	v32 =	vld.idx.msk [tilespmem:v56+s25+$0x0], $0xffff  }
0x126: {  	v26 =	vor.u32 $0x3, v28;
	v28 =	vor.u32 v1, v8;
	v19 =	vor.u32 v12, v7;
	[tilespmem:s16+$0xFFFFFEA0] =	vst v54;
	v29 =	vld.idx.msk [tilespmem:v2+s25+$0x0], $0xffff  }
0x127: {  	v12 =	vor.u32 v0, v27;
	v25 =	vor.u32 v26, v30;
	v31 =	vld.idx.msk [tilespmem:v58+s25+$0x0], $0xffff;
	[tilespmem:s14+$0xFFFFFFE0] =	vst v11  }
0x128: {  	v11 =	vor.u32 v26, v49;
	v26 =	vor.u32 v57, v23;
	[tilespmem:s14+$0xFFFFFEE0] =	vst v36;
	v27 =	vld.idx.msk [tilespmem:v61+s25+$0x0], $0xffff  }
0x129: {  	s18 =	simm.s32 $0x4;
	s17 =	simm.s32 $0xE3F0;
	s19 =	simm.s32 $0x2C;
	v34 =	vor.u32 $0x2, v3;
	v23 =	vor.u32 v59, v24;
	v24 =	vor.u32 v62, v7;
	[tilespmem:s16+$0xFFFFFE30] =	vst v43;
	v30 =	vld.idx.msk [tilespmem:v53+s25+$0x0], $0xffff  }
.LBB2_5:
0x12a: {  	s20 =	sadd.s32 $0xFFFFFFF4, s19;
	v0 =	vmov s19;
	v48 =	vld.idx.msk [tilespmem:v10+s25+$0x0], $0xffff  }
0x12b: {  	s21 =	sadd.s32 $0xFFFFFFF8, s19;
	s6 =	sadd.s32 $0xFFFFFFFC, s19;
	v1 =	vor.u32 v34, v5;
	v2 =	vor.u32 v34, v8;
	v10 =	vmovc v25;
	v21 =	vld.idx.msk [tilespmem:v21+s25+$0x0], $0xffff;
	v25 =	vmov s20;
	[tilespmem:s16+$0xFFFFFF30] =	vst v32  }
0x12c: {  	v46 =	vld [tilespmem:$0x1FFD0];
	v49 =	vmov s21;
	v35 =	vmov s6;
	v41 =	vshll.u32 v0, $0x3;
	[tilespmem:s16+$0xFFFFFEB0] =	vst v31  }
0x12d: {  	v0 =	vand.u32 $0x7C, v0;
	v36 =	vshll.u32 v25, $0x3;
	v37 =	vand.u32 $0x78, v35;
	[tilespmem:s14+$0xFFFFFF70] =	vst v29;
	v22 =	vld.idx.msk [tilespmem:v22+s25+$0x0], $0xffff  }
0x12e: {  	v35 =	vshll.u32 v35, $0x3;
	v25 =	vand.u32 $0x70, v25;
	v50 =	vshll.u32 v49, $0x3;
	[tilespmem:s14+$0xFFFFFEF0] =	vst v30;
	v28 =	vld.idx.msk [tilespmem:v28+s25+$0x0], $0xffff  }
0x12f: {  	v34 =	vand.u32 $0x74, v49;
	v29 =	vand.u32 $0xC00, v36;
	v36 =	vand.u32 $0xC00, v50;
	[tilespmem:s16+$0xFFFFFFB0] =	vst v33;
	v51 =	vld.idx.msk [tilespmem:v9+s25+$0x0], $0xffff  }
0x130: {  	v35 =	vand.u32 $0xC00, v35;
	[tilespmem:s14+$0xFFFFFFF0] =	vst v27;
	v31 =	vadd.s32 v55, v29;
	v40 =	vadd.s32 v55, v36;
	v26 =	vld.idx.msk [tilespmem:v26+s25+$0x0], $0xffff  }
0x131: {  	v27 =	vadd.s32 v46, v29;
	v29 =	vand.u32 $0xC00, v41;
	[tilespmem:s16+$0xFFFFFE40] =	vst v21;
	v24 =	vld.idx.msk [tilespmem:v24+s25+$0x0], $0xffff;
	v30 =	vor.u32 v25, v31  }
0x132: {  	v9 =	vmov v20;
	v23 =	vld.idx.msk [tilespmem:v23+s25+$0x0], $0xffff;
	v20 =	vor.u32 v34, v40;
	v41 =	vadd.s32 v55, v29;
	[tilespmem:s14+$0xFFFFFE70] =	vst v48  }
0x133: {  	v38 =	vadd.s32 v55, v35;
	v52 =	vor.u32 v0, v41;
	v13 =	vld.idx.msk [tilespmem:v13+s25+$0x0], $0xffff;
	[tilespmem:s16+$0xFFFFFEC0] =	vst v22  }
0x134: {  	v39 =	vor.u32 v37, v38;
	v44 =	vld.idx.msk [tilespmem:v18+s25+$0x0], $0xffff;
	[tilespmem:s16+$0xFFFFFF40] =	vst v28  }
0x135: {  	[tilespmem:s14+$0xFFFFFF00] =	vst v51;
	v1 =	vld.idx.msk [tilespmem:v1+s25+$0x0], $0xffff  }
0x136: {  	[tilespmem:s16+$0xFFFFFFC0] =	vst v24;
	v30 =	vld.idx.msk [tilespmem:v30+s25+$0x0], $0xffff  }
0x137: {  	v43 =	vor.u32 $0x1, v34;
	v35 =	vadd.s32 v46, v35;
	[tilespmem:s14+$0xFFFFFF80] =	vst v26;
	v56 =	vld.idx.msk [tilespmem:v20+s25+$0x0], $0xffff  }
0x138: {  	v45 =	vor.u32 $0x2, v25;
	v36 =	vadd.s32 v46, v36;
	v29 =	vadd.s32 v46, v29;
	v32 =	vld.idx.msk [tilespmem:v52+s25+$0x0], $0xffff;
	[tilespmem:s14+$0x0] =	vst v23  }
0x139: {  	v21 =	vor.u32 $0x1, v25;
	v53 =	vor.u32 v37, v35;
	v28 =	vor.u32 v25, v27;
	v39 =	vld.idx.msk [tilespmem:v39+s25+$0x0], $0xffff;
	[tilespmem:s14+$0xFFFFFE80] =	vst v13;
	s14 =	smov.u32 s17  }
0x13a: {  	v54 =	vor.u32 v21, v31;
	v47 =	vor.u32 v34, v36;
	v21 =	vor.u32 v21, v27;
	[tilespmem:s14+$0xFFFFFE50] =	vst v44  }
0x13b: {  	v49 =	vor.u32 v43, v40;
	v42 =	vor.u32 v0, v29;
	s16 =	sadd.s32 $0x200, s16;
	v26 =	vor.u32 $0x2, v34;
	v59 =	vld.idx.msk [tilespmem:v17+s25+$0x0], $0xffff;
	[tilespmem:s14+$0xFFFFFF50] =	vst v1  }
0x13c: {  	v48 =	vor.u32 $0x2, v0;
	v20 =	vor.u32 v26, v40;
	v57 =	vor.u32 v26, v36;
	v26 =	vld.idx.msk [tilespmem:v14+s25+$0x0], $0xffff;
	[tilespmem:s16+$0xFFFFFE10] =	vst v30  }
0x13d: {  	v58 =	vor.u32 v45, v27;
	v18 =	vor.u32 v45, v31;
	v24 =	vor.u32 $0x3, v34;
	[tilespmem:s16+$0xFFFFFE90] =	vst v56;
	v1 =	vld.idx.msk [tilespmem:v2+s25+$0x0], $0xffff  }
0x13e: {  	v23 =	vor.u32 $0x3, v25;
	v25 =	vor.u32 v48, v41;
	v40 =	vor.u32 v24, v40;
	v2 =	vld.idx.msk [tilespmem:v28+s25+$0x0], $0xffff;
	[tilespmem:s16+$0xFFFFFF10] =	vst v39  }
0x13f: {  	v13 =	vmovc v11;
	v14 =	vmov v25;
	v17 =	vmov v20;
	v25 =	vor.u32 v23, v31;
	[tilespmem:s16+$0xFFFFFF90] =	vst v32;
	v30 =	vld.idx.msk [tilespmem:v47+s25+$0x0], $0xffff  }
0x140: {  	v20 =	vor.u32 v24, v36;
	v11 =	vor.u32 v23, v27;
	v23 =	vor.u32 $0x1, v37;
	[tilespmem:s14+$0xFFFFFED0] =	vst v59;
	v24 =	vld.idx.msk [tilespmem:v53+s25+$0x0], $0xffff  }
0x141: {  	v31 =	vor.u32 v23, v38;
	v28 =	vor.u32 v23, v35;
	v23 =	vor.u32 $0x3, v3;
	v27 =	vld.idx.msk [tilespmem:v42+s25+$0x0], $0xffff;
	[tilespmem:s14+$0xFFFFFFD0] =	vst v26  }
0x142: {  	v60 =	vor.u32 v23, v5;
	v62 =	vld.idx.msk [tilespmem:v15+s25+$0x0], $0xffff;
	[tilespmem:s14+$0xFFFFFF60] =	vst v1  }
0x143: {  	v61 =	vld.idx.msk [tilespmem:v19+s25+$0x0], $0xffff;
	v1 =	vor.u32 $0x3, v6;
	[tilespmem:s16+$0xFFFFFE20] =	vst v2  }
0x144: {  	v26 =	vor.u32 v23, v8;
	v6 =	vmov v0;
	v0 =	vld.idx.msk [tilespmem:v16+s25+$0x0], $0xffff;
	v2 =	vor.u32 v1, v4  }
0x145: {  	s18 =	sadd.s32 $0x4, s18;
	v23 =	vor.u32 v1, v7;
	v4 =	vmov v41;
	v1 =	vld.idx.msk [tilespmem:v54+s25+$0x0], $0xffff;
	[tilespmem:s16+$0xFFFFFF20] =	vst v24;
	v24 =	vor.u32 $0x1, v6  }
0x146: {  	p1 =	slt.u32 s18, $0x7C;
	[tilespmem:s16+$0xFFFFFEA0] =	vst v30;
	v32 =	vld.idx.msk [tilespmem:v31+s25+$0x0], $0xffff;
	v63 =	vor.u32 v24, v4  }
.Ltmp3:
0x147: {  	v48 =	vor.u32 v48, v29;
	v7 =	vmov v29;
	[tilespmem:s16+$0xFFFFFFA0] =	vst v27;
	v29 =	vld.idx.msk [tilespmem:v60+s25+$0x0], $0xffff;
	(pc) =	sbr.rel @p1 .LBB2_5-.Ltmp3, $4  }
0x148: {  	v31 =	vld.idx.msk [tilespmem:v49+s25+$0x0], $0xffff;
	[tilespmem:s14+$0xFFFFFEE0] =	vst v62  }
0x149: {  	v22 =	vor.u32 v43, v36;
	v3 =	vmov v37;
	[tilespmem:s14+$0xFFFFFFE0] =	vst v61;
	v30 =	vld.idx.msk [tilespmem:v12+s25+$0x0], $0xffff  }
0x14a: {  	v5 =	vmovc v38;
	v8 =	vmov v35;
	v15 =	vmov v57;
	v34 =	vor.u32 $0x2, v3;
	v27 =	vld.idx.msk [tilespmem:v2+s25+$0x0], $0xffff;
	[tilespmem:s14+$0xFFFFFE60] =	vst v0  }
0x14b: {  	s19 =	sadd.s32 $0x10, s19;
	s17 =	smov.u32 s16;
	v19 =	vmovc v48;
	v16 =	vmov v58;
	v24 =	vor.u32 v24, v7;
	v12 =	vmov v40;
	[tilespmem:s16+$0xFFFFFE30] =	vst v1;
	v33 =	vld.idx.msk [tilespmem:v63+s25+$0x0], $0xffff  }
0x14c: {  	_ =	sdelay $0x3  }
0x14d: {  	[tilespmem:s16+$0xFFFFFF30] =	vst v32;
	v21 =	vld.idx.msk [tilespmem:v21+s25+$0x0], $0xffff  }
0x14e: {  	[tilespmem:s16+$0xFFFFFEB0] =	vst v31;
	v1 =	vld.idx.msk [tilespmem:v28+s25+$0x0], $0xffff  }
0x14f: {  	v2 =	vor.u32 v34, v5;
	v0 =	vld.idx.msk [tilespmem:v22+s25+$0x0], $0xffff;
	[tilespmem:s16+$0xFFFFFFB0] =	vst v33  }
0x150: {  	v49 =	vld.idx.msk [tilespmem:v24+s25+$0x0], $0xffff;
	_ =	sdelay $0x1  }
0x151: {  	[tilespmem:s16+$0xFFFFFE40] =	vst v21  }
0x152: {  	[tilespmem:s16+$0xFFFFFF40] =	vst v1;
	v51 =	vld.idx.msk [tilespmem:v18+s25+$0x0], $0xffff  }
0x153: {  	[tilespmem:s16+$0xFFFFFEC0] =	vst v0;
	v1 =	vld.idx.msk [tilespmem:v2+s25+$0x0], $0xffff  }
0x154: {  	v50 =	vor.u32 v34, v8;
	v0 =	vld.idx.msk [tilespmem:v17+s25+$0x0], $0xffff;
	[tilespmem:s16+$0xFFFFFFC0] =	vst v49  }
0x155: {  	[tilespmem:s14+$0xFFFFFF70] =	vst v29;
	v14 =	vld.idx.msk [tilespmem:v14+s25+$0x0], $0xffff  }
0x156: {  	[tilespmem:s14+$0xFFFFFEF0] =	vst v30  }
0x157: {  	v10 =	vld.idx.msk [tilespmem:v10+s25+$0x0], $0xffff;
	[tilespmem:s17+$0xFFFFFE50] =	vst v51  }
0x158: {  	[tilespmem:s17+$0xFFFFFF50] =	vst v1;
	v54 =	vld.idx.msk [tilespmem:v16+s25+$0x0], $0xffff  }
0x159: {  	v52 =	vor.u32 $0x3, v3;
	[tilespmem:s17+$0xFFFFFED0] =	vst v0;
	v1 =	vld.idx.msk [tilespmem:v50+s25+$0x0], $0xffff  }
0x15a: {  	v3 =	vor.u32 v52, v5;
	v0 =	vld.idx.msk [tilespmem:v15+s25+$0x0], $0xffff;
	[tilespmem:s17+$0xFFFFFFD0] =	vst v14  }
0x15b: {  	v6 =	vor.u32 $0x3, v6;
	[tilespmem:s14+$0xFFFFFFF0] =	vst v27;
	v53 =	vld.idx.msk [tilespmem:v19+s25+$0x0], $0xffff  }
0x15c: {  	v4 =	vor.u32 v6, v4;
	v56 =	vld.idx.msk [tilespmem:v26+s25+$0x0], $0xffff;
	[tilespmem:s14+$0xFFFFFE70] =	vst v10  }
0x15d: {  	v9 =	vld.idx.msk [tilespmem:v9+s25+$0x0], $0xffff;
	[tilespmem:s17+$0xFFFFFE60] =	vst v54  }
0x15e: {  	[tilespmem:s17+$0xFFFFFF60] =	vst v1;
	v59 =	vld.idx.msk [tilespmem:v25+s25+$0x0], $0xffff  }
0x15f: {  	[tilespmem:s17+$0xFFFFFEE0] =	vst v0;
	v1 =	vld.idx.msk [tilespmem:v3+s25+$0x0], $0xffff  }
0x160: {  	v2 =	vor.u32 v52, v8;
	v0 =	vld.idx.msk [tilespmem:v12+s25+$0x0], $0xffff;
	[tilespmem:s17+$0xFFFFFFE0] =	vst v53  }
0x161: {  	[tilespmem:s14+$0xFFFFFF80] =	vst v56;
	v57 =	vld.idx.msk [tilespmem:v4+s25+$0x0], $0xffff  }
0x162: {  	v58 =	vor.u32 v6, v7;
	v60 =	vld.idx.msk [tilespmem:v23+s25+$0x0], $0xffff;
	[tilespmem:s14+$0xFFFFFF00] =	vst v9  }
0x163: {  	v61 =	vld.idx.msk [tilespmem:v13+s25+$0x0], $0xffff;
	[tilespmem:s17+$0xFFFFFE70] =	vst v59  }
0x164: {  	[tilespmem:s17+$0xFFFFFF70] =	vst v1;
	v63 =	vld.idx.msk [tilespmem:v11+s25+$0x0], $0xffff  }
0x165: {  	[tilespmem:s17+$0xFFFFFEF0] =	vst v0;
	v1 =	vld.idx.msk [tilespmem:v2+s25+$0x0], $0xffff  }
0x166: {  	v0 =	vld.idx.msk [tilespmem:v20+s25+$0x0], $0xffff;
	[tilespmem:s17+$0xFFFFFFF0] =	vst v57  }
0x167: {  	[tilespmem:s14+$0x0] =	vst v60;
	v62 =	vld.idx.msk [tilespmem:v58+s25+$0x0], $0xffff  }
0x168: {  	[tilespmem:s14+$0xFFFFFE80] =	vst v61  }
0x169: {  	[tilespmem:s17+$0xFFFFFE80] =	vst v63  }
0x16a: {  	[tilespmem:s17+$0xFFFFFF80] =	vst v1  }
0x16b: {  	p1 =	seq.s32 s15, $0x1D;
	[tilespmem:s17+$0xFFFFFF00] =	vst v0  }
0x16c: {  	s6 =	sadd.s32 @!p1 s11, s9;
	s11 =	simm.s32 @!p1 $0x0;
	s14 =	simm.s32 @!p1 $0x5000;
	[tilespmem:s17+$0x0] =	vst v62  }
0x16d: {  	[tilespmem:s14], [sflag:$0x2] =	stream.linear.gather @!p1 [hbm4b:s6+s11], $0x1000, $0x38;
	[tilespmem:$0x13800] =	vst v63  }
0x16e: {  	s16 =	simm.s32 @!p1 $0x6400;
	s14 =	sadd.s32 @!p1 $0xF4280, s6  }
0x16f: {  	[tilespmem:s16], [sflag:$0x2] =	stream.linear.gather @!p1 [hbm4b:s14+s11], $0x1000, $0x38;
	[tilespmem:$0x13800] =	vst v63  }
0x170: {  	s14 =	sadd.s32 @!p1 $0x1E8500, s6;
	s16 =	simm.s32 @!p1 $0x7800  }
0x171: {  	[tilespmem:s16], [sflag:$0x2] =	stream.linear.gather @!p1 [hbm4b:s14+s11], $0x1000, $0x38;
	[tilespmem:$0x13800] =	vst v63  }
0x172: {  	s15 =	sadd.s32 $0x1, s15;
	s6 =	sadd.s32 @!p1 $0x2DC780, s6;
	s14 =	simm.s32 @!p1 $0x8C00  }
0x173: {  	[tilespmem:s14], [sflag:$0x2] =	stream.linear.gather @!p1 [hbm4b:s6+s11], $0x1000, $0x38;
	[tilespmem:$0x13800] =	vst v63  }
0x174: {  	p1 =	sne.s32 s15, $0x1E  }
.Ltmp4:
0x175: {  	_ = 	snop;
	(pc) =	sbr.rel @p1 .LBB2_2-.Ltmp4, $3  }
0x176: {  	_ =	sdelay $0x1  }
0x177: {  	s21 =	sadd.s32 s7, s10  }
0x178: {  	[hbm4b:s21+s2] =	stream.linear.scatter [tilespmem:s0], [sflag:$0x4], $0x4000, $0x38;
	[tilespmem:$0x13800] =	vst v63  }
0x179: {  	s6 =	simm.s32 $0x8  }
0x17a: {  	s7 =	simm.s32 $0x4;
	_ =	swait.ge [sflag:s30], $0x4000;
	v0 =	vmov s6  }
0x17b: {  	v1 =	vmov s7;
	[sflag:s30] =	ssyncset.done $0x0;
	v2 =	vshll.u32 v0, $0x3  }
0x17c: {  	v3 =	vshll.u32 v1, $0x3;
	[sflag:s30] =	ssyncadd.s32 $0xFFFFC000;
	v2 =	vand.u32 $0xC00, v2  }
0x17d: {  	v0 =	vand.u32 $0x78, v0;
	v3 =	vand.u32 $0xC00, v3;
	_ =	swait.ge [sflag:s26], $0x4000;
	v6 =	vadd.s32 v55, v2  }
0x17e: {  	v1 =	vand.u32 $0x74, v1;
	v9 =	vadd.s32 v55, v3;
	v54 =	vld [tilespmem:$0x1FFD0];
	v4 =	vor.u32 v0, v6  }
0x17f: {  	v5 =	vor.u32 v1, v9;
	_ =	sdelay $0x1  }
0x180: {  	[sflag:s26] =	ssyncset.done $0x0  }
0x181: {  	[sflag:s26] =	ssyncadd.s32 $0xFFFFC000  }
0x182: {  	v2 =	vadd.s32 v54, v2;
	v4 =	vld.idx.msk [tilespmem:v4+s2+$0x0], $0xffff  }
0x183: {  	v11 =	vadd.s32 v54, v3;
	v3 =	vor.u32 v0, v2;
	v5 =	vld.idx.msk [tilespmem:v5+s2+$0x0], $0xffff  }
0x184: {  	v7 =	vor.u32 v1, v11;
	_ =	sdelay $0x1  }
0x185: {  	s7 =	simm.s32 $0xA100  }
0x186: {  	s11 =	simm.s32 $0xC;
	[tilespmem:s7+$0x0] =	vst v4  }
0x187: {  	s14 =	simm.s32 $0x0;
	v8 =	vmov s11;
	v10 =	vor.u32 $0x1, v0;
	v12 =	vor.u32 $0x1, v1;
	[tilespmem:s7+$0xFFFFFF80] =	vst v5;
	v3 =	vld.idx.msk [tilespmem:v3+s2+$0x0], $0xffff  }
0x188: {  	v13 =	vor.u32 v10, v6;
	v4 =	vmov s14;
	v5 =	vshll.u32 v8, $0x3;
	v7 =	vld.idx.msk [tilespmem:v7+s2+$0x0], $0xffff  }
0x189: {  	v17 =	vor.u32 v12, v9;
	v14 =	vshll.u32 v4, $0x3;
	v15 =	vand.u32 $0xC00, v5  }
0x18a: {  	v16 =	vand.u32 $0x7C, v8;
	v8 =	vand.u32 $0xC00, v14;
	v21 =	vadd.s32 v55, v15  }
0x18b: {  	s15 =	simm.s32 $0x18;
	s18 =	simm.s32 $0x1C;
	v37 =	vand.u32 $0x70, v4;
	v5 =	vadd.s32 v55, v8;
	v4 =	vor.u32 v16, v21  }
0x18c: {  	v20 =	vmov s18;
	v14 =	vor.u32 v37, v5;
	[tilespmem:s7+$0x10] =	vst v3;
	v3 =	vmov s15  }
0x18d: {  	v62 =	vand.u32 $0x7C, v20;
	v12 =	vor.u32 v12, v11;
	[tilespmem:s7+$0xFFFFFF90] =	vst v7;
	v13 =	vld.idx.msk [tilespmem:v13+s2+$0x0], $0xffff;
	v7 =	vshll.u32 v3, $0x3  }
0x18e: {  	s16 =	simm.s32 $0x14;
	v10 =	vor.u32 v10, v2;
	v27 =	vadd.s32 v54, v15;
	v15 =	vld.idx.msk [tilespmem:v17+s2+$0x0], $0xffff;
	v17 =	vand.u32 $0xC00, v7  }
0x18f: {  	v23 =	vand.u32 $0x78, v3;
	v7 =	vmov s16;
	v22 =	vadd.s32 v55, v17  }
0x190: {  	v43 =	vadd.s32 v54, v8;
	v3 =	vld.idx.msk [tilespmem:v4+s2+$0x0], $0xffff;
	v4 =	vshll.u32 v7, $0x3;
	v8 =	vor.u32 v23, v22  }
0x191: {  	v30 =	vshll.u32 v20, $0x3;
	v24 =	vor.u32 v16, v27;
	v14 =	vld.idx.msk [tilespmem:v14+s2+$0x0], $0xffff;
	v26 =	vand.u32 $0xC00, v4  }
0x192: {  	v25 =	vor.u32 v37, v43;
	v31 =	vand.u32 $0x74, v7;
	[tilespmem:s7+$0x20] =	vst v13;
	v13 =	vadd.s32 v55, v26  }
0x193: {  	s17 =	simm.s32 $0x10;
	v18 =	vor.u32 $0x2, v0;
	v29 =	vor.u32 $0x2, v1;
	[tilespmem:s7+$0xFFFFFFA0] =	vst v15;
	v10 =	vld.idx.msk [tilespmem:v10+s2+$0x0], $0xffff;
	v15 =	vor.u32 v31, v13  }
0x194: {  	v19 =	vor.u32 v18, v6;
	v20 =	vadd.s32 v54, v17;
	v4 =	vmov s17;
	v12 =	vld.idx.msk [tilespmem:v12+s2+$0x0], $0xffff  }
0x195: {  	v17 =	vand.u32 $0xC00, v30;
	v30 =	vor.u32 v29, v9;
	v28 =	vshll.u32 v4, $0x3;
	[tilespmem:s7+$0x80] =	vst v3;
	v32 =	vld.idx.msk [tilespmem:v8+s2+$0x0], $0xffff  }
0x196: {  	v33 =	vor.u32 v23, v20;
	v3 =	vadd.s32 v55, v17;
	[tilespmem:s7+$0xFFFFFF00] =	vst v14;
	v14 =	vld.idx.msk [tilespmem:v24+s2+$0x0], $0xffff;
	v24 =	vand.u32 $0xC00, v28  }
0x197: {  	v59 =	vand.u32 $0x70, v4;
	v34 =	vor.u32 v62, v3;
	v25 =	vld.idx.msk [tilespmem:v25+s2+$0x0], $0xffff;
	v60 =	vadd.s32 v55, v24  }
0x198: {  	v28 =	vadd.s32 v54, v26;
	[tilespmem:s7+$0x30] =	vst v10;
	v10 =	vor.u32 v59, v60;
	v15 =	vld.idx.msk [tilespmem:v15+s2+$0x0], $0xffff  }
0x199: {  	s11 =	simm.s32 $0xA300;
	v26 =	vor.u32 v31, v28;
	[tilespmem:s7+$0xFFFFFFB0] =	vst v12;
	v12 =	vor.u32 v18, v2;
	v18 =	vor.u32 $0x1, v16;
	v19 =	vld.idx.msk [tilespmem:v19+s2+$0x0], $0xffff  }
0x19a: {  	v38 =	vld.idx.msk [tilespmem:v30+s2+$0x0], $0xffff;
	v30 =	vor.u32 v18, v21;
	[tilespmem:s11+$0x0] =	vst v32  }
0x19b: {  	v39 =	vor.u32 $0x1, v23;
	v33 =	vld.idx.msk [tilespmem:v33+s2+$0x0], $0xffff  }
0x19c: {  	v41 =	vor.u32 v39, v22;
	v34 =	vld.idx.msk [tilespmem:v34+s2+$0x0], $0xffff;
	[tilespmem:s7+$0x90] =	vst v14  }
0x19d: {  	v0 =	vor.u32 $0x3, v0;
	v49 =	vor.u32 v29, v11;
	v4 =	vadd.s32 v54, v17;
	v44 =	vld.idx.msk [tilespmem:v10+s2+$0x0], $0xffff;
	[tilespmem:s11+$0xFFFFFF80] =	vst v15  }
0x19e: {  	v61 =	vadd.s32 v54, v24;
	v24 =	vor.u32 v62, v4;
	[tilespmem:s7+$0xFFFFFF10] =	vst v25;
	v15 =	vor.u32 $0x1, v31;
	v26 =	vld.idx.msk [tilespmem:v26+s2+$0x0], $0xffff  }
0x19f: {  	s21 =	simm.s32 $0x2C;
	v1 =	vor.u32 $0x3, v1;
	v36 =	vor.u32 v0, v6;
	[tilespmem:s7+$0x40] =	vst v19;
	v48 =	vor.u32 v15, v13;
	v50 =	vld.idx.msk [tilespmem:v30+s2+$0x0], $0xffff  }
0x1a0: {  	v47 =	vmov s21;
	v40 =	vor.u32 v1, v9;
	v19 =	vor.u32 v59, v61;
	v12 =	vld.idx.msk [tilespmem:v12+s2+$0x0], $0xffff;
	[tilespmem:s11+$0x10] =	vst v33  }
0x1a1: {  	v6 =	vor.u32 v1, v11;
	v35 =	vor.u32 $0x1, v37;
	v11 =	vor.u32 v18, v27;
	[tilespmem:s7+$0xFFFFFFC0] =	vst v38;
	v14 =	vld.idx.msk [tilespmem:v41+s2+$0x0], $0xffff  }
0x1a2: {  	v42 =	vor.u32 $0x2, v37;
	v7 =	vor.u32 v0, v2;
	v51 =	vor.u32 v39, v20;
	[tilespmem:s11+$0x80] =	vst v34;
	v0 =	vld.idx.msk [tilespmem:v49+s2+$0x0], $0xffff  }
0x1a3: {  	v53 =	vor.u32 $0x2, v16;
	v58 =	vor.u32 v35, v5;
	v45 =	vor.u32 v42, v5;
	v41 =	vld.idx.msk [tilespmem:v24+s2+$0x0], $0xffff;
	[tilespmem:s11+$0xFFFFFF90] =	vst v26  }
0x1a4: {  	v29 =	vor.u32 v35, v43;
	v2 =	vor.u32 v53, v27;
	v18 =	vor.u32 $0x2, v23;
	[tilespmem:s11+$0xFFFFFF00] =	vst v44;
	v1 =	vld.idx.msk [tilespmem:v48+s2+$0x0], $0xffff  }
0x1a5: {  	s14 =	simm.s32 $0x28;
	v23 =	vor.u32 $0x3, v23;
	v52 =	vor.u32 v18, v22;
	v30 =	vor.u32 v42, v43;
	v42 =	vld.idx.msk [tilespmem:v19+s2+$0x0], $0xffff;
	[tilespmem:s7+$0xA0] =	vst v50  }
0x1a6: {  	s19 =	simm.s32 $0x20;
	v25 =	vor.u32 v53, v21;
	v15 =	vor.u32 v15, v28;
	v19 =	vmov s14;
	v11 =	vld.idx.msk [tilespmem:v11+s2+$0x0], $0xffff;
	[tilespmem:s11+$0x20] =	vst v14  }
0x1a7: {  	s20 =	simm.s32 $0x24;
	v38 =	vor.u32 v23, v22;
	v22 =	vmov s19;
	v26 =	vshll.u32 v19, $0x3;
	[tilespmem:s7+$0x50] =	vst v12;
	v33 =	vld.idx.msk [tilespmem:v51+s2+$0x0], $0xffff  }
0x1a8: {  	v44 =	vor.u32 $0x3, v31;
	[tilespmem:s7+$0xFFFFFFD0] =	vst v0;
	v48 =	vand.u32 $0xC00, v26;
	v26 =	vld.idx.msk [tilespmem:v58+s2+$0x0], $0xffff;
	v14 =	vmov s20  }
0x1a9: {  	v39 =	vld.idx.msk [tilespmem:v36+s2+$0x0], $0xffff;
	v49 =	vadd.s32 v55, v48;
	v12 =	vshll.u32 v14, $0x3;
	[tilespmem:s11+$0xFFFFFFA0] =	vst v1;
	v1 =	vand.u32 $0x78, v19  }
0x1aa: {  	v31 =	vor.u32 $0x2, v31;
	v35 =	vld.idx.msk [tilespmem:v40+s2+$0x0], $0xffff;
	v32 =	vand.u32 $0xC00, v12;
	v0 =	vor.u32 v1, v49  }
0x1ab: {  	v58 =	vand.u32 $0x74, v14;
	v14 =	vshll.u32 v47, $0x3;
	v19 =	vadd.s32 v55, v32;
	[tilespmem:s7+$0xB0] =	vst v11;
	v15 =	vld.idx.msk [tilespmem:v15+s2+$0x0], $0xffff  }
0x1ac: {  	v12 =	vshll.u32 v22, $0x3;
	v40 =	vand.u32 $0xC00, v14;
	v57 =	vor.u32 v58, v19;
	[tilespmem:s11+$0x30] =	vst v33;
	v33 =	vld.idx.msk [tilespmem:v25+s2+$0x0], $0xffff  }
0x1ad: {  	v10 =	vmovc v4;
	v11 =	vand.u32 $0x7C, v47;
	v47 =	vor.u32 v31, v13;
	[tilespmem:s7+$0xFFFFFF20] =	vst v26;
	v34 =	vld.idx.msk [tilespmem:v52+s2+$0x0], $0xffff;
	v52 =	vor.u32 $0x2, v59  }
0x1ae: {  	[tilespmem:s11+$0xFFFFFF10] =	vst v42;
	v50 =	vand.u32 $0xC00, v12;
	v14 =	vadd.s32 v55, v40;
	v29 =	vld.idx.msk [tilespmem:v29+s2+$0x0], $0xffff;
	v4 =	vor.u32 v52, v60  }
0x1af: {  	v63 =	vand.u32 $0x70, v22;
	v51 =	vor.u32 v11, v14;
	v25 =	vadd.s32 v55, v50;
	v0 =	vld.idx.msk [tilespmem:v0+s2+$0x0], $0xffff;
	[tilespmem:$0x1FF30] =	vst v4  }
0x1b0: {  	v56 =	vor.u32 v63, v25;
	[tilespmem:s11+$0xFFFFFFB0] =	vst v15  }
0x1b1: {  	v53 =	vor.u32 $0x3, v16;
	v4 =	vor.u32 v23, v20;
	v36 =	vld.idx.msk [tilespmem:v57+s2+$0x0], $0xffff;
	[tilespmem:s7+$0xC0] =	vst v33  }
0x1b2: {  	v46 =	vor.u32 v18, v20;
	v21 =	vor.u32 v53, v21;
	v24 =	vor.u32 $0x1, v59;
	v47 =	vld.idx.msk [tilespmem:v47+s2+$0x0], $0xffff;
	[tilespmem:$0x1FF40] =	vst v4  }
0x1b3: {  	v8 =	vor.u32 v24, v60;
	v48 =	vadd.s32 v54, v48;
	[tilespmem:s11+$0x40] =	vst v34;
	v2 =	vld.idx.msk [tilespmem:v2+s2+$0x0], $0xffff  }
0x1b4: {  	s15 =	simm.s32 $0xA500;
	v22 =	vadd.s32 v54, v32;
	v57 =	vor.u32 v1, v48;
	v51 =	vld.idx.msk [tilespmem:v51+s2+$0x0], $0xffff;
	[tilespmem:s7+$0xFFFFFF30] =	vst v29  }
0x1b5: {  	v32 =	vor.u32 v24, v61;
	v23 =	vor.u32 v58, v22;
	v29 =	vld.idx.msk [tilespmem:v56+s2+$0x0], $0xffff;
	[tilespmem:s15+$0x0] =	vst v0  }
0x1b6: {  	v16 =	vadd.s32 v54, v40;
	v26 =	vor.u32 v44, v13;
	v13 =	vor.u32 v44, v28;
	[tilespmem:s15+$0xFFFFFF80] =	vst v36  }
0x1b7: {  	v40 =	vor.u32 $0x2, v1;
	v33 =	vadd.s32 v54, v50;
	v0 =	vor.u32 v11, v16;
	v42 =	vld.idx.msk [tilespmem:v46+s2+$0x0], $0xffff;
	[tilespmem:s11+$0xFFFFFFC0] =	vst v47  }
0x1b8: {  	v55 =	vor.u32 $0x1, v62;
	v24 =	vor.u32 v52, v61;
	v46 =	vor.u32 v63, v33;
	v52 =	vld.idx.msk [tilespmem:v45+s2+$0x0], $0xffff;
	[tilespmem:s7+$0xD0] =	vst v2  }
0x1b9: {  	v44 =	vor.u32 $0x1, v1;
	v1 =	vor.u32 $0x3, v1;
	v50 =	vld.idx.msk [tilespmem:v57+s2+$0x0], $0xffff;
	v47 =	vor.u32 v55, v3;
	[tilespmem:s15+$0x80] =	vst v51  }
0x1ba: {  	v54 =	vld.idx.msk [tilespmem:v23+s2+$0x0], $0xffff;
	v23 =	vor.u32 v1, v49;
	v1 =	vor.u32 v1, v48;
	[tilespmem:s15+$0xFFFFFF00] =	vst v29  }
0x1bb: {  	v34 =	vor.u32 v55, v10;
	v56 =	vor.u32 $0x1, v58;
	v51 =	vor.u32 v44, v49;
	v57 =	vld.idx.msk [tilespmem:v21+s2+$0x0], $0xffff;
	[tilespmem:$0x1FF50] =	vst v1  }
0x1bc: {  	v36 =	vor.u32 v40, v49;
	v29 =	vor.u32 v40, v48;
	v49 =	vor.u32 v44, v48;
	v40 =	vld.idx.msk [tilespmem:v0+s2+$0x0], $0xffff  }
0x1bd: {  	v48 =	vor.u32 v56, v19;
	v44 =	vor.u32 v56, v22;
	v1 =	vld.idx.msk [tilespmem:v46+s2+$0x0], $0xffff;
	[tilespmem:s11+$0x50] =	vst v42  }
0x1be: {  	v2 =	vor.u32 $0x1, v63;
	v56 =	vor.u32 v31, v28;
	v46 =	vor.u32 v53, v27;
	[tilespmem:s11+$0x90] =	vst v41;
	v27 =	vld.idx.msk [tilespmem:v38+s2+$0x0], $0xffff  }
0x1bf: {  	v45 =	vor.u32 v2, v25;
	v42 =	vor.u32 $0x2, v63;
	v41 =	vor.u32 $0x3, v58;
	[tilespmem:s15+$0x10] =	vst v50;
	v55 =	vld.idx.msk [tilespmem:v47+s2+$0x0], $0xffff  }
0x1c0: {  	v17 =	vmov v3;
	[tilespmem:s7+$0xFFFFFF40] =	vst v52;
	v28 =	vor.u32 v41, v19;
	v31 =	vor.u32 v42, v25;
	v52 =	vld.idx.msk [tilespmem:v51+s2+$0x0], $0xffff  }
0x1c1: {  	v50 =	vor.u32 $0x1, v11;
	v41 =	vor.u32 v41, v22;
	v38 =	vor.u32 v2, v33;
	[tilespmem:s15+$0xFFFFFF90] =	vst v54;
	v51 =	vld.idx.msk [tilespmem:v30+s2+$0x0], $0xffff  }
0x1c2: {  	v30 =	vor.u32 v42, v33;
	v42 =	vor.u32 v50, v14;
	v54 =	vld.idx.msk [tilespmem:v48+s2+$0x0], $0xffff;
	[tilespmem:s7+$0xE0] =	vst v57;
	v57 =	vor.u32 $0x3, v37  }
0x1c3: {  	s16 =	simm.s32 $0x8;
	s17 =	simm.s32 $0x30;
	v18 =	vmovc v62;
	s14 =	simm.s32 $0xA500;
	v48 =	vor.u32 $0x2, v62;
	v37 =	vor.u32 $0x2, v58;
	v53 =	vld.idx.msk [tilespmem:v46+s2+$0x0], $0xffff;
	[tilespmem:s15+$0xFFFFFF10] =	vst v1;
	v47 =	vor.u32 v57, v43  }
.LBB2_8:
0x1c4: {  	_ =	sdelay $0x1  }
0x1c5: {  	[tilespmem:$0x1FEF0] =	vst v59  }
0x1c6: {  	v2 =	vld.idx.msk [tilespmem:v56+s2+$0x0], $0xffff;
	[tilespmem:s7+$0xFFFFFFE0] =	vst v35;
	v4 =	vmov v13  }
0x1c7: {  	[tilespmem:$0x1FF00] =	vst v4  }
0x1c8: {  	[tilespmem:s11+$0xA0] =	vst v55  }
0x1c9: {  	v4 =	vld [tilespmem:$0x1FFF0];
	[tilespmem:s15+$0x20] =	vst v52  }
0x1ca: {  	v56 =	vld.idx.msk [tilespmem:v6+s2+$0x0], $0xffff;
	[tilespmem:s7+$0xFFFFFF50] =	vst v51  }
0x1cb: {  	s6 =	sadd.s32 $0x4, s17;
	v52 =	vld.idx.msk [tilespmem:v34+s2+$0x0], $0xffff;
	[tilespmem:s7+$0xF0] =	vst v53  }
0x1cc: {  	v1 =	vor.u32 v50, v16;
	s21 =	sadd.s32 $0x8, s17;
	v21 =	vmovc v41;
	v46 =	vmov s6;
	v3 =	vmov v60;
	[tilespmem:s15+$0xFFFFFFA0] =	vst v54;
	v41 =	vld.idx.msk [tilespmem:v49+s2+$0x0], $0xffff  }
0x1cd: {  	v50 =	vor.u32 v57, v5;
	v5 =	vmovc v25;
	v25 =	vshll.u32 v46, $0x3;
	v60 =	vmov s21;
	[tilespmem:$0x1FF10] =	vst v3;
	v51 =	vld.idx.msk [tilespmem:v8+s2+$0x0], $0xffff  }
0x1ce: {  	v62 =	vand.u32 $0xC00, v25;
	v25 =	vshll.u32 v60, $0x3;
	v44 =	vld.idx.msk [tilespmem:v44+s2+$0x0], $0xffff;
	[tilespmem:s7+$0x60] =	vst v39  }
0x1cf: {  	v9 =	vmov v17;
	v55 =	vor.u32 v48, v17;
	[tilespmem:$0x1FEE0] =	vst v5;
	v25 =	vand.u32 $0xC00, v25;
	v17 =	vld.idx.msk [tilespmem:v7+s2+$0x0], $0xffff  }
0x1d0: {  	v0 =	vmov s17;
	v34 =	vmovc v1;
	v1 =	vand.u32 $0x78, v60;
	[tilespmem:s11+$0xFFFFFFD0] =	vst v2;
	v7 =	vld [tilespmem:$0x1FF40];
	v3 =	vmovc v33;
	v53 =	vadd.s32 v4, v25  }
0x1d1: {  	v35 =	vshll.u32 v0, $0x3;
	[tilespmem:$0x1FF20] =	vst v3;
	v3 =	vld [tilespmem:$0x1FFD0];
	v2 =	vor.u32 v1, v53  }
0x1d2: {  	s18 =	sadd.s32 $0xC, s17;
	v20 =	vmov v45;
	v33 =	vand.u32 $0xC00, v35;
	v35 =	vld.idx.msk [tilespmem:v26+s2+$0x0], $0xffff;
	[tilespmem:s11+$0xB0] =	vst v52  }
0x1d3: {  	v15 =	vmovc v61;
	v61 =	vor.u32 v37, v19;
	v13 =	vmovc v10;
	v58 =	vmov s18;
	v0 =	vand.u32 $0x70, v0;
	v45 =	vld.idx.msk [tilespmem:v50+s2+$0x0], $0xffff;
	[tilespmem:s7+$0xFFFFFFF0] =	vst v56  }
0x1d4: {  	v46 =	vand.u32 $0x74, v46;
	v54 =	vor.u32 v48, v10;
	v49 =	vadd.s32 v4, v62;
	[tilespmem:s15+$0x30] =	vst v41;
	v41 =	vld.idx.msk [tilespmem:v55+s2+$0x0], $0xffff  }
0x1d5: {  	v59 =	vand.u32 $0x7C, v58;
	v8 =	vmovc v63;
	v10 =	vor.u32 $0x3, v46;
	v19 =	vmovc v49;
	v26 =	vmov v28;
	[tilespmem:s11+$0xFFFFFF20] =	vst v51;
	v63 =	vld.idx.msk [tilespmem:v36+s2+$0x0], $0xffff  }
0x1d6: {  	v28 =	vor.u32 v10, v19;
	[tilespmem:s15+$0xFFFFFFB0] =	vst v44;
	v57 =	vadd.s32 v3, v25;
	v25 =	vshll.u32 v58, $0x3;
	v2 =	vld.idx.msk [tilespmem:v2+s2+$0x0], $0xffff  }
0x1d7: {  	v50 =	vor.u32 v46, v49;
	v51 =	vor.u32 $0x1, v46;
	[tilespmem:s7+$0x70] =	vst v17;
	v17 =	vld [tilespmem:$0x1FF50];
	v60 =	vand.u32 $0xC00, v25  }
0x1d8: {  	v5 =	vor.u32 v51, v19;
	v56 =	vld.idx.msk [tilespmem:v61+s2+$0x0], $0xffff;
	v48 =	vadd.s32 v3, v62;
	v52 =	vadd.s32 v4, v60  }
0x1d9: {  	v43 =	vor.u32 $0x2, v1;
	v25 =	vadd.s32 v4, v33;
	v4 =	vld.idx.msk [tilespmem:v32+s2+$0x0], $0xffff;
	[tilespmem:s7+$0xFFFFFF60] =	vst v45;
	v3 =	vor.u32 v59, v52  }
0x1da: {  	v6 =	vor.u32 $0x3, v1;
	v36 =	vor.u32 v43, v53;
	v49 =	vor.u32 v0, v25;
	[tilespmem:s11+$0xC0] =	vst v41;
	v47 =	vld.idx.msk [tilespmem:v47+s2+$0x0], $0xffff  }
0x1db: {  	v44 =	vor.u32 v51, v48;
	v51 =	vor.u32 v6, v53;
	v6 =	vor.u32 v6, v57;
	[tilespmem:s14+$0x40] =	vst v63;
	v63 =	vld [tilespmem:$0x1FFD0]  }
0x1dc: {  	s15 =	sadd.s32 $0x200, s15;
	v12 =	vor.u32 v43, v57;
	v50 =	vld.idx.msk [tilespmem:v50+s2+$0x0], $0xffff;
	v43 =	vmov v7;
	[tilespmem:$0x1FF50] =	vst v6;
	v7 =	vmov v17  }
0x1dd: {  	v58 =	vor.u32 v1, v57;
	v41 =	vor.u32 v10, v48;
	v10 =	vld.idx.msk [tilespmem:v54+s2+$0x0], $0xffff;
	[tilespmem:s15+$0x0] =	vst v2  }
0x1de: {  	[tilespmem:s11+$0xFFFFFF30] =	vst v4;
	v3 =	vld.idx.msk [tilespmem:v3+s2+$0x0], $0xffff  }
0x1df: {  	v55 =	vor.u32 $0x1, v0;
	v39 =	vor.u32 v46, v48;
	[tilespmem:$0x1FF40] =	vst v7;
	v4 =	vor.u32 $0x3, v18;
	v7 =	vmovc v11;
	v6 =	vld.idx.msk [tilespmem:v49+s2+$0x0], $0xffff  }
0x1e0: {  	v11 =	vmov v59;
	v54 =	vadd.s32 v63, v60;
	v59 =	vor.u32 v4, v9;
	[tilespmem:s7+$0xFFFFFF70] =	vst v47;
	v47 =	vld.idx.msk [tilespmem:v29+s2+$0x0], $0xffff  }
0x1e1: {  	v62 =	vor.u32 $0x2, v0;
	[tilespmem:s15+$0xFFFFFF80] =	vst v50;
	s7 =	smov.u32 s11;
	s11 =	smov.u32 s14;
	v33 =	vadd.s32 v63, v33;
	v9 =	vld [tilespmem:$0x1FF30];
	v2 =	vor.u32 v11, v54  }
0x1e2: {  	v45 =	vor.u32 v55, v25;
	v32 =	vmov v38;
	v38 =	vor.u32 v55, v33;
	v55 =	vld.idx.msk [tilespmem:v58+s2+$0x0], $0xffff;
	[tilespmem:s11+$0xFFFFFFC0] =	vst v56  }
0x1e3: {  	v61 =	vor.u32 v62, v25;
	v29 =	vmov v12;
	v12 =	vor.u32 v62, v33;
	[tilespmem:s7+$0xD0] =	vst v10;
	v62 =	vld [tilespmem:$0x1FF20]  }
0x1e4: {  	v60 =	vld.idx.msk [tilespmem:v39+s2+$0x0], $0xffff;
	[tilespmem:s15+$0x80] =	vst v3  }
0x1e5: {  	v63 =	vld.idx.msk [tilespmem:v59+s2+$0x0], $0xffff  }
0x1e6: {  	[tilespmem:s11+$0x50] =	vst v47;
	v2 =	vld.idx.msk [tilespmem:v2+s2+$0x0], $0xffff  }
0x1e7: {  	v39 =	vmov v27;
	v27 =	vld.idx.msk [tilespmem:v23+s2+$0x0], $0xffff;
	[tilespmem:s11+$0x90] =	vst v40  }
0x1e8: {  	v17 =	vmov v14;
	v14 =	vmov v52;
	v52 =	vor.u32 v0, v33;
	[tilespmem:s15+$0x10] =	vst v55;
	v55 =	vld.idx.msk [tilespmem:v42+s2+$0x0], $0xffff  }
0x1e9: {  	v1 =	vor.u32 $0x1, v1;
	[tilespmem:s15+$0xFFFFFF90] =	vst v60;
	v60 =	vld [tilespmem:$0x1FEE0]  }
0x1ea: {  	v53 =	vor.u32 v1, v53;
	v58 =	vld.idx.msk [tilespmem:v9+s2+$0x0], $0xffff  }
0x1eb: {  	v4 =	vor.u32 v4, v13;
	v9 =	vmov v31;
	v31 =	vmov v61;
	v61 =	vld [tilespmem:$0x1FEF0]  }
0x1ec: {  	s16 =	sadd.s32 $0x4, s16;
	v10 =	vmov v16;
	v16 =	vmov v54;
	[tilespmem:s15+$0xFFFFFF00] =	vst v6;
	v54 =	vld.idx.msk [tilespmem:v5+s2+$0x0], $0xffff  }
0x1ed: {  	p1 =	slt.u32 s16, $0x7C;
	v6 =	vld.idx.msk [tilespmem:v52+s2+$0x0], $0xffff  }
.Ltmp5:
0x1ee: {  	v49 =	vor.u32 v1, v57;
	v13 =	vmov v21;
	v50 =	vor.u32 $0x1, v11;
	v5 =	vld [tilespmem:$0x1FF10];
	(pc) =	sbr.rel @p1 .LBB2_8-.Ltmp5, $4  }
0x1ef: {  	v56 =	vor.u32 v37, v22;
	v22 =	vmovc v48;
	v37 =	vor.u32 $0x2, v46;
	v18 =	vmov v7;
	v52 =	vld.idx.msk [tilespmem:v53+s2+$0x0], $0xffff;
	[tilespmem:s7+$0xE0] =	vst v63  }
0x1f0: {  	v48 =	vor.u32 $0x2, v7;
	v7 =	vmovc v43;
	v3 =	vor.u32 v50, v14;
	v23 =	vmov v51;
	v53 =	vld.idx.msk [tilespmem:v4+s2+$0x0], $0xffff;
	[tilespmem:s7+$0xFFFFFF40] =	vst v58  }
0x1f1: {  	v59 =	vmovc v8;
	v8 =	vmovc v20;
	v42 =	vmov v3;
	[tilespmem:$0x1FF30] =	vst v9;
	v63 =	vmov v0;
	v57 =	vor.u32 $0x3, v61;
	v51 =	vld.idx.msk [tilespmem:v24+s2+$0x0], $0xffff  }
0x1f2: {  	s17 =	sadd.s32 $0x10, s17;
	s14 =	smov.u32 s15;
	v40 =	vmovc v2;
	v61 =	vmovc v62;
	v24 =	vmov v30;
	v30 =	vmov v12;
	[tilespmem:s15+$0xFFFFFF10] =	vst v6;
	v6 =	vld [tilespmem:$0x1FF00];
	v47 =	vor.u32 v57, v15  }
0x1f3: {  	_ = 	snop  }
0x1f4: {  	[tilespmem:s7+$0xFFFFFFE0] =	vst v35  }
0x1f5: {  	[tilespmem:s11+$0xA0] =	vst v55  }
0x1f6: {  	[tilespmem:s15+$0xFFFFFFA0] =	vst v54  }
0x1f7: {  	v0 =	vld.idx.msk [tilespmem:v56+s2+$0x0], $0xffff;
	[tilespmem:s7+$0x60] =	vst v39  }
0x1f8: {  	v54 =	vld.idx.msk [tilespmem:v8+s2+$0x0], $0xffff;
	[tilespmem:s14+$0x90] =	vst v40  }
0x1f9: {  	v39 =	vld.idx.msk [tilespmem:v45+s2+$0x0], $0xffff;
	[tilespmem:s15+$0x20] =	vst v52  }
0x1fa: {  	v2 =	vld.idx.msk [tilespmem:v34+s2+$0x0], $0xffff;
	[tilespmem:s7+$0xF0] =	vst v53  }
0x1fb: {  	v1 =	vor.u32 v57, v5;
	v56 =	vld.idx.msk [tilespmem:v44+s2+$0x0], $0xffff;
	[tilespmem:s7+$0xFFFFFF50] =	vst v51  }
0x1fc: {  	v20 =	vld.idx.msk [tilespmem:v42+s2+$0x0], $0xffff;
	[tilespmem:s11+$0xFFFFFFD0] =	vst v0  }
0x1fd: {  	v4 =	vor.u32 v48, v17;
	v3 =	vld.idx.msk [tilespmem:v49+s2+$0x0], $0xffff;
	[tilespmem:s11+$0xFFFFFF20] =	vst v54  }
0x1fe: {  	v34 =	vld.idx.msk [tilespmem:v7+s2+$0x0], $0xffff;
	[tilespmem:s14+$0xFFFFFF20] =	vst v39  }
0x1ff: {  	v57 =	vld.idx.msk [tilespmem:v6+s2+$0x0], $0xffff;
	[tilespmem:s11+$0xB0] =	vst v2  }
0x200: {  	v55 =	vld.idx.msk [tilespmem:v1+s2+$0x0], $0xffff;
	[tilespmem:s15+$0xFFFFFFB0] =	vst v56  }
0x201: {  	v12 =	vld.idx.msk [tilespmem:v32+s2+$0x0], $0xffff;
	[tilespmem:s14+$0xA0] =	vst v20  }
0x202: {  	[tilespmem:s15+$0x30] =	vst v3;
	v58 =	vld.idx.msk [tilespmem:v4+s2+$0x0], $0xffff  }
0x203: {  	[tilespmem:s7+$0x70] =	vst v34;
	v35 =	vld.idx.msk [tilespmem:v36+s2+$0x0], $0xffff  }
0x204: {  	[tilespmem:s7+$0xFFFFFFF0] =	vst v57  }
0x205: {  	[tilespmem:s7+$0xFFFFFF60] =	vst v55  }
0x206: {  	[tilespmem:s11+$0xFFFFFF30] =	vst v12  }
0x207: {  	v21 =	vor.u32 v50, v16;
	[tilespmem:s11+$0xC0] =	vst v58  }
0x208: {  	[tilespmem:s14+$0x40] =	vst v35  }
0x209: {  	v62 =	vor.u32 v48, v10;
	v9 =	vmov v10;
	v10 =	vld [tilespmem:$0x1FF30];
	_ =	sdelay $0x2  }
0x20a: {  	v6 =	vld.idx.msk [tilespmem:v21+s2+$0x0], $0xffff  }
0x20b: {  	v43 =	vor.u32 $0x2, v11;
	v2 =	vld.idx.msk [tilespmem:v38+s2+$0x0], $0xffff  }
0x20c: {  	v45 =	vor.u32 v43, v14;
	v48 =	vld.idx.msk [tilespmem:v26+s2+$0x0], $0xffff  }
0x20d: {  	v36 =	vor.u32 v37, v19  }
0x20e: {  	v40 =	vor.u32 $0x3, v18;
	v3 =	vld.idx.msk [tilespmem:v62+s2+$0x0], $0xffff  }
0x20f: {  	v42 =	vor.u32 v40, v17;
	[tilespmem:s14+$0xB0] =	vst v6;
	v10 =	vld.idx.msk [tilespmem:v10+s2+$0x0], $0xffff  }
0x210: {  	v44 =	vld.idx.msk [tilespmem:v47+s2+$0x0], $0xffff;
	[tilespmem:s14+$0xFFFFFF30] =	vst v2  }
0x211: {  	[tilespmem:s11+$0xFFFFFFE0] =	vst v48;
	v0 =	vld.idx.msk [tilespmem:v45+s2+$0x0], $0xffff  }
0x212: {  	v47 =	vor.u32 v43, v16;
	v1 =	vld.idx.msk [tilespmem:v36+s2+$0x0], $0xffff;
	[tilespmem:s11+$0x60] =	vst v27  }
0x213: {  	v49 =	vor.u32 v37, v22;
	v2 =	vld.idx.msk [tilespmem:v31+s2+$0x0], $0xffff;
	[tilespmem:s11+$0xD0] =	vst v3  }
0x214: {  	v3 =	vld.idx.msk [tilespmem:v42+s2+$0x0], $0xffff;
	[tilespmem:s11+$0xFFFFFF40] =	vst v10  }
0x215: {  	v51 =	vor.u32 $0x3, v59;
	v4 =	vor.u32 v40, v9;
	[tilespmem:s7+$0xFFFFFF70] =	vst v44;
	v50 =	vld.idx.msk [tilespmem:v24+s2+$0x0], $0xffff  }
0x216: {  	v52 =	vor.u32 v51, v60;
	v46 =	vld.idx.msk [tilespmem:v29+s2+$0x0], $0xffff;
	[tilespmem:s14+$0xC0] =	vst v0  }
0x217: {  	v53 =	vor.u32 $0x3, v11;
	[tilespmem:s14+$0xFFFFFFC0] =	vst v1;
	v0 =	vld.idx.msk [tilespmem:v47+s2+$0x0], $0xffff  }
0x218: {  	v55 =	vor.u32 v53, v14;
	v54 =	vld.idx.msk [tilespmem:v49+s2+$0x0], $0xffff;
	[tilespmem:s14+$0xFFFFFF40] =	vst v2  }
0x219: {  	v2 =	vld.idx.msk [tilespmem:v30+s2+$0x0], $0xffff;
	[tilespmem:s11+$0xE0] =	vst v3  }
0x21a: {  	v4 =	vld.idx.msk [tilespmem:v4+s2+$0x0], $0xffff;
	[tilespmem:s11+$0xFFFFFF50] =	vst v50  }
0x21b: {  	[tilespmem:s14+$0x50] =	vst v46;
	v57 =	vld.idx.msk [tilespmem:v52+s2+$0x0], $0xffff  }
0x21c: {  	v59 =	vld.idx.msk [tilespmem:v13+s2+$0x0], $0xffff;
	[tilespmem:s14+$0xD0] =	vst v0  }
0x21d: {  	v60 =	vor.u32 v51, v61;
	[tilespmem:s14+$0xFFFFFFD0] =	vst v54;
	v61 =	vld.idx.msk [tilespmem:v55+s2+$0x0], $0xffff  }
0x21e: {  	v56 =	vor.u32 $0x3, v63;
	v5 =	vld.idx.msk [tilespmem:v28+s2+$0x0], $0xffff;
	[tilespmem:s14+$0xFFFFFF50] =	vst v2  }
0x21f: {  	v58 =	vor.u32 v56, v25;
	v62 =	vld.idx.msk [tilespmem:v23+s2+$0x0], $0xffff;
	[tilespmem:s11+$0xF0] =	vst v4  }
0x220: {  	[tilespmem:s11+$0xFFFFFF60] =	vst v57  }
0x221: {  	v4 =	vld [tilespmem:$0x1FF40];
	[tilespmem:s11+$0xFFFFFFF0] =	vst v59  }
0x222: {  	[tilespmem:s14+$0xE0] =	vst v61  }
0x223: {  	[tilespmem:s14+$0xFFFFFFE0] =	vst v5  }
0x224: {  	v1 =	vor.u32 v53, v16;
	v2 =	vld.idx.msk [tilespmem:v58+s2+$0x0], $0xffff;
	[tilespmem:s14+$0x60] =	vst v62  }
0x225: {  	v5 =	vld [tilespmem:$0x1FF50]  }
0x226: {  	v7 =	vor.u32 v56, v33;
	_ =	sdelay $0x1  }
0x227: {  	v0 =	vld.idx.msk [tilespmem:v60+s2+$0x0], $0xffff  }
0x228: {  	v1 =	vld.idx.msk [tilespmem:v1+s2+$0x0], $0xffff  }
0x229: {  	v63 =	vld.idx.msk [tilespmem:v41+s2+$0x0], $0xffff;
	[tilespmem:s14+$0xFFFFFF60] =	vst v2  }
0x22a: {  	v2 =	vld.idx.msk [tilespmem:v7+s2+$0x0], $0xffff  }
0x22b: {  	v4 =	vld.idx.msk [tilespmem:v4+s2+$0x0], $0xffff  }
0x22c: {  	[tilespmem:s11+$0xFFFFFF70] =	vst v0;
	v5 =	vld.idx.msk [tilespmem:v5+s2+$0x0], $0xffff  }
0x22d: {  	[tilespmem:s14+$0xF0] =	vst v1  }
0x22e: {  	[tilespmem:s14+$0xFFFFFFF0] =	vst v63  }
0x22f: {  	[tilespmem:s14+$0xFFFFFF70] =	vst v2  }
0x230: {  	[tilespmem:s11+$0x70] =	vst v4  }
0x231: {  	[tilespmem:s14+$0x70] =	vst v5  }
0x232: {  	s6 =	rddreg [dreg:$0x6]  }
0x233: {  	[hbm4b:s6+s2] =	stream.linear.scatter [tilespmem:s31], [sflag:$0x3], $0x4000, $0x38;
	[tilespmem:$0x13800] =	vst v63  }
0x234: {  	_ =	swait.ge [sflag:s26], $0x4000  }
.Ltmp6:
0x235: {  	[sflag:s26] =	ssyncset.done $0x0;
	(pc) =	sbr.rel @p0 .LBB2_15-.Ltmp6, $4  }
0x236: {  	[sflag:s26] =	ssyncadd.s32 $0xFFFFC000  }
0x237: {  	_ =	swait.ge [sflag:s28], $0x4000  }
0x238: {  	[sflag:s28] =	ssyncset.done $0x0  }
0x239: {  	v55 =	vld [tilespmem:$0x1FFF0];
	[sflag:s28] =	ssyncadd.s32 $0xFFFFC000  }
0x23a: {  	s6 =	simm.s32 $0x0  }
0x23b: {  	[tilespmem:s6], [sflag:$0x5] =	stream.linear.gather [hbm4b:s13+s6], $0x1000, $0x38;
	[tilespmem:$0x13800] =	vst v63  }
0x23c: {  	s11 =	sadd.s32 $0xF4280, s13  }
0x23d: {  	[tilespmem:s22], [sflag:$0x5] =	stream.linear.gather [hbm4b:s11+s6], $0x1000, $0x38;
	[tilespmem:$0x13800] =	vst v63  }
0x23e: {  	s7 =	simm.s32 $0x8;
	s14 =	simm.s32 $0x4;
	s19 =	sadd.s32 $0x1E8500, s13  }
0x23f: {  	v0 =	vmov s7;
	[tilespmem:s23], [sflag:$0x5] =	stream.linear.gather [hbm4b:s19+s6], $0x1000, $0x38;
	[tilespmem:$0x13800] =	vst v63  }
0x240: {  	s20 =	sadd.s32 $0x2DC780, s13;
	v1 =	vmov s14;
	v2 =	vshll.u32 v0, $0x3  }
0x241: {  	v3 =	vshll.u32 v1, $0x3;
	v2 =	vand.u32 $0xC00, v2;
	[tilespmem:s24], [sflag:$0x5] =	stream.linear.gather [hbm4b:s20+s6], $0x1000, $0x38;
	[tilespmem:$0x13800] =	vst v63  }
0x242: {  	v0 =	vand.u32 $0x78, v0;
	v3 =	vand.u32 $0xC00, v3;
	v6 =	vadd.s32 v55, v2;
	_ =	swait.ge [sflag:s29], $0x4000  }
0x243: {  	v1 =	vand.u32 $0x74, v1;
	v9 =	vadd.s32 v55, v3;
	v4 =	vor.u32 v0, v6;
	v43 =	vld [tilespmem:$0x1FFD0]  }
0x244: {  	v5 =	vor.u32 v1, v9;
	_ =	sdelay $0x1  }
0x245: {  	[sflag:s29] =	ssyncset.done $0x0  }
0x246: {  	[sflag:s29] =	ssyncadd.s32 $0xFFFFC000  }
0x247: {  	v4 =	vld.idx.msk [tilespmem:v4+s2+$0x0], $0xffff;
	v2 =	vadd.s32 v43, v2  }
0x248: {  	v5 =	vld.idx.msk [tilespmem:v5+s2+$0x0], $0xffff;
	v11 =	vadd.s32 v43, v3;
	v3 =	vor.u32 v0, v2  }
0x249: {  	v7 =	vor.u32 v1, v11;
	_ =	sdelay $0x1  }
0x24a: {  	s7 =	simm.s32 $0xA100  }
0x24b: {  	s21 =	simm.s32 $0xC;
	[tilespmem:s7+$0x0] =	vst v4  }
0x24c: {  	v8 =	vmov s21;
	v10 =	vor.u32 $0x1, v0;
	v12 =	vor.u32 $0x1, v1;
	[tilespmem:s7+$0xFFFFFF80] =	vst v5;
	v3 =	vld.idx.msk [tilespmem:v3+s2+$0x0], $0xffff  }
0x24d: {  	v13 =	vor.u32 v10, v6;
	v4 =	vmov s6;
	v5 =	vshll.u32 v8, $0x3;
	v7 =	vld.idx.msk [tilespmem:v7+s2+$0x0], $0xffff  }
0x24e: {  	v17 =	vor.u32 v12, v9;
	v14 =	vshll.u32 v4, $0x3;
	v15 =	vand.u32 $0xC00, v5  }
0x24f: {  	v16 =	vand.u32 $0x7C, v8;
	v8 =	vand.u32 $0xC00, v14;
	v21 =	vadd.s32 v55, v15  }
0x250: {  	s17 =	simm.s32 $0x1C;
	s14 =	simm.s32 $0x18;
	v37 =	vand.u32 $0x70, v4;
	v61 =	vadd.s32 v55, v8;
	v4 =	vor.u32 v16, v21  }
0x251: {  	v20 =	vmov s17;
	v14 =	vor.u32 v37, v61;
	[tilespmem:s7+$0x10] =	vst v3;
	v3 =	vmov s14  }
0x252: {  	v30 =	vshll.u32 v20, $0x3;
	v12 =	vor.u32 v12, v11;
	[tilespmem:s7+$0xFFFFFF90] =	vst v7;
	v13 =	vld.idx.msk [tilespmem:v13+s2+$0x0], $0xffff;
	v7 =	vshll.u32 v3, $0x3  }
0x253: {  	s15 =	simm.s32 $0x14;
	v10 =	vor.u32 v10, v2;
	v27 =	vadd.s32 v43, v15;
	v15 =	vld.idx.msk [tilespmem:v17+s2+$0x0], $0xffff;
	v17 =	vand.u32 $0xC00, v7  }
0x254: {  	v23 =	vand.u32 $0x78, v3;
	v7 =	vmov s15;
	v22 =	vadd.s32 v55, v17  }
0x255: {  	v5 =	vadd.s32 v43, v8;
	v3 =	vld.idx.msk [tilespmem:v4+s2+$0x0], $0xffff;
	v4 =	vshll.u32 v7, $0x3;
	v8 =	vor.u32 v23, v22  }
0x256: {  	v18 =	vor.u32 $0x2, v0;
	v24 =	vor.u32 v16, v27;
	v14 =	vld.idx.msk [tilespmem:v14+s2+$0x0], $0xffff;
	v26 =	vand.u32 $0xC00, v4  }
0x257: {  	v25 =	vor.u32 v37, v5;
	v31 =	vand.u32 $0x74, v7;
	[tilespmem:s7+$0x20] =	vst v13;
	v13 =	vadd.s32 v55, v26  }
0x258: {  	s16 =	simm.s32 $0x10;
	v29 =	vor.u32 $0x2, v1;
	v19 =	vor.u32 v18, v6;
	[tilespmem:s7+$0xFFFFFFA0] =	vst v15;
	v10 =	vld.idx.msk [tilespmem:v10+s2+$0x0], $0xffff;
	v15 =	vor.u32 v31, v13  }
0x259: {  	v7 =	vand.u32 $0x7C, v20;
	v20 =	vadd.s32 v43, v17;
	v4 =	vmov s16;
	v12 =	vld.idx.msk [tilespmem:v12+s2+$0x0], $0xffff  }
0x25a: {  	v17 =	vand.u32 $0xC00, v30;
	v30 =	vor.u32 v29, v9;
	v28 =	vshll.u32 v4, $0x3;
	[tilespmem:s7+$0x80] =	vst v3;
	v32 =	vld.idx.msk [tilespmem:v8+s2+$0x0], $0xffff  }
0x25b: {  	v33 =	vor.u32 v23, v20;
	[tilespmem:s7+$0xFFFFFF00] =	vst v14;
	v3 =	vadd.s32 v55, v17;
	v14 =	vld.idx.msk [tilespmem:v24+s2+$0x0], $0xffff;
	v24 =	vand.u32 $0xC00, v28  }
0x25c: {  	v59 =	vand.u32 $0x70, v4;
	v25 =	vld.idx.msk [tilespmem:v25+s2+$0x0], $0xffff;
	v34 =	vor.u32 v7, v3;
	v60 =	vadd.s32 v55, v24  }
0x25d: {  	v28 =	vadd.s32 v43, v26;
	[tilespmem:s7+$0x30] =	vst v10;
	v10 =	vor.u32 v59, v60;
	v15 =	vld.idx.msk [tilespmem:v15+s2+$0x0], $0xffff  }
0x25e: {  	s11 =	simm.s32 $0xA300;
	v26 =	vor.u32 v31, v28;
	[tilespmem:s7+$0xFFFFFFB0] =	vst v12;
	v19 =	vld.idx.msk [tilespmem:v19+s2+$0x0], $0xffff  }
0x25f: {  	v12 =	vor.u32 v18, v2;
	v18 =	vor.u32 $0x1, v16;
	v38 =	vld.idx.msk [tilespmem:v30+s2+$0x0], $0xffff;
	[tilespmem:s11+$0x0] =	vst v32  }
0x260: {  	v0 =	vor.u32 $0x3, v0;
	v30 =	vor.u32 v18, v21;
	v33 =	vld.idx.msk [tilespmem:v33+s2+$0x0], $0xffff  }
0x261: {  	v36 =	vor.u32 v0, v6;
	v0 =	vor.u32 v0, v2;
	v39 =	vor.u32 $0x1, v23;
	v34 =	vld.idx.msk [tilespmem:v34+s2+$0x0], $0xffff;
	[tilespmem:s7+$0x90] =	vst v14  }
0x262: {  	v41 =	vor.u32 v39, v22;
	v4 =	vadd.s32 v43, v17;
	v44 =	vld.idx.msk [tilespmem:v10+s2+$0x0], $0xffff;
	[tilespmem:s11+$0xFFFFFF80] =	vst v15  }
0x263: {  	v62 =	vadd.s32 v43, v24;
	v24 =	vor.u32 v7, v4;
	[tilespmem:s7+$0x40] =	vst v19;
	v26 =	vld.idx.msk [tilespmem:v26+s2+$0x0], $0xffff  }
0x264: {  	v50 =	vor.u32 v29, v11;
	v15 =	vor.u32 $0x1, v31;
	v12 =	vld.idx.msk [tilespmem:v12+s2+$0x0], $0xffff;
	[tilespmem:$0x1FEB0] =	vst v0  }
0x265: {  	v1 =	vor.u32 $0x3, v1;
	v49 =	vor.u32 v15, v13;
	[tilespmem:s11+$0x10] =	vst v33;
	v51 =	vld.idx.msk [tilespmem:v30+s2+$0x0], $0xffff  }
0x266: {  	s21 =	simm.s32 $0x2C;
	v8 =	vor.u32 v1, v11;
	v11 =	vor.u32 v18, v27;
	[tilespmem:s11+$0x80] =	vst v34  }
0x267: {  	v47 =	vmov s21;
	v54 =	vor.u32 $0x2, v16;
	v19 =	vor.u32 v59, v62;
	[tilespmem:s7+$0xFFFFFFC0] =	vst v38;
	v14 =	vld.idx.msk [tilespmem:v41+s2+$0x0], $0xffff  }
0x268: {  	v40 =	vor.u32 v1, v9;
	v35 =	vor.u32 $0x1, v37;
	v52 =	vor.u32 v39, v20;
	[tilespmem:s7+$0xFFFFFF10] =	vst v25;
	v41 =	vld.idx.msk [tilespmem:v24+s2+$0x0], $0xffff  }
0x269: {  	v58 =	vor.u32 v35, v61;
	v29 =	vor.u32 v35, v5;
	v18 =	vor.u32 $0x2, v23;
	v0 =	vld.idx.msk [tilespmem:v50+s2+$0x0], $0xffff;
	[tilespmem:s11+$0xFFFFFF90] =	vst v26  }
0x26a: {  	v2 =	vor.u32 v54, v27;
	v23 =	vor.u32 $0x3, v23;
	v53 =	vor.u32 v18, v22;
	v1 =	vld.idx.msk [tilespmem:v49+s2+$0x0], $0xffff;
	[tilespmem:s7+$0xA0] =	vst v51  }
0x26b: {  	s18 =	simm.s32 $0x20;
	s19 =	simm.s32 $0x28;
	v42 =	vor.u32 $0x2, v37;
	v15 =	vor.u32 v15, v28;
	v38 =	vor.u32 v23, v22;
	[tilespmem:s11+$0xFFFFFF00] =	vst v44;
	v11 =	vld.idx.msk [tilespmem:v11+s2+$0x0], $0xffff  }
0x26c: {  	s20 =	simm.s32 $0x24;
	v22 =	vmov s18;
	v25 =	vor.u32 v54, v21;
	v63 =	vld.idx.msk [tilespmem:v19+s2+$0x0], $0xffff;
	v19 =	vmov s19;
	[tilespmem:s11+$0x20] =	vst v14  }
0x26d: {  	v44 =	vor.u32 $0x3, v31;
	v26 =	vshll.u32 v19, $0x3;
	[tilespmem:s7+$0x50] =	vst v12;
	v14 =	vmov s20;
	v33 =	vld.idx.msk [tilespmem:v52+s2+$0x0], $0xffff  }
0x26e: {  	v31 =	vor.u32 $0x2, v31;
	v48 =	vand.u32 $0xC00, v26;
	v26 =	vld.idx.msk [tilespmem:v58+s2+$0x0], $0xffff;
	[tilespmem:s7+$0xFFFFFFD0] =	vst v0;
	v12 =	vshll.u32 v14, $0x3  }
0x26f: {  	v39 =	vld.idx.msk [tilespmem:v36+s2+$0x0], $0xffff;
	v49 =	vadd.s32 v55, v48;
	v32 =	vand.u32 $0xC00, v12;
	[tilespmem:s11+$0xFFFFFFA0] =	vst v1;
	v1 =	vand.u32 $0x78, v19  }
0x270: {  	v58 =	vand.u32 $0x74, v14;
	v19 =	vadd.s32 v55, v32;
	v15 =	vld.idx.msk [tilespmem:v15+s2+$0x0], $0xffff;
	v0 =	vor.u32 v1, v49;
	[tilespmem:s7+$0xB0] =	vst v11  }
0x271: {  	v14 =	vshll.u32 v47, $0x3;
	v12 =	vshll.u32 v22, $0x3;
	v56 =	vor.u32 v58, v19;
	v57 =	vld.idx.msk [tilespmem:v25+s2+$0x0], $0xffff  }
0x272: {  	v35 =	vld.idx.msk [tilespmem:v40+s2+$0x0], $0xffff;
	v40 =	vand.u32 $0xC00, v14;
	v11 =	vand.u32 $0x7C, v47;
	v47 =	vor.u32 v31, v13;
	[tilespmem:s11+$0x30] =	vst v33  }
0x273: {  	v46 =	vor.u32 v18, v20;
	v50 =	vand.u32 $0xC00, v12;
	v14 =	vadd.s32 v55, v40;
	[tilespmem:s7+$0xFFFFFF20] =	vst v26;
	v34 =	vld.idx.msk [tilespmem:v53+s2+$0x0], $0xffff  }
0x274: {  	v18 =	vand.u32 $0x70, v22;
	[tilespmem:s11+$0xFFFFFF10] =	vst v63;
	v29 =	vld.idx.msk [tilespmem:v29+s2+$0x0], $0xffff;
	v25 =	vadd.s32 v55, v50;
	v51 =	vor.u32 v11, v14  }
0x275: {  	v45 =	vor.u32 v42, v61;
	v10 =	vmov v4;
	v63 =	vor.u32 v18, v25;
	v0 =	vld.idx.msk [tilespmem:v0+s2+$0x0], $0xffff;
	[tilespmem:s11+$0xFFFFFFB0] =	vst v15  }
0x276: {  	v4 =	vor.u32 v23, v20;
	v30 =	vor.u32 v42, v5;
	v24 =	vor.u32 $0x1, v59;
	v36 =	vld.idx.msk [tilespmem:v56+s2+$0x0], $0xffff;
	[tilespmem:s7+$0xC0] =	vst v57  }
0x277: {  	v6 =	vor.u32 v24, v60;
	v48 =	vadd.s32 v43, v48;
	v52 =	vor.u32 $0x2, v59;
	v47 =	vld.idx.msk [tilespmem:v47+s2+$0x0], $0xffff;
	[tilespmem:$0x1FEC0] =	vst v4  }
0x278: {  	v22 =	vor.u32 v52, v60;
	v26 =	vor.u32 v44, v13;
	[tilespmem:s11+$0x40] =	vst v34;
	v2 =	vld.idx.msk [tilespmem:v2+s2+$0x0], $0xffff  }
0x279: {  	s15 =	simm.s32 $0xA500;
	v56 =	vor.u32 v1, v48;
	v15 =	vadd.s32 v43, v32;
	v51 =	vld.idx.msk [tilespmem:v51+s2+$0x0], $0xffff;
	[tilespmem:s7+$0xFFFFFF30] =	vst v29  }
0x27a: {  	v13 =	vor.u32 v44, v28;
	v53 =	vor.u32 $0x3, v16;
	v23 =	vor.u32 v58, v15;
	v29 =	vld.idx.msk [tilespmem:v63+s2+$0x0], $0xffff;
	[tilespmem:s15+$0x0] =	vst v0  }
0x27b: {  	v33 =	vadd.s32 v43, v50;
	v16 =	vadd.s32 v43, v40;
	v21 =	vor.u32 v53, v21;
	[tilespmem:s15+$0xFFFFFF80] =	vst v36  }
0x27c: {  	v40 =	vor.u32 $0x2, v1;
	v32 =	vor.u32 v24, v62;
	v0 =	vor.u32 v11, v16;
	v42 =	vld.idx.msk [tilespmem:v46+s2+$0x0], $0xffff;
	[tilespmem:s11+$0xFFFFFFC0] =	vst v47  }
0x27d: {  	v24 =	vor.u32 v52, v62;
	v57 =	vor.u32 $0x1, v7;
	v46 =	vor.u32 v18, v33;
	v52 =	vld.idx.msk [tilespmem:v45+s2+$0x0], $0xffff;
	[tilespmem:s7+$0xD0] =	vst v2  }
0x27e: {  	v63 =	vor.u32 $0x1, v1;
	v1 =	vor.u32 $0x3, v1;
	v50 =	vld.idx.msk [tilespmem:v56+s2+$0x0], $0xffff;
	v47 =	vor.u32 v57, v3;
	[tilespmem:s15+$0x80] =	vst v51  }
0x27f: {  	v54 =	vld.idx.msk [tilespmem:v23+s2+$0x0], $0xffff;
	v23 =	vor.u32 v1, v49;
	v1 =	vor.u32 v1, v48;
	[tilespmem:s15+$0xFFFFFF00] =	vst v29  }
0x280: {  	v9 =	vmov v5;
	v34 =	vor.u32 v57, v10;
	v51 =	vor.u32 v63, v49;
	v57 =	vld.idx.msk [tilespmem:v21+s2+$0x0], $0xffff;
	[tilespmem:$0x1FED0] =	vst v1  }
0x281: {  	v17 =	vmovc v3;
	v36 =	vor.u32 v40, v49;
	v56 =	vor.u32 $0x1, v58;
	v29 =	vor.u32 v40, v48;
	v40 =	vld.idx.msk [tilespmem:v0+s2+$0x0], $0xffff  }
0x282: {  	v43 =	vmov v55;
	v49 =	vor.u32 v63, v48;
	v48 =	vor.u32 v56, v19;
	v1 =	vld.idx.msk [tilespmem:v46+s2+$0x0], $0xffff;
	[tilespmem:s11+$0x50] =	vst v42  }
0x283: {  	v44 =	vor.u32 v56, v15;
	v2 =	vor.u32 $0x1, v18;
	v46 =	vor.u32 v53, v27;
	[tilespmem:s11+$0x90] =	vst v41;
	v27 =	vld.idx.msk [tilespmem:v38+s2+$0x0], $0xffff  }
0x284: {  	v63 =	vor.u32 $0x3, v58;
	v56 =	vor.u32 v31, v28;
	v45 =	vor.u32 v2, v25;
	[tilespmem:s15+$0x10] =	vst v50;
	v55 =	vld.idx.msk [tilespmem:v47+s2+$0x0], $0xffff  }
0x285: {  	v28 =	vor.u32 v63, v19;
	v42 =	vor.u32 $0x2, v18;
	[tilespmem:s7+$0xFFFFFF40] =	vst v52;
	v41 =	vor.u32 v63, v15;
	v52 =	vld.idx.msk [tilespmem:v51+s2+$0x0], $0xffff  }
0x286: {  	v50 =	vor.u32 $0x1, v11;
	[tilespmem:s15+$0xFFFFFF90] =	vst v54;
	v31 =	vor.u32 v42, v25;
	v38 =	vor.u32 v2, v33;
	v51 =	vld.idx.msk [tilespmem:v30+s2+$0x0], $0xffff  }
0x287: {  	v30 =	vor.u32 v42, v33;
	v42 =	vor.u32 v50, v14;
	v54 =	vld.idx.msk [tilespmem:v48+s2+$0x0], $0xffff;
	[tilespmem:s7+$0xE0] =	vst v57;
	v57 =	vor.u32 $0x3, v37  }
0x288: {  	s17 =	simm.s32 $0x30;
	s14 =	simm.s32 $0xA500;
	s16 =	simm.s32 $0x8;
	v5 =	vmovc v7;
	v48 =	vor.u32 $0x2, v7;
	v37 =	vor.u32 $0x2, v58;
	v53 =	vld.idx.msk [tilespmem:v46+s2+$0x0], $0xffff;
	[tilespmem:s15+$0xFFFFFF10] =	vst v1;
	v47 =	vor.u32 v57, v9  }
.LBB2_11:
0x289: {  	[tilespmem:$0x1FE70] =	vst v59  }
0x28a: {  	[tilespmem:$0x1FE50] =	vst v15  }
0x28b: {  	v2 =	vld.idx.msk [tilespmem:v56+s2+$0x0], $0xffff;
	[tilespmem:s7+$0xFFFFFFE0] =	vst v35;
	v3 =	vmov v33  }
0x28c: {  	s6 =	sadd.s32 $0x4, s17;
	[tilespmem:$0x1FEA0] =	vst v3;
	v3 =	vld [tilespmem:$0x1FFD0]  }
0x28d: {  	s21 =	sadd.s32 $0x8, s17;
	[tilespmem:s11+$0xA0] =	vst v55;
	v1 =	vmov v41;
	v46 =	vmov s6  }
0x28e: {  	v4 =	vor.u32 v50, v16;
	[tilespmem:$0x1FE90] =	vst v1;
	v15 =	vmovc v60;
	v56 =	vld.idx.msk [tilespmem:v8+s2+$0x0], $0xffff;
	v8 =	vmovc v25;
	v25 =	vshll.u32 v46, $0x3;
	v60 =	vmov s21  }
0x28f: {  	v50 =	vor.u32 v57, v61;
	[tilespmem:s15+$0x20] =	vst v52;
	v61 =	vand.u32 $0xC00, v25;
	v25 =	vshll.u32 v60, $0x3  }
0x290: {  	v55 =	vor.u32 v48, v17;
	v52 =	vld.idx.msk [tilespmem:v34+s2+$0x0], $0xffff;
	[tilespmem:s7+$0xFFFFFF50] =	vst v51;
	v25 =	vand.u32 $0xC00, v25  }
0x291: {  	[tilespmem:s15+$0xFFFFFFA0] =	vst v54;
	v54 =	vor.u32 v48, v10;
	v48 =	vadd.s32 v3, v61;
	v57 =	vadd.s32 v3, v25;
	v3 =	vld [tilespmem:$0x1FEB0]  }
0x292: {  	[tilespmem:s7+$0xF0] =	vst v53;
	v51 =	vld.idx.msk [tilespmem:v6+s2+$0x0], $0xffff  }
0x293: {  	v7 =	vmov v13;
	[tilespmem:$0x1FE60] =	vst v8;
	v41 =	vld.idx.msk [tilespmem:v49+s2+$0x0], $0xffff  }
0x294: {  	v20 =	vmov v45;
	[tilespmem:$0x1FE80] =	vst v7;
	v45 =	vld.idx.msk [tilespmem:v50+s2+$0x0], $0xffff  }
0x295: {  	v44 =	vld.idx.msk [tilespmem:v44+s2+$0x0], $0xffff;
	[tilespmem:s11+$0xFFFFFFD0] =	vst v2  }
0x296: {  	[tilespmem:s7+$0x60] =	vst v39;
	v7 =	vld [tilespmem:$0x1FEC0]  }
0x297: {  	v34 =	vmov v4;
	v46 =	vand.u32 $0x74, v46;
	v49 =	vadd.s32 v43, v61;
	v35 =	vld.idx.msk [tilespmem:v26+s2+$0x0], $0xffff;
	[tilespmem:s11+$0xFFFFFF20] =	vst v51  }
0x298: {  	v1 =	vand.u32 $0x78, v60;
	v53 =	vadd.s32 v43, v25;
	v50 =	vor.u32 v46, v49;
	[tilespmem:s11+$0xB0] =	vst v52;
	v4 =	vld.idx.msk [tilespmem:v32+s2+$0x0], $0xffff  }
0x299: {  	s18 =	sadd.s32 $0xC, s17;
	v9 =	vmov v17;
	v2 =	vor.u32 v1, v53;
	[tilespmem:s7+$0xFFFFFF60] =	vst v45;
	v17 =	vld.idx.msk [tilespmem:v3+s2+$0x0], $0xffff  }
0x29a: {  	v0 =	vmov s17;
	v58 =	vmov s18;
	v61 =	vor.u32 v37, v19;
	[tilespmem:s15+$0x30] =	vst v41;
	v41 =	vld.idx.msk [tilespmem:v55+s2+$0x0], $0xffff  }
0x29b: {  	v63 =	vshll.u32 v0, $0x3;
	v25 =	vshll.u32 v58, $0x3;
	[tilespmem:s7+$0xFFFFFFF0] =	vst v56;
	v47 =	vld.idx.msk [tilespmem:v47+s2+$0x0], $0xffff  }
0x29c: {  	v33 =	vand.u32 $0xC00, v63;
	v60 =	vand.u32 $0xC00, v25;
	[tilespmem:s15+$0xFFFFFFB0] =	vst v44;
	v63 =	vld.idx.msk [tilespmem:v36+s2+$0x0], $0xffff  }
0x29d: {  	v21 =	vmovc v10;
	v0 =	vand.u32 $0x70, v0;
	v59 =	vand.u32 $0x7C, v58;
	v52 =	vadd.s32 v43, v60;
	v50 =	vld.idx.msk [tilespmem:v50+s2+$0x0], $0xffff;
	[tilespmem:s11+$0xFFFFFF30] =	vst v4  }
0x29e: {  	v10 =	vor.u32 $0x3, v46;
	v25 =	vadd.s32 v43, v33;
	v3 =	vor.u32 v59, v52;
	v2 =	vld.idx.msk [tilespmem:v2+s2+$0x0], $0xffff;
	[tilespmem:s7+$0x70] =	vst v17  }
0x29f: {  	v6 =	vor.u32 $0x3, v1;
	v19 =	vmovc v49;
	v49 =	vor.u32 v0, v25;
	v56 =	vld.idx.msk [tilespmem:v61+s2+$0x0], $0xffff;
	v17 =	vmov v7;
	[tilespmem:s11+$0xC0] =	vst v41  }
0x2a0: {  	v26 =	vmovc v28;
	v39 =	vor.u32 v46, v48;
	v28 =	vor.u32 v10, v19;
	v51 =	vor.u32 $0x1, v46;
	[tilespmem:$0x1FEB0] =	vst v17;
	v17 =	vld [tilespmem:$0x1FED0]  }
0x2a1: {  	v8 =	vor.u32 v51, v19;
	v44 =	vor.u32 v51, v48;
	v51 =	vor.u32 v6, v53;
	s15 =	sadd.s32 $0x200, s15;
	[tilespmem:s14+$0x40] =	vst v63;
	v63 =	vld [tilespmem:$0x1FFD0]  }
0x2a2: {  	v6 =	vor.u32 v6, v57;
	[tilespmem:s15+$0xFFFFFF80] =	vst v50;
	v41 =	vor.u32 v10, v48;
	v10 =	vld.idx.msk [tilespmem:v54+s2+$0x0], $0xffff  }
0x2a3: {  	v58 =	vor.u32 v1, v57;
	[tilespmem:$0x1FED0] =	vst v6;
	v3 =	vld.idx.msk [tilespmem:v3+s2+$0x0], $0xffff  }
0x2a4: {  	v4 =	vor.u32 $0x3, v5;
	v6 =	vld.idx.msk [tilespmem:v49+s2+$0x0], $0xffff;
	[tilespmem:s7+$0xFFFFFF70] =	vst v47  }
0x2a5: {  	v32 =	vor.u32 $0x2, v1;
	v5 =	vld [tilespmem:$0x1FE50];
	v7 =	vmovc v11;
	v11 =	vmov v59;
	v59 =	vor.u32 v4, v9;
	s7 =	smov.u32 s11;
	s11 =	smov.u32 s14;
	[tilespmem:s15+$0x0] =	vst v2  }
0x2a6: {  	v12 =	vor.u32 v32, v57;
	v55 =	vor.u32 $0x1, v0;
	v47 =	vld.idx.msk [tilespmem:v29+s2+$0x0], $0xffff;
	[tilespmem:s11+$0xFFFFFFC0] =	vst v56  }
0x2a7: {  	v36 =	vor.u32 v32, v53;
	v54 =	vadd.s32 v63, v60;
	v33 =	vadd.s32 v63, v33;
	v60 =	vld.idx.msk [tilespmem:v39+s2+$0x0], $0xffff  }
0x2a8: {  	v45 =	vor.u32 v55, v25;
	v32 =	vmov v38;
	[tilespmem:s7+$0xD0] =	vst v10;
	v38 =	vor.u32 v55, v33;
	v55 =	vld.idx.msk [tilespmem:v58+s2+$0x0], $0xffff  }
0x2a9: {  	[tilespmem:s15+$0x80] =	vst v3;
	v2 =	vor.u32 v11, v54;
	v58 =	vld.idx.msk [tilespmem:v22+s2+$0x0], $0xffff  }
0x2aa: {  	v13 =	vmov v62;
	v62 =	vor.u32 $0x2, v0;
	v17 =	vmov v17;
	v63 =	vld.idx.msk [tilespmem:v59+s2+$0x0], $0xffff  }
0x2ab: {  	v61 =	vor.u32 v62, v25;
	v29 =	vmov v12;
	v12 =	vor.u32 v62, v33;
	[tilespmem:s11+$0x50] =	vst v47;
	v62 =	vld [tilespmem:$0x1FE70]  }
0x2ac: {  	v39 =	vmov v27;
	[tilespmem:$0x1FEC0] =	vst v17;
	v27 =	vld.idx.msk [tilespmem:v23+s2+$0x0], $0xffff  }
0x2ad: {  	v17 =	vmov v14;
	v14 =	vmov v52;
	v52 =	vor.u32 v0, v33;
	[tilespmem:s15+$0xFFFFFF90] =	vst v60;
	v60 =	vld [tilespmem:$0x1FE60]  }
0x2ae: {  	[tilespmem:s15+$0xFFFFFF00] =	vst v6;
	v2 =	vld.idx.msk [tilespmem:v2+s2+$0x0], $0xffff  }
0x2af: {  	v1 =	vor.u32 $0x1, v1;
	v10 =	vmov v16;
	v16 =	vmov v54;
	[tilespmem:s11+$0x90] =	vst v40;
	v54 =	vld.idx.msk [tilespmem:v8+s2+$0x0], $0xffff  }
0x2b0: {  	v53 =	vor.u32 v1, v53;
	[tilespmem:s15+$0x10] =	vst v55;
	v55 =	vld.idx.msk [tilespmem:v42+s2+$0x0], $0xffff  }
0x2b1: {  	s16 =	sadd.s32 $0x4, s16;
	v4 =	vor.u32 v4, v21;
	[tilespmem:s7+$0xE0] =	vst v63;
	v63 =	vld [tilespmem:$0x1FEA0]  }
0x2b2: {  	p1 =	slt.u32 s16, $0x7C;
	v6 =	vld.idx.msk [tilespmem:v52+s2+$0x0], $0xffff  }
.Ltmp7:
0x2b3: {  	v49 =	vor.u32 v1, v57;
	v50 =	vor.u32 $0x1, v11;
	v57 =	vor.u32 $0x3, v62;
	v8 =	vld [tilespmem:$0x1FE80];
	(pc) =	sbr.rel @p1 .LBB2_11-.Ltmp7, $4  }
0x2b4: {  	v56 =	vor.u32 v37, v5;
	v37 =	vor.u32 $0x2, v46;
	v5 =	vmovc v7;
	v47 =	vor.u32 v57, v13;
	v13 =	vld [tilespmem:$0x1FE90]  }
0x2b5: {  	v22 =	vmovc v31;
	v31 =	vmovc v61;
	v61 =	vmov v15;
	v15 =	vmov v48;
	v3 =	vor.u32 v50, v14;
	v52 =	vld.idx.msk [tilespmem:v53+s2+$0x0], $0xffff  }
0x2b6: {  	v59 =	vmovc v18;
	v18 =	vmovc v0;
	v48 =	vor.u32 $0x2, v7;
	v23 =	vmov v51;
	v42 =	vmov v3;
	[tilespmem:s7+$0xFFFFFF40] =	vst v58;
	v53 =	vld.idx.msk [tilespmem:v4+s2+$0x0], $0xffff  }
0x2b7: {  	s17 =	sadd.s32 $0x10, s17;
	s14 =	smov.u32 s15;
	v51 =	vld.idx.msk [tilespmem:v24+s2+$0x0], $0xffff;
	v24 =	vmovc v30;
	v30 =	vmovc v12;
	v40 =	vmov v2;
	v62 =	vmov v63;
	[tilespmem:s15+$0xFFFFFF10] =	vst v6;
	v6 =	vmov v20  }
0x2b8: {  	_ =	sdelay $0x1  }
0x2b9: {  	[tilespmem:s7+$0xFFFFFFE0] =	vst v35  }
0x2ba: {  	[tilespmem:s11+$0xA0] =	vst v55  }
0x2bb: {  	v0 =	vld.idx.msk [tilespmem:v56+s2+$0x0], $0xffff;
	v1 =	vor.u32 v57, v61;
	[tilespmem:s15+$0xFFFFFFA0] =	vst v54  }
0x2bc: {  	v6 =	vld.idx.msk [tilespmem:v6+s2+$0x0], $0xffff;
	[tilespmem:s7+$0x60] =	vst v39  }
0x2bd: {  	[tilespmem:s14+$0x90] =	vst v40;
	v2 =	vld.idx.msk [tilespmem:v34+s2+$0x0], $0xffff  }
0x2be: {  	v7 =	vld.idx.msk [tilespmem:v42+s2+$0x0], $0xffff;
	[tilespmem:s15+$0x20] =	vst v52  }
0x2bf: {  	v4 =	vor.u32 v48, v17;
	v3 =	vld.idx.msk [tilespmem:v49+s2+$0x0], $0xffff;
	[tilespmem:s7+$0xFFFFFF50] =	vst v51  }
0x2c0: {  	[tilespmem:s11+$0xFFFFFFD0] =	vst v0;
	v0 =	vld.idx.msk [tilespmem:v1+s2+$0x0], $0xffff  }
0x2c1: {  	v1 =	vld.idx.msk [tilespmem:v44+s2+$0x0], $0xffff;
	[tilespmem:s11+$0xFFFFFF20] =	vst v6  }
0x2c2: {  	[tilespmem:s11+$0xB0] =	vst v2;
	v2 =	vld.idx.msk [tilespmem:v8+s2+$0x0], $0xffff  }
0x2c3: {  	[tilespmem:s7+$0xF0] =	vst v53;
	v12 =	vld.idx.msk [tilespmem:v32+s2+$0x0], $0xffff  }
0x2c4: {  	v6 =	vor.u32 v50, v16;
	[tilespmem:s15+$0x30] =	vst v3;
	v3 =	vld.idx.msk [tilespmem:v4+s2+$0x0], $0xffff  }
0x2c5: {  	v4 =	vor.u32 v48, v10;
	v8 =	vld [tilespmem:$0x1FEB0];
	[tilespmem:s14+$0xA0] =	vst v7  }
0x2c6: {  	[tilespmem:s7+$0xFFFFFF60] =	vst v0  }
0x2c7: {  	v0 =	vld.idx.msk [tilespmem:v36+s2+$0x0], $0xffff;
	[tilespmem:s15+$0xFFFFFFB0] =	vst v1;
	v1 =	vor.u32 v37, v19  }
0x2c8: {  	[tilespmem:s7+$0xFFFFFFF0] =	vst v2;
	v2 =	vld.idx.msk [tilespmem:v45+s2+$0x0], $0xffff  }
0x2c9: {  	v6 =	vld.idx.msk [tilespmem:v6+s2+$0x0], $0xffff;
	[tilespmem:s11+$0xC0] =	vst v3  }
0x2ca: {  	[tilespmem:s11+$0xFFFFFF30] =	vst v12;
	v3 =	vld.idx.msk [tilespmem:v4+s2+$0x0], $0xffff;
	v4 =	vor.u32 $0x3, v5  }
0x2cb: {  	v7 =	vor.u32 $0x2, v11;
	v58 =	vld.idx.msk [tilespmem:v22+s2+$0x0], $0xffff;
	v5 =	vor.u32 v4, v17  }
0x2cc: {  	[tilespmem:s14+$0x40] =	vst v0;
	v0 =	vor.u32 v7, v14;
	v1 =	vld.idx.msk [tilespmem:v1+s2+$0x0], $0xffff  }
0x2cd: {  	[tilespmem:s14+$0xFFFFFF20] =	vst v2;
	v57 =	vld.idx.msk [tilespmem:v8+s2+$0x0], $0xffff  }
0x2ce: {  	[tilespmem:s11+$0x60] =	vst v27;
	v2 =	vld.idx.msk [tilespmem:v38+s2+$0x0], $0xffff  }
0x2cf: {  	v8 =	vld.idx.msk [tilespmem:v47+s2+$0x0], $0xffff;
	[tilespmem:s11+$0xD0] =	vst v3  }
0x2d0: {  	v9 =	vmov v10;
	[tilespmem:s14+$0xB0] =	vst v6;
	v3 =	vld.idx.msk [tilespmem:v5+s2+$0x0], $0xffff  }
0x2d1: {  	v4 =	vor.u32 v4, v9;
	[tilespmem:s11+$0xFFFFFF40] =	vst v58;
	v0 =	vld.idx.msk [tilespmem:v0+s2+$0x0], $0xffff  }
0x2d2: {  	v6 =	vld.idx.msk [tilespmem:v26+s2+$0x0], $0xffff;
	[tilespmem:s14+$0xFFFFFFC0] =	vst v1;
	v1 =	vor.u32 v7, v16  }
0x2d3: {  	v5 =	vld.idx.msk [tilespmem:v29+s2+$0x0], $0xffff;
	v7 =	vor.u32 v37, v15;
	[tilespmem:s14+$0xFFFFFF30] =	vst v2  }
0x2d4: {  	[tilespmem:s7+$0xFFFFFF70] =	vst v8;
	v2 =	vld.idx.msk [tilespmem:v31+s2+$0x0], $0xffff  }
0x2d5: {  	v8 =	vld.idx.msk [tilespmem:v24+s2+$0x0], $0xffff;
	[tilespmem:s11+$0xE0] =	vst v3;
	v3 =	vor.u32 $0x3, v59  }
0x2d6: {  	[tilespmem:s14+$0xC0] =	vst v0;
	v4 =	vld.idx.msk [tilespmem:v4+s2+$0x0], $0xffff;
	v61 =	vor.u32 v3, v60  }
0x2d7: {  	[tilespmem:s11+$0xFFFFFFE0] =	vst v6;
	v0 =	vld.idx.msk [tilespmem:v1+s2+$0x0], $0xffff;
	v1 =	vor.u32 $0x3, v11  }
0x2d8: {  	[tilespmem:s14+$0x50] =	vst v5;
	v5 =	vld.idx.msk [tilespmem:v7+s2+$0x0], $0xffff;
	v6 =	vor.u32 v1, v14  }
0x2d9: {  	[tilespmem:s14+$0xFFFFFF40] =	vst v2  }
0x2da: {  	[tilespmem:s11+$0xFFFFFF50] =	vst v8;
	v2 =	vld.idx.msk [tilespmem:v30+s2+$0x0], $0xffff  }
0x2db: {  	[tilespmem:s11+$0xF0] =	vst v4;
	v4 =	vld.idx.msk [tilespmem:v61+s2+$0x0], $0xffff  }
0x2dc: {  	v63 =	vld.idx.msk [tilespmem:v13+s2+$0x0], $0xffff;
	[tilespmem:s14+$0xD0] =	vst v0  }
0x2dd: {  	[tilespmem:s14+$0xFFFFFFD0] =	vst v5;
	v0 =	vor.u32 v3, v62;
	v3 =	vld.idx.msk [tilespmem:v6+s2+$0x0], $0xffff  }
0x2de: {  	[tilespmem:s7+$0x70] =	vst v57;
	v7 =	vor.u32 $0x3, v18;
	v5 =	vld.idx.msk [tilespmem:v28+s2+$0x0], $0xffff  }
0x2df: {  	v8 =	vor.u32 v7, v25;
	v6 =	vld.idx.msk [tilespmem:v23+s2+$0x0], $0xffff;
	[tilespmem:s14+$0xFFFFFF50] =	vst v2  }
0x2e0: {  	[tilespmem:s11+$0xFFFFFF60] =	vst v4  }
0x2e1: {  	v4 =	vld [tilespmem:$0x1FEC0];
	[tilespmem:s11+$0xFFFFFFF0] =	vst v63  }
0x2e2: {  	[tilespmem:s14+$0xE0] =	vst v3  }
0x2e3: {  	[tilespmem:s14+$0xFFFFFFE0] =	vst v5  }
0x2e4: {  	v1 =	vor.u32 v1, v16;
	v2 =	vld.idx.msk [tilespmem:v8+s2+$0x0], $0xffff;
	[tilespmem:s14+$0x60] =	vst v6  }
0x2e5: {  	v5 =	vld [tilespmem:$0x1FED0]  }
0x2e6: {  	v7 =	vor.u32 v7, v33;
	_ =	sdelay $0x1  }
0x2e7: {  	v0 =	vld.idx.msk [tilespmem:v0+s2+$0x0], $0xffff  }
0x2e8: {  	v1 =	vld.idx.msk [tilespmem:v1+s2+$0x0], $0xffff  }
0x2e9: {  	v3 =	vld.idx.msk [tilespmem:v41+s2+$0x0], $0xffff;
	[tilespmem:s14+$0xFFFFFF60] =	vst v2  }
0x2ea: {  	v2 =	vld.idx.msk [tilespmem:v7+s2+$0x0], $0xffff  }
0x2eb: {  	v4 =	vld.idx.msk [tilespmem:v4+s2+$0x0], $0xffff  }
0x2ec: {  	[tilespmem:s11+$0xFFFFFF70] =	vst v0;
	v5 =	vld.idx.msk [tilespmem:v5+s2+$0x0], $0xffff  }
0x2ed: {  	[tilespmem:s14+$0xF0] =	vst v1  }
0x2ee: {  	[tilespmem:s14+$0xFFFFFFF0] =	vst v3  }
0x2ef: {  	[tilespmem:s14+$0xFFFFFF70] =	vst v2  }
0x2f0: {  	[tilespmem:s11+$0x70] =	vst v4  }
0x2f1: {  	[tilespmem:s14+$0x70] =	vst v5  }
0x2f2: {  	s6 =	simm.s32 $0x0;
	s7 =	rddreg [dreg:$0x9]  }
0x2f3: {  	[hbm4b:s7+s6] =	stream.linear.scatter [tilespmem:s31], [sflag:$0x5], $0x4000, $0x38;
	[tilespmem:$0x13800] =	vst v63  }
0x2f4: {  	_ =	swait.ge [sflag:s29], $0x4000  }
0x2f5: {  	v7 =	vld [tilespmem:$0x1FFE0]  }
0x2f6: {  	v0 =	vmov s6  }
0x2f7: {  	v0 =	vand.u32 $0x7C, v0  }
0x2f8: {  	v0 =	vbroadcast v0, $0x0  }
0x2f9: {  	[sflag:s29] =	ssyncset.done $0x0  }
0x2fa: {  	s18 =	rddreg [dreg:$0x3];
	[sflag:s29] =	ssyncadd.s32 $0xFFFFC000;
	v1 =	vor.u32 v7, v0  }
0x2fb: {  	[tilespmem:s3], [sflag:$0x5] =	stream.linear.gather [hbm4b:s18+s6], $0x1000, $0x38;
	[tilespmem:$0x13800] =	vst v63  }
0x2fc: {  	_ =	swait.ge [sflag:s29], $0x1000  }
0x2fd: {  	[sflag:s29] =	ssyncset.done $0x0  }
0x2fe: {  	[sflag:s29] =	ssyncadd.s32 $0xFFFFF000  }
0x2ff: {  	v3 =	vor.u32 $0x800, v7;
	v1 =	vld.idx.msk [tilespmem:v1+s3+$0x0], $0xffff  }
0x300: {  	v0 =	vor.u32 v3, v0  }
0x301: {  	s19 =	simm.s32 $0x1  }
0x302: {  	v2 =	vmov s19  }
0x303: {  	v2 =	vand.u32 $0x7D, v2;
	s7 =	simm.s32 $0x13040  }
0x304: {  	[tilespmem:s7+$0xFFFFFFC0] =	vst v1;
	v1 =	vbroadcast v2, $0x0  }
0x305: {  	v0 =	vld.idx.msk [tilespmem:v0+s3+$0x0], $0xffff  }
0x306: {  	v2 =	vor.u32 v7, v1;
	_ =	sdelay $0x3  }
0x307: {  	[tilespmem:s7+$0xFFFFFFD0] =	vst v0  }
0x308: {  	v0 =	vld.idx.msk [tilespmem:v2+s3+$0x0], $0xffff  }
0x309: {  	v1 =	vor.u32 v3, v1  }
0x30a: {  	s20 =	simm.s32 $0x2  }
0x30b: {  	v2 =	vmov s20  }
0x30c: {  	v2 =	vand.u32 $0x7E, v2  }
0x30d: {  	[tilespmem:s7+$0xFFFFFFE0] =	vst v0;
	v0 =	vbroadcast v2, $0x0  }
0x30e: {  	v1 =	vld.idx.msk [tilespmem:v1+s3+$0x0], $0xffff  }
0x30f: {  	v2 =	vor.u32 v7, v0;
	_ =	sdelay $0x3  }
0x310: {  	[tilespmem:s7+$0xFFFFFFF0] =	vst v1  }
0x311: {  	v1 =	vld.idx.msk [tilespmem:v2+s3+$0x0], $0xffff  }
0x312: {  	v0 =	vor.u32 v3, v0  }
0x313: {  	s21 =	simm.s32 $0x3  }
0x314: {  	v2 =	vmov s21  }
0x315: {  	v2 =	vand.u32 $0x7F, v2  }
0x316: {  	[tilespmem:s7+$0x0] =	vst v1;
	v1 =	vbroadcast v2, $0x0  }
0x317: {  	v0 =	vld.idx.msk [tilespmem:v0+s3+$0x0], $0xffff  }
0x318: {  	v2 =	vor.u32 v7, v1;
	_ =	sdelay $0x3  }
0x319: {  	[tilespmem:s7+$0x10] =	vst v0  }
0x31a: {  	v5 =	vld.idx.msk [tilespmem:v2+s3+$0x0], $0xffff  }
0x31b: {  	v4 =	vor.u32 v3, v1;
	_ =	sdelay $0x1  }
0x31c: {  	s11 =	simm.s32 $0x4  }
0x31d: {  	v6 =	vmov s11;
	s14 =	simm.s32 $0x8  }
.LBB2_13:
0x31e: {  	p1 =	sne.s32 s14, $0x3C;
	v0 =	vand.u32 $0x7C, v6;
	[tilespmem:s7+$0x20] =	vst v5  }
0x31f: {  	v0 =	vbroadcast v0, $0x0;
	v1 =	vld.idx.msk [tilespmem:v4+s3+$0x0], $0xffff;
	_ =	sdelay $0x1  }
0x320: {  	v2 =	vor.u32 v7, v0;
	_ =	sdelay $0x3  }
0x321: {  	[tilespmem:s7+$0x30] =	vst v1  }
0x322: {  	v1 =	vld.idx.msk [tilespmem:v2+s3+$0x0], $0xffff;
	_ =	sdelay $0x1  }
0x323: {  	v0 =	vor.u32 v3, v0;
	_ =	sdelay $0x1  }
0x324: {  	s6 =	sadd.s32 $0x1, s11  }
0x325: {  	s7 =	sadd.s32 $0x80, s7;
	v2 =	vmov s6  }
0x326: {  	[tilespmem:s7+$0xFFFFFFC0] =	vst v1;
	v1 =	vand.u32 $0x7D, v2  }
0x327: {  	v0 =	vld.idx.msk [tilespmem:v0+s3+$0x0], $0xffff;
	v1 =	vbroadcast v1, $0x0;
	_ =	sdelay $0x1  }
0x328: {  	v2 =	vor.u32 v7, v1;
	_ =	sdelay $0x3  }
0x329: {  	[tilespmem:s7+$0xFFFFFFD0] =	vst v0  }
0x32a: {  	v0 =	vld.idx.msk [tilespmem:v2+s3+$0x0], $0xffff;
	_ =	sdelay $0x1  }
0x32b: {  	v1 =	vor.u32 v3, v1;
	_ =	sdelay $0x1  }
0x32c: {  	s6 =	sadd.s32 $0x2, s11  }
0x32d: {  	v2 =	vmov s6  }
0x32e: {  	[tilespmem:s7+$0xFFFFFFE0] =	vst v0;
	v0 =	vand.u32 $0x7E, v2  }
0x32f: {  	v1 =	vld.idx.msk [tilespmem:v1+s3+$0x0], $0xffff;
	v0 =	vbroadcast v0, $0x0;
	_ =	sdelay $0x1  }
0x330: {  	v2 =	vor.u32 v7, v0;
	_ =	sdelay $0x3  }
0x331: {  	[tilespmem:s7+$0xFFFFFFF0] =	vst v1  }
0x332: {  	v1 =	vld.idx.msk [tilespmem:v2+s3+$0x0], $0xffff;
	_ =	sdelay $0x1  }
0x333: {  	v0 =	vor.u32 v3, v0;
	_ =	sdelay $0x1  }
0x334: {  	s6 =	sadd.s32 $0x3, s11;
	s11 =	smov.u32 s14  }
0x335: {  	v2 =	vmov s6  }
0x336: {  	[tilespmem:s7+$0x0] =	vst v1;
	v1 =	vand.u32 $0x7F, v2  }
0x337: {  	v0 =	vld.idx.msk [tilespmem:v0+s3+$0x0], $0xffff;
	v1 =	vbroadcast v1, $0x0;
	_ =	sdelay $0x1  }
0x338: {  	v2 =	vor.u32 v7, v1;
	_ =	sdelay $0x3  }
0x339: {  	[tilespmem:s7+$0x10] =	vst v0  }
0x33a: {  	v5 =	vld.idx.msk [tilespmem:v2+s3+$0x0], $0xffff  }
.Ltmp8:
0x33b: {  	(pc) =	sbr.rel @p1 .LBB2_13-.Ltmp8, $2  }
0x33c: {  	v4 =	vor.u32 v3, v1;
	_ =	sdelay $0x2  }
0x33d: {  	s14 =	sadd.s32 $0x4, s14;
	v6 =	vmov s11  }
0x33e: {  	_ =	sdelay $0x1  }
0x33f: {  	v0 =	vand.u32 $0x7C, v6  }
0x340: {  	[tilespmem:s7+$0x20] =	vst v5;
	v0 =	vbroadcast v0, $0x0  }
0x341: {  	v1 =	vld.idx.msk [tilespmem:v4+s3+$0x0], $0xffff  }
0x342: {  	v2 =	vor.u32 v7, v0;
	_ =	sdelay $0x3  }
0x343: {  	[tilespmem:s7+$0x30] =	vst v1  }
0x344: {  	v1 =	vld.idx.msk [tilespmem:v2+s3+$0x0], $0xffff  }
0x345: {  	v0 =	vor.u32 v3, v0  }
0x346: {  	s6 =	sadd.s32 $0x1, s11  }
0x347: {  	v58 =	vmov s6  }
0x348: {  	s17 =	sadd.s32 $0x80, s7;
	v2 =	vand.u32 $0x7D, v58  }
0x349: {  	v59 =	vbroadcast v2, $0x0;
	[tilespmem:s17+$0xFFFFFFC0] =	vst v1  }
0x34a: {  	v0 =	vld.idx.msk [tilespmem:v0+s3+$0x0], $0xffff  }
0x34b: {  	v2 =	vor.u32 v7, v59;
	_ =	sdelay $0x3  }
0x34c: {  	[tilespmem:s17+$0xFFFFFFD0] =	vst v0  }
0x34d: {  	v0 =	vld.idx.msk [tilespmem:v2+s3+$0x0], $0xffff  }
0x34e: {  	v1 =	vor.u32 v3, v59  }
0x34f: {  	s18 =	sadd.s32 $0x2, s11  }
0x350: {  	v60 =	vmov s18  }
0x351: {  	v2 =	vand.u32 $0x7E, v60  }
0x352: {  	v61 =	vbroadcast v2, $0x0;
	[tilespmem:s17+$0xFFFFFFE0] =	vst v0  }
0x353: {  	v1 =	vld.idx.msk [tilespmem:v1+s3+$0x0], $0xffff  }
0x354: {  	v2 =	vor.u32 v7, v61;
	_ =	sdelay $0x3  }
0x355: {  	[tilespmem:s17+$0xFFFFFFF0] =	vst v1  }
0x356: {  	v1 =	vld.idx.msk [tilespmem:v2+s3+$0x0], $0xffff  }
0x357: {  	v0 =	vor.u32 v3, v61  }
0x358: {  	s19 =	sadd.s32 $0x3, s11  }
0x359: {  	v62 =	vmov s19  }
0x35a: {  	v2 =	vand.u32 $0x7F, v62  }
0x35b: {  	v63 =	vbroadcast v2, $0x0;
	[tilespmem:s17+$0x0] =	vst v1  }
0x35c: {  	v0 =	vld.idx.msk [tilespmem:v0+s3+$0x0], $0xffff  }
0x35d: {  	v2 =	vor.u32 v7, v63;
	_ =	sdelay $0x3  }
0x35e: {  	[tilespmem:s17+$0x10] =	vst v0  }
0x35f: {  	v0 =	vld.idx.msk [tilespmem:v2+s3+$0x0], $0xffff  }
0x360: {  	v1 =	vor.u32 v3, v63;
	_ =	sdelay $0x3  }
0x361: {  	[tilespmem:s17+$0x20] =	vst v0  }
0x362: {  	v0 =	vld.idx.msk [tilespmem:v1+s3+$0x0], $0xffff;
	_ =	sdelay $0x4  }
.Ltmp9:
0x363: {  	s20 =	rddreg [dreg:$0x7];
	s21 =	simm.s32 $0x13000;
	[tilespmem:s17+$0x30] =	vst v0;
	(pc) =	sbr.rel .LBB2_15-.Ltmp9, $4  }
0x364: {  	[hbm4b:s20+s2] =	stream.linear.scatter [tilespmem:s21], [sflag:$0x5], $0x800, $0x38;
	[tilespmem:$0x13800] =	vst v63  }
0x365: {  	_ =	swait.ge [sflag:s29], $0x800  }
0x366: {  	[sflag:s29] =	ssyncset.done $0x0  }
0x367: {  	v55 =	vmov v43;
	[sflag:s29] =	ssyncadd.s32 $0xFFFFF800  }
.LBB2_16:
0x368: {  	_ =	sfence.sel $0x180000  }
0x369: {  	[bflag:$0x0] =	sbarrier.arrive $0xFFFF  }
0x36a: {  	_ =	strace $0x90000047  }
0x36b: {  	s0 =	stileid.u32;
	[bflag:$0x2] =	sbarrier.arrive $0xFFFF  }
0x36c: {  	p0 =	sne.s32 s0, $0x0;
	s0 =	rddreg [dreg:$0x2]  }
0x36d: {  	s0 =	sadd.s32 @!p0 $0x100000, s0  }
0x36e: {  	[sflag:s0] =	ssyncadd.tile.s32 @!p0 $0x1;
	_ =	shalt  }
.Lfunc_end2:
_tile_overlayer_lowered:
.L_overlay_start_2:
0x36f: {  	(tag) =	ssettag $0x2  }
0x370: {  	s0 =	rddreg [dreg:$0x0];
	s2 =	stileid.u32  }
0x371: {  	s1 =	rddreg [dreg:$0x1];
	p0 =	sne.s32 s2, $0x0  }
0x372: {  	s3 =	rddreg [dreg:$0x2];
	[bflag:$0x3] =	sbarrier.arrive $0xFFFF;
	s2 =	simm.s32 @!p0 $0x1C05  }
0x373: {  	[timem:s3], [sflag:s2] =	dma.local @!p0 [hbm:s0], s1  }
0x374: {  	s0 =	simm.s32 @!p0 $0x5  }
0x375: {  	_ =	swait.ge @!p0 [sflag:s0], s1  }
0x376: {  	s1 =	ssub.s32 @!p0 $0x0, s1;
	[sflag:s0] =	ssyncset.done @!p0 $0x0  }
0x377: {  	[sflag:s0] =	ssyncadd.s32 @!p0 s1  }
0x378: {  	[bflag:$0x3] =	sbarrier.arrive $0xFFFF  }
0x379: {  	_ =	shalt  }

// kernel: kernel.8.cloned.1.call-start
scs
__scs_entry_jumppad:
0x0: {  	(pc) =	sbr.rel $0x88, $3  }
0x1: {  	(tag) =	ssettag $0x0;
	lr =	simm.s32 $0x1  }
0x2: {  	[smem:$0x3F9F] =	sst lr;
	_ =	strace $0xD0000000  }
0x3: {  	_ = 	snop  }
0x4: {  	_ = 	snop  }
0x5: {  	_ = 	snop  }
0x6: {  	_ = 	snop  }
0x7: {  	_ = 	snop  }
__scs_overlays_trampoline_lowered:
0x8: {  	[smem:$0x3FAE] =	sst s0  }
0x9: {  	[smem:$0x3FAF] =	sst s1  }
0xa: {  	[smem:$0x3FB0] =	sst s2  }
0xb: {  	[smem:$0x3FB1] =	sst s3  }
0xc: {  	[smem:$0x3FB2] =	sst s4  }
0xd: {  	[smem:$0x3FB3] =	sst s5  }
0xe: {  	[smem:$0x3FB4] =	sst s6  }
0xf: {  	[smem:$0x3FB5] =	sst s7  }
0x10: {  	[smem:$0x3FB6] =	sst s8  }
0x11: {  	[smem:$0x3FB7] =	sst s9;
	s0 =	simm.s32 @!p0 $0x0  }
0x12: {  	s1 =	sld [smem:$0x3F9D];
	s0 =	simm.s32 @p0 $0x1  }
0x13: {  	[smem:$0x3FB8] =	sst s0;
	s0 =	simm.s32 @!p1 $0x0  }
0x14: {  	s2 =	sld [smem:$0x3F9C];
	s0 =	simm.s32 @p1 $0x1  }
0x15: {  	[smem:$0x3FB9] =	sst s0;
	s0 =	simm.s32 @!p2 $0x0  }
0x16: {  	s3 =	sld [smem:$0x3FDB];
	s0 =	simm.s32 @p2 $0x1  }
0x17: {  	s4 =	simm.s32 $0x1BF5;
	[smem:$0x3FBB] =	sst s0  }
0x18: {  	s0 =	sld [smem:$0x3F9E];
	_ =	swait.ge [sflag:s4], $0x0  }
0x19: {  	s7 =	sld [smem:$0x3F9F]  }
0x1a: {  	s8 =	sadd.s32 $0xFFFFE003, lr  }
0x1b: {  	s9 =	sadd.s32 $0xFFFFFEF7, lr;
	s5 =	simm.s32 $0xFFFFFFFF;
	p2 =	slt.u32 s8, $0xFFFFF086  }
0x1c: {  	p1 =	slt.u32 s9, $0xF7A;
	s5 =	simm.s32 @!p2 $0x0  }
0x1d: {  	s5 =	simm.s32 @p1 $0x1;
	p0 =	seq.s32 s7, s2  }
0x1e: {  	s7 =	smul.u32 @!p0 $0xF7A, s2;
	p2 =	seq.s32 @!p0 s5, $0x0  }
0x1f: {  	s9 =	smul.u32 $0xF7A, s1;
	s8 =	simm.s32 @!p0 $0x1BF5;
	p2 =	por !p2, p0  }
0x20: {  	[sflag:s8] =	ssyncset.s32 @!p0 $0xFFFFF086;
	s6 =	sadd.s32 @!p0 s3, s7;
	s7 =	simm.s32 @!p0 $0x108  }
0x21: {  	s3 =	sadd.s32 s3, s9;
	s6 =	sadd.s32 @!p0 $0x88, s6;
	s7 =	simm.s32 @p2 $0x1082  }
0x22: {  	[simem:s7], [sflag:s8] =	dma.local @!p0 [hbm:s6], $0xF7A  }
0x23: {  	s9 =	sor.u32 $0xD0000000, s2;
	s6 =	simm.s32 $0x108;
	_ =	swait.ge @!p0 [sflag:s8], $0x0  }
0x24: {  	s3 =	sadd.s32 $0x88, s3;
	s6 =	simm.s32 @!p1 $0x1082;
	[sflag:s4] =	ssyncset.s32 $0xFFFFF086  }
0x25: {  	[simem:s6], [sflag:s4] =	dma.local [hbm:s3], $0xF7A  }
0x26: {  	[smem:$0x3F9F] =	sst s1;
	(tag) =	ssettag s2;
	_ =	strace s9  }
0x27: {  	s1 =	sld [smem:$0x3FAF]  }
0x28: {  	s2 =	sld [smem:$0x3FB0]  }
0x29: {  	s4 =	sld [smem:$0x3FB2]  }
0x2a: {  	p0 =	seq.s32 s5, $0x0;
	s5 =	sld [smem:$0x3FB3]  }
0x2b: {  	s6 =	sld [smem:$0x3FB4]  }
0x2c: {  	s7 =	sld [smem:$0x3FB5]  }
0x2d: {  	s3 =	simm.s32 $0x108;
	s8 =	sld [smem:$0x3FB6]  }
0x2e: {  	s3 =	simm.s32 @!p0 $0x1082;
	s9 =	sld [smem:$0x3FB7]  }
0x2f: {  	lr =	sadd.s32 s0, s3;
	s0 =	sld [smem:$0x3FAE]  }
0x30: {  	s3 =	sld [smem:$0x3FB1]  }
0x31: {  	[smem:$0x3FBA] =	sst s10  }
0x32: {  	s10 =	sld [smem:$0x3FB8];
	_ =	sdelay $0x3  }
0x33: {  	p0 =	seq.s32 s10, $0x1;
	s10 =	sld [smem:$0x3FBA];
	_ =	sdelay $0x3  }
0x34: {  	[smem:$0x3FBA] =	sst s10  }
0x35: {  	s10 =	sld [smem:$0x3FB9];
	_ =	sdelay $0x3  }
0x36: {  	p1 =	seq.s32 s10, $0x1;
	s10 =	sld [smem:$0x3FBA];
	_ =	sdelay $0x3  }
0x37: {  	[smem:$0x3FBA] =	sst s10  }
0x38: {  	s10 =	sld [smem:$0x3FBB]  }
0x39: {  	_ = 	snop;
	(pc) =	sbr.ind lr, $3  }
0x3a: {  	_ = 	snop  }
0x3b: {  	_ = 	snop  }
0x3c: {  	p2 =	seq.s32 s10, $0x1;
	s10 =	sld [smem:$0x3FBA]  }
0x3d: {  	_ =	shalt  }
0x3e: {  	_ =	shalt  }
0x3f: {  	_ =	shalt  }
0x40: {  	_ =	shalt  }
0x41: {  	_ =	shalt  }
0x42: {  	_ =	shalt  }
0x43: {  	_ =	shalt  }
0x44: {  	_ =	shalt  }
0x45: {  	_ =	shalt  }
0x46: {  	_ =	shalt  }
0x47: {  	_ =	shalt  }
0x48: {  	_ =	shalt  }
0x49: {  	_ =	shalt  }
0x4a: {  	_ =	shalt  }
0x4b: {  	_ =	shalt  }
0x4c: {  	_ =	shalt  }
0x4d: {  	_ =	shalt  }
0x4e: {  	_ =	shalt  }
0x4f: {  	_ =	shalt  }
0x50: {  	_ =	shalt  }
0x51: {  	_ =	shalt  }
0x52: {  	_ =	shalt  }
0x53: {  	_ =	shalt  }
0x54: {  	_ =	shalt  }
0x55: {  	_ =	shalt  }
0x56: {  	_ =	shalt  }
0x57: {  	_ =	shalt  }
0x58: {  	_ =	shalt  }
0x59: {  	_ =	shalt  }
0x5a: {  	_ =	shalt  }
0x5b: {  	_ =	shalt  }
0x5c: {  	_ =	shalt  }
0x5d: {  	_ =	shalt  }
0x5e: {  	_ =	shalt  }
0x5f: {  	_ =	shalt  }
0x60: {  	_ =	shalt  }
0x61: {  	_ =	shalt  }
0x62: {  	_ =	shalt  }
0x63: {  	_ =	shalt  }
0x64: {  	_ =	shalt  }
0x65: {  	_ =	shalt  }
0x66: {  	_ =	shalt  }
0x67: {  	_ =	shalt  }
0x68: {  	_ =	shalt  }
0x69: {  	_ =	shalt  }
0x6a: {  	_ =	shalt  }
0x6b: {  	_ =	shalt  }
0x6c: {  	_ =	shalt  }
0x6d: {  	_ =	shalt  }
0x6e: {  	_ =	shalt  }
0x6f: {  	_ =	shalt  }
0x70: {  	_ =	shalt  }
0x71: {  	_ =	shalt  }
0x72: {  	_ =	shalt  }
0x73: {  	_ =	shalt  }
0x74: {  	_ =	shalt  }
0x75: {  	_ =	shalt  }
0x76: {  	_ =	shalt  }
0x77: {  	_ =	shalt  }
0x78: {  	_ =	shalt  }
0x79: {  	_ =	shalt  }
0x7a: {  	_ =	shalt  }
0x7b: {  	_ =	shalt  }
0x7c: {  	_ =	shalt  }
0x7d: {  	_ =	shalt  }
0x7e: {  	_ =	shalt  }
0x7f: {  	_ =	shalt  }
0x80: {  	_ =	shalt  }
0x81: {  	_ =	shalt  }
0x82: {  	_ =	shalt  }
0x83: {  	_ =	shalt  }
0x84: {  	_ =	shalt  }
0x85: {  	_ =	shalt  }
0x86: {  	_ =	shalt  }
0x87: {  	_ =	shalt  }
.Lfunc_end0:
.L_simem_size_0:
called_computation.1_lowered:
.L_overlay_start_0:
0x88: {  	s2 =	sld [smem:$0x3FD9]  }
0x89: {  	s3 =	sld [smem:$0x3FFE];
	_ =	sdelay $0x1  }
0x8a: {  	s1 =	srdreg.scid  }
0x8b: {  	s0 =	sand.u32 $0x1, s1  }
0x8c: {  	s17 =	sshll.u32 s0, $0xA;
	s2 =	sadd.s32 s3, s2  }
0x8d: {  	s2 =	sadd.s32 s2, s17  }
0x8e: {  	[smem:$0x3FC6] =	sst s2  }
0x8f: {  	_ = 	snop  }
0x90: {  	s2 =	sld [smem:$0x3FD0];
	(tm) =	ssettm $0x1  }
0x91: {  	s18 =	sld [smem:$0x3FFB];
	_ =	sdelay $0x3  }
0x92: {  	_ =	strace s18  }
0x93: {  	s3 =	sld [smem:$0x3FFC];
	_ =	sdelay $0x3  }
0x94: {  	_ =	strace s3  }
0x95: {  	s3 =	sld [smem:$0x3FFD];
	_ =	sdelay $0x3  }
0x96: {  	_ =	strace s3  }
0x97: {  	_ =	strace $0x8FFFFFFF  }
0x98: {  	s19 =	sld [smem:$0x3FDB];
	_ =	sdelay $0x1  }
0x99: {  	s4 =	simm.s32 $_scs_section_size  }
0x9a: {  	s5 =	simm.s32 $_size__tile_overlayer_lowered;
	s6 =	simm.s32 $_tile_overlayer_lowered  }
0x9b: {  	s22 =	simm.s32 $0x1BFF;
	s21 =	sshll.u32 s6, $0x1;
	s3 =	sadd.s32 s4, s19  }
0x9c: {  	s7 =	simm.s32 $0x0;
	s20 =	sshll.u32 s5, $0x1;
	s5 =	sadd.s32 s21, s3  }
0x9d: {  	[timem:s7], [sflag:s22] =	dma.local [hbm:s5], s20  }
0x9e: {  	_ =	swait.ge [sflag:s22], s20  }
0x9f: {  	s4 =	ssub.s32 $0x0, s20;
	[sflag:s22] =	ssyncset.done $0x0  }
0xa0: {  	[sflag:s22] =	ssyncadd.s32 s4;
	_ =	sdelay $0x1  }
0xa1: {  	s23 =	simm.s32 $0x1B8B  }
0xa2: {  	_ =	swait.ge [sflag:s23], $0x1  }
0xa3: {  	[sflag:s23] =	ssyncset.done $0x0  }
0xa4: {  	s25 =	simm.s32 $0x1B8E;
	s24 =	sld [smem:$0x3FFE];
	[sflag:s23] =	ssyncadd.s32 $0xFFFFFFFF  }
0xa5: {  	s26 =	simm.s32 $execute0_lowered;
	[smem:$0x3FD2] =	sst s25  }
0xa6: {  	s5 =	sshll.u32 s26, $0x1;
	_ =	strace $0x80000049;
	[dreg:$0x1] =	wrdreg $0xFFFFFFFF  }
0xa7: {  	s28 =	simm.s32 $_size_execute0_lowered;
	s3 =	sadd.s32 s3, s5;
	[dreg:$0x0] =	wrdreg $0x0  }
0xa8: {  	s5 =	sshll.u32 s28, $0x1;
	[dreg:$0x2] =	wrdreg s3  }
0xa9: {  	[dreg:$0x3] =	wrdreg s5  }
0xaa: {  	[dreg:$0x4] =	wrdreg $0xC0  }
0xab: {  	_ =	task [dreg:s7], $0x5FFFF  }
0xac: {  	[dreg:$0x1] =	wrdreg $0xFFFFFFFF  }
0xad: {  	[dreg:$0x0] =	wrdreg $0x60  }
0xae: {  	[dreg:$0x2] =	wrdreg s2  }
0xaf: {  	[dreg:$0x3] =	wrdreg s24  }
0xb0: {  	[dreg:$0x4] =	wrdreg $0x9  }
0xb1: {  	_ =	task.clear_ibuf [dreg:s7], $0x5FFFF;
	_ =	strace $0x90000049  }
0xb2: {  	s29 =	simm.s32 $0x9;
	_ =	strace $0x8000004B  }
0xb3: {  	_ =	swait.ge [sflag:s29], $0x1  }
0xb4: {  	[sflag:s29] =	ssyncadd.s32 $0xFFFFFFFF  }
0xb5: {  	_ =	strace $0x9000004B  }
0xb6: {  	_ =	sfence  }
0xb7: {  	s30 =	sld [smem:$0x0];
	_ =	sdelay $0x2  }
0xb8: {  	s31 =	sshll.u32 s1, $0xD;
	s1 =	sshrl.u32 s1, $0x2  }
0xb9: {  	s3 =	sand.u32 $0x4000, s31;
	s1 =	sadd.s32 s1, s30  }
0xba: {  	s0 =	sor.u32 s3, s0;
	s1 =	sshll.u32 s1, $0x11  }
0xbb: {  	s0 =	sor.u32 s1, s0  }
0xbc: {  	s0 =	sadd.s32 $0x8F2B, s0  }
0xbd: {  	[sflag:s0] =	ssyncadd.remote.s32 $0x1  }
0xbe: {  	_ =	sfence.sel $0xFFFF  }
0xbf: {  	[dreg:$0x0] =	wrdreg $0xFFFFFFFF;
	(pc) =	sbr.abs _section_cstart, $3  }
0xc0: {  	[dreg:$0x1] =	wrdreg $0xFFFFFFFF  }
0xc1: {  	_ =	task.clear_ibuf [dreg:s7], $0x2FFFF;
	_ =	strace $0x9FFFFFFF  }
0xc2: {  	(tm) =	ssettm $0x7FFFFFFF  }
0xc3: {  	_ =	shalt  }
tec
execute0_lowered:
.L_overlay_start_1:
0x0: {  	(tag) =	ssettag $0x1  }
0x1: {  	s1 =	srdreg.scid;
	s0 =	stileid.u32  }
0x2: {  	s26 =	sand.u32 $0x1, s1;
	s21 =	sshll.u32 s0, $0x1  }
0x3: {  	s11 =	sor.u32 s26, s21  }
0x4: {  	s23 =	rddreg [dreg:$0x0];
	s24 =	smul.u32 $0x3400, s11  }
0x5: {  	s12 =	rddreg [dreg:$0x1];
	s2 =	simm.s32 $0x0  }
0x6: {  	s4 =	simm.s32 $0x3;
	[smem:$0x7FF] =	sst s2;
	s3 =	sshrl.u32 s24, $0x3  }
0x7: {  	s1 =	rddreg [dreg:$0x2];
	_ =	strace $0x8000004A;
	s3 =	sadd.s32 s23, s3  }
0x8: {  	[tilespmem:s2], [sflag:$0x3] =	stream.linear.gather [hbm4b:s3+s2], $0x680, $0x38;
	[tilespmem:$0x1AD00] =	vst v63  }
0x9: {  	s6 =	simm.s32 $0x680;
	_ =	swait.ge [sflag:s4], $0x680  }
0xa: {  	s7 =	simm.s32 $0xD00;
	s14 =	sadd.s32 $0x680, s24;
	[sflag:s4] =	ssyncset.done $0x0  }
0xb: {  	s5 =	sadd.s32 $0x1000, s12;
	s8 =	sshrl.u32 s14, $0x3;
	[sflag:s4] =	ssyncadd.s32 $0xFFFFF980  }
0xc: {  	[tilespmem:s7], [sflag:$0x1] =	stream.indirect.gather [hbm4b:s5+s6], $0x20, s2, s6, $0xb8;
	[tilespmem:$0x1AD00] =	vst v63  }
0xd: {  	s8 =	sadd.s32 s23, s8  }
0xe: {  	[tilespmem:s6], [sflag:$0x3] =	stream.linear.gather [hbm4b:s8+s2], $0x680, $0x38;
	[tilespmem:$0x1AD00] =	vst v63  }
0xf: {  	_ =	swait.ge [sflag:s4], $0x680  }
0x10: {  	[sflag:s4] =	ssyncset.done $0x0  }
0x11: {  	s9 =	simm.s32 $0xDD00;
	s10 =	simm.s32 $0x1;
	[sflag:s4] =	ssyncadd.s32 $0xFFFFF980  }
0x12: {  	[tilespmem:s9], [sflag:$0x1] =	stream.indirect.gather [hbm4b:s5+s6], $0x20, s6, s6, $0xb8;
	[tilespmem:$0x1AD00] =	vst v63  }
0x13: {  	s11 =	smul.u32 $0xD000, s11;
	_ =	swait.ge [sflag:s10], $0xD000  }
0x14: {  	s25 =	sadd.s32 $0x3D1A00, s12;
	s16 =	sadd.s32 $0xD00, s24;
	[sflag:s10] =	ssyncset.done $0x0  }
0x15: {  	s11 =	sadd.s32 s25, s11;
	s22 =	sshrl.u32 s16, $0x3;
	[sflag:s10] =	ssyncadd.s32 $0xFFFF3000  }
0x16: {  	[hbm4b:s11+s2] =	stream.linear.scatter [tilespmem:s7], [sflag:$0x2], $0xD000, $0x38;
	[tilespmem:$0x1AD00] =	vst v63  }
0x17: {  	s12 =	sadd.s32 s23, s22  }
0x18: {  	[tilespmem:s2], [sflag:$0x3] =	stream.linear.gather [hbm4b:s12+s2], $0x680, $0x38;
	[tilespmem:$0x1AD00] =	vst v63  }
0x19: {  	_ =	swait.ge [sflag:s4], $0x680  }
0x1a: {  	[sflag:s4] =	ssyncset.done $0x0  }
0x1b: {  	s13 =	simm.s32 $0x2;
	[sflag:s4] =	ssyncadd.s32 $0xFFFFF980  }
0x1c: {  	_ =	swait.ge [sflag:s13], $0xD000  }
0x1d: {  	[sflag:s13] =	ssyncset.done $0x0  }
0x1e: {  	[sflag:s13] =	ssyncadd.s32 $0xFFFF3000  }
0x1f: {  	[tilespmem:s7], [sflag:$0x1] =	stream.indirect.gather [hbm4b:s5+s6], $0x20, s2, s6, $0xb8;
	[tilespmem:$0x1AD00] =	vst v63  }
0x20: {  	_ =	swait.ge [sflag:s10], $0xD000  }
0x21: {  	s18 =	sadd.s32 $0x1380, s24;
	s14 =	sshll.u32 s14, $0x2;
	[sflag:s10] =	ssyncset.done $0x0  }
0x22: {  	s15 =	sshrl.u32 s18, $0x3;
	s14 =	sadd.s32 s25, s14;
	[sflag:s10] =	ssyncadd.s32 $0xFFFF3000  }
0x23: {  	[hbm4b:s14+s2] =	stream.linear.scatter [tilespmem:s9], [sflag:$0x2], $0xD000, $0x38;
	[tilespmem:$0x1AD00] =	vst v63  }
0x24: {  	s15 =	sadd.s32 s23, s15  }
0x25: {  	[tilespmem:s6], [sflag:$0x3] =	stream.linear.gather [hbm4b:s15+s2], $0x680, $0x38;
	[tilespmem:$0x1AD00] =	vst v63  }
0x26: {  	_ =	swait.ge [sflag:s4], $0x680  }
0x27: {  	[sflag:s4] =	ssyncset.done $0x0  }
0x28: {  	[sflag:s4] =	ssyncadd.s32 $0xFFFFF980  }
0x29: {  	_ =	swait.ge [sflag:s13], $0xD000  }
0x2a: {  	[sflag:s13] =	ssyncset.done $0x0  }
0x2b: {  	[sflag:s13] =	ssyncadd.s32 $0xFFFF3000  }
0x2c: {  	[tilespmem:s9], [sflag:$0x1] =	stream.indirect.gather [hbm4b:s5+s6], $0x20, s6, s6, $0xb8;
	[tilespmem:$0x1AD00] =	vst v63  }
0x2d: {  	_ =	swait.ge [sflag:s10], $0xD000  }
0x2e: {  	s20 =	sadd.s32 $0x1A00, s24;
	s16 =	sshll.u32 s16, $0x2;
	[sflag:s10] =	ssyncset.done $0x0  }
0x2f: {  	s17 =	sshrl.u32 s20, $0x3;
	s16 =	sadd.s32 s25, s16;
	[sflag:s10] =	ssyncadd.s32 $0xFFFF3000  }
0x30: {  	[hbm4b:s16+s2] =	stream.linear.scatter [tilespmem:s7], [sflag:$0x2], $0xD000, $0x38;
	[tilespmem:$0x1AD00] =	vst v63  }
0x31: {  	s17 =	sadd.s32 s23, s17  }
0x32: {  	[tilespmem:s2], [sflag:$0x3] =	stream.linear.gather [hbm4b:s17+s2], $0x680, $0x38;
	[tilespmem:$0x1AD00] =	vst v63  }
0x33: {  	_ =	swait.ge [sflag:s4], $0x680  }
0x34: {  	[sflag:s4] =	ssyncset.done $0x0  }
0x35: {  	[sflag:s4] =	ssyncadd.s32 $0xFFFFF980  }
0x36: {  	_ =	swait.ge [sflag:s13], $0xD000  }
0x37: {  	[sflag:s13] =	ssyncset.done $0x0  }
0x38: {  	[sflag:s13] =	ssyncadd.s32 $0xFFFF3000  }
0x39: {  	[tilespmem:s7], [sflag:$0x1] =	stream.indirect.gather [hbm4b:s5+s6], $0x20, s2, s6, $0xb8;
	[tilespmem:$0x1AD00] =	vst v63  }
0x3a: {  	_ =	swait.ge [sflag:s10], $0xD000  }
0x3b: {  	s18 =	sshll.u32 s18, $0x2;
	s22 =	sadd.s32 $0x2080, s24;
	[sflag:s10] =	ssyncset.done $0x0  }
0x3c: {  	s18 =	sadd.s32 s25, s18;
	s19 =	sshrl.u32 s22, $0x3;
	[sflag:s10] =	ssyncadd.s32 $0xFFFF3000  }
0x3d: {  	[hbm4b:s18+s2] =	stream.linear.scatter [tilespmem:s9], [sflag:$0x2], $0xD000, $0x38;
	[tilespmem:$0x1AD00] =	vst v63  }
0x3e: {  	s19 =	sadd.s32 s23, s19  }
0x3f: {  	[tilespmem:s6], [sflag:$0x3] =	stream.linear.gather [hbm4b:s19+s2], $0x680, $0x38;
	[tilespmem:$0x1AD00] =	vst v63  }
0x40: {  	_ =	swait.ge [sflag:s4], $0x680  }
0x41: {  	[sflag:s4] =	ssyncset.done $0x0  }
0x42: {  	[sflag:s4] =	ssyncadd.s32 $0xFFFFF980  }
0x43: {  	_ =	swait.ge [sflag:s13], $0xD000  }
0x44: {  	[sflag:s13] =	ssyncset.done $0x0  }
0x45: {  	[sflag:s13] =	ssyncadd.s32 $0xFFFF3000  }
0x46: {  	[tilespmem:s9], [sflag:$0x1] =	stream.indirect.gather [hbm4b:s5+s6], $0x20, s6, s6, $0xb8;
	[tilespmem:$0x1AD00] =	vst v63  }
0x47: {  	_ =	swait.ge [sflag:s10], $0xD000  }
0x48: {  	s28 =	sadd.s32 $0x2700, s24;
	s20 =	sshll.u32 s20, $0x2;
	[sflag:s10] =	ssyncset.done $0x0  }
0x49: {  	s21 =	sshrl.u32 s28, $0x3;
	s20 =	sadd.s32 s25, s20;
	[sflag:s10] =	ssyncadd.s32 $0xFFFF3000  }
0x4a: {  	[hbm4b:s20+s2] =	stream.linear.scatter [tilespmem:s7], [sflag:$0x2], $0xD000, $0x38;
	[tilespmem:$0x1AD00] =	vst v63  }
0x4b: {  	s21 =	sadd.s32 s23, s21  }
0x4c: {  	[tilespmem:s2], [sflag:$0x3] =	stream.linear.gather [hbm4b:s21+s2], $0x680, $0x38;
	[tilespmem:$0x1AD00] =	vst v63  }
0x4d: {  	_ =	swait.ge [sflag:s4], $0x680  }
0x4e: {  	[sflag:s4] =	ssyncset.done $0x0  }
0x4f: {  	[sflag:s4] =	ssyncadd.s32 $0xFFFFF980  }
0x50: {  	_ =	swait.ge [sflag:s13], $0xD000  }
0x51: {  	[sflag:s13] =	ssyncset.done $0x0  }
0x52: {  	[sflag:s13] =	ssyncadd.s32 $0xFFFF3000  }
0x53: {  	[tilespmem:s7], [sflag:$0x1] =	stream.indirect.gather [hbm4b:s5+s6], $0x20, s2, s6, $0xb8;
	[tilespmem:$0x1AD00] =	vst v63  }
0x54: {  	_ =	swait.ge [sflag:s10], $0xD000  }
0x55: {  	s29 =	sadd.s32 $0x2D80, s24;
	s22 =	sshll.u32 s22, $0x2;
	[sflag:s10] =	ssyncset.done $0x0  }
0x56: {  	s24 =	sshrl.u32 s29, $0x3;
	s22 =	sadd.s32 s25, s22;
	[sflag:s10] =	ssyncadd.s32 $0xFFFF3000  }
0x57: {  	[hbm4b:s22+s2] =	stream.linear.scatter [tilespmem:s9], [sflag:$0x2], $0xD000, $0x38;
	[tilespmem:$0x1AD00] =	vst v63  }
0x58: {  	s23 =	sadd.s32 s23, s24  }
0x59: {  	[tilespmem:s6], [sflag:$0x3] =	stream.linear.gather [hbm4b:s23+s2], $0x680, $0x38;
	[tilespmem:$0x1AD00] =	vst v63  }
0x5a: {  	_ =	swait.ge [sflag:s4], $0x680  }
0x5b: {  	[sflag:s4] =	ssyncset.done $0x0  }
0x5c: {  	[sflag:s4] =	ssyncadd.s32 $0xFFFFF980  }
0x5d: {  	_ =	swait.ge [sflag:s13], $0xD000  }
0x5e: {  	[sflag:s13] =	ssyncset.done $0x0  }
0x5f: {  	[sflag:s13] =	ssyncadd.s32 $0xFFFF3000  }
0x60: {  	[tilespmem:s9], [sflag:$0x1] =	stream.indirect.gather [hbm4b:s5+s6], $0x20, s6, s6, $0xb8;
	[tilespmem:$0x1AD00] =	vst v63  }
0x61: {  	_ =	swait.ge [sflag:s10], $0xD000  }
0x62: {  	s26 =	ssub.s32 $0x2, s26;
	s28 =	sshll.u32 s28, $0x2;
	[sflag:s10] =	ssyncset.done $0x0  }
0x63: {  	s31 =	sshrl.u32 s26, $0x1;
	s24 =	sadd.s32 s25, s28;
	[sflag:s10] =	ssyncadd.s32 $0xFFFF3000  }
0x64: {  	[hbm4b:s24+s2] =	stream.linear.scatter [tilespmem:s7], [sflag:$0x2], $0xD000, $0x38;
	[tilespmem:$0x1AD00] =	vst v63  }
0x65: {  	s26 =	ssub.s32 s26, s31;
	_ =	swait.ge [sflag:s10], $0xD000  }
0x66: {  	s26 =	smax.u32 s26, $0x1;
	s30 =	sshll.u32 s29, $0x2;
	[sflag:s10] =	ssyncset.done $0x0  }
0x67: {  	p0 =	sne.s32 s26, $0x1;
	s25 =	sadd.s32 s25, s30;
	[sflag:s10] =	ssyncadd.s32 $0xFFFF3000  }
0x68: {  	[hbm4b:s25+s2] =	stream.linear.scatter [tilespmem:s9], [sflag:$0x2], $0xD000, $0x38;
	[tilespmem:$0x1AD00] =	vst v63  }
.Ltmp0:
0x69: {  	_ =	swait.ge [sflag:s13], $0xD000;
	(pc) =	sbr.rel @!p0 .LBB2_2-.Ltmp0, $4  }
0x6a: {  	[sflag:s13] =	ssyncset.done $0x0  }
0x6b: {  	[sflag:s13] =	ssyncadd.s32 $0xFFFF3000  }
0x6c: {  	_ =	swait.ge [sflag:s13], $0xD000  }
0x6d: {  	s26 =	sadd.s32 $0xFFFFFFFF, s26;
	[sflag:s13] =	ssyncset.done $0x0  }
.LBB2_1:
0x6e: {  	p0 =	sne.s32 s26, $0x1;
	s26 =	sadd.s32 $0xFFFFFFFF, s26;
	[sflag:s13] =	ssyncadd.s32 $0xFFFF3000  }
0x6f: {  	[tilespmem:s2], [sflag:$0x3] =	stream.linear.gather [hbm4b:s3+s2], $0x680, $0x38;
	[tilespmem:$0x1AD00] =	vst v63  }
0x70: {  	_ =	swait.ge [sflag:s4], $0x680  }
0x71: {  	[sflag:s4] =	ssyncset.done $0x0  }
0x72: {  	[sflag:s4] =	ssyncadd.s32 $0xFFFFF980  }
0x73: {  	[tilespmem:s7], [sflag:$0x1] =	stream.indirect.gather [hbm4b:s5+s6], $0x20, s2, s6, $0xb8;
	[tilespmem:$0x1AD00] =	vst v63  }
0x74: {  	_ = 	snop  }
0x75: {  	[tilespmem:s6], [sflag:$0x3] =	stream.linear.gather [hbm4b:s8+s2], $0x680, $0x38;
	[tilespmem:$0x1AD00] =	vst v63  }
0x76: {  	_ =	swait.ge [sflag:s4], $0x680  }
0x77: {  	[sflag:s4] =	ssyncset.done $0x0  }
0x78: {  	[sflag:s4] =	ssyncadd.s32 $0xFFFFF980  }
0x79: {  	[tilespmem:s9], [sflag:$0x1] =	stream.indirect.gather [hbm4b:s5+s6], $0x20, s6, s6, $0xb8;
	[tilespmem:$0x1AD00] =	vst v63  }
0x7a: {  	_ =	swait.ge [sflag:s10], $0xD000  }
0x7b: {  	[sflag:s10] =	ssyncset.done $0x0  }
0x7c: {  	[sflag:s10] =	ssyncadd.s32 $0xFFFF3000  }
0x7d: {  	[hbm4b:s11+s2] =	stream.linear.scatter [tilespmem:s7], [sflag:$0x2], $0xD000, $0x38;
	[tilespmem:$0x1AD00] =	vst v63  }
0x7e: {  	_ = 	snop  }
0x7f: {  	[tilespmem:s2], [sflag:$0x3] =	stream.linear.gather [hbm4b:s12+s2], $0x680, $0x38;
	[tilespmem:$0x1AD00] =	vst v63  }
0x80: {  	_ =	swait.ge [sflag:s4], $0x680  }
0x81: {  	[sflag:s4] =	ssyncset.done $0x0  }
0x82: {  	[sflag:s4] =	ssyncadd.s32 $0xFFFFF980  }
0x83: {  	_ =	swait.ge [sflag:s13], $0xD000  }
0x84: {  	[sflag:s13] =	ssyncset.done $0x0  }
0x85: {  	[sflag:s13] =	ssyncadd.s32 $0xFFFF3000  }
0x86: {  	[tilespmem:s7], [sflag:$0x1] =	stream.indirect.gather [hbm4b:s5+s6], $0x20, s2, s6, $0xb8;
	[tilespmem:$0x1AD00] =	vst v63  }
0x87: {  	_ =	swait.ge [sflag:s10], $0xD000  }
0x88: {  	[sflag:s10] =	ssyncset.done $0x0  }
0x89: {  	[sflag:s10] =	ssyncadd.s32 $0xFFFF3000  }
0x8a: {  	[hbm4b:s14+s2] =	stream.linear.scatter [tilespmem:s9], [sflag:$0x2], $0xD000, $0x38;
	[tilespmem:$0x1AD00] =	vst v63  }
0x8b: {  	_ = 	snop  }
0x8c: {  	[tilespmem:s6], [sflag:$0x3] =	stream.linear.gather [hbm4b:s15+s2], $0x680, $0x38;
	[tilespmem:$0x1AD00] =	vst v63  }
0x8d: {  	_ =	swait.ge [sflag:s4], $0x680  }
0x8e: {  	[sflag:s4] =	ssyncset.done $0x0  }
0x8f: {  	[sflag:s4] =	ssyncadd.s32 $0xFFFFF980  }
0x90: {  	_ =	swait.ge [sflag:s13], $0xD000  }
0x91: {  	[sflag:s13] =	ssyncset.done $0x0  }
0x92: {  	[sflag:s13] =	ssyncadd.s32 $0xFFFF3000  }
0x93: {  	[tilespmem:s9], [sflag:$0x1] =	stream.indirect.gather [hbm4b:s5+s6], $0x20, s6, s6, $0xb8;
	[tilespmem:$0x1AD00] =	vst v63  }
0x94: {  	_ =	swait.ge [sflag:s10], $0xD000  }
0x95: {  	[sflag:s10] =	ssyncset.done $0x0  }
0x96: {  	[sflag:s10] =	ssyncadd.s32 $0xFFFF3000  }
0x97: {  	[hbm4b:s16+s2] =	stream.linear.scatter [tilespmem:s7], [sflag:$0x2], $0xD000, $0x38;
	[tilespmem:$0x1AD00] =	vst v63  }
0x98: {  	_ = 	snop  }
0x99: {  	[tilespmem:s2], [sflag:$0x3] =	stream.linear.gather [hbm4b:s17+s2], $0x680, $0x38;
	[tilespmem:$0x1AD00] =	vst v63  }
0x9a: {  	_ =	swait.ge [sflag:s4], $0x680  }
0x9b: {  	[sflag:s4] =	ssyncset.done $0x0  }
0x9c: {  	[sflag:s4] =	ssyncadd.s32 $0xFFFFF980  }
0x9d: {  	_ =	swait.ge [sflag:s13], $0xD000  }
0x9e: {  	[sflag:s13] =	ssyncset.done $0x0  }
0x9f: {  	[sflag:s13] =	ssyncadd.s32 $0xFFFF3000  }
0xa0: {  	[tilespmem:s7], [sflag:$0x1] =	stream.indirect.gather [hbm4b:s5+s6], $0x20, s2, s6, $0xb8;
	[tilespmem:$0x1AD00] =	vst v63  }
0xa1: {  	_ =	swait.ge [sflag:s10], $0xD000  }
0xa2: {  	[sflag:s10] =	ssyncset.done $0x0  }
0xa3: {  	[sflag:s10] =	ssyncadd.s32 $0xFFFF3000  }
0xa4: {  	[hbm4b:s18+s2] =	stream.linear.scatter [tilespmem:s9], [sflag:$0x2], $0xD000, $0x38;
	[tilespmem:$0x1AD00] =	vst v63  }
0xa5: {  	_ = 	snop  }
0xa6: {  	[tilespmem:s6], [sflag:$0x3] =	stream.linear.gather [hbm4b:s19+s2], $0x680, $0x38;
	[tilespmem:$0x1AD00] =	vst v63  }
0xa7: {  	_ =	swait.ge [sflag:s4], $0x680  }
0xa8: {  	[sflag:s4] =	ssyncset.done $0x0  }
0xa9: {  	[sflag:s4] =	ssyncadd.s32 $0xFFFFF980  }
0xaa: {  	_ =	swait.ge [sflag:s13], $0xD000  }
0xab: {  	[sflag:s13] =	ssyncset.done $0x0  }
0xac: {  	[sflag:s13] =	ssyncadd.s32 $0xFFFF3000  }
0xad: {  	[tilespmem:s9], [sflag:$0x1] =	stream.indirect.gather [hbm4b:s5+s6], $0x20, s6, s6, $0xb8;
	[tilespmem:$0x1AD00] =	vst v63  }
0xae: {  	_ =	swait.ge [sflag:s10], $0xD000  }
0xaf: {  	[sflag:s10] =	ssyncset.done $0x0  }
0xb0: {  	[sflag:s10] =	ssyncadd.s32 $0xFFFF3000  }
0xb1: {  	[hbm4b:s20+s2] =	stream.linear.scatter [tilespmem:s7], [sflag:$0x2], $0xD000, $0x38;
	[tilespmem:$0x1AD00] =	vst v63  }
0xb2: {  	_ = 	snop  }
0xb3: {  	[tilespmem:s2], [sflag:$0x3] =	stream.linear.gather [hbm4b:s21+s2], $0x680, $0x38;
	[tilespmem:$0x1AD00] =	vst v63  }
0xb4: {  	_ =	swait.ge [sflag:s4], $0x680  }
0xb5: {  	[sflag:s4] =	ssyncset.done $0x0  }
0xb6: {  	[sflag:s4] =	ssyncadd.s32 $0xFFFFF980  }
0xb7: {  	_ =	swait.ge [sflag:s13], $0xD000  }
0xb8: {  	[sflag:s13] =	ssyncset.done $0x0  }
0xb9: {  	[sflag:s13] =	ssyncadd.s32 $0xFFFF3000  }
0xba: {  	[tilespmem:s7], [sflag:$0x1] =	stream.indirect.gather [hbm4b:s5+s6], $0x20, s2, s6, $0xb8;
	[tilespmem:$0x1AD00] =	vst v63  }
0xbb: {  	_ =	swait.ge [sflag:s10], $0xD000  }
0xbc: {  	[sflag:s10] =	ssyncset.done $0x0  }
0xbd: {  	[sflag:s10] =	ssyncadd.s32 $0xFFFF3000  }
0xbe: {  	[hbm4b:s22+s2] =	stream.linear.scatter [tilespmem:s9], [sflag:$0x2], $0xD000, $0x38;
	[tilespmem:$0x1AD00] =	vst v63  }
0xbf: {  	_ = 	snop  }
0xc0: {  	[tilespmem:s6], [sflag:$0x3] =	stream.linear.gather [hbm4b:s23+s2], $0x680, $0x38;
	[tilespmem:$0x1AD00] =	vst v63  }
0xc1: {  	_ =	swait.ge [sflag:s4], $0x680  }
0xc2: {  	[sflag:s4] =	ssyncset.done $0x0  }
0xc3: {  	[sflag:s4] =	ssyncadd.s32 $0xFFFFF980  }
0xc4: {  	_ =	swait.ge [sflag:s13], $0xD000  }
0xc5: {  	[sflag:s13] =	ssyncset.done $0x0  }
0xc6: {  	[sflag:s13] =	ssyncadd.s32 $0xFFFF3000  }
0xc7: {  	[tilespmem:s9], [sflag:$0x1] =	stream.indirect.gather [hbm4b:s5+s6], $0x20, s6, s6, $0xb8;
	[tilespmem:$0x1AD00] =	vst v63  }
0xc8: {  	_ =	swait.ge [sflag:s10], $0xD000  }
0xc9: {  	[sflag:s10] =	ssyncset.done $0x0  }
0xca: {  	[sflag:s10] =	ssyncadd.s32 $0xFFFF3000  }
0xcb: {  	[hbm4b:s24+s2] =	stream.linear.scatter [tilespmem:s7], [sflag:$0x2], $0xD000, $0x38;
	[tilespmem:$0x1AD00] =	vst v63  }
0xcc: {  	_ =	swait.ge [sflag:s10], $0xD000  }
0xcd: {  	[sflag:s10] =	ssyncset.done $0x0  }
0xce: {  	[sflag:s10] =	ssyncadd.s32 $0xFFFF3000  }
0xcf: {  	[hbm4b:s25+s2] =	stream.linear.scatter [tilespmem:s9], [sflag:$0x2], $0xD000, $0x38;
	[tilespmem:$0x1AD00] =	vst v63  }
.Ltmp1:
0xd0: {  	_ =	swait.ge [sflag:s13], $0xD000;
	(pc) =	sbr.rel @p0 .LBB2_1-.Ltmp1, $4  }
0xd1: {  	[sflag:s13] =	ssyncset.done $0x0  }
0xd2: {  	[sflag:s13] =	ssyncadd.s32 $0xFFFF3000  }
0xd3: {  	_ =	swait.ge [sflag:s13], $0xD000  }
0xd4: {  	[sflag:s13] =	ssyncset.done $0x0  }
.LBB2_2:
0xd5: {  	[sflag:s13] =	ssyncadd.s32 $0xFFFF3000  }
0xd6: {  	_ =	sfence.sel $0x180000  }
0xd7: {  	[bflag:$0x0] =	sbarrier.arrive $0xFFFF  }
0xd8: {  	p0 =	sne.s32 s0, $0x0;
	_ =	strace $0x9000004A  }
0xd9: {  	s0 =	sadd.s32 @!p0 $0x100000, s1;
	[bflag:$0x2] =	sbarrier.arrive $0xFFFF  }
0xda: {  	[sflag:s0] =	ssyncadd.tile.s32 @!p0 $0x1;
	_ =	shalt  }
.Lfunc_end2:
_tile_overlayer_lowered:
.L_overlay_start_2:
0xdb: {  	(tag) =	ssettag $0x2  }
0xdc: {  	s0 =	rddreg [dreg:$0x0];
	s2 =	stileid.u32  }
0xdd: {  	s1 =	rddreg [dreg:$0x1];
	p0 =	sne.s32 s2, $0x0  }
0xde: {  	s3 =	rddreg [dreg:$0x2];
	[bflag:$0x3] =	sbarrier.arrive $0xFFFF;
	s2 =	simm.s32 @!p0 $0x1C03  }
0xdf: {  	[timem:s3], [sflag:s2] =	dma.local @!p0 [hbm:s0], s1  }
0xe0: {  	s0 =	simm.s32 @!p0 $0x3  }
0xe1: {  	_ =	swait.ge @!p0 [sflag:s0], s1  }
0xe2: {  	s1 =	ssub.s32 @!p0 $0x0, s1;
	[sflag:s0] =	ssyncset.done @!p0 $0x0  }
0xe3: {  	[sflag:s0] =	ssyncadd.s32 @!p0 s1  }
0xe4: {  	[bflag:$0x3] =	sbarrier.arrive $0xFFFF  }
0xe5: {  	_ =	shalt  }

</sc_bundles>
